<compile_context>
chip_gen: v7x
topology: tpu7x:2x2x1
jax: 0.10.2.dev20260603
libtpu: 0.0.44.dev20260713+nightly
codegen_flags: <defaults>
</compile_context>

<pallas_src>
import jax
import jax.numpy as jnp
from jax import lax
from jax.experimental import pallas as pl
from jax.experimental.pallas import tpu as pltpu
from jax.experimental.pallas import tpu_sc as plsc

B = 16384
W = 10
K = 20
D = 64
PAD = 32

NC = 2
NS = 16
NW = NC * NS
NB = B // NW
CB = 16
NCH = NB // CB


def _tree_sum(xs):
  xs = list(xs)
  while len(xs) > 1:
    nxt = [xs[i] + xs[i + 1] for i in range(0, len(xs) - 1, 2)]
    if len(xs) % 2:
      nxt.append(xs[-1])
    xs = nxt
  return xs[0]


def _sc_logits_kernel(ctx_hbm, tgt_hbm, neg_hbm, itab_hbm, otab_hbm,
                      out_hbm,
                      ctx_idx_a, tgt_idx_a, neg_idx_a,
                      ctx_rows_a, tgt_rows_a, neg_rows_a,
                      ctx_idx_b, tgt_idx_b, neg_idx_b,
                      ctx_rows_b, tgt_rows_b, neg_rows_b,
                      part0_v, part1_v, logits_v,
                      sem_ga, sem_gb, sem_ia, sem_ib):
  wid = lax.axis_index("s") * NC + lax.axis_index("c")
  lane = lax.iota(jnp.int32, 16)
  bufs = (
      (ctx_idx_a, tgt_idx_a, neg_idx_a, ctx_rows_a, tgt_rows_a, neg_rows_a,
       sem_ga, sem_ia),
      (ctx_idx_b, tgt_idx_b, neg_idx_b, ctx_rows_b, tgt_rows_b, neg_rows_b,
       sem_gb, sem_ib),
  )

  def i_copies(c, s):
    rb = wid * NB + c * CB
    ci, ti, ni = bufs[s][0], bufs[s][1], bufs[s][2]
    si = bufs[s][7]
    return (
        pltpu.make_async_copy(ctx_hbm.at[pl.ds(rb * W, CB * W)], ci, si),
        pltpu.make_async_copy(tgt_hbm.at[pl.ds(rb, CB)], ti, si),
        pltpu.make_async_copy(neg_hbm.at[pl.ds(rb * K, CB * K)], ni, si),
    )

  def g_copies(s):
    ci, ti, ni, cr, tr, nr, sg = bufs[s][:7]
    return (
        pltpu.make_async_copy(itab_hbm.at[ci], cr, sg),
        pltpu.make_async_copy(otab_hbm.at[ti], tr, sg),
        pltpu.make_async_copy(otab_hbm.at[ni], nr, sg),
    )

  def issue(cps):
    for cp in cps:
      cp.start()

  def drain(cps):
    for cp in cps:
      cp.wait()

  def compute(s, c):
    ctx_rows_v, tgt_rows_v, neg_rows_v = bufs[s][3], bufs[s][4], bufs[s][5]

    def scatter_dots(b, part_v):
      mean = []
      for v in range(D // 16):
        rows = [ctx_rows_v[b * W + w, pl.ds(v * 16, 16)] for w in range(W)]
        mean.append(_tree_sum(rows))

      def dot_partial(rows_ref, r, k):
        prods = [mean[v] * rows_ref[r, pl.ds(v * 16, 16)]
                 for v in range(D // 16)]
        plsc.store_scatter(part_v, [lane * PAD + k], _tree_sum(prods))

      dot_partial(tgt_rows_v, b, 0)
      for k in range(K):
        dot_partial(neg_rows_v, b * K + k, k + 1)

    def reduce_part(b, part_v):
      acc1 = _tree_sum([part_v[pl.ds(i * PAD, 16)] for i in range(16)])
      acc2 = _tree_sum([part_v[pl.ds(i * PAD + 16, 16)] for i in range(16)])
      logits_v[b, pl.ds(0, 16)] = acc1
      logits_v[b, pl.ds(16, 16)] = acc2

    def pair_body(h, carry2):
      b0 = 2 * h
      scatter_dots(b0, part0_v)
      scatter_dots(b0 + 1, part1_v)
      reduce_part(b0, part0_v)
      reduce_part(b0 + 1, part1_v)
      return carry2

    lax.fori_loop(0, CB // 2, pair_body, 0)
    rb = wid * NB + c * CB
    pltpu.sync_copy(logits_v, out_hbm.at[pl.ds(rb, CB)])

  issue(i_copies(0, 0))
  drain(i_copies(0, 0))
  issue(g_copies(0))
  issue(i_copies(1, 1))
  T = NCH // 2

  def body(t, carry):
    c0 = 2 * t
    drain(g_copies(0))
    drain(i_copies(c0 + 1, 1))
    issue(g_copies(1))

    @pl.when(t < T - 1)
    def _():
      issue(i_copies(c0 + 2, 0))

    compute(0, c0)
    drain(g_copies(1))

    @pl.when(t < T - 1)
    def _():
      drain(i_copies(c0 + 2, 0))
      issue(g_copies(0))
      issue(i_copies(c0 + 3, 1))

    compute(1, c0 + 1)
    return carry

  lax.fori_loop(0, T, body, 0)


@jax.jit
def _sc_logits(ctx_flat, tgt_flat, neg_flat, itab, otab):
  mesh = plsc.VectorSubcoreMesh(core_axis_name="c", subcore_axis_name="s")
  return pl.kernel(
      _sc_logits_kernel,
      mesh=mesh,
      out_type=jax.ShapeDtypeStruct((B, PAD), jnp.float32),
      compiler_params=pltpu.CompilerParams(
          needs_layout_passes=False, use_tc_tiling_on_sc=False),
      scratch_types=[
          pltpu.VMEM((CB * W,), jnp.int32),
          pltpu.VMEM((CB,), jnp.int32),
          pltpu.VMEM((CB * K,), jnp.int32),
          pltpu.VMEM((CB * W, D), jnp.float32),
          pltpu.VMEM((CB, D), jnp.float32),
          pltpu.VMEM((CB * K, D), jnp.float32),
          pltpu.VMEM((CB * W,), jnp.int32),
          pltpu.VMEM((CB,), jnp.int32),
          pltpu.VMEM((CB * K,), jnp.int32),
          pltpu.VMEM((CB * W, D), jnp.float32),
          pltpu.VMEM((CB, D), jnp.float32),
          pltpu.VMEM((CB * K, D), jnp.float32),
          pltpu.VMEM((16 * PAD,), jnp.float32),
          pltpu.VMEM((16 * PAD,), jnp.float32),
          pltpu.VMEM((CB, PAD), jnp.float32),
          pltpu.SemaphoreType.DMA,
          pltpu.SemaphoreType.DMA,
          pltpu.SemaphoreType.DMA,
          pltpu.SemaphoreType.DMA,
      ],
  )(ctx_flat, tgt_flat, neg_flat, itab, otab)


def _bce_body(l_ref, o_ref):
  x = l_ref[...] * jnp.float32(1.0 / W)
  col = lax.broadcasted_iota(jnp.int32, x.shape, 1)
  label = (col == 0).astype(x.dtype)
  loss = jnp.maximum(x, 0.0) - x * label + jnp.log1p(jnp.exp(-jnp.abs(x)))
  loss = jnp.where(col < (K + 1), loss, 0.0)
  o_ref[0, 0] = jnp.sum(loss) / jnp.float32(B * (K + 1))


@jax.jit
def _bce_mean(logits):
  out = pl.pallas_call(
      _bce_body,
      out_shape=jax.ShapeDtypeStruct((1, 1), jnp.float32),
      in_specs=[pl.BlockSpec(memory_space=pltpu.VMEM)],
      out_specs=pl.BlockSpec(memory_space=pltpu.SMEM),
  )(logits)
  return out[0, 0]


def kernel(context, target, negatives, input_table, output_table):
  ctx_flat = context.astype(jnp.int32).reshape(-1)
  tgt_flat = target.astype(jnp.int32).reshape(-1)
  neg_flat = negatives.astype(jnp.int32).reshape(-1)
  logits = _sc_logits(ctx_flat, tgt_flat, neg_flat, input_table, output_table)
  return _bce_mean(logits)

# --- scband reference (transcript-rebuilt; emitter-appended) ---
"""Pipeline reference for scband-cbow-16372415332829 (READ-ONLY COPY).

The authoritative reference and input builder live on the scoring server;
editing this copy changes nothing except your own understanding.
"""

import jax, jax.numpy as jnp
import numpy as np

VOCAB = 1000000
EMBED = 64
B = 16384
W = 10
K = 20


def setup_inputs(seed: int = 0) -> dict:
    key = jax.random.key(seed)
    k1, k2, k3, k4, k5 = jax.random.split(key, 5)
    context = jax.random.randint(k1, (B, W), 0, VOCAB, dtype=jnp.int64) if jax.config.jax_enable_x64 else jax.random.randint(k1, (B, W), 0, VOCAB).astype(jnp.int32)
    target = jax.random.randint(k2, (B, 1), 0, VOCAB).astype(context.dtype)
    negatives = jax.random.randint(k3, (B, K), 0, VOCAB).astype(context.dtype)
    input_table = jax.random.normal(k4, (VOCAB, EMBED), dtype=jnp.float32) * 0.01
    output_table = jax.random.normal(k5, (VOCAB, EMBED), dtype=jnp.float32) * 0.01
    return {
        "context": context,
        "target": target,
        "negatives": negatives,
        "input_table": input_table,
        "output_table": output_table,
    }


def _bce_with_logits(logits, labels):
    # numerically stable BCEWithLogits, mean reduction (matches torch default)
    loss = jnp.maximum(logits, 0.0) - logits * labels + jnp.log1p(jnp.exp(-jnp.abs(logits)))
    return jnp.mean(loss)


def reference(context, target, negatives, input_table, output_table):
    # input embedding lookup: [B, W, D]
    context_embeddings = jnp.take(input_table, context, axis=0)
    # mean over context window, keepdim: [B, 1, D]
    context_mean = jnp.mean(context_embeddings, axis=1, keepdims=True)
    # output embedding lookups
    target_embeddings = jnp.take(output_table, target, axis=0)      # [B, 1, D]
    negative_embeddings = jnp.take(output_table, negatives, axis=0)  # [B, K, D]
    # positive dot product: [B, 1]
    positive_dot = jnp.sum(context_mean * target_embeddings, axis=2)
    # negative dot product via batched matmul: [B, K, D] @ [B, D, 1] -> [B, K]
    negative_dot = jnp.squeeze(
        jnp.einsum("bkd,bod->bko", negative_embeddings, context_mean), axis=2
    )
    logits = jnp.concatenate([positive_dot, negative_dot], axis=1)  # [B, 1+K]
    labels = jnp.concatenate(
        [jnp.ones_like(positive_dot), jnp.zeros_like(negative_dot)], axis=1
    )
    return _bce_with_logits(logits, labels)

if __name__ == "__main__":
    import jax
    _d = setup_inputs()
    print(jax.jit(kernel)(*tuple(_d.values())))

</pallas_src>

<mosaic_0001>
#map = affine_map<(d0, d1) -> (0)>
#map1 = affine_map<(d0, d1) -> (0, 0)>
module attributes {stable_mosaic.version = 14 : i64} {
  func.func @_sc_logits_kernel(%arg0: i32, %arg1: i32, %arg2: memref<163840xi32, #tpu.memory_space<hbm>>, %arg3: memref<16384xi32, #tpu.memory_space<hbm>>, %arg4: memref<327680xi32, #tpu.memory_space<hbm>>, %arg5: memref<1000000x64xf32, #tpu.memory_space<hbm>>, %arg6: memref<1000000x64xf32, #tpu.memory_space<hbm>>, %arg7: memref<16384x32xf32, #tpu.memory_space<hbm>>, %arg8: memref<160xi32, #tpu.memory_space<vmem>>, %arg9: memref<16xi32, #tpu.memory_space<vmem>>, %arg10: memref<320xi32, #tpu.memory_space<vmem>>, %arg11: memref<160x64xf32, #tpu.memory_space<vmem>>, %arg12: memref<16x64xf32, #tpu.memory_space<vmem>>, %arg13: memref<320x64xf32, #tpu.memory_space<vmem>>, %arg14: memref<160xi32, #tpu.memory_space<vmem>>, %arg15: memref<16xi32, #tpu.memory_space<vmem>>, %arg16: memref<320xi32, #tpu.memory_space<vmem>>, %arg17: memref<160x64xf32, #tpu.memory_space<vmem>>, %arg18: memref<16x64xf32, #tpu.memory_space<vmem>>, %arg19: memref<320x64xf32, #tpu.memory_space<vmem>>, %arg20: memref<512xf32, #tpu.memory_space<vmem>>, %arg21: memref<512xf32, #tpu.memory_space<vmem>>, %arg22: memref<16x32xf32, #tpu.memory_space<vmem>>, %arg23: memref<!tpu.dma_semaphore, #tpu.memory_space<semaphore_mem>>, %arg24: memref<!tpu.dma_semaphore, #tpu.memory_space<semaphore_mem>>, %arg25: memref<!tpu.dma_semaphore, #tpu.memory_space<semaphore_mem>>, %arg26: memref<!tpu.dma_semaphore, #tpu.memory_space<semaphore_mem>>) attributes {dimension_semantics = [#tpu.dimension_semantics<core_parallel>, #tpu.dimension_semantics<subcore_parallel>], iteration_bounds = array<i64: 2, 16>, scalar_prefetch = 0 : i64, scratch_operands = 19 : i64, tpu.core_type = #tpu.core_type<sc_vector_subcore>, window_params = [{transform_indices = #map}, {transform_indices = #map}, {transform_indices = #map}, {transform_indices = #map1}, {transform_indices = #map1}, {transform_indices = #map1}]} {
    %mul3A = arith.constant 2 : i32
    %mul3A_0 = arith.muli %arg1, %mul3A : i32
    %add3A = arith.addi %mul3A_0, %arg0 : i32
    %iota3A = tpu.iota {dimensions = array<i32: 0>} : vector<16xi32>
    %mul3A_1 = arith.constant 512 : i32
    %mul3A_2 = arith.muli %add3A, %mul3A_1 : i32
    %add3A_3 = arith.constant 0 : i32
    %add3A_4 = arith.addi %mul3A_2, %add3A_3 : i32
    %mul3A_5 = arith.constant 10 : i32
    %mul3A_6 = arith.muli %add3A_4, %mul3A_5 : i32
    %mul3A_7 = arith.constant 20 : i32
    %mul3A_8 = arith.muli %add3A_4, %mul3A_7 : i32
    %dma_start3A = tpu.memref_slice %arg2[%mul3A_6] : memref<163840xi32, #tpu.memory_space<hbm>> -> memref<160xi32, #tpu.memory_space<hbm>>
    %dma_start3A_9 = tpu.memref_slice %arg2[%mul3A_6] : memref<163840xi32, #tpu.memory_space<hbm>> -> memref<160xi32, #tpu.memory_space<hbm>>
    tpu.enqueue_dma source(%dma_start3A_9 : memref<160xi32, #tpu.memory_space<hbm>>) target(%arg8 : memref<160xi32, #tpu.memory_space<vmem>>) target_semaphore(%arg25 : memref<!tpu.dma_semaphore, #tpu.memory_space<semaphore_mem>>)
    %dma_start3A_10 = tpu.memref_slice %arg3[%add3A_4] : memref<16384xi32, #tpu.memory_space<hbm>> -> memref<16xi32, #tpu.memory_space<hbm>>
    %dma_start3A_11 = tpu.memref_slice %arg3[%add3A_4] : memref<16384xi32, #tpu.memory_space<hbm>> -> memref<16xi32, #tpu.memory_space<hbm>>
    tpu.enqueue_dma source(%dma_start3A_11 : memref<16xi32, #tpu.memory_space<hbm>>) target(%arg9 : memref<16xi32, #tpu.memory_space<vmem>>) target_semaphore(%arg25 : memref<!tpu.dma_semaphore, #tpu.memory_space<semaphore_mem>>)
    %dma_start3A_12 = tpu.memref_slice %arg4[%mul3A_8] : memref<327680xi32, #tpu.memory_space<hbm>> -> memref<320xi32, #tpu.memory_space<hbm>>
    %dma_start3A_13 = tpu.memref_slice %arg4[%mul3A_8] : memref<327680xi32, #tpu.memory_space<hbm>> -> memref<320xi32, #tpu.memory_space<hbm>>
    tpu.enqueue_dma source(%dma_start3A_13 : memref<320xi32, #tpu.memory_space<hbm>>) target(%arg10 : memref<320xi32, #tpu.memory_space<vmem>>) target_semaphore(%arg25 : memref<!tpu.dma_semaphore, #tpu.memory_space<semaphore_mem>>)
    %mul3A_14 = arith.constant 512 : i32
    %mul3A_15 = arith.muli %add3A, %mul3A_14 : i32
    %add3A_16 = arith.constant 0 : i32
    %add3A_17 = arith.addi %mul3A_15, %add3A_16 : i32
    %mul3A_18 = arith.constant 10 : i32
    %mul3A_19 = arith.muli %add3A_17, %mul3A_18 : i32
    %mul3A_20 = arith.constant 20 : i32
    %mul3A_21 = arith.muli %add3A_17, %mul3A_20 : i32
    %dma_wait3A = tpu.memref_slice %arg2[%mul3A_19] : memref<163840xi32, #tpu.memory_space<hbm>> -> memref<160xi32, #tpu.memory_space<hbm>>
    %dma_wait3A_22 = tpu.memref_slice %arg2[%mul3A_19] : memref<163840xi32, #tpu.memory_space<hbm>> -> memref<160xi32, #tpu.memory_space<hbm>>
    tpu.wait_dma2 semaphore(%arg25 : memref<!tpu.dma_semaphore, #tpu.memory_space<semaphore_mem>>) src(%dma_wait3A_22 : memref<160xi32, #tpu.memory_space<hbm>>) dst(%arg8 : memref<160xi32, #tpu.memory_space<vmem>>)
    %dma_wait3A_23 = tpu.memref_slice %arg3[%add3A_17] : memref<16384xi32, #tpu.memory_space<hbm>> -> memref<16xi32, #tpu.memory_space<hbm>>
    %dma_wait3A_24 = tpu.memref_slice %arg3[%add3A_17] : memref<16384xi32, #tpu.memory_space<hbm>> -> memref<16xi32, #tpu.memory_space<hbm>>
    tpu.wait_dma2 semaphore(%arg25 : memref<!tpu.dma_semaphore, #tpu.memory_space<semaphore_mem>>) src(%dma_wait3A_24 : memref<16xi32, #tpu.memory_space<hbm>>) dst(%arg9 : memref<16xi32, #tpu.memory_space<vmem>>)
    %dma_wait3A_25 = tpu.memref_slice %arg4[%mul3A_21] : memref<327680xi32, #tpu.memory_space<hbm>> -> memref<320xi32, #tpu.memory_space<hbm>>
    %dma_wait3A_26 = tpu.memref_slice %arg4[%mul3A_21] : memref<327680xi32, #tpu.memory_space<hbm>> -> memref<320xi32, #tpu.memory_space<hbm>>
    tpu.wait_dma2 semaphore(%arg25 : memref<!tpu.dma_semaphore, #tpu.memory_space<semaphore_mem>>) src(%dma_wait3A_26 : memref<320xi32, #tpu.memory_space<hbm>>) dst(%arg10 : memref<320xi32, #tpu.memory_space<vmem>>)
    %dma_start3A_27 = arith.constant 0 : i32
    %dma_start3A_28 = arith.constant 0 : i32
    %dma_start3A_29 = tpu.memref_slice %arg5[%dma_start3A_27, %dma_start3A_28] : memref<1000000x64xf32, #tpu.memory_space<hbm>> -> memref<1000000x64xf32, #tpu.memory_space<hbm>>
    tpu.enqueue_indirect_dma source(%dma_start3A_29 : memref<1000000x64xf32, #tpu.memory_space<hbm>>) target(%arg11 : memref<160x64xf32, #tpu.memory_space<vmem>>) offsets(%arg8 : memref<160xi32, #tpu.memory_space<vmem>>) semaphore(%arg23 : memref<!tpu.dma_semaphore, #tpu.memory_space<semaphore_mem>>)
    %dma_start3A_30 = arith.constant 0 : i32
    %dma_start3A_31 = arith.constant 0 : i32
    %dma_start3A_32 = tpu.memref_slice %arg6[%dma_start3A_30, %dma_start3A_31] : memref<1000000x64xf32, #tpu.memory_space<hbm>> -> memref<1000000x64xf32, #tpu.memory_space<hbm>>
    tpu.enqueue_indirect_dma source(%dma_start3A_32 : memref<1000000x64xf32, #tpu.memory_space<hbm>>) target(%arg12 : memref<16x64xf32, #tpu.memory_space<vmem>>) offsets(%arg9 : memref<16xi32, #tpu.memory_space<vmem>>) semaphore(%arg23 : memref<!tpu.dma_semaphore, #tpu.memory_space<semaphore_mem>>)
    %dma_start3A_33 = arith.constant 0 : i32
    %dma_start3A_34 = arith.constant 0 : i32
    %dma_start3A_35 = tpu.memref_slice %arg6[%dma_start3A_33, %dma_start3A_34] : memref<1000000x64xf32, #tpu.memory_space<hbm>> -> memref<1000000x64xf32, #tpu.memory_space<hbm>>
    tpu.enqueue_indirect_dma source(%dma_start3A_35 : memref<1000000x64xf32, #tpu.memory_space<hbm>>) target(%arg13 : memref<320x64xf32, #tpu.memory_space<vmem>>) offsets(%arg10 : memref<320xi32, #tpu.memory_space<vmem>>) semaphore(%arg23 : memref<!tpu.dma_semaphore, #tpu.memory_space<semaphore_mem>>)
    %mul3A_36 = arith.constant 512 : i32
    %mul3A_37 = arith.muli %add3A, %mul3A_36 : i32
    %add3A_38 = arith.constant 16 : i32
    %add3A_39 = arith.addi %mul3A_37, %add3A_38 : i32
    %mul3A_40 = arith.constant 10 : i32
    %mul3A_41 = arith.muli %add3A_39, %mul3A_40 : i32
    %mul3A_42 = arith.constant 20 : i32
    %mul3A_43 = arith.muli %add3A_39, %mul3A_42 : i32
    %dma_start3A_44 = tpu.memref_slice %arg2[%mul3A_41] : memref<163840xi32, #tpu.memory_space<hbm>> -> memref<160xi32, #tpu.memory_space<hbm>>
    %dma_start3A_45 = tpu.memref_slice %arg2[%mul3A_41] : memref<163840xi32, #tpu.memory_space<hbm>> -> memref<160xi32, #tpu.memory_space<hbm>>
    tpu.enqueue_dma source(%dma_start3A_45 : memref<160xi32, #tpu.memory_space<hbm>>) target(%arg14 : memref<160xi32, #tpu.memory_space<vmem>>) target_semaphore(%arg26 : memref<!tpu.dma_semaphore, #tpu.memory_space<semaphore_mem>>)
    %dma_start3A_46 = tpu.memref_slice %arg3[%add3A_39] : memref<16384xi32, #tpu.memory_space<hbm>> -> memref<16xi32, #tpu.memory_space<hbm>>
    %dma_start3A_47 = tpu.memref_slice %arg3[%add3A_39] : memref<16384xi32, #tpu.memory_space<hbm>> -> memref<16xi32, #tpu.memory_space<hbm>>
    tpu.enqueue_dma source(%dma_start3A_47 : memref<16xi32, #tpu.memory_space<hbm>>) target(%arg15 : memref<16xi32, #tpu.memory_space<vmem>>) target_semaphore(%arg26 : memref<!tpu.dma_semaphore, #tpu.memory_space<semaphore_mem>>)
    %dma_start3A_48 = tpu.memref_slice %arg4[%mul3A_43] : memref<327680xi32, #tpu.memory_space<hbm>> -> memref<320xi32, #tpu.memory_space<hbm>>
    %dma_start3A_49 = tpu.memref_slice %arg4[%mul3A_43] : memref<327680xi32, #tpu.memory_space<hbm>> -> memref<320xi32, #tpu.memory_space<hbm>>
    tpu.enqueue_dma source(%dma_start3A_49 : memref<320xi32, #tpu.memory_space<hbm>>) target(%arg16 : memref<320xi32, #tpu.memory_space<vmem>>) target_semaphore(%arg26 : memref<!tpu.dma_semaphore, #tpu.memory_space<semaphore_mem>>)
    %scan3A = arith.constant 0 : i32
    %scan3A_50 = arith.constant 0 : i32
    %scan3A_51 = arith.constant 16 : i32
    %scan3A_52 = arith.addi %scan3A_50, %scan3A_51 : i32
    %scan3A_53 = arith.constant 1 : i32
    scf.for %scan3A_55 = %scan3A_50 to %scan3A_52 step %scan3A_53  : i32 {
      %mul3A_56 = arith.constant 2 : i32
      %mul3A_57 = arith.muli %mul3A_56, %scan3A_55 : i32
      %dma_wait3A_58 = arith.constant 0 : i32
      %dma_wait3A_59 = arith.constant 0 : i32
      %dma_wait3A_60 = tpu.memref_slice %arg5[%dma_wait3A_58, %dma_wait3A_59] : memref<1000000x64xf32, #tpu.memory_space<hbm>> -> memref<1000000x64xf32, #tpu.memory_space<hbm>>
      tpu.wait_indirect_dma semaphore(%arg23 : memref<!tpu.dma_semaphore, #tpu.memory_space<semaphore_mem>>) src(%dma_wait3A_60 : memref<1000000x64xf32, #tpu.memory_space<hbm>>) dst(%arg11 : memref<160x64xf32, #tpu.memory_space<vmem>>)
      %dma_wait3A_61 = arith.constant 0 : i32
      %dma_wait3A_62 = arith.constant 0 : i32
      %dma_wait3A_63 = tpu.memref_slice %arg6[%dma_wait3A_61, %dma_wait3A_62] : memref<1000000x64xf32, #tpu.memory_space<hbm>> -> memref<1000000x64xf32, #tpu.memory_space<hbm>>
      tpu.wait_indirect_dma semaphore(%arg23 : memref<!tpu.dma_semaphore, #tpu.memory_space<semaphore_mem>>) src(%dma_wait3A_63 : memref<1000000x64xf32, #tpu.memory_space<hbm>>) dst(%arg12 : memref<16x64xf32, #tpu.memory_space<vmem>>)
      %dma_wait3A_64 = arith.constant 0 : i32
      %dma_wait3A_65 = arith.constant 0 : i32
      %dma_wait3A_66 = tpu.memref_slice %arg6[%dma_wait3A_64, %dma_wait3A_65] : memref<1000000x64xf32, #tpu.memory_space<hbm>> -> memref<1000000x64xf32, #tpu.memory_space<hbm>>
      tpu.wait_indirect_dma semaphore(%arg23 : memref<!tpu.dma_semaphore, #tpu.memory_space<semaphore_mem>>) src(%dma_wait3A_66 : memref<1000000x64xf32, #tpu.memory_space<hbm>>) dst(%arg13 : memref<320x64xf32, #tpu.memory_space<vmem>>)
      %add3A_67 = arith.constant 1 : i32
      %add3A_68 = arith.addi %mul3A_57, %add3A_67 : i32
      %mul3A_69 = arith.constant 512 : i32
      %mul3A_70 = arith.muli %add3A, %mul3A_69 : i32
      %mul3A_71 = arith.constant 16 : i32
      %mul3A_72 = arith.muli %add3A_68, %mul3A_71 : i32
      %add3A_73 = arith.addi %mul3A_70, %mul3A_72 : i32
      %mul3A_74 = arith.constant 10 : i32
      %mul3A_75 = arith.muli %add3A_73, %mul3A_74 : i32
      %mul3A_76 = arith.constant 20 : i32
      %mul3A_77 = arith.muli %add3A_73, %mul3A_76 : i32
      %dma_wait3A_78 = tpu.memref_slice %arg2[%mul3A_75] : memref<163840xi32, #tpu.memory_space<hbm>> -> memref<160xi32, #tpu.memory_space<hbm>>
      %dma_wait3A_79 = tpu.memref_slice %arg2[%mul3A_75] : memref<163840xi32, #tpu.memory_space<hbm>> -> memref<160xi32, #tpu.memory_space<hbm>>
      tpu.wait_dma2 semaphore(%arg26 : memref<!tpu.dma_semaphore, #tpu.memory_space<semaphore_mem>>) src(%dma_wait3A_79 : memref<160xi32, #tpu.memory_space<hbm>>) dst(%arg14 : memref<160xi32, #tpu.memory_space<vmem>>)
      %dma_wait3A_80 = tpu.memref_slice %arg3[%add3A_73] : memref<16384xi32, #tpu.memory_space<hbm>> -> memref<16xi32, #tpu.memory_space<hbm>>
      %dma_wait3A_81 = tpu.memref_slice %arg3[%add3A_73] : memref<16384xi32, #tpu.memory_space<hbm>> -> memref<16xi32, #tpu.memory_space<hbm>>
      tpu.wait_dma2 semaphore(%arg26 : memref<!tpu.dma_semaphore, #tpu.memory_space<semaphore_mem>>) src(%dma_wait3A_81 : memref<16xi32, #tpu.memory_space<hbm>>) dst(%arg15 : memref<16xi32, #tpu.memory_space<vmem>>)
      %dma_wait3A_82 = tpu.memref_slice %arg4[%mul3A_77] : memref<327680xi32, #tpu.memory_space<hbm>> -> memref<320xi32, #tpu.memory_space<hbm>>
      %dma_wait3A_83 = tpu.memref_slice %arg4[%mul3A_77] : memref<327680xi32, #tpu.memory_space<hbm>> -> memref<320xi32, #tpu.memory_space<hbm>>
      tpu.wait_dma2 semaphore(%arg26 : memref<!tpu.dma_semaphore, #tpu.memory_space<semaphore_mem>>) src(%dma_wait3A_83 : memref<320xi32, #tpu.memory_space<hbm>>) dst(%arg16 : memref<320xi32, #tpu.memory_space<vmem>>)
      %dma_start3A_84 = arith.constant 0 : i32
      %dma_start3A_85 = arith.constant 0 : i32
      %dma_start3A_86 = tpu.memref_slice %arg5[%dma_start3A_84, %dma_start3A_85] : memref<1000000x64xf32, #tpu.memory_space<hbm>> -> memref<1000000x64xf32, #tpu.memory_space<hbm>>
      tpu.enqueue_indirect_dma source(%dma_start3A_86 : memref<1000000x64xf32, #tpu.memory_space<hbm>>) target(%arg17 : memref<160x64xf32, #tpu.memory_space<vmem>>) offsets(%arg14 : memref<160xi32, #tpu.memory_space<vmem>>) semaphore(%arg24 : memref<!tpu.dma_semaphore, #tpu.memory_space<semaphore_mem>>)
      %dma_start3A_87 = arith.constant 0 : i32
      %dma_start3A_88 = arith.constant 0 : i32
      %dma_start3A_89 = tpu.memref_slice %arg6[%dma_start3A_87, %dma_start3A_88] : memref<1000000x64xf32, #tpu.memory_space<hbm>> -> memref<1000000x64xf32, #tpu.memory_space<hbm>>
      tpu.enqueue_indirect_dma source(%dma_start3A_89 : memref<1000000x64xf32, #tpu.memory_space<hbm>>) target(%arg18 : memref<16x64xf32, #tpu.memory_space<vmem>>) offsets(%arg15 : memref<16xi32, #tpu.memory_space<vmem>>) semaphore(%arg24 : memref<!tpu.dma_semaphore, #tpu.memory_space<semaphore_mem>>)
      %dma_start3A_90 = arith.constant 0 : i32
      %dma_start3A_91 = arith.constant 0 : i32
      %dma_start3A_92 = tpu.memref_slice %arg6[%dma_start3A_90, %dma_start3A_91] : memref<1000000x64xf32, #tpu.memory_space<hbm>> -> memref<1000000x64xf32, #tpu.memory_space<hbm>>
      tpu.enqueue_indirect_dma source(%dma_start3A_92 : memref<1000000x64xf32, #tpu.memory_space<hbm>>) target(%arg19 : memref<320x64xf32, #tpu.memory_space<vmem>>) offsets(%arg16 : memref<320xi32, #tpu.memory_space<vmem>>) semaphore(%arg24 : memref<!tpu.dma_semaphore, #tpu.memory_space<semaphore_mem>>)
      %lt3A = arith.constant 15 : i32
      %lt3A_93 = arith.cmpi slt, %scan3A_55, %lt3A : i32
      %convert_element_type3A = arith.extui %lt3A_93 : i1 to i32
      %cond3A = arith.constant 0 : i32
      %cond3A_94 = arith.cmpi ne, %convert_element_type3A, %cond3A : i32
      scf.if %cond3A_94 {
        %add3A_133 = arith.constant 2 : i32
        %add3A_134 = arith.addi %mul3A_57, %add3A_133 : i32
        %mul3A_135 = arith.constant 512 : i32
        %mul3A_136 = arith.muli %add3A, %mul3A_135 : i32
        %mul3A_137 = arith.constant 16 : i32
        %mul3A_138 = arith.muli %add3A_134, %mul3A_137 : i32
        %add3A_139 = arith.addi %mul3A_136, %mul3A_138 : i32
        %mul3A_140 = arith.constant 10 : i32
        %mul3A_141 = arith.muli %add3A_139, %mul3A_140 : i32
        %mul3A_142 = arith.constant 20 : i32
        %mul3A_143 = arith.muli %add3A_139, %mul3A_142 : i32
        %dma_start3A_144 = tpu.memref_slice %arg2[%mul3A_141] : memref<163840xi32, #tpu.memory_space<hbm>> -> memref<160xi32, #tpu.memory_space<hbm>>
        %dma_start3A_145 = tpu.memref_slice %arg2[%mul3A_141] : memref<163840xi32, #tpu.memory_space<hbm>> -> memref<160xi32, #tpu.memory_space<hbm>>
        tpu.enqueue_dma source(%dma_start3A_145 : memref<160xi32, #tpu.memory_space<hbm>>) target(%arg8 : memref<160xi32, #tpu.memory_space<vmem>>) target_semaphore(%arg25 : memref<!tpu.dma_semaphore, #tpu.memory_space<semaphore_mem>>)
        %dma_start3A_146 = tpu.memref_slice %arg3[%add3A_139] : memref<16384xi32, #tpu.memory_space<hbm>> -> memref<16xi32, #tpu.memory_space<hbm>>
        %dma_start3A_147 = tpu.memref_slice %arg3[%add3A_139] : memref<16384xi32, #tpu.memory_space<hbm>> -> memref<16xi32, #tpu.memory_space<hbm>>
        tpu.enqueue_dma source(%dma_start3A_147 : memref<16xi32, #tpu.memory_space<hbm>>) target(%arg9 : memref<16xi32, #tpu.memory_space<vmem>>) target_semaphore(%arg25 : memref<!tpu.dma_semaphore, #tpu.memory_space<semaphore_mem>>)
        %dma_start3A_148 = tpu.memref_slice %arg4[%mul3A_143] : memref<327680xi32, #tpu.memory_space<hbm>> -> memref<320xi32, #tpu.memory_space<hbm>>
        %dma_start3A_149 = tpu.memref_slice %arg4[%mul3A_143] : memref<327680xi32, #tpu.memory_space<hbm>> -> memref<320xi32, #tpu.memory_space<hbm>>
        tpu.enqueue_dma source(%dma_start3A_149 : memref<320xi32, #tpu.memory_space<hbm>>) target(%arg10 : memref<320xi32, #tpu.memory_space<vmem>>) target_semaphore(%arg25 : memref<!tpu.dma_semaphore, #tpu.memory_space<semaphore_mem>>)
      } else {
      }
      %scan3A_95 = arith.constant 0 : i32
      %scan3A_96 = arith.constant 0 : i32
      %scan3A_97 = arith.constant 8 : i32
      %scan3A_98 = arith.addi %scan3A_96, %scan3A_97 : i32
      %scan3A_99 = arith.constant 1 : i32
      scf.for %scan3A_133 = %scan3A_96 to %scan3A_98 step %scan3A_99  : i32 {
        %mul3A_134 = arith.constant 2 : i32
        %mul3A_135 = arith.muli %mul3A_134, %scan3A_133 : i32
        %mul3A_136 = arith.constant 10 : i32
        %mul3A_137 = arith.muli %mul3A_135, %mul3A_136 : i32
        %add3A_138 = arith.constant 0 : i32
        %add3A_139 = arith.addi %mul3A_137, %add3A_138 : i32
        %get3A = arith.index_cast %add3A_139 : i32 to index
        %get3A_140 = arith.constant 0 : index
        %get3A_141 = tpu.vector_load %arg11[%get3A, %get3A_140] {strides = array<i32>} : memref<160x64xf32, #tpu.memory_space<vmem>>, vector<16xf32>,
        %mul3A_142 = arith.constant 10 : i32
        %mul3A_143 = arith.muli %mul3A_135, %mul3A_142 : i32
        %add3A_144 = arith.constant 1 : i32
        %add3A_145 = arith.addi %mul3A_143, %add3A_144 : i32
        %get3A_146 = arith.index_cast %add3A_145 : i32 to index
        %get3A_147 = arith.constant 0 : index
        %get3A_148 = tpu.vector_load %arg11[%get3A_146, %get3A_147] {strides = array<i32>} : memref<160x64xf32, #tpu.memory_space<vmem>>, vector<16xf32>,
        %mul3A_149 = arith.constant 10 : i32
        %mul3A_150 = arith.muli %mul3A_135, %mul3A_149 : i32
        %add3A_151 = arith.constant 2 : i32
        %add3A_152 = arith.addi %mul3A_150, %add3A_151 : i32
        %get3A_153 = arith.index_cast %add3A_152 : i32 to index
        %get3A_154 = arith.constant 0 : index
        %get3A_155 = tpu.vector_load %arg11[%get3A_153, %get3A_154] {strides = array<i32>} : memref<160x64xf32, #tpu.memory_space<vmem>>, vector<16xf32>,
        %mul3A_156 = arith.constant 10 : i32
        %mul3A_157 = arith.muli %mul3A_135, %mul3A_156 : i32
        %add3A_158 = arith.constant 3 : i32
        %add3A_159 = arith.addi %mul3A_157, %add3A_158 : i32
        %get3A_160 = arith.index_cast %add3A_159 : i32 to index
        %get3A_161 = arith.constant 0 : index
        %get3A_162 = tpu.vector_load %arg11[%get3A_160, %get3A_161] {strides = array<i32>} : memref<160x64xf32, #tpu.memory_space<vmem>>, vector<16xf32>,
        %mul3A_163 = arith.constant 10 : i32
        %mul3A_164 = arith.muli %mul3A_135, %mul3A_163 : i32
        %add3A_165 = arith.constant 4 : i32
        %add3A_166 = arith.addi %mul3A_164, %add3A_165 : i32
        %get3A_167 = arith.index_cast %add3A_166 : i32 to index
        %get3A_168 = arith.constant 0 : index
        %get3A_169 = tpu.vector_load %arg11[%get3A_167, %get3A_168] {strides = array<i32>} : memref<160x64xf32, #tpu.memory_space<vmem>>, vector<16xf32>,
        %mul3A_170 = arith.constant 10 : i32
        %mul3A_171 = arith.muli %mul3A_135, %mul3A_170 : i32
        %add3A_172 = arith.constant 5 : i32
        %add3A_173 = arith.addi %mul3A_171, %add3A_172 : i32
        %get3A_174 = arith.index_cast %add3A_173 : i32 to index
        %get3A_175 = arith.constant 0 : index
        %get3A_176 = tpu.vector_load %arg11[%get3A_174, %get3A_175] {strides = array<i32>} : memref<160x64xf32, #tpu.memory_space<vmem>>, vector<16xf32>,
        %mul3A_177 = arith.constant 10 : i32
        %mul3A_178 = arith.muli %mul3A_135, %mul3A_177 : i32
        %add3A_179 = arith.constant 6 : i32
        %add3A_180 = arith.addi %mul3A_178, %add3A_179 : i32
        %get3A_181 = arith.index_cast %add3A_180 : i32 to index
        %get3A_182 = arith.constant 0 : index
        %get3A_183 = tpu.vector_load %arg11[%get3A_181, %get3A_182] {strides = array<i32>} : memref<160x64xf32, #tpu.memory_space<vmem>>, vector<16xf32>,
        %mul3A_184 = arith.constant 10 : i32
        %mul3A_185 = arith.muli %mul3A_135, %mul3A_184 : i32
        %add3A_186 = arith.constant 7 : i32
        %add3A_187 = arith.addi %mul3A_185, %add3A_186 : i32
        %get3A_188 = arith.index_cast %add3A_187 : i32 to index
        %get3A_189 = arith.constant 0 : index
        %get3A_190 = tpu.vector_load %arg11[%get3A_188, %get3A_189] {strides = array<i32>} : memref<160x64xf32, #tpu.memory_space<vmem>>, vector<16xf32>,
        %mul3A_191 = arith.constant 10 : i32
        %mul3A_192 = arith.muli %mul3A_135, %mul3A_191 : i32
        %add3A_193 = arith.constant 8 : i32
        %add3A_194 = arith.addi %mul3A_192, %add3A_193 : i32
        %get3A_195 = arith.index_cast %add3A_194 : i32 to index
        %get3A_196 = arith.constant 0 : index
        %get3A_197 = tpu.vector_load %arg11[%get3A_195, %get3A_196] {strides = array<i32>} : memref<160x64xf32, #tpu.memory_space<vmem>>, vector<16xf32>,
        %mul3A_198 = arith.constant 10 : i32
        %mul3A_199 = arith.muli %mul3A_135, %mul3A_198 : i32
        %add3A_200 = arith.constant 9 : i32
        %add3A_201 = arith.addi %mul3A_199, %add3A_200 : i32
        %get3A_202 = arith.index_cast %add3A_201 : i32 to index
        %get3A_203 = arith.constant 0 : index
        %get3A_204 = tpu.vector_load %arg11[%get3A_202, %get3A_203] {strides = array<i32>} : memref<160x64xf32, #tpu.memory_space<vmem>>, vector<16xf32>,
        %add3A_205 = arith.addf %get3A_141, %get3A_148 : vector<16xf32>
        %add3A_206 = arith.addf %get3A_155, %get3A_162 : vector<16xf32>
        %add3A_207 = arith.addf %get3A_169, %get3A_176 : vector<16xf32>
        %add3A_208 = arith.addf %get3A_183, %get3A_190 : vector<16xf32>
        %add3A_209 = arith.addf %get3A_197, %get3A_204 : vector<16xf32>
        %add3A_210 = arith.addf %add3A_205, %add3A_206 : vector<16xf32>
        %add3A_211 = arith.addf %add3A_207, %add3A_208 : vector<16xf32>
        %add3A_212 = arith.addf %add3A_210, %add3A_211 : vector<16xf32>
        %add3A_213 = arith.addf %add3A_212, %add3A_209 : vector<16xf32>
        %mul3A_214 = arith.constant 10 : i32
        %mul3A_215 = arith.muli %mul3A_135, %mul3A_214 : i32
        %add3A_216 = arith.constant 0 : i32
        %add3A_217 = arith.addi %mul3A_215, %add3A_216 : i32
        %get3A_218 = arith.index_cast %add3A_217 : i32 to index
        %get3A_219 = arith.constant 16 : index
        %get3A_220 = tpu.vector_load %arg11[%get3A_218, %get3A_219] {strides = array<i32>} : memref<160x64xf32, #tpu.memory_space<vmem>>, vector<16xf32>,
        %mul3A_221 = arith.constant 10 : i32
        %mul3A_222 = arith.muli %mul3A_135, %mul3A_221 : i32
        %add3A_223 = arith.constant 1 : i32
        %add3A_224 = arith.addi %mul3A_222, %add3A_223 : i32
        %get3A_225 = arith.index_cast %add3A_224 : i32 to index
        %get3A_226 = arith.constant 16 : index
        %get3A_227 = tpu.vector_load %arg11[%get3A_225, %get3A_226] {strides = array<i32>} : memref<160x64xf32, #tpu.memory_space<vmem>>, vector<16xf32>,
        %mul3A_228 = arith.constant 10 : i32
        %mul3A_229 = arith.muli %mul3A_135, %mul3A_228 : i32
        %add3A_230 = arith.constant 2 : i32
        %add3A_231 = arith.addi %mul3A_229, %add3A_230 : i32
        %get3A_232 = arith.index_cast %add3A_231 : i32 to index
        %get3A_233 = arith.constant 16 : index
        %get3A_234 = tpu.vector_load %arg11[%get3A_232, %get3A_233] {strides = array<i32>} : memref<160x64xf32, #tpu.memory_space<vmem>>, vector<16xf32>,
        %mul3A_235 = arith.constant 10 : i32
        %mul3A_236 = arith.muli %mul3A_135, %mul3A_235 : i32
        %add3A_237 = arith.constant 3 : i32
        %add3A_238 = arith.addi %mul3A_236, %add3A_237 : i32
        %get3A_239 = arith.index_cast %add3A_238 : i32 to index
        %get3A_240 = arith.constant 16 : index
        %get3A_241 = tpu.vector_load %arg11[%get3A_239, %get3A_240] {strides = array<i32>} : memref<160x64xf32, #tpu.memory_space<vmem>>, vector<16xf32>,
        %mul3A_242 = arith.constant 10 : i32
        %mul3A_243 = arith.muli %mul3A_135, %mul3A_242 : i32
        %add3A_244 = arith.constant 4 : i32
        %add3A_245 = arith.addi %mul3A_243, %add3A_244 : i32
        %get3A_246 = arith.index_cast %add3A_245 : i32 to index
        %get3A_247 = arith.constant 16 : index
        %get3A_248 = tpu.vector_load %arg11[%get3A_246, %get3A_247] {strides = array<i32>} : memref<160x64xf32, #tpu.memory_space<vmem>>, vector<16xf32>,
        %mul3A_249 = arith.constant 10 : i32
        %mul3A_250 = arith.muli %mul3A_135, %mul3A_249 : i32
        %add3A_251 = arith.constant 5 : i32
        %add3A_252 = arith.addi %mul3A_250, %add3A_251 : i32
        %get3A_253 = arith.index_cast %add3A_252 : i32 to index
        %get3A_254 = arith.constant 16 : index
        %get3A_255 = tpu.vector_load %arg11[%get3A_253, %get3A_254] {strides = array<i32>} : memref<160x64xf32, #tpu.memory_space<vmem>>, vector<16xf32>,
        %mul3A_256 = arith.constant 10 : i32
        %mul3A_257 = arith.muli %mul3A_135, %mul3A_256 : i32
        %add3A_258 = arith.constant 6 : i32
        %add3A_259 = arith.addi %mul3A_257, %add3A_258 : i32
        %get3A_260 = arith.index_cast %add3A_259 : i32 to index
        %get3A_261 = arith.constant 16 : index
        %get3A_262 = tpu.vector_load %arg11[%get3A_260, %get3A_261] {strides = array<i32>} : memref<160x64xf32, #tpu.memory_space<vmem>>, vector<16xf32>,
        %mul3A_263 = arith.constant 10 : i32
        %mul3A_264 = arith.muli %mul3A_135, %mul3A_263 : i32
        %add3A_265 = arith.constant 7 : i32
        %add3A_266 = arith.addi %mul3A_264, %add3A_265 : i32
        %get3A_267 = arith.index_cast %add3A_266 : i32 to index
        %get3A_268 = arith.constant 16 : index
        %get3A_269 = tpu.vector_load %arg11[%get3A_267, %get3A_268] {strides = array<i32>} : memref<160x64xf32, #tpu.memory_space<vmem>>, vector<16xf32>,
        %mul3A_270 = arith.constant 10 : i32
        %mul3A_271 = arith.muli %mul3A_135, %mul3A_270 : i32
        %add3A_272 = arith.constant 8 : i32
        %add3A_273 = arith.addi %mul3A_271, %add3A_272 : i32
        %get3A_274 = arith.index_cast %add3A_273 : i32 to index
        %get3A_275 = arith.constant 16 : index
        %get3A_276 = tpu.vector_load %arg11[%get3A_274, %get3A_275] {strides = array<i32>} : memref<160x64xf32, #tpu.memory_space<vmem>>, vector<16xf32>,
        %mul3A_277 = arith.constant 10 : i32
        %mul3A_278 = arith.muli %mul3A_135, %mul3A_277 : i32
        %add3A_279 = arith.constant 9 : i32
        %add3A_280 = arith.addi %mul3A_278, %add3A_279 : i32
        %get3A_281 = arith.index_cast %add3A_280 : i32 to index
        %get3A_282 = arith.constant 16 : index
        %get3A_283 = tpu.vector_load %arg11[%get3A_281, %get3A_282] {strides = array<i32>} : memref<160x64xf32, #tpu.memory_space<vmem>>, vector<16xf32>,
        %add3A_284 = arith.addf %get3A_220, %get3A_227 : vector<16xf32>
        %add3A_285 = arith.addf %get3A_234, %get3A_241 : vector<16xf32>
        %add3A_286 = arith.addf %get3A_248, %get3A_255 : vector<16xf32>
        %add3A_287 = arith.addf %get3A_262, %get3A_269 : vector<16xf32>
        %add3A_288 = arith.addf %get3A_276, %get3A_283 : vector<16xf32>
        %add3A_289 = arith.addf %add3A_284, %add3A_285 : vector<16xf32>
        %add3A_290 = arith.addf %add3A_286, %add3A_287 : vector<16xf32>
        %add3A_291 = arith.addf %add3A_289, %add3A_290 : vector<16xf32>
        %add3A_292 = arith.addf %add3A_291, %add3A_288 : vector<16xf32>
        %mul3A_293 = arith.constant 10 : i32
        %mul3A_294 = arith.muli %mul3A_135, %mul3A_293 : i32
        %add3A_295 = arith.constant 0 : i32
        %add3A_296 = arith.addi %mul3A_294, %add3A_295 : i32
        %get3A_297 = arith.index_cast %add3A_296 : i32 to index
        %get3A_298 = arith.constant 32 : index
        %get3A_299 = tpu.vector_load %arg11[%get3A_297, %get3A_298] {strides = array<i32>} : memref<160x64xf32, #tpu.memory_space<vmem>>, vector<16xf32>,
        %mul3A_300 = arith.constant 10 : i32
        %mul3A_301 = arith.muli %mul3A_135, %mul3A_300 : i32
        %add3A_302 = arith.constant 1 : i32
        %add3A_303 = arith.addi %mul3A_301, %add3A_302 : i32
        %get3A_304 = arith.index_cast %add3A_303 : i32 to index
        %get3A_305 = arith.constant 32 : index
        %get3A_306 = tpu.vector_load %arg11[%get3A_304, %get3A_305] {strides = array<i32>} : memref<160x64xf32, #tpu.memory_space<vmem>>, vector<16xf32>,
        %mul3A_307 = arith.constant 10 : i32
        %mul3A_308 = arith.muli %mul3A_135, %mul3A_307 : i32
        %add3A_309 = arith.constant 2 : i32
        %add3A_310 = arith.addi %mul3A_308, %add3A_309 : i32
        %get3A_311 = arith.index_cast %add3A_310 : i32 to index
        %get3A_312 = arith.constant 32 : index
        %get3A_313 = tpu.vector_load %arg11[%get3A_311, %get3A_312] {strides = array<i32>} : memref<160x64xf32, #tpu.memory_space<vmem>>, vector<16xf32>,
        %mul3A_314 = arith.constant 10 : i32
        %mul3A_315 = arith.muli %mul3A_135, %mul3A_314 : i32
        %add3A_316 = arith.constant 3 : i32
        %add3A_317 = arith.addi %mul3A_315, %add3A_316 : i32
        %get3A_318 = arith.index_cast %add3A_317 : i32 to index
        %get3A_319 = arith.constant 32 : index
        %get3A_320 = tpu.vector_load %arg11[%get3A_318, %get3A_319] {strides = array<i32>} : memref<160x64xf32, #tpu.memory_space<vmem>>, vector<16xf32>,
        %mul3A_321 = arith.constant 10 : i32
        %mul3A_322 = arith.muli %mul3A_135, %mul3A_321 : i32
        %add3A_323 = arith.constant 4 : i32
        %add3A_324 = arith.addi %mul3A_322, %add3A_323 : i32
        %get3A_325 = arith.index_cast %add3A_324 : i32 to index
        %get3A_326 = arith.constant 32 : index
        %get3A_327 = tpu.vector_load %arg11[%get3A_325, %get3A_326] {strides = array<i32>} : memref<160x64xf32, #tpu.memory_space<vmem>>, vector<16xf32>,
        %mul3A_328 = arith.constant 10 : i32
        %mul3A_329 = arith.muli %mul3A_135, %mul3A_328 : i32
        %add3A_330 = arith.constant 5 : i32
        %add3A_331 = arith.addi %mul3A_329, %add3A_330 : i32
        %get3A_332 = arith.index_cast %add3A_331 : i32 to index
        %get3A_333 = arith.constant 32 : index
        %get3A_334 = tpu.vector_load %arg11[%get3A_332, %get3A_333] {strides = array<i32>} : memref<160x64xf32, #tpu.memory_space<vmem>>, vector<16xf32>,
        %mul3A_335 = arith.constant 10 : i32
        %mul3A_336 = arith.muli %mul3A_135, %mul3A_335 : i32
        %add3A_337 = arith.constant 6 : i32
        %add3A_338 = arith.addi %mul3A_336, %add3A_337 : i32
        %get3A_339 = arith.index_cast %add3A_338 : i32 to index
        %get3A_340 = arith.constant 32 : index
        %get3A_341 = tpu.vector_load %arg11[%get3A_339, %get3A_340] {strides = array<i32>} : memref<160x64xf32, #tpu.memory_space<vmem>>, vector<16xf32>,
        %mul3A_342 = arith.constant 10 : i32
        %mul3A_343 = arith.muli %mul3A_135, %mul3A_342 : i32
        %add3A_344 = arith.constant 7 : i32
        %add3A_345 = arith.addi %mul3A_343, %add3A_344 : i32
        %get3A_346 = arith.index_cast %add3A_345 : i32 to index
        %get3A_347 = arith.constant 32 : index
        %get3A_348 = tpu.vector_load %arg11[%get3A_346, %get3A_347] {strides = array<i32>} : memref<160x64xf32, #tpu.memory_space<vmem>>, vector<16xf32>,
        %mul3A_349 = arith.constant 10 : i32
        %mul3A_350 = arith.muli %mul3A_135, %mul3A_349 : i32
        %add3A_351 = arith.constant 8 : i32
        %add3A_352 = arith.addi %mul3A_350, %add3A_351 : i32
        %get3A_353 = arith.index_cast %add3A_352 : i32 to index
        %get3A_354 = arith.constant 32 : index
        %get3A_355 = tpu.vector_load %arg11[%get3A_353, %get3A_354] {strides = array<i32>} : memref<160x64xf32, #tpu.memory_space<vmem>>, vector<16xf32>,
        %mul3A_356 = arith.constant 10 : i32
        %mul3A_357 = arith.muli %mul3A_135, %mul3A_356 : i32
        %add3A_358 = arith.constant 9 : i32
        %add3A_359 = arith.addi %mul3A_357, %add3A_358 : i32
        %get3A_360 = arith.index_cast %add3A_359 : i32 to index
        %get3A_361 = arith.constant 32 : index
        %get3A_362 = tpu.vector_load %arg11[%get3A_360, %get3A_361] {strides = array<i32>} : memref<160x64xf32, #tpu.memory_space<vmem>>, vector<16xf32>,
        %add3A_363 = arith.addf %get3A_299, %get3A_306 : vector<16xf32>
        %add3A_364 = arith.addf %get3A_313, %get3A_320 : vector<16xf32>
        %add3A_365 = arith.addf %get3A_327, %get3A_334 : vector<16xf32>
        %add3A_366 = arith.addf %get3A_341, %get3A_348 : vector<16xf32>
        %add3A_367 = arith.addf %get3A_355, %get3A_362 : vector<16xf32>
        %add3A_368 = arith.addf %add3A_363, %add3A_364 : vector<16xf32>
        %add3A_369 = arith.addf %add3A_365, %add3A_366 : vector<16xf32>
        %add3A_370 = arith.addf %add3A_368, %add3A_369 : vector<16xf32>
        %add3A_371 = arith.addf %add3A_370, %add3A_367 : vector<16xf32>
        %mul3A_372 = arith.constant 10 : i32
        %mul3A_373 = arith.muli %mul3A_135, %mul3A_372 : i32
        %add3A_374 = arith.constant 0 : i32
        %add3A_375 = arith.addi %mul3A_373, %add3A_374 : i32
        %get3A_376 = arith.index_cast %add3A_375 : i32 to index
        %get3A_377 = arith.constant 48 : index
        %get3A_378 = tpu.vector_load %arg11[%get3A_376, %get3A_377] {strides = array<i32>} : memref<160x64xf32, #tpu.memory_space<vmem>>, vector<16xf32>,
        %mul3A_379 = arith.constant 10 : i32
        %mul3A_380 = arith.muli %mul3A_135, %mul3A_379 : i32
        %add3A_381 = arith.constant 1 : i32
        %add3A_382 = arith.addi %mul3A_380, %add3A_381 : i32
        %get3A_383 = arith.index_cast %add3A_382 : i32 to index
        %get3A_384 = arith.constant 48 : index
        %get3A_385 = tpu.vector_load %arg11[%get3A_383, %get3A_384] {strides = array<i32>} : memref<160x64xf32, #tpu.memory_space<vmem>>, vector<16xf32>,
        %mul3A_386 = arith.constant 10 : i32
        %mul3A_387 = arith.muli %mul3A_135, %mul3A_386 : i32
        %add3A_388 = arith.constant 2 : i32
        %add3A_389 = arith.addi %mul3A_387, %add3A_388 : i32
        %get3A_390 = arith.index_cast %add3A_389 : i32 to index
        %get3A_391 = arith.constant 48 : index
        %get3A_392 = tpu.vector_load %arg11[%get3A_390, %get3A_391] {strides = array<i32>} : memref<160x64xf32, #tpu.memory_space<vmem>>, vector<16xf32>,
        %mul3A_393 = arith.constant 10 : i32
        %mul3A_394 = arith.muli %mul3A_135, %mul3A_393 : i32
        %add3A_395 = arith.constant 3 : i32
        %add3A_396 = arith.addi %mul3A_394, %add3A_395 : i32
        %get3A_397 = arith.index_cast %add3A_396 : i32 to index
        %get3A_398 = arith.constant 48 : index
        %get3A_399 = tpu.vector_load %arg11[%get3A_397, %get3A_398] {strides = array<i32>} : memref<160x64xf32, #tpu.memory_space<vmem>>, vector<16xf32>,
        %mul3A_400 = arith.constant 10 : i32
        %mul3A_401 = arith.muli %mul3A_135, %mul3A_400 : i32
        %add3A_402 = arith.constant 4 : i32
        %add3A_403 = arith.addi %mul3A_401, %add3A_402 : i32
        %get3A_404 = arith.index_cast %add3A_403 : i32 to index
        %get3A_405 = arith.constant 48 : index
        %get3A_406 = tpu.vector_load %arg11[%get3A_404, %get3A_405] {strides = array<i32>} : memref<160x64xf32, #tpu.memory_space<vmem>>, vector<16xf32>,
        %mul3A_407 = arith.constant 10 : i32
        %mul3A_408 = arith.muli %mul3A_135, %mul3A_407 : i32
        %add3A_409 = arith.constant 5 : i32
        %add3A_410 = arith.addi %mul3A_408, %add3A_409 : i32
        %get3A_411 = arith.index_cast %add3A_410 : i32 to index
        %get3A_412 = arith.constant 48 : index
        %get3A_413 = tpu.vector_load %arg11[%get3A_411, %get3A_412] {strides = array<i32>} : memref<160x64xf32, #tpu.memory_space<vmem>>, vector<16xf32>,
        %mul3A_414 = arith.constant 10 : i32
        %mul3A_415 = arith.muli %mul3A_135, %mul3A_414 : i32
        %add3A_416 = arith.constant 6 : i32
        %add3A_417 = arith.addi %mul3A_415, %add3A_416 : i32
        %get3A_418 = arith.index_cast %add3A_417 : i32 to index
        %get3A_419 = arith.constant 48 : index
        %get3A_420 = tpu.vector_load %arg11[%get3A_418, %get3A_419] {strides = array<i32>} : memref<160x64xf32, #tpu.memory_space<vmem>>, vector<16xf32>,
        %mul3A_421 = arith.constant 10 : i32
        %mul3A_422 = arith.muli %mul3A_135, %mul3A_421 : i32
        %add3A_423 = arith.constant 7 : i32
        %add3A_424 = arith.addi %mul3A_422, %add3A_423 : i32
        %get3A_425 = arith.index_cast %add3A_424 : i32 to index
        %get3A_426 = arith.constant 48 : index
        %get3A_427 = tpu.vector_load %arg11[%get3A_425, %get3A_426] {strides = array<i32>} : memref<160x64xf32, #tpu.memory_space<vmem>>, vector<16xf32>,
        %mul3A_428 = arith.constant 10 : i32
        %mul3A_429 = arith.muli %mul3A_135, %mul3A_428 : i32
        %add3A_430 = arith.constant 8 : i32
        %add3A_431 = arith.addi %mul3A_429, %add3A_430 : i32
        %get3A_432 = arith.index_cast %add3A_431 : i32 to index
        %get3A_433 = arith.constant 48 : index
        %get3A_434 = tpu.vector_load %arg11[%get3A_432, %get3A_433] {strides = array<i32>} : memref<160x64xf32, #tpu.memory_space<vmem>>, vector<16xf32>,
        %mul3A_435 = arith.constant 10 : i32
        %mul3A_436 = arith.muli %mul3A_135, %mul3A_435 : i32
        %add3A_437 = arith.constant 9 : i32
        %add3A_438 = arith.addi %mul3A_436, %add3A_437 : i32
        %get3A_439 = arith.index_cast %add3A_438 : i32 to index
        %get3A_440 = arith.constant 48 : index
        %get3A_441 = tpu.vector_load %arg11[%get3A_439, %get3A_440] {strides = array<i32>} : memref<160x64xf32, #tpu.memory_space<vmem>>, vector<16xf32>,
        %add3A_442 = arith.addf %get3A_378, %get3A_385 : vector<16xf32>
        %add3A_443 = arith.addf %get3A_392, %get3A_399 : vector<16xf32>
        %add3A_444 = arith.addf %get3A_406, %get3A_413 : vector<16xf32>
        %add3A_445 = arith.addf %get3A_420, %get3A_427 : vector<16xf32>
        %add3A_446 = arith.addf %get3A_434, %get3A_441 : vector<16xf32>
        %add3A_447 = arith.addf %add3A_442, %add3A_443 : vector<16xf32>
        %add3A_448 = arith.addf %add3A_444, %add3A_445 : vector<16xf32>
        %add3A_449 = arith.addf %add3A_447, %add3A_448 : vector<16xf32>
        %add3A_450 = arith.addf %add3A_449, %add3A_446 : vector<16xf32>
        %get3A_451 = arith.index_cast %mul3A_135 : i32 to index
        %get3A_452 = arith.constant 0 : index
        %get3A_453 = tpu.vector_load %arg12[%get3A_451, %get3A_452] {strides = array<i32>} : memref<16x64xf32, #tpu.memory_space<vmem>>, vector<16xf32>,
        %mul3A_454 = arith.mulf %add3A_213, %get3A_453 : vector<16xf32>
        %get3A_455 = arith.index_cast %mul3A_135 : i32 to index
        %get3A_456 = arith.constant 16 : index
        %get3A_457 = tpu.vector_load %arg12[%get3A_455, %get3A_456] {strides = array<i32>} : memref<16x64xf32, #tpu.memory_space<vmem>>, vector<16xf32>,
        %mul3A_458 = arith.mulf %add3A_292, %get3A_457 : vector<16xf32>
        %get3A_459 = arith.index_cast %mul3A_135 : i32 to index
        %get3A_460 = arith.constant 32 : index
        %get3A_461 = tpu.vector_load %arg12[%get3A_459, %get3A_460] {strides = array<i32>} : memref<16x64xf32, #tpu.memory_space<vmem>>, vector<16xf32>,
        %mul3A_462 = arith.mulf %add3A_371, %get3A_461 : vector<16xf32>
        %get3A_463 = arith.index_cast %mul3A_135 : i32 to index
        %get3A_464 = arith.constant 48 : index
        %get3A_465 = tpu.vector_load %arg12[%get3A_463, %get3A_464] {strides = array<i32>} : memref<16x64xf32, #tpu.memory_space<vmem>>, vector<16xf32>,
        %mul3A_466 = arith.mulf %add3A_450, %get3A_465 : vector<16xf32>
        %mul3A_467 = arith.constant 32 : i32
        %mul3A_468 = vector.broadcast %mul3A_467 : i32 to vector<16xi32>
        %mul3A_469 = arith.muli %iota3A, %mul3A_468 : vector<16xi32>
        %add3A_470 = arith.constant 0 : i32
        %add3A_471 = vector.broadcast %add3A_470 : i32 to vector<16xi32>
        %add3A_472 = arith.addi %mul3A_469, %add3A_471 : vector<16xi32>
        %add3A_473 = arith.addf %mul3A_454, %mul3A_458 : vector<16xf32>
        %add3A_474 = arith.addf %mul3A_462, %mul3A_466 : vector<16xf32>
        %add3A_475 = arith.addf %add3A_473, %add3A_474 : vector<16xf32>
        tpu.vector_store_idx %arg20[%add3A_472], %add3A_475 : memref<512xf32, #tpu.memory_space<vmem>>[vector<16xi32>], vector<16xf32>,
        %mul3A_476 = arith.constant 20 : i32
        %mul3A_477 = arith.muli %mul3A_135, %mul3A_476 : i32
        %add3A_478 = arith.constant 0 : i32
        %add3A_479 = arith.addi %mul3A_477, %add3A_478 : i32
        %get3A_480 = arith.index_cast %add3A_479 : i32 to index
        %get3A_481 = arith.constant 0 : index
        %get3A_482 = tpu.vector_load %arg13[%get3A_480, %get3A_481] {strides = array<i32>} : memref<320x64xf32, #tpu.memory_space<vmem>>, vector<16xf32>,
        %mul3A_483 = arith.mulf %add3A_213, %get3A_482 : vector<16xf32>
        %get3A_484 = arith.index_cast %add3A_479 : i32 to index
        %get3A_485 = arith.constant 16 : index
        %get3A_486 = tpu.vector_load %arg13[%get3A_484, %get3A_485] {strides = array<i32>} : memref<320x64xf32, #tpu.memory_space<vmem>>, vector<16xf32>,
        %mul3A_487 = arith.mulf %add3A_292, %get3A_486 : vector<16xf32>
        %get3A_488 = arith.index_cast %add3A_479 : i32 to index
        %get3A_489 = arith.constant 32 : index
        %get3A_490 = tpu.vector_load %arg13[%get3A_488, %get3A_489] {strides = array<i32>} : memref<320x64xf32, #tpu.memory_space<vmem>>, vector<16xf32>,
        %mul3A_491 = arith.mulf %add3A_371, %get3A_490 : vector<16xf32>
        %get3A_492 = arith.index_cast %add3A_479 : i32 to index
        %get3A_493 = arith.constant 48 : index
        %get3A_494 = tpu.vector_load %arg13[%get3A_492, %get3A_493] {strides = array<i32>} : memref<320x64xf32, #tpu.memory_space<vmem>>, vector<16xf32>,
        %mul3A_495 = arith.mulf %add3A_450, %get3A_494 : vector<16xf32>
        %mul3A_496 = arith.constant 32 : i32
        %mul3A_497 = vector.broadcast %mul3A_496 : i32 to vector<16xi32>
        %mul3A_498 = arith.muli %iota3A, %mul3A_497 : vector<16xi32>
        %add3A_499 = arith.constant 1 : i32
        %add3A_500 = vector.broadcast %add3A_499 : i32 to vector<16xi32>
        %add3A_501 = arith.addi %mul3A_498, %add3A_500 : vector<16xi32>
        %add3A_502 = arith.addf %mul3A_483, %mul3A_487 : vector<16xf32>
        %add3A_503 = arith.addf %mul3A_491, %mul3A_495 : vector<16xf32>
        %add3A_504 = arith.addf %add3A_502, %add3A_503 : vector<16xf32>
        tpu.vector_store_idx %arg20[%add3A_501], %add3A_504 : memref<512xf32, #tpu.memory_space<vmem>>[vector<16xi32>], vector<16xf32>,
        %mul3A_505 = arith.constant 20 : i32
        %mul3A_506 = arith.muli %mul3A_135, %mul3A_505 : i32
        %add3A_507 = arith.constant 1 : i32
        %add3A_508 = arith.addi %mul3A_506, %add3A_507 : i32
        %get3A_509 = arith.index_cast %add3A_508 : i32 to index
        %get3A_510 = arith.constant 0 : index
        %get3A_511 = tpu.vector_load %arg13[%get3A_509, %get3A_510] {strides = array<i32>} : memref<320x64xf32, #tpu.memory_space<vmem>>, vector<16xf32>,
        %mul3A_512 = arith.mulf %add3A_213, %get3A_511 : vector<16xf32>
        %get3A_513 = arith.index_cast %add3A_508 : i32 to index
        %get3A_514 = arith.constant 16 : index
        %get3A_515 = tpu.vector_load %arg13[%get3A_513, %get3A_514] {strides = array<i32>} : memref<320x64xf32, #tpu.memory_space<vmem>>, vector<16xf32>,
        %mul3A_516 = arith.mulf %add3A_292, %get3A_515 : vector<16xf32>
        %get3A_517 = arith.index_cast %add3A_508 : i32 to index
        %get3A_518 = arith.constant 32 : index
        %get3A_519 = tpu.vector_load %arg13[%get3A_517, %get3A_518] {strides = array<i32>} : memref<320x64xf32, #tpu.memory_space<vmem>>, vector<16xf32>,
        %mul3A_520 = arith.mulf %add3A_371, %get3A_519 : vector<16xf32>
        %get3A_521 = arith.index_cast %add3A_508 : i32 to index
        %get3A_522 = arith.constant 48 : index
        %get3A_523 = tpu.vector_load %arg13[%get3A_521, %get3A_522] {strides = array<i32>} : memref<320x64xf32, #tpu.memory_space<vmem>>, vector<16xf32>,
        %mul3A_524 = arith.mulf %add3A_450, %get3A_523 : vector<16xf32>
        %mul3A_525 = arith.constant 32 : i32
        %mul3A_526 = vector.broadcast %mul3A_525 : i32 to vector<16xi32>
        %mul3A_527 = arith.muli %iota3A, %mul3A_526 : vector<16xi32>
        %add3A_528 = arith.constant 2 : i32
        %add3A_529 = vector.broadcast %add3A_528 : i32 to vector<16xi32>
        %add3A_530 = arith.addi %mul3A_527, %add3A_529 : vector<16xi32>
        %add3A_531 = arith.addf %mul3A_512, %mul3A_516 : vector<16xf32>
        %add3A_532 = arith.addf %mul3A_520, %mul3A_524 : vector<16xf32>
        %add3A_533 = arith.addf %add3A_531, %add3A_532 : vector<16xf32>
        tpu.vector_store_idx %arg20[%add3A_530], %add3A_533 : memref<512xf32, #tpu.memory_space<vmem>>[vector<16xi32>], vector<16xf32>,
        %mul3A_534 = arith.constant 20 : i32
        %mul3A_535 = arith.muli %mul3A_135, %mul3A_534 : i32
        %add3A_536 = arith.constant 2 : i32
        %add3A_537 = arith.addi %mul3A_535, %add3A_536 : i32
        %get3A_538 = arith.index_cast %add3A_537 : i32 to index
        %get3A_539 = arith.constant 0 : index
        %get3A_540 = tpu.vector_load %arg13[%get3A_538, %get3A_539] {strides = array<i32>} : memref<320x64xf32, #tpu.memory_space<vmem>>, vector<16xf32>,
        %mul3A_541 = arith.mulf %add3A_213, %get3A_540 : vector<16xf32>
        %get3A_542 = arith.index_cast %add3A_537 : i32 to index
        %get3A_543 = arith.constant 16 : index
        %get3A_544 = tpu.vector_load %arg13[%get3A_542, %get3A_543] {strides = array<i32>} : memref<320x64xf32, #tpu.memory_space<vmem>>, vector<16xf32>,
        %mul3A_545 = arith.mulf %add3A_292, %get3A_544 : vector<16xf32>
        %get3A_546 = arith.index_cast %add3A_537 : i32 to index
        %get3A_547 = arith.constant 32 : index
        %get3A_548 = tpu.vector_load %arg13[%get3A_546, %get3A_547] {strides = array<i32>} : memref<320x64xf32, #tpu.memory_space<vmem>>, vector<16xf32>,
        %mul3A_549 = arith.mulf %add3A_371, %get3A_548 : vector<16xf32>
        %get3A_550 = arith.index_cast %add3A_537 : i32 to index
        %get3A_551 = arith.constant 48 : index
        %get3A_552 = tpu.vector_load %arg13[%get3A_550, %get3A_551] {strides = array<i32>} : memref<320x64xf32, #tpu.memory_space<vmem>>, vector<16xf32>,
        %mul3A_553 = arith.mulf %add3A_450, %get3A_552 : vector<16xf32>
        %mul3A_554 = arith.constant 32 : i32
        %mul3A_555 = vector.broadcast %mul3A_554 : i32 to vector<16xi32>
        %mul3A_556 = arith.muli %iota3A, %mul3A_555 : vector<16xi32>
        %add3A_557 = arith.constant 3 : i32
        %add3A_558 = vector.broadcast %add3A_557 : i32 to vector<16xi32>
        %add3A_559 = arith.addi %mul3A_556, %add3A_558 : vector<16xi32>
        %add3A_560 = arith.addf %mul3A_541, %mul3A_545 : vector<16xf32>
        %add3A_561 = arith.addf %mul3A_549, %mul3A_553 : vector<16xf32>
        %add3A_562 = arith.addf %add3A_560, %add3A_561 : vector<16xf32>
        tpu.vector_store_idx %arg20[%add3A_559], %add3A_562 : memref<512xf32, #tpu.memory_space<vmem>>[vector<16xi32>], vector<16xf32>,
        %mul3A_563 = arith.constant 20 : i32
        %mul3A_564 = arith.muli %mul3A_135, %mul3A_563 : i32
        %add3A_565 = arith.constant 3 : i32
        %add3A_566 = arith.addi %mul3A_564, %add3A_565 : i32
        %get3A_567 = arith.index_cast %add3A_566 : i32 to index
        %get3A_568 = arith.constant 0 : index
        %get3A_569 = tpu.vector_load %arg13[%get3A_567, %get3A_568] {strides = array<i32>} : memref<320x64xf32, #tpu.memory_space<vmem>>, vector<16xf32>,
        %mul3A_570 = arith.mulf %add3A_213, %get3A_569 : vector<16xf32>
        %get3A_571 = arith.index_cast %add3A_566 : i32 to index
        %get3A_572 = arith.constant 16 : index
        %get3A_573 = tpu.vector_load %arg13[%get3A_571, %get3A_572] {strides = array<i32>} : memref<320x64xf32, #tpu.memory_space<vmem>>, vector<16xf32>,
        %mul3A_574 = arith.mulf %add3A_292, %get3A_573 : vector<16xf32>
        %get3A_575 = arith.index_cast %add3A_566 : i32 to index
        %get3A_576 = arith.constant 32 : index
        %get3A_577 = tpu.vector_load %arg13[%get3A_575, %get3A_576] {strides = array<i32>} : memref<320x64xf32, #tpu.memory_space<vmem>>, vector<16xf32>,
        %mul3A_578 = arith.mulf %add3A_371, %get3A_577 : vector<16xf32>
        %get3A_579 = arith.index_cast %add3A_566 : i32 to index
        %get3A_580 = arith.constant 48 : index
        %get3A_581 = tpu.vector_load %arg13[%get3A_579, %get3A_580] {strides = array<i32>} : memref<320x64xf32, #tpu.memory_space<vmem>>, vector<16xf32>,
        %mul3A_582 = arith.mulf %add3A_450, %get3A_581 : vector<16xf32>
        %mul3A_583 = arith.constant 32 : i32
        %mul3A_584 = vector.broadcast %mul3A_583 : i32 to vector<16xi32>
        %mul3A_585 = arith.muli %iota3A, %mul3A_584 : vector<16xi32>
        %add3A_586 = arith.constant 4 : i32
        %add3A_587 = vector.broadcast %add3A_586 : i32 to vector<16xi32>
        %add3A_588 = arith.addi %mul3A_585, %add3A_587 : vector<16xi32>
        %add3A_589 = arith.addf %mul3A_570, %mul3A_574 : vector<16xf32>
        %add3A_590 = arith.addf %mul3A_578, %mul3A_582 : vector<16xf32>
        %add3A_591 = arith.addf %add3A_589, %add3A_590 : vector<16xf32>
        tpu.vector_store_idx %arg20[%add3A_588], %add3A_591 : memref<512xf32, #tpu.memory_space<vmem>>[vector<16xi32>], vector<16xf32>,
        %mul3A_592 = arith.constant 20 : i32
        %mul3A_593 = arith.muli %mul3A_135, %mul3A_592 : i32
        %add3A_594 = arith.constant 4 : i32
        %add3A_595 = arith.addi %mul3A_593, %add3A_594 : i32
        %get3A_596 = arith.index_cast %add3A_595 : i32 to index
        %get3A_597 = arith.constant 0 : index
        %get3A_598 = tpu.vector_load %arg13[%get3A_596, %get3A_597] {strides = array<i32>} : memref<320x64xf32, #tpu.memory_space<vmem>>, vector<16xf32>,
        %mul3A_599 = arith.mulf %add3A_213, %get3A_598 : vector<16xf32>
        %get3A_600 = arith.index_cast %add3A_595 : i32 to index
        %get3A_601 = arith.constant 16 : index
        %get3A_602 = tpu.vector_load %arg13[%get3A_600, %get3A_601] {strides = array<i32>} : memref<320x64xf32, #tpu.memory_space<vmem>>, vector<16xf32>,
        %mul3A_603 = arith.mulf %add3A_292, %get3A_602 : vector<16xf32>
        %get3A_604 = arith.index_cast %add3A_595 : i32 to index
        %get3A_605 = arith.constant 32 : index
        %get3A_606 = tpu.vector_load %arg13[%get3A_604, %get3A_605] {strides = array<i32>} : memref<320x64xf32, #tpu.memory_space<vmem>>, vector<16xf32>,
        %mul3A_607 = arith.mulf %add3A_371, %get3A_606 : vector<16xf32>
        %get3A_608 = arith.index_cast %add3A_595 : i32 to index
        %get3A_609 = arith.constant 48 : index
        %get3A_610 = tpu.vector_load %arg13[%get3A_608, %get3A_609] {strides = array<i32>} : memref<320x64xf32, #tpu.memory_space<vmem>>, vector<16xf32>,
        %mul3A_611 = arith.mulf %add3A_450, %get3A_610 : vector<16xf32>
        %mul3A_612 = arith.constant 32 : i32
        %mul3A_613 = vector.broadcast %mul3A_612 : i32 to vector<16xi32>
        %mul3A_614 = arith.muli %iota3A, %mul3A_613 : vector<16xi32>
        %add3A_615 = arith.constant 5 : i32
        %add3A_616 = vector.broadcast %add3A_615 : i32 to vector<16xi32>
        %add3A_617 = arith.addi %mul3A_614, %add3A_616 : vector<16xi32>
        %add3A_618 = arith.addf %mul3A_599, %mul3A_603 : vector<16xf32>
        %add3A_619 = arith.addf %mul3A_607, %mul3A_611 : vector<16xf32>
        %add3A_620 = arith.addf %add3A_618, %add3A_619 : vector<16xf32>
        tpu.vector_store_idx %arg20[%add3A_617], %add3A_620 : memref<512xf32, #tpu.memory_space<vmem>>[vector<16xi32>], vector<16xf32>,
        %mul3A_621 = arith.constant 20 : i32
        %mul3A_622 = arith.muli %mul3A_135, %mul3A_621 : i32
        %add3A_623 = arith.constant 5 : i32
        %add3A_624 = arith.addi %mul3A_622, %add3A_623 : i32
        %get3A_625 = arith.index_cast %add3A_624 : i32 to index
        %get3A_626 = arith.constant 0 : index
        %get3A_627 = tpu.vector_load %arg13[%get3A_625, %get3A_626] {strides = array<i32>} : memref<320x64xf32, #tpu.memory_space<vmem>>, vector<16xf32>,
        %mul3A_628 = arith.mulf %add3A_213, %get3A_627 : vector<16xf32>
        %get3A_629 = arith.index_cast %add3A_624 : i32 to index
        %get3A_630 = arith.constant 16 : index
        %get3A_631 = tpu.vector_load %arg13[%get3A_629, %get3A_630] {strides = array<i32>} : memref<320x64xf32, #tpu.memory_space<vmem>>, vector<16xf32>,
        %mul3A_632 = arith.mulf %add3A_292, %get3A_631 : vector<16xf32>
        %get3A_633 = arith.index_cast %add3A_624 : i32 to index
        %get3A_634 = arith.constant 32 : index
        %get3A_635 = tpu.vector_load %arg13[%get3A_633, %get3A_634] {strides = array<i32>} : memref<320x64xf32, #tpu.memory_space<vmem>>, vector<16xf32>,
        %mul3A_636 = arith.mulf %add3A_371, %get3A_635 : vector<16xf32>
        %get3A_637 = arith.index_cast %add3A_624 : i32 to index
        %get3A_638 = arith.constant 48 : index
        %get3A_639 = tpu.vector_load %arg13[%get3A_637, %get3A_638] {strides = array<i32>} : memref<320x64xf32, #tpu.memory_space<vmem>>, vector<16xf32>,
        %mul3A_640 = arith.mulf %add3A_450, %get3A_639 : vector<16xf32>
        %mul3A_641 = arith.constant 32 : i32
        %mul3A_642 = vector.broadcast %mul3A_641 : i32 to vector<16xi32>
        %mul3A_643 = arith.muli %iota3A, %mul3A_642 : vector<16xi32>
        %add3A_644 = arith.constant 6 : i32
        %add3A_645 = vector.broadcast %add3A_644 : i32 to vector<16xi32>
        %add3A_646 = arith.addi %mul3A_643, %add3A_645 : vector<16xi32>
        %add3A_647 = arith.addf %mul3A_628, %mul3A_632 : vector<16xf32>
        %add3A_648 = arith.addf %mul3A_636, %mul3A_640 : vector<16xf32>
        %add3A_649 = arith.addf %add3A_647, %add3A_648 : vector<16xf32>
        tpu.vector_store_idx %arg20[%add3A_646], %add3A_649 : memref<512xf32, #tpu.memory_space<vmem>>[vector<16xi32>], vector<16xf32>,
        %mul3A_650 = arith.constant 20 : i32
        %mul3A_651 = arith.muli %mul3A_135, %mul3A_650 : i32
        %add3A_652 = arith.constant 6 : i32
        %add3A_653 = arith.addi %mul3A_651, %add3A_652 : i32
        %get3A_654 = arith.index_cast %add3A_653 : i32 to index
        %get3A_655 = arith.constant 0 : index
        %get3A_656 = tpu.vector_load %arg13[%get3A_654, %get3A_655] {strides = array<i32>} : memref<320x64xf32, #tpu.memory_space<vmem>>, vector<16xf32>,
        %mul3A_657 = arith.mulf %add3A_213, %get3A_656 : vector<16xf32>
        %get3A_658 = arith.index_cast %add3A_653 : i32 to index
        %get3A_659 = arith.constant 16 : index
        %get3A_660 = tpu.vector_load %arg13[%get3A_658, %get3A_659] {strides = array<i32>} : memref<320x64xf32, #tpu.memory_space<vmem>>, vector<16xf32>,
        %mul3A_661 = arith.mulf %add3A_292, %get3A_660 : vector<16xf32>
        %get3A_662 = arith.index_cast %add3A_653 : i32 to index
        %get3A_663 = arith.constant 32 : index
        %get3A_664 = tpu.vector_load %arg13[%get3A_662, %get3A_663] {strides = array<i32>} : memref<320x64xf32, #tpu.memory_space<vmem>>, vector<16xf32>,
        %mul3A_665 = arith.mulf %add3A_371, %get3A_664 : vector<16xf32>
        %get3A_666 = arith.index_cast %add3A_653 : i32 to index
        %get3A_667 = arith.constant 48 : index
        %get3A_668 = tpu.vector_load %arg13[%get3A_666, %get3A_667] {strides = array<i32>} : memref<320x64xf32, #tpu.memory_space<vmem>>, vector<16xf32>,
        %mul3A_669 = arith.mulf %add3A_450, %get3A_668 : vector<16xf32>
        %mul3A_670 = arith.constant 32 : i32
        %mul3A_671 = vector.broadcast %mul3A_670 : i32 to vector<16xi32>
        %mul3A_672 = arith.muli %iota3A, %mul3A_671 : vector<16xi32>
        %add3A_673 = arith.constant 7 : i32
        %add3A_674 = vector.broadcast %add3A_673 : i32 to vector<16xi32>
        %add3A_675 = arith.addi %mul3A_672, %add3A_674 : vector<16xi32>
        %add3A_676 = arith.addf %mul3A_657, %mul3A_661 : vector<16xf32>
        %add3A_677 = arith.addf %mul3A_665, %mul3A_669 : vector<16xf32>
        %add3A_678 = arith.addf %add3A_676, %add3A_677 : vector<16xf32>
        tpu.vector_store_idx %arg20[%add3A_675], %add3A_678 : memref<512xf32, #tpu.memory_space<vmem>>[vector<16xi32>], vector<16xf32>,
        %mul3A_679 = arith.constant 20 : i32
        %mul3A_680 = arith.muli %mul3A_135, %mul3A_679 : i32
        %add3A_681 = arith.constant 7 : i32
        %add3A_682 = arith.addi %mul3A_680, %add3A_681 : i32
        %get3A_683 = arith.index_cast %add3A_682 : i32 to index
        %get3A_684 = arith.constant 0 : index
        %get3A_685 = tpu.vector_load %arg13[%get3A_683, %get3A_684] {strides = array<i32>} : memref<320x64xf32, #tpu.memory_space<vmem>>, vector<16xf32>,
        %mul3A_686 = arith.mulf %add3A_213, %get3A_685 : vector<16xf32>
        %get3A_687 = arith.index_cast %add3A_682 : i32 to index
        %get3A_688 = arith.constant 16 : index
        %get3A_689 = tpu.vector_load %arg13[%get3A_687, %get3A_688] {strides = array<i32>} : memref<320x64xf32, #tpu.memory_space<vmem>>, vector<16xf32>,
        %mul3A_690 = arith.mulf %add3A_292, %get3A_689 : vector<16xf32>
        %get3A_691 = arith.index_cast %add3A_682 : i32 to index
        %get3A_692 = arith.constant 32 : index
        %get3A_693 = tpu.vector_load %arg13[%get3A_691, %get3A_692] {strides = array<i32>} : memref<320x64xf32, #tpu.memory_space<vmem>>, vector<16xf32>,
        %mul3A_694 = arith.mulf %add3A_371, %get3A_693 : vector<16xf32>
        %get3A_695 = arith.index_cast %add3A_682 : i32 to index
        %get3A_696 = arith.constant 48 : index
        %get3A_697 = tpu.vector_load %arg13[%get3A_695, %get3A_696] {strides = array<i32>} : memref<320x64xf32, #tpu.memory_space<vmem>>, vector<16xf32>,
        %mul3A_698 = arith.mulf %add3A_450, %get3A_697 : vector<16xf32>
        %mul3A_699 = arith.constant 32 : i32
        %mul3A_700 = vector.broadcast %mul3A_699 : i32 to vector<16xi32>
        %mul3A_701 = arith.muli %iota3A, %mul3A_700 : vector<16xi32>
        %add3A_702 = arith.constant 8 : i32
        %add3A_703 = vector.broadcast %add3A_702 : i32 to vector<16xi32>
        %add3A_704 = arith.addi %mul3A_701, %add3A_703 : vector<16xi32>
        %add3A_705 = arith.addf %mul3A_686, %mul3A_690 : vector<16xf32>
        %add3A_706 = arith.addf %mul3A_694, %mul3A_698 : vector<16xf32>
        %add3A_707 = arith.addf %add3A_705, %add3A_706 : vector<16xf32>
        tpu.vector_store_idx %arg20[%add3A_704], %add3A_707 : memref<512xf32, #tpu.memory_space<vmem>>[vector<16xi32>], vector<16xf32>,
        %mul3A_708 = arith.constant 20 : i32
        %mul3A_709 = arith.muli %mul3A_135, %mul3A_708 : i32
        %add3A_710 = arith.constant 8 : i32
        %add3A_711 = arith.addi %mul3A_709, %add3A_710 : i32
        %get3A_712 = arith.index_cast %add3A_711 : i32 to index
        %get3A_713 = arith.constant 0 : index
        %get3A_714 = tpu.vector_load %arg13[%get3A_712, %get3A_713] {strides = array<i32>} : memref<320x64xf32, #tpu.memory_space<vmem>>, vector<16xf32>,
        %mul3A_715 = arith.mulf %add3A_213, %get3A_714 : vector<16xf32>
        %get3A_716 = arith.index_cast %add3A_711 : i32 to index
        %get3A_717 = arith.constant 16 : index
        %get3A_718 = tpu.vector_load %arg13[%get3A_716, %get3A_717] {strides = array<i32>} : memref<320x64xf32, #tpu.memory_space<vmem>>, vector<16xf32>,
        %mul3A_719 = arith.mulf %add3A_292, %get3A_718 : vector<16xf32>
        %get3A_720 = arith.index_cast %add3A_711 : i32 to index
        %get3A_721 = arith.constant 32 : index
        %get3A_722 = tpu.vector_load %arg13[%get3A_720, %get3A_721] {strides = array<i32>} : memref<320x64xf32, #tpu.memory_space<vmem>>, vector<16xf32>,
        %mul3A_723 = arith.mulf %add3A_371, %get3A_722 : vector<16xf32>
        %get3A_724 = arith.index_cast %add3A_711 : i32 to index
        %get3A_725 = arith.constant 48 : index
        %get3A_726 = tpu.vector_load %arg13[%get3A_724, %get3A_725] {strides = array<i32>} : memref<320x64xf32, #tpu.memory_space<vmem>>, vector<16xf32>,
        %mul3A_727 = arith.mulf %add3A_450, %get3A_726 : vector<16xf32>
        %mul3A_728 = arith.constant 32 : i32
        %mul3A_729 = vector.broadcast %mul3A_728 : i32 to vector<16xi32>
        %mul3A_730 = arith.muli %iota3A, %mul3A_729 : vector<16xi32>
        %add3A_731 = arith.constant 9 : i32
        %add3A_732 = vector.broadcast %add3A_731 : i32 to vector<16xi32>
        %add3A_733 = arith.addi %mul3A_730, %add3A_732 : vector<16xi32>
        %add3A_734 = arith.addf %mul3A_715, %mul3A_719 : vector<16xf32>
        %add3A_735 = arith.addf %mul3A_723, %mul3A_727 : vector<16xf32>
        %add3A_736 = arith.addf %add3A_734, %add3A_735 : vector<16xf32>
        tpu.vector_store_idx %arg20[%add3A_733], %add3A_736 : memref<512xf32, #tpu.memory_space<vmem>>[vector<16xi32>], vector<16xf32>,
        %mul3A_737 = arith.constant 20 : i32
        %mul3A_738 = arith.muli %mul3A_135, %mul3A_737 : i32
        %add3A_739 = arith.constant 9 : i32
        %add3A_740 = arith.addi %mul3A_738, %add3A_739 : i32
        %get3A_741 = arith.index_cast %add3A_740 : i32 to index
        %get3A_742 = arith.constant 0 : index
        %get3A_743 = tpu.vector_load %arg13[%get3A_741, %get3A_742] {strides = array<i32>} : memref<320x64xf32, #tpu.memory_space<vmem>>, vector<16xf32>,
        %mul3A_744 = arith.mulf %add3A_213, %get3A_743 : vector<16xf32>
        %get3A_745 = arith.index_cast %add3A_740 : i32 to index
        %get3A_746 = arith.constant 16 : index
        %get3A_747 = tpu.vector_load %arg13[%get3A_745, %get3A_746] {strides = array<i32>} : memref<320x64xf32, #tpu.memory_space<vmem>>, vector<16xf32>,
        %mul3A_748 = arith.mulf %add3A_292, %get3A_747 : vector<16xf32>
        %get3A_749 = arith.index_cast %add3A_740 : i32 to index
        %get3A_750 = arith.constant 32 : index
        %get3A_751 = tpu.vector_load %arg13[%get3A_749, %get3A_750] {strides = array<i32>} : memref<320x64xf32, #tpu.memory_space<vmem>>, vector<16xf32>,
        %mul3A_752 = arith.mulf %add3A_371, %get3A_751 : vector<16xf32>
        %get3A_753 = arith.index_cast %add3A_740 : i32 to index
        %get3A_754 = arith.constant 48 : index
        %get3A_755 = tpu.vector_load %arg13[%get3A_753, %get3A_754] {strides = array<i32>} : memref<320x64xf32, #tpu.memory_space<vmem>>, vector<16xf32>,
        %mul3A_756 = arith.mulf %add3A_450, %get3A_755 : vector<16xf32>
        %mul3A_757 = arith.constant 32 : i32
        %mul3A_758 = vector.broadcast %mul3A_757 : i32 to vector<16xi32>
        %mul3A_759 = arith.muli %iota3A, %mul3A_758 : vector<16xi32>
        %add3A_760 = arith.constant 10 : i32
        %add3A_761 = vector.broadcast %add3A_760 : i32 to vector<16xi32>
        %add3A_762 = arith.addi %mul3A_759, %add3A_761 : vector<16xi32>
        %add3A_763 = arith.addf %mul3A_744, %mul3A_748 : vector<16xf32>
        %add3A_764 = arith.addf %mul3A_752, %mul3A_756 : vector<16xf32>
        %add3A_765 = arith.addf %add3A_763, %add3A_764 : vector<16xf32>
        tpu.vector_store_idx %arg20[%add3A_762], %add3A_765 : memref<512xf32, #tpu.memory_space<vmem>>[vector<16xi32>], vector<16xf32>,
        %mul3A_766 = arith.constant 20 : i32
        %mul3A_767 = arith.muli %mul3A_135, %mul3A_766 : i32
        %add3A_768 = arith.constant 10 : i32
        %add3A_769 = arith.addi %mul3A_767, %add3A_768 : i32
        %get3A_770 = arith.index_cast %add3A_769 : i32 to index
        %get3A_771 = arith.constant 0 : index
        %get3A_772 = tpu.vector_load %arg13[%get3A_770, %get3A_771] {strides = array<i32>} : memref<320x64xf32, #tpu.memory_space<vmem>>, vector<16xf32>,
        %mul3A_773 = arith.mulf %add3A_213, %get3A_772 : vector<16xf32>
        %get3A_774 = arith.index_cast %add3A_769 : i32 to index
        %get3A_775 = arith.constant 16 : index
        %get3A_776 = tpu.vector_load %arg13[%get3A_774, %get3A_775] {strides = array<i32>} : memref<320x64xf32, #tpu.memory_space<vmem>>, vector<16xf32>,
        %mul3A_777 = arith.mulf %add3A_292, %get3A_776 : vector<16xf32>
        %get3A_778 = arith.index_cast %add3A_769 : i32 to index
        %get3A_779 = arith.constant 32 : index
        %get3A_780 = tpu.vector_load %arg13[%get3A_778, %get3A_779] {strides = array<i32>} : memref<320x64xf32, #tpu.memory_space<vmem>>, vector<16xf32>,
        %mul3A_781 = arith.mulf %add3A_371, %get3A_780 : vector<16xf32>
        %get3A_782 = arith.index_cast %add3A_769 : i32 to index
        %get3A_783 = arith.constant 48 : index
        %get3A_784 = tpu.vector_load %arg13[%get3A_782, %get3A_783] {strides = array<i32>} : memref<320x64xf32, #tpu.memory_space<vmem>>, vector<16xf32>,
        %mul3A_785 = arith.mulf %add3A_450, %get3A_784 : vector<16xf32>
        %mul3A_786 = arith.constant 32 : i32
        %mul3A_787 = vector.broadcast %mul3A_786 : i32 to vector<16xi32>
        %mul3A_788 = arith.muli %iota3A, %mul3A_787 : vector<16xi32>
        %add3A_789 = arith.constant 11 : i32
        %add3A_790 = vector.broadcast %add3A_789 : i32 to vector<16xi32>
        %add3A_791 = arith.addi %mul3A_788, %add3A_790 : vector<16xi32>
        %add3A_792 = arith.addf %mul3A_773, %mul3A_777 : vector<16xf32>
        %add3A_793 = arith.addf %mul3A_781, %mul3A_785 : vector<16xf32>
        %add3A_794 = arith.addf %add3A_792, %add3A_793 : vector<16xf32>
        tpu.vector_store_idx %arg20[%add3A_791], %add3A_794 : memref<512xf32, #tpu.memory_space<vmem>>[vector<16xi32>], vector<16xf32>,
        %mul3A_795 = arith.constant 20 : i32
        %mul3A_796 = arith.muli %mul3A_135, %mul3A_795 : i32
        %add3A_797 = arith.constant 11 : i32
        %add3A_798 = arith.addi %mul3A_796, %add3A_797 : i32
        %get3A_799 = arith.index_cast %add3A_798 : i32 to index
        %get3A_800 = arith.constant 0 : index
        %get3A_801 = tpu.vector_load %arg13[%get3A_799, %get3A_800] {strides = array<i32>} : memref<320x64xf32, #tpu.memory_space<vmem>>, vector<16xf32>,
        %mul3A_802 = arith.mulf %add3A_213, %get3A_801 : vector<16xf32>
        %get3A_803 = arith.index_cast %add3A_798 : i32 to index
        %get3A_804 = arith.constant 16 : index
        %get3A_805 = tpu.vector_load %arg13[%get3A_803, %get3A_804] {strides = array<i32>} : memref<320x64xf32, #tpu.memory_space<vmem>>, vector<16xf32>,
        %mul3A_806 = arith.mulf %add3A_292, %get3A_805 : vector<16xf32>
        %get3A_807 = arith.index_cast %add3A_798 : i32 to index
        %get3A_808 = arith.constant 32 : index
        %get3A_809 = tpu.vector_load %arg13[%get3A_807, %get3A_808] {strides = array<i32>} : memref<320x64xf32, #tpu.memory_space<vmem>>, vector<16xf32>,
        %mul3A_810 = arith.mulf %add3A_371, %get3A_809 : vector<16xf32>
        %get3A_811 = arith.index_cast %add3A_798 : i32 to index
        %get3A_812 = arith.constant 48 : index
        %get3A_813 = tpu.vector_load %arg13[%get3A_811, %get3A_812] {strides = array<i32>} : memref<320x64xf32, #tpu.memory_space<vmem>>, vector<16xf32>,
        %mul3A_814 = arith.mulf %add3A_450, %get3A_813 : vector<16xf32>
        %mul3A_815 = arith.constant 32 : i32
        %mul3A_816 = vector.broadcast %mul3A_815 : i32 to vector<16xi32>
        %mul3A_817 = arith.muli %iota3A, %mul3A_816 : vector<16xi32>
        %add3A_818 = arith.constant 12 : i32
        %add3A_819 = vector.broadcast %add3A_818 : i32 to vector<16xi32>
        %add3A_820 = arith.addi %mul3A_817, %add3A_819 : vector<16xi32>
        %add3A_821 = arith.addf %mul3A_802, %mul3A_806 : vector<16xf32>
        %add3A_822 = arith.addf %mul3A_810, %mul3A_814 : vector<16xf32>
        %add3A_823 = arith.addf %add3A_821, %add3A_822 : vector<16xf32>
        tpu.vector_store_idx %arg20[%add3A_820], %add3A_823 : memref<512xf32, #tpu.memory_space<vmem>>[vector<16xi32>], vector<16xf32>,
        %mul3A_824 = arith.constant 20 : i32
        %mul3A_825 = arith.muli %mul3A_135, %mul3A_824 : i32
        %add3A_826 = arith.constant 12 : i32
        %add3A_827 = arith.addi %mul3A_825, %add3A_826 : i32
        %get3A_828 = arith.index_cast %add3A_827 : i32 to index
        %get3A_829 = arith.constant 0 : index
        %get3A_830 = tpu.vector_load %arg13[%get3A_828, %get3A_829] {strides = array<i32>} : memref<320x64xf32, #tpu.memory_space<vmem>>, vector<16xf32>,
        %mul3A_831 = arith.mulf %add3A_213, %get3A_830 : vector<16xf32>
        %get3A_832 = arith.index_cast %add3A_827 : i32 to index
        %get3A_833 = arith.constant 16 : index
        %get3A_834 = tpu.vector_load %arg13[%get3A_832, %get3A_833] {strides = array<i32>} : memref<320x64xf32, #tpu.memory_space<vmem>>, vector<16xf32>,
        %mul3A_835 = arith.mulf %add3A_292, %get3A_834 : vector<16xf32>
        %get3A_836 = arith.index_cast %add3A_827 : i32 to index
        %get3A_837 = arith.constant 32 : index
        %get3A_838 = tpu.vector_load %arg13[%get3A_836, %get3A_837] {strides = array<i32>} : memref<320x64xf32, #tpu.memory_space<vmem>>, vector<16xf32>,
        %mul3A_839 = arith.mulf %add3A_371, %get3A_838 : vector<16xf32>
        %get3A_840 = arith.index_cast %add3A_827 : i32 to index
        %get3A_841 = arith.constant 48 : index
        %get3A_842 = tpu.vector_load %arg13[%get3A_840, %get3A_841] {strides = array<i32>} : memref<320x64xf32, #tpu.memory_space<vmem>>, vector<16xf32>,
        %mul3A_843 = arith.mulf %add3A_450, %get3A_842 : vector<16xf32>
        %mul3A_844 = arith.constant 32 : i32
        %mul3A_845 = vector.broadcast %mul3A_844 : i32 to vector<16xi32>
        %mul3A_846 = arith.muli %iota3A, %mul3A_845 : vector<16xi32>
        %add3A_847 = arith.constant 13 : i32
        %add3A_848 = vector.broadcast %add3A_847 : i32 to vector<16xi32>
        %add3A_849 = arith.addi %mul3A_846, %add3A_848 : vector<16xi32>
        %add3A_850 = arith.addf %mul3A_831, %mul3A_835 : vector<16xf32>
        %add3A_851 = arith.addf %mul3A_839, %mul3A_843 : vector<16xf32>
        %add3A_852 = arith.addf %add3A_850, %add3A_851 : vector<16xf32>
        tpu.vector_store_idx %arg20[%add3A_849], %add3A_852 : memref<512xf32, #tpu.memory_space<vmem>>[vector<16xi32>], vector<16xf32>,
        %mul3A_853 = arith.constant 20 : i32
        %mul3A_854 = arith.muli %mul3A_135, %mul3A_853 : i32
        %add3A_855 = arith.constant 13 : i32
        %add3A_856 = arith.addi %mul3A_854, %add3A_855 : i32
        %get3A_857 = arith.index_cast %add3A_856 : i32 to index
        %get3A_858 = arith.constant 0 : index
        %get3A_859 = tpu.vector_load %arg13[%get3A_857, %get3A_858] {strides = array<i32>} : memref<320x64xf32, #tpu.memory_space<vmem>>, vector<16xf32>,
        %mul3A_860 = arith.mulf %add3A_213, %get3A_859 : vector<16xf32>
        %get3A_861 = arith.index_cast %add3A_856 : i32 to index
        %get3A_862 = arith.constant 16 : index
        %get3A_863 = tpu.vector_load %arg13[%get3A_861, %get3A_862] {strides = array<i32>} : memref<320x64xf32, #tpu.memory_space<vmem>>, vector<16xf32>,
        %mul3A_864 = arith.mulf %add3A_292, %get3A_863 : vector<16xf32>
        %get3A_865 = arith.index_cast %add3A_856 : i32 to index
        %get3A_866 = arith.constant 32 : index
        %get3A_867 = tpu.vector_load %arg13[%get3A_865, %get3A_866] {strides = array<i32>} : memref<320x64xf32, #tpu.memory_space<vmem>>, vector<16xf32>,
        %mul3A_868 = arith.mulf %add3A_371, %get3A_867 : vector<16xf32>
        %get3A_869 = arith.index_cast %add3A_856 : i32 to index
        %get3A_870 = arith.constant 48 : index
        %get3A_871 = tpu.vector_load %arg13[%get3A_869, %get3A_870] {strides = array<i32>} : memref<320x64xf32, #tpu.memory_space<vmem>>, vector<16xf32>,
        %mul3A_872 = arith.mulf %add3A_450, %get3A_871 : vector<16xf32>
        %mul3A_873 = arith.constant 32 : i32
        %mul3A_874 = vector.broadcast %mul3A_873 : i32 to vector<16xi32>
        %mul3A_875 = arith.muli %iota3A, %mul3A_874 : vector<16xi32>
        %add3A_876 = arith.constant 14 : i32
        %add3A_877 = vector.broadcast %add3A_876 : i32 to vector<16xi32>
        %add3A_878 = arith.addi %mul3A_875, %add3A_877 : vector<16xi32>
        %add3A_879 = arith.addf %mul3A_860, %mul3A_864 : vector<16xf32>
        %add3A_880 = arith.addf %mul3A_868, %mul3A_872 : vector<16xf32>
        %add3A_881 = arith.addf %add3A_879, %add3A_880 : vector<16xf32>
        tpu.vector_store_idx %arg20[%add3A_878], %add3A_881 : memref<512xf32, #tpu.memory_space<vmem>>[vector<16xi32>], vector<16xf32>,
        %mul3A_882 = arith.constant 20 : i32
        %mul3A_883 = arith.muli %mul3A_135, %mul3A_882 : i32
        %add3A_884 = arith.constant 14 : i32
        %add3A_885 = arith.addi %mul3A_883, %add3A_884 : i32
        %get3A_886 = arith.index_cast %add3A_885 : i32 to index
        %get3A_887 = arith.constant 0 : index
        %get3A_888 = tpu.vector_load %arg13[%get3A_886, %get3A_887] {strides = array<i32>} : memref<320x64xf32, #tpu.memory_space<vmem>>, vector<16xf32>,
        %mul3A_889 = arith.mulf %add3A_213, %get3A_888 : vector<16xf32>
        %get3A_890 = arith.index_cast %add3A_885 : i32 to index
        %get3A_891 = arith.constant 16 : index
        %get3A_892 = tpu.vector_load %arg13[%get3A_890, %get3A_891] {strides = array<i32>} : memref<320x64xf32, #tpu.memory_space<vmem>>, vector<16xf32>,
        %mul3A_893 = arith.mulf %add3A_292, %get3A_892 : vector<16xf32>
        %get3A_894 = arith.index_cast %add3A_885 : i32 to index
        %get3A_895 = arith.constant 32 : index
        %get3A_896 = tpu.vector_load %arg13[%get3A_894, %get3A_895] {strides = array<i32>} : memref<320x64xf32, #tpu.memory_space<vmem>>, vector<16xf32>,
        %mul3A_897 = arith.mulf %add3A_371, %get3A_896 : vector<16xf32>
        %get3A_898 = arith.index_cast %add3A_885 : i32 to index
        %get3A_899 = arith.constant 48 : index
        %get3A_900 = tpu.vector_load %arg13[%get3A_898, %get3A_899] {strides = array<i32>} : memref<320x64xf32, #tpu.memory_space<vmem>>, vector<16xf32>,
        %mul3A_901 = arith.mulf %add3A_450, %get3A_900 : vector<16xf32>
        %mul3A_902 = arith.constant 32 : i32
        %mul3A_903 = vector.broadcast %mul3A_902 : i32 to vector<16xi32>
        %mul3A_904 = arith.muli %iota3A, %mul3A_903 : vector<16xi32>
        %add3A_905 = arith.constant 15 : i32
        %add3A_906 = vector.broadcast %add3A_905 : i32 to vector<16xi32>
        %add3A_907 = arith.addi %mul3A_904, %add3A_906 : vector<16xi32>
        %add3A_908 = arith.addf %mul3A_889, %mul3A_893 : vector<16xf32>
        %add3A_909 = arith.addf %mul3A_897, %mul3A_901 : vector<16xf32>
        %add3A_910 = arith.addf %add3A_908, %add3A_909 : vector<16xf32>
        tpu.vector_store_idx %arg20[%add3A_907], %add3A_910 : memref<512xf32, #tpu.memory_space<vmem>>[vector<16xi32>], vector<16xf32>,
        %mul3A_911 = arith.constant 20 : i32
        %mul3A_912 = arith.muli %mul3A_135, %mul3A_911 : i32
        %add3A_913 = arith.constant 15 : i32
        %add3A_914 = arith.addi %mul3A_912, %add3A_913 : i32
        %get3A_915 = arith.index_cast %add3A_914 : i32 to index
        %get3A_916 = arith.constant 0 : index
        %get3A_917 = tpu.vector_load %arg13[%get3A_915, %get3A_916] {strides = array<i32>} : memref<320x64xf32, #tpu.memory_space<vmem>>, vector<16xf32>,
        %mul3A_918 = arith.mulf %add3A_213, %get3A_917 : vector<16xf32>
        %get3A_919 = arith.index_cast %add3A_914 : i32 to index
        %get3A_920 = arith.constant 16 : index
        %get3A_921 = tpu.vector_load %arg13[%get3A_919, %get3A_920] {strides = array<i32>} : memref<320x64xf32, #tpu.memory_space<vmem>>, vector<16xf32>,
        %mul3A_922 = arith.mulf %add3A_292, %get3A_921 : vector<16xf32>
        %get3A_923 = arith.index_cast %add3A_914 : i32 to index
        %get3A_924 = arith.constant 32 : index
        %get3A_925 = tpu.vector_load %arg13[%get3A_923, %get3A_924] {strides = array<i32>} : memref<320x64xf32, #tpu.memory_space<vmem>>, vector<16xf32>,
        %mul3A_926 = arith.mulf %add3A_371, %get3A_925 : vector<16xf32>
        %get3A_927 = arith.index_cast %add3A_914 : i32 to index
        %get3A_928 = arith.constant 48 : index
        %get3A_929 = tpu.vector_load %arg13[%get3A_927, %get3A_928] {strides = array<i32>} : memref<320x64xf32, #tpu.memory_space<vmem>>, vector<16xf32>,
        %mul3A_930 = arith.mulf %add3A_450, %get3A_929 : vector<16xf32>
        %mul3A_931 = arith.constant 32 : i32
        %mul3A_932 = vector.broadcast %mul3A_931 : i32 to vector<16xi32>
        %mul3A_933 = arith.muli %iota3A, %mul3A_932 : vector<16xi32>
        %add3A_934 = arith.constant 16 : i32
        %add3A_935 = vector.broadcast %add3A_934 : i32 to vector<16xi32>
        %add3A_936 = arith.addi %mul3A_933, %add3A_935 : vector<16xi32>
        %add3A_937 = arith.addf %mul3A_918, %mul3A_922 : vector<16xf32>
        %add3A_938 = arith.addf %mul3A_926, %mul3A_930 : vector<16xf32>
        %add3A_939 = arith.addf %add3A_937, %add3A_938 : vector<16xf32>
        tpu.vector_store_idx %arg20[%add3A_936], %add3A_939 : memref<512xf32, #tpu.memory_space<vmem>>[vector<16xi32>], vector<16xf32>,
        %mul3A_940 = arith.constant 20 : i32
        %mul3A_941 = arith.muli %mul3A_135, %mul3A_940 : i32
        %add3A_942 = arith.constant 16 : i32
        %add3A_943 = arith.addi %mul3A_941, %add3A_942 : i32
        %get3A_944 = arith.index_cast %add3A_943 : i32 to index
        %get3A_945 = arith.constant 0 : index
        %get3A_946 = tpu.vector_load %arg13[%get3A_944, %get3A_945] {strides = array<i32>} : memref<320x64xf32, #tpu.memory_space<vmem>>, vector<16xf32>,
        %mul3A_947 = arith.mulf %add3A_213, %get3A_946 : vector<16xf32>
        %get3A_948 = arith.index_cast %add3A_943 : i32 to index
        %get3A_949 = arith.constant 16 : index
        %get3A_950 = tpu.vector_load %arg13[%get3A_948, %get3A_949] {strides = array<i32>} : memref<320x64xf32, #tpu.memory_space<vmem>>, vector<16xf32>,
        %mul3A_951 = arith.mulf %add3A_292, %get3A_950 : vector<16xf32>
        %get3A_952 = arith.index_cast %add3A_943 : i32 to index
        %get3A_953 = arith.constant 32 : index
        %get3A_954 = tpu.vector_load %arg13[%get3A_952, %get3A_953] {strides = array<i32>} : memref<320x64xf32, #tpu.memory_space<vmem>>, vector<16xf32>,
        %mul3A_955 = arith.mulf %add3A_371, %get3A_954 : vector<16xf32>
        %get3A_956 = arith.index_cast %add3A_943 : i32 to index
        %get3A_957 = arith.constant 48 : index
        %get3A_958 = tpu.vector_load %arg13[%get3A_956, %get3A_957] {strides = array<i32>} : memref<320x64xf32, #tpu.memory_space<vmem>>, vector<16xf32>,
        %mul3A_959 = arith.mulf %add3A_450, %get3A_958 : vector<16xf32>
        %mul3A_960 = arith.constant 32 : i32
        %mul3A_961 = vector.broadcast %mul3A_960 : i32 to vector<16xi32>
        %mul3A_962 = arith.muli %iota3A, %mul3A_961 : vector<16xi32>
        %add3A_963 = arith.constant 17 : i32
        %add3A_964 = vector.broadcast %add3A_963 : i32 to vector<16xi32>
        %add3A_965 = arith.addi %mul3A_962, %add3A_964 : vector<16xi32>
        %add3A_966 = arith.addf %mul3A_947, %mul3A_951 : vector<16xf32>
        %add3A_967 = arith.addf %mul3A_955, %mul3A_959 : vector<16xf32>
        %add3A_968 = arith.addf %add3A_966, %add3A_967 : vector<16xf32>
        tpu.vector_store_idx %arg20[%add3A_965], %add3A_968 : memref<512xf32, #tpu.memory_space<vmem>>[vector<16xi32>], vector<16xf32>,
        %mul3A_969 = arith.constant 20 : i32
        %mul3A_970 = arith.muli %mul3A_135, %mul3A_969 : i32
        %add3A_971 = arith.constant 17 : i32
        %add3A_972 = arith.addi %mul3A_970, %add3A_971 : i32
        %get3A_973 = arith.index_cast %add3A_972 : i32 to index
        %get3A_974 = arith.constant 0 : index
        %get3A_975 = tpu.vector_load %arg13[%get3A_973, %get3A_974] {strides = array<i32>} : memref<320x64xf32, #tpu.memory_space<vmem>>, vector<16xf32>,
        %mul3A_976 = arith.mulf %add3A_213, %get3A_975 : vector<16xf32>
        %get3A_977 = arith.index_cast %add3A_972 : i32 to index
        %get3A_978 = arith.constant 16 : index
        %get3A_979 = tpu.vector_load %arg13[%get3A_977, %get3A_978] {strides = array<i32>} : memref<320x64xf32, #tpu.memory_space<vmem>>, vector<16xf32>,
        %mul3A_980 = arith.mulf %add3A_292, %get3A_979 : vector<16xf32>
        %get3A_981 = arith.index_cast %add3A_972 : i32 to index
        %get3A_982 = arith.constant 32 : index
        %get3A_983 = tpu.vector_load %arg13[%get3A_981, %get3A_982] {strides = array<i32>} : memref<320x64xf32, #tpu.memory_space<vmem>>, vector<16xf32>,
        %mul3A_984 = arith.mulf %add3A_371, %get3A_983 : vector<16xf32>
        %get3A_985 = arith.index_cast %add3A_972 : i32 to index
        %get3A_986 = arith.constant 48 : index
        %get3A_987 = tpu.vector_load %arg13[%get3A_985, %get3A_986] {strides = array<i32>} : memref<320x64xf32, #tpu.memory_space<vmem>>, vector<16xf32>,
        %mul3A_988 = arith.mulf %add3A_450, %get3A_987 : vector<16xf32>
        %mul3A_989 = arith.constant 32 : i32
        %mul3A_990 = vector.broadcast %mul3A_989 : i32 to vector<16xi32>
        %mul3A_991 = arith.muli %iota3A, %mul3A_990 : vector<16xi32>
        %add3A_992 = arith.constant 18 : i32
        %add3A_993 = vector.broadcast %add3A_992 : i32 to vector<16xi32>
        %add3A_994 = arith.addi %mul3A_991, %add3A_993 : vector<16xi32>
        %add3A_995 = arith.addf %mul3A_976, %mul3A_980 : vector<16xf32>
        %add3A_996 = arith.addf %mul3A_984, %mul3A_988 : vector<16xf32>
        %add3A_997 = arith.addf %add3A_995, %add3A_996 : vector<16xf32>
        tpu.vector_store_idx %arg20[%add3A_994], %add3A_997 : memref<512xf32, #tpu.memory_space<vmem>>[vector<16xi32>], vector<16xf32>,
        %mul3A_998 = arith.constant 20 : i32
        %mul3A_999 = arith.muli %mul3A_135, %mul3A_998 : i32
        %add3A_1000 = arith.constant 18 : i32
        %add3A_1001 = arith.addi %mul3A_999, %add3A_1000 : i32
        %get3A_1002 = arith.index_cast %add3A_1001 : i32 to index
        %get3A_1003 = arith.constant 0 : index
        %get3A_1004 = tpu.vector_load %arg13[%get3A_1002, %get3A_1003] {strides = array<i32>} : memref<320x64xf32, #tpu.memory_space<vmem>>, vector<16xf32>,
        %mul3A_1005 = arith.mulf %add3A_213, %get3A_1004 : vector<16xf32>
        %get3A_1006 = arith.index_cast %add3A_1001 : i32 to index
        %get3A_1007 = arith.constant 16 : index
        %get3A_1008 = tpu.vector_load %arg13[%get3A_1006, %get3A_1007] {strides = array<i32>} : memref<320x64xf32, #tpu.memory_space<vmem>>, vector<16xf32>,
        %mul3A_1009 = arith.mulf %add3A_292, %get3A_1008 : vector<16xf32>
        %get3A_1010 = arith.index_cast %add3A_1001 : i32 to index
        %get3A_1011 = arith.constant 32 : index
        %get3A_1012 = tpu.vector_load %arg13[%get3A_1010, %get3A_1011] {strides = array<i32>} : memref<320x64xf32, #tpu.memory_space<vmem>>, vector<16xf32>,
        %mul3A_1013 = arith.mulf %add3A_371, %get3A_1012 : vector<16xf32>
        %get3A_1014 = arith.index_cast %add3A_1001 : i32 to index
        %get3A_1015 = arith.constant 48 : index
        %get3A_1016 = tpu.vector_load %arg13[%get3A_1014, %get3A_1015] {strides = array<i32>} : memref<320x64xf32, #tpu.memory_space<vmem>>, vector<16xf32>,
        %mul3A_1017 = arith.mulf %add3A_450, %get3A_1016 : vector<16xf32>
        %mul3A_1018 = arith.constant 32 : i32
        %mul3A_1019 = vector.broadcast %mul3A_1018 : i32 to vector<16xi32>
        %mul3A_1020 = arith.muli %iota3A, %mul3A_1019 : vector<16xi32>
        %add3A_1021 = arith.constant 19 : i32
        %add3A_1022 = vector.broadcast %add3A_1021 : i32 to vector<16xi32>
        %add3A_1023 = arith.addi %mul3A_1020, %add3A_1022 : vector<16xi32>
        %add3A_1024 = arith.addf %mul3A_1005, %mul3A_1009 : vector<16xf32>
        %add3A_1025 = arith.addf %mul3A_1013, %mul3A_1017 : vector<16xf32>
        %add3A_1026 = arith.addf %add3A_1024, %add3A_1025 : vector<16xf32>
        tpu.vector_store_idx %arg20[%add3A_1023], %add3A_1026 : memref<512xf32, #tpu.memory_space<vmem>>[vector<16xi32>], vector<16xf32>,
        %mul3A_1027 = arith.constant 20 : i32
        %mul3A_1028 = arith.muli %mul3A_135, %mul3A_1027 : i32
        %add3A_1029 = arith.constant 19 : i32
        %add3A_1030 = arith.addi %mul3A_1028, %add3A_1029 : i32
        %get3A_1031 = arith.index_cast %add3A_1030 : i32 to index
        %get3A_1032 = arith.constant 0 : index
        %get3A_1033 = tpu.vector_load %arg13[%get3A_1031, %get3A_1032] {strides = array<i32>} : memref<320x64xf32, #tpu.memory_space<vmem>>, vector<16xf32>,
        %mul3A_1034 = arith.mulf %add3A_213, %get3A_1033 : vector<16xf32>
        %get3A_1035 = arith.index_cast %add3A_1030 : i32 to index
        %get3A_1036 = arith.constant 16 : index
        %get3A_1037 = tpu.vector_load %arg13[%get3A_1035, %get3A_1036] {strides = array<i32>} : memref<320x64xf32, #tpu.memory_space<vmem>>, vector<16xf32>,
        %mul3A_1038 = arith.mulf %add3A_292, %get3A_1037 : vector<16xf32>
        %get3A_1039 = arith.index_cast %add3A_1030 : i32 to index
        %get3A_1040 = arith.constant 32 : index
        %get3A_1041 = tpu.vector_load %arg13[%get3A_1039, %get3A_1040] {strides = array<i32>} : memref<320x64xf32, #tpu.memory_space<vmem>>, vector<16xf32>,
        %mul3A_1042 = arith.mulf %add3A_371, %get3A_1041 : vector<16xf32>
        %get3A_1043 = arith.index_cast %add3A_1030 : i32 to index
        %get3A_1044 = arith.constant 48 : index
        %get3A_1045 = tpu.vector_load %arg13[%get3A_1043, %get3A_1044] {strides = array<i32>} : memref<320x64xf32, #tpu.memory_space<vmem>>, vector<16xf32>,
        %mul3A_1046 = arith.mulf %add3A_450, %get3A_1045 : vector<16xf32>
        %mul3A_1047 = arith.constant 32 : i32
        %mul3A_1048 = vector.broadcast %mul3A_1047 : i32 to vector<16xi32>
        %mul3A_1049 = arith.muli %iota3A, %mul3A_1048 : vector<16xi32>
        %add3A_1050 = arith.constant 20 : i32
        %add3A_1051 = vector.broadcast %add3A_1050 : i32 to vector<16xi32>
        %add3A_1052 = arith.addi %mul3A_1049, %add3A_1051 : vector<16xi32>
        %add3A_1053 = arith.addf %mul3A_1034, %mul3A_1038 : vector<16xf32>
        %add3A_1054 = arith.addf %mul3A_1042, %mul3A_1046 : vector<16xf32>
        %add3A_1055 = arith.addf %add3A_1053, %add3A_1054 : vector<16xf32>
        tpu.vector_store_idx %arg20[%add3A_1052], %add3A_1055 : memref<512xf32, #tpu.memory_space<vmem>>[vector<16xi32>], vector<16xf32>,
        %add3A_1056 = arith.constant 1 : i32
        %add3A_1057 = arith.addi %mul3A_135, %add3A_1056 : i32
        %mul3A_1058 = arith.constant 10 : i32
        %mul3A_1059 = arith.muli %add3A_1057, %mul3A_1058 : i32
        %add3A_1060 = arith.constant 0 : i32
        %add3A_1061 = arith.addi %mul3A_1059, %add3A_1060 : i32
        %get3A_1062 = arith.index_cast %add3A_1061 : i32 to index
        %get3A_1063 = arith.constant 0 : index
        %get3A_1064 = tpu.vector_load %arg11[%get3A_1062, %get3A_1063] {strides = array<i32>} : memref<160x64xf32, #tpu.memory_space<vmem>>, vector<16xf32>,
        %mul3A_1065 = arith.constant 10 : i32
        %mul3A_1066 = arith.muli %add3A_1057, %mul3A_1065 : i32
        %add3A_1067 = arith.constant 1 : i32
        %add3A_1068 = arith.addi %mul3A_1066, %add3A_1067 : i32
        %get3A_1069 = arith.index_cast %add3A_1068 : i32 to index
        %get3A_1070 = arith.constant 0 : index
        %get3A_1071 = tpu.vector_load %arg11[%get3A_1069, %get3A_1070] {strides = array<i32>} : memref<160x64xf32, #tpu.memory_space<vmem>>, vector<16xf32>,
        %mul3A_1072 = arith.constant 10 : i32
        %mul3A_1073 = arith.muli %add3A_1057, %mul3A_1072 : i32
        %add3A_1074 = arith.constant 2 : i32
        %add3A_1075 = arith.addi %mul3A_1073, %add3A_1074 : i32
        %get3A_1076 = arith.index_cast %add3A_1075 : i32 to index
        %get3A_1077 = arith.constant 0 : index
        %get3A_1078 = tpu.vector_load %arg11[%get3A_1076, %get3A_1077] {strides = array<i32>} : memref<160x64xf32, #tpu.memory_space<vmem>>, vector<16xf32>,
        %mul3A_1079 = arith.constant 10 : i32
        %mul3A_1080 = arith.muli %add3A_1057, %mul3A_1079 : i32
        %add3A_1081 = arith.constant 3 : i32
        %add3A_1082 = arith.addi %mul3A_1080, %add3A_1081 : i32
        %get3A_1083 = arith.index_cast %add3A_1082 : i32 to index
        %get3A_1084 = arith.constant 0 : index
        %get3A_1085 = tpu.vector_load %arg11[%get3A_1083, %get3A_1084] {strides = array<i32>} : memref<160x64xf32, #tpu.memory_space<vmem>>, vector<16xf32>,
        %mul3A_1086 = arith.constant 10 : i32
        %mul3A_1087 = arith.muli %add3A_1057, %mul3A_1086 : i32
        %add3A_1088 = arith.constant 4 : i32
        %add3A_1089 = arith.addi %mul3A_1087, %add3A_1088 : i32
        %get3A_1090 = arith.index_cast %add3A_1089 : i32 to index
        %get3A_1091 = arith.constant 0 : index
        %get3A_1092 = tpu.vector_load %arg11[%get3A_1090, %get3A_1091] {strides = array<i32>} : memref<160x64xf32, #tpu.memory_space<vmem>>, vector<16xf32>,
        %mul3A_1093 = arith.constant 10 : i32
        %mul3A_1094 = arith.muli %add3A_1057, %mul3A_1093 : i32
        %add3A_1095 = arith.constant 5 : i32
        %add3A_1096 = arith.addi %mul3A_1094, %add3A_1095 : i32
        %get3A_1097 = arith.index_cast %add3A_1096 : i32 to index
        %get3A_1098 = arith.constant 0 : index
        %get3A_1099 = tpu.vector_load %arg11[%get3A_1097, %get3A_1098] {strides = array<i32>} : memref<160x64xf32, #tpu.memory_space<vmem>>, vector<16xf32>,
        %mul3A_1100 = arith.constant 10 : i32
        %mul3A_1101 = arith.muli %add3A_1057, %mul3A_1100 : i32
        %add3A_1102 = arith.constant 6 : i32
        %add3A_1103 = arith.addi %mul3A_1101, %add3A_1102 : i32
        %get3A_1104 = arith.index_cast %add3A_1103 : i32 to index
        %get3A_1105 = arith.constant 0 : index
        %get3A_1106 = tpu.vector_load %arg11[%get3A_1104, %get3A_1105] {strides = array<i32>} : memref<160x64xf32, #tpu.memory_space<vmem>>, vector<16xf32>,
        %mul3A_1107 = arith.constant 10 : i32
        %mul3A_1108 = arith.muli %add3A_1057, %mul3A_1107 : i32
        %add3A_1109 = arith.constant 7 : i32
        %add3A_1110 = arith.addi %mul3A_1108, %add3A_1109 : i32
        %get3A_1111 = arith.index_cast %add3A_1110 : i32 to index
        %get3A_1112 = arith.constant 0 : index
        %get3A_1113 = tpu.vector_load %arg11[%get3A_1111, %get3A_1112] {strides = array<i32>} : memref<160x64xf32, #tpu.memory_space<vmem>>, vector<16xf32>,
        %mul3A_1114 = arith.constant 10 : i32
        %mul3A_1115 = arith.muli %add3A_1057, %mul3A_1114 : i32
        %add3A_1116 = arith.constant 8 : i32
        %add3A_1117 = arith.addi %mul3A_1115, %add3A_1116 : i32
        %get3A_1118 = arith.index_cast %add3A_1117 : i32 to index
        %get3A_1119 = arith.constant 0 : index
        %get3A_1120 = tpu.vector_load %arg11[%get3A_1118, %get3A_1119] {strides = array<i32>} : memref<160x64xf32, #tpu.memory_space<vmem>>, vector<16xf32>,
        %mul3A_1121 = arith.constant 10 : i32
        %mul3A_1122 = arith.muli %add3A_1057, %mul3A_1121 : i32
        %add3A_1123 = arith.constant 9 : i32
        %add3A_1124 = arith.addi %mul3A_1122, %add3A_1123 : i32
        %get3A_1125 = arith.index_cast %add3A_1124 : i32 to index
        %get3A_1126 = arith.constant 0 : index
        %get3A_1127 = tpu.vector_load %arg11[%get3A_1125, %get3A_1126] {strides = array<i32>} : memref<160x64xf32, #tpu.memory_space<vmem>>, vector<16xf32>,
        %add3A_1128 = arith.addf %get3A_1064, %get3A_1071 : vector<16xf32>
        %add3A_1129 = arith.addf %get3A_1078, %get3A_1085 : vector<16xf32>
        %add3A_1130 = arith.addf %get3A_1092, %get3A_1099 : vector<16xf32>
        %add3A_1131 = arith.addf %get3A_1106, %get3A_1113 : vector<16xf32>
        %add3A_1132 = arith.addf %get3A_1120, %get3A_1127 : vector<16xf32>
        %add3A_1133 = arith.addf %add3A_1128, %add3A_1129 : vector<16xf32>
        %add3A_1134 = arith.addf %add3A_1130, %add3A_1131 : vector<16xf32>
        %add3A_1135 = arith.addf %add3A_1133, %add3A_1134 : vector<16xf32>
        %add3A_1136 = arith.addf %add3A_1135, %add3A_1132 : vector<16xf32>
        %mul3A_1137 = arith.constant 10 : i32
        %mul3A_1138 = arith.muli %add3A_1057, %mul3A_1137 : i32
        %add3A_1139 = arith.constant 0 : i32
        %add3A_1140 = arith.addi %mul3A_1138, %add3A_1139 : i32
        %get3A_1141 = arith.index_cast %add3A_1140 : i32 to index
        %get3A_1142 = arith.constant 16 : index
        %get3A_1143 = tpu.vector_load %arg11[%get3A_1141, %get3A_1142] {strides = array<i32>} : memref<160x64xf32, #tpu.memory_space<vmem>>, vector<16xf32>,
        %mul3A_1144 = arith.constant 10 : i32
        %mul3A_1145 = arith.muli %add3A_1057, %mul3A_1144 : i32
        %add3A_1146 = arith.constant 1 : i32
        %add3A_1147 = arith.addi %mul3A_1145, %add3A_1146 : i32
        %get3A_1148 = arith.index_cast %add3A_1147 : i32 to index
        %get3A_1149 = arith.constant 16 : index
        %get3A_1150 = tpu.vector_load %arg11[%get3A_1148, %get3A_1149] {strides = array<i32>} : memref<160x64xf32, #tpu.memory_space<vmem>>, vector<16xf32>,
        %mul3A_1151 = arith.constant 10 : i32
        %mul3A_1152 = arith.muli %add3A_1057, %mul3A_1151 : i32
        %add3A_1153 = arith.constant 2 : i32
        %add3A_1154 = arith.addi %mul3A_1152, %add3A_1153 : i32
        %get3A_1155 = arith.index_cast %add3A_1154 : i32 to index
        %get3A_1156 = arith.constant 16 : index
        %get3A_1157 = tpu.vector_load %arg11[%get3A_1155, %get3A_1156] {strides = array<i32>} : memref<160x64xf32, #tpu.memory_space<vmem>>, vector<16xf32>,
        %mul3A_1158 = arith.constant 10 : i32
        %mul3A_1159 = arith.muli %add3A_1057, %mul3A_1158 : i32
        %add3A_1160 = arith.constant 3 : i32
        %add3A_1161 = arith.addi %mul3A_1159, %add3A_1160 : i32
        %get3A_1162 = arith.index_cast %add3A_1161 : i32 to index
        %get3A_1163 = arith.constant 16 : index
        %get3A_1164 = tpu.vector_load %arg11[%get3A_1162, %get3A_1163] {strides = array<i32>} : memref<160x64xf32, #tpu.memory_space<vmem>>, vector<16xf32>,
        %mul3A_1165 = arith.constant 10 : i32
        %mul3A_1166 = arith.muli %add3A_1057, %mul3A_1165 : i32
        %add3A_1167 = arith.constant 4 : i32
        %add3A_1168 = arith.addi %mul3A_1166, %add3A_1167 : i32
        %get3A_1169 = arith.index_cast %add3A_1168 : i32 to index
        %get3A_1170 = arith.constant 16 : index
        %get3A_1171 = tpu.vector_load %arg11[%get3A_1169, %get3A_1170] {strides = array<i32>} : memref<160x64xf32, #tpu.memory_space<vmem>>, vector<16xf32>,
        %mul3A_1172 = arith.constant 10 : i32
        %mul3A_1173 = arith.muli %add3A_1057, %mul3A_1172 : i32
        %add3A_1174 = arith.constant 5 : i32
        %add3A_1175 = arith.addi %mul3A_1173, %add3A_1174 : i32
        %get3A_1176 = arith.index_cast %add3A_1175 : i32 to index
        %get3A_1177 = arith.constant 16 : index
        %get3A_1178 = tpu.vector_load %arg11[%get3A_1176, %get3A_1177] {strides = array<i32>} : memref<160x64xf32, #tpu.memory_space<vmem>>, vector<16xf32>,
        %mul3A_1179 = arith.constant 10 : i32
        %mul3A_1180 = arith.muli %add3A_1057, %mul3A_1179 : i32
        %add3A_1181 = arith.constant 6 : i32
        %add3A_1182 = arith.addi %mul3A_1180, %add3A_1181 : i32
        %get3A_1183 = arith.index_cast %add3A_1182 : i32 to index
        %get3A_1184 = arith.constant 16 : index
        %get3A_1185 = tpu.vector_load %arg11[%get3A_1183, %get3A_1184] {strides = array<i32>} : memref<160x64xf32, #tpu.memory_space<vmem>>, vector<16xf32>,
        %mul3A_1186 = arith.constant 10 : i32
        %mul3A_1187 = arith.muli %add3A_1057, %mul3A_1186 : i32
        %add3A_1188 = arith.constant 7 : i32
        %add3A_1189 = arith.addi %mul3A_1187, %add3A_1188 : i32
        %get3A_1190 = arith.index_cast %add3A_1189 : i32 to index
        %get3A_1191 = arith.constant 16 : index
        %get3A_1192 = tpu.vector_load %arg11[%get3A_1190, %get3A_1191] {strides = array<i32>} : memref<160x64xf32, #tpu.memory_space<vmem>>, vector<16xf32>,
        %mul3A_1193 = arith.constant 10 : i32
        %mul3A_1194 = arith.muli %add3A_1057, %mul3A_1193 : i32
        %add3A_1195 = arith.constant 8 : i32
        %add3A_1196 = arith.addi %mul3A_1194, %add3A_1195 : i32
        %get3A_1197 = arith.index_cast %add3A_1196 : i32 to index
        %get3A_1198 = arith.constant 16 : index
        %get3A_1199 = tpu.vector_load %arg11[%get3A_1197, %get3A_1198] {strides = array<i32>} : memref<160x64xf32, #tpu.memory_space<vmem>>, vector<16xf32>,
        %mul3A_1200 = arith.constant 10 : i32
        %mul3A_1201 = arith.muli %add3A_1057, %mul3A_1200 : i32
        %add3A_1202 = arith.constant 9 : i32
        %add3A_1203 = arith.addi %mul3A_1201, %add3A_1202 : i32
        %get3A_1204 = arith.index_cast %add3A_1203 : i32 to index
        %get3A_1205 = arith.constant 16 : index
        %get3A_1206 = tpu.vector_load %arg11[%get3A_1204, %get3A_1205] {strides = array<i32>} : memref<160x64xf32, #tpu.memory_space<vmem>>, vector<16xf32>,
        %add3A_1207 = arith.addf %get3A_1143, %get3A_1150 : vector<16xf32>
        %add3A_1208 = arith.addf %get3A_1157, %get3A_1164 : vector<16xf32>
        %add3A_1209 = arith.addf %get3A_1171, %get3A_1178 : vector<16xf32>
        %add3A_1210 = arith.addf %get3A_1185, %get3A_1192 : vector<16xf32>
        %add3A_1211 = arith.addf %get3A_1199, %get3A_1206 : vector<16xf32>
        %add3A_1212 = arith.addf %add3A_1207, %add3A_1208 : vector<16xf32>
        %add3A_1213 = arith.addf %add3A_1209, %add3A_1210 : vector<16xf32>
        %add3A_1214 = arith.addf %add3A_1212, %add3A_1213 : vector<16xf32>
        %add3A_1215 = arith.addf %add3A_1214, %add3A_1211 : vector<16xf32>
        %mul3A_1216 = arith.constant 10 : i32
        %mul3A_1217 = arith.muli %add3A_1057, %mul3A_1216 : i32
        %add3A_1218 = arith.constant 0 : i32
        %add3A_1219 = arith.addi %mul3A_1217, %add3A_1218 : i32
        %get3A_1220 = arith.index_cast %add3A_1219 : i32 to index
        %get3A_1221 = arith.constant 32 : index
        %get3A_1222 = tpu.vector_load %arg11[%get3A_1220, %get3A_1221] {strides = array<i32>} : memref<160x64xf32, #tpu.memory_space<vmem>>, vector<16xf32>,
        %mul3A_1223 = arith.constant 10 : i32
        %mul3A_1224 = arith.muli %add3A_1057, %mul3A_1223 : i32
        %add3A_1225 = arith.constant 1 : i32
        %add3A_1226 = arith.addi %mul3A_1224, %add3A_1225 : i32
        %get3A_1227 = arith.index_cast %add3A_1226 : i32 to index
        %get3A_1228 = arith.constant 32 : index
        %get3A_1229 = tpu.vector_load %arg11[%get3A_1227, %get3A_1228] {strides = array<i32>} : memref<160x64xf32, #tpu.memory_space<vmem>>, vector<16xf32>,
        %mul3A_1230 = arith.constant 10 : i32
        %mul3A_1231 = arith.muli %add3A_1057, %mul3A_1230 : i32
        %add3A_1232 = arith.constant 2 : i32
        %add3A_1233 = arith.addi %mul3A_1231, %add3A_1232 : i32
        %get3A_1234 = arith.index_cast %add3A_1233 : i32 to index
        %get3A_1235 = arith.constant 32 : index
        %get3A_1236 = tpu.vector_load %arg11[%get3A_1234, %get3A_1235] {strides = array<i32>} : memref<160x64xf32, #tpu.memory_space<vmem>>, vector<16xf32>,
        %mul3A_1237 = arith.constant 10 : i32
        %mul3A_1238 = arith.muli %add3A_1057, %mul3A_1237 : i32
        %add3A_1239 = arith.constant 3 : i32
        %add3A_1240 = arith.addi %mul3A_1238, %add3A_1239 : i32
        %get3A_1241 = arith.index_cast %add3A_1240 : i32 to index
        %get3A_1242 = arith.constant 32 : index
        %get3A_1243 = tpu.vector_load %arg11[%get3A_1241, %get3A_1242] {strides = array<i32>} : memref<160x64xf32, #tpu.memory_space<vmem>>, vector<16xf32>,
        %mul3A_1244 = arith.constant 10 : i32
        %mul3A_1245 = arith.muli %add3A_1057, %mul3A_1244 : i32
        %add3A_1246 = arith.constant 4 : i32
        %add3A_1247 = arith.addi %mul3A_1245, %add3A_1246 : i32
        %get3A_1248 = arith.index_cast %add3A_1247 : i32 to index
        %get3A_1249 = arith.constant 32 : index
        %get3A_1250 = tpu.vector_load %arg11[%get3A_1248, %get3A_1249] {strides = array<i32>} : memref<160x64xf32, #tpu.memory_space<vmem>>, vector<16xf32>,
        %mul3A_1251 = arith.constant 10 : i32
        %mul3A_1252 = arith.muli %add3A_1057, %mul3A_1251 : i32
        %add3A_1253 = arith.constant 5 : i32
        %add3A_1254 = arith.addi %mul3A_1252, %add3A_1253 : i32
        %get3A_1255 = arith.index_cast %add3A_1254 : i32 to index
        %get3A_1256 = arith.constant 32 : index
        %get3A_1257 = tpu.vector_load %arg11[%get3A_1255, %get3A_1256] {strides = array<i32>} : memref<160x64xf32, #tpu.memory_space<vmem>>, vector<16xf32>,
        %mul3A_1258 = arith.constant 10 : i32
        %mul3A_1259 = arith.muli %add3A_1057, %mul3A_1258 : i32
        %add3A_1260 = arith.constant 6 : i32
        %add3A_1261 = arith.addi %mul3A_1259, %add3A_1260 : i32
        %get3A_1262 = arith.index_cast %add3A_1261 : i32 to index
        %get3A_1263 = arith.constant 32 : index
        %get3A_1264 = tpu.vector_load %arg11[%get3A_1262, %get3A_1263] {strides = array<i32>} : memref<160x64xf32, #tpu.memory_space<vmem>>, vector<16xf32>,
        %mul3A_1265 = arith.constant 10 : i32
        %mul3A_1266 = arith.muli %add3A_1057, %mul3A_1265 : i32
        %add3A_1267 = arith.constant 7 : i32
        %add3A_1268 = arith.addi %mul3A_1266, %add3A_1267 : i32
        %get3A_1269 = arith.index_cast %add3A_1268 : i32 to index
        %get3A_1270 = arith.constant 32 : index
        %get3A_1271 = tpu.vector_load %arg11[%get3A_1269, %get3A_1270] {strides = array<i32>} : memref<160x64xf32, #tpu.memory_space<vmem>>, vector<16xf32>,
        %mul3A_1272 = arith.constant 10 : i32
        %mul3A_1273 = arith.muli %add3A_1057, %mul3A_1272 : i32
        %add3A_1274 = arith.constant 8 : i32
        %add3A_1275 = arith.addi %mul3A_1273, %add3A_1274 : i32
        %get3A_1276 = arith.index_cast %add3A_1275 : i32 to index
        %get3A_1277 = arith.constant 32 : index
        %get3A_1278 = tpu.vector_load %arg11[%get3A_1276, %get3A_1277] {strides = array<i32>} : memref<160x64xf32, #tpu.memory_space<vmem>>, vector<16xf32>,
        %mul3A_1279 = arith.constant 10 : i32
        %mul3A_1280 = arith.muli %add3A_1057, %mul3A_1279 : i32
        %add3A_1281 = arith.constant 9 : i32
        %add3A_1282 = arith.addi %mul3A_1280, %add3A_1281 : i32
        %get3A_1283 = arith.index_cast %add3A_1282 : i32 to index
        %get3A_1284 = arith.constant 32 : index
        %get3A_1285 = tpu.vector_load %arg11[%get3A_1283, %get3A_1284] {strides = array<i32>} : memref<160x64xf32, #tpu.memory_space<vmem>>, vector<16xf32>,
        %add3A_1286 = arith.addf %get3A_1222, %get3A_1229 : vector<16xf32>
        %add3A_1287 = arith.addf %get3A_1236, %get3A_1243 : vector<16xf32>
        %add3A_1288 = arith.addf %get3A_1250, %get3A_1257 : vector<16xf32>
        %add3A_1289 = arith.addf %get3A_1264, %get3A_1271 : vector<16xf32>
        %add3A_1290 = arith.addf %get3A_1278, %get3A_1285 : vector<16xf32>
        %add3A_1291 = arith.addf %add3A_1286, %add3A_1287 : vector<16xf32>
        %add3A_1292 = arith.addf %add3A_1288, %add3A_1289 : vector<16xf32>
        %add3A_1293 = arith.addf %add3A_1291, %add3A_1292 : vector<16xf32>
        %add3A_1294 = arith.addf %add3A_1293, %add3A_1290 : vector<16xf32>
        %mul3A_1295 = arith.constant 10 : i32
        %mul3A_1296 = arith.muli %add3A_1057, %mul3A_1295 : i32
        %add3A_1297 = arith.constant 0 : i32
        %add3A_1298 = arith.addi %mul3A_1296, %add3A_1297 : i32
        %get3A_1299 = arith.index_cast %add3A_1298 : i32 to index
        %get3A_1300 = arith.constant 48 : index
        %get3A_1301 = tpu.vector_load %arg11[%get3A_1299, %get3A_1300] {strides = array<i32>} : memref<160x64xf32, #tpu.memory_space<vmem>>, vector<16xf32>,
        %mul3A_1302 = arith.constant 10 : i32
        %mul3A_1303 = arith.muli %add3A_1057, %mul3A_1302 : i32
        %add3A_1304 = arith.constant 1 : i32
        %add3A_1305 = arith.addi %mul3A_1303, %add3A_1304 : i32
        %get3A_1306 = arith.index_cast %add3A_1305 : i32 to index
        %get3A_1307 = arith.constant 48 : index
        %get3A_1308 = tpu.vector_load %arg11[%get3A_1306, %get3A_1307] {strides = array<i32>} : memref<160x64xf32, #tpu.memory_space<vmem>>, vector<16xf32>,
        %mul3A_1309 = arith.constant 10 : i32
        %mul3A_1310 = arith.muli %add3A_1057, %mul3A_1309 : i32
        %add3A_1311 = arith.constant 2 : i32
        %add3A_1312 = arith.addi %mul3A_1310, %add3A_1311 : i32
        %get3A_1313 = arith.index_cast %add3A_1312 : i32 to index
        %get3A_1314 = arith.constant 48 : index
        %get3A_1315 = tpu.vector_load %arg11[%get3A_1313, %get3A_1314] {strides = array<i32>} : memref<160x64xf32, #tpu.memory_space<vmem>>, vector<16xf32>,
        %mul3A_1316 = arith.constant 10 : i32
        %mul3A_1317 = arith.muli %add3A_1057, %mul3A_1316 : i32
        %add3A_1318 = arith.constant 3 : i32
        %add3A_1319 = arith.addi %mul3A_1317, %add3A_1318 : i32
        %get3A_1320 = arith.index_cast %add3A_1319 : i32 to index
        %get3A_1321 = arith.constant 48 : index
        %get3A_1322 = tpu.vector_load %arg11[%get3A_1320, %get3A_1321] {strides = array<i32>} : memref<160x64xf32, #tpu.memory_space<vmem>>, vector<16xf32>,
        %mul3A_1323 = arith.constant 10 : i32
        %mul3A_1324 = arith.muli %add3A_1057, %mul3A_1323 : i32
        %add3A_1325 = arith.constant 4 : i32
        %add3A_1326 = arith.addi %mul3A_1324, %add3A_1325 : i32
        %get3A_1327 = arith.index_cast %add3A_1326 : i32 to index
        %get3A_1328 = arith.constant 48 : index
        %get3A_1329 = tpu.vector_load %arg11[%get3A_1327, %get3A_1328] {strides = array<i32>} : memref<160x64xf32, #tpu.memory_space<vmem>>, vector<16xf32>,
        %mul3A_1330 = arith.constant 10 : i32
        %mul3A_1331 = arith.muli %add3A_1057, %mul3A_1330 : i32
        %add3A_1332 = arith.constant 5 : i32
        %add3A_1333 = arith.addi %mul3A_1331, %add3A_1332 : i32
        %get3A_1334 = arith.index_cast %add3A_1333 : i32 to index
        %get3A_1335 = arith.constant 48 : index
        %get3A_1336 = tpu.vector_load %arg11[%get3A_1334, %get3A_1335] {strides = array<i32>} : memref<160x64xf32, #tpu.memory_space<vmem>>, vector<16xf32>,
        %mul3A_1337 = arith.constant 10 : i32
        %mul3A_1338 = arith.muli %add3A_1057, %mul3A_1337 : i32
        %add3A_1339 = arith.constant 6 : i32
        %add3A_1340 = arith.addi %mul3A_1338, %add3A_1339 : i32
        %get3A_1341 = arith.index_cast %add3A_1340 : i32 to index
        %get3A_1342 = arith.constant 48 : index
        %get3A_1343 = tpu.vector_load %arg11[%get3A_1341, %get3A_1342] {strides = array<i32>} : memref<160x64xf32, #tpu.memory_space<vmem>>, vector<16xf32>,
        %mul3A_1344 = arith.constant 10 : i32
        %mul3A_1345 = arith.muli %add3A_1057, %mul3A_1344 : i32
        %add3A_1346 = arith.constant 7 : i32
        %add3A_1347 = arith.addi %mul3A_1345, %add3A_1346 : i32
        %get3A_1348 = arith.index_cast %add3A_1347 : i32 to index
        %get3A_1349 = arith.constant 48 : index
        %get3A_1350 = tpu.vector_load %arg11[%get3A_1348, %get3A_1349] {strides = array<i32>} : memref<160x64xf32, #tpu.memory_space<vmem>>, vector<16xf32>,
        %mul3A_1351 = arith.constant 10 : i32
        %mul3A_1352 = arith.muli %add3A_1057, %mul3A_1351 : i32
        %add3A_1353 = arith.constant 8 : i32
        %add3A_1354 = arith.addi %mul3A_1352, %add3A_1353 : i32
        %get3A_1355 = arith.index_cast %add3A_1354 : i32 to index
        %get3A_1356 = arith.constant 48 : index
        %get3A_1357 = tpu.vector_load %arg11[%get3A_1355, %get3A_1356] {strides = array<i32>} : memref<160x64xf32, #tpu.memory_space<vmem>>, vector<16xf32>,
        %mul3A_1358 = arith.constant 10 : i32
        %mul3A_1359 = arith.muli %add3A_1057, %mul3A_1358 : i32
        %add3A_1360 = arith.constant 9 : i32
        %add3A_1361 = arith.addi %mul3A_1359, %add3A_1360 : i32
        %get3A_1362 = arith.index_cast %add3A_1361 : i32 to index
        %get3A_1363 = arith.constant 48 : index
        %get3A_1364 = tpu.vector_load %arg11[%get3A_1362, %get3A_1363] {strides = array<i32>} : memref<160x64xf32, #tpu.memory_space<vmem>>, vector<16xf32>,
        %add3A_1365 = arith.addf %get3A_1301, %get3A_1308 : vector<16xf32>
        %add3A_1366 = arith.addf %get3A_1315, %get3A_1322 : vector<16xf32>
        %add3A_1367 = arith.addf %get3A_1329, %get3A_1336 : vector<16xf32>
        %add3A_1368 = arith.addf %get3A_1343, %get3A_1350 : vector<16xf32>
        %add3A_1369 = arith.addf %get3A_1357, %get3A_1364 : vector<16xf32>
        %add3A_1370 = arith.addf %add3A_1365, %add3A_1366 : vector<16xf32>
        %add3A_1371 = arith.addf %add3A_1367, %add3A_1368 : vector<16xf32>
        %add3A_1372 = arith.addf %add3A_1370, %add3A_1371 : vector<16xf32>
        %add3A_1373 = arith.addf %add3A_1372, %add3A_1369 : vector<16xf32>
        %get3A_1374 = arith.index_cast %add3A_1057 : i32 to index
        %get3A_1375 = arith.constant 0 : index
        %get3A_1376 = tpu.vector_load %arg12[%get3A_1374, %get3A_1375] {strides = array<i32>} : memref<16x64xf32, #tpu.memory_space<vmem>>, vector<16xf32>,
        %mul3A_1377 = arith.mulf %add3A_1136, %get3A_1376 : vector<16xf32>
        %get3A_1378 = arith.index_cast %add3A_1057 : i32 to index
        %get3A_1379 = arith.constant 16 : index
        %get3A_1380 = tpu.vector_load %arg12[%get3A_1378, %get3A_1379] {strides = array<i32>} : memref<16x64xf32, #tpu.memory_space<vmem>>, vector<16xf32>,
        %mul3A_1381 = arith.mulf %add3A_1215, %get3A_1380 : vector<16xf32>
        %get3A_1382 = arith.index_cast %add3A_1057 : i32 to index
        %get3A_1383 = arith.constant 32 : index
        %get3A_1384 = tpu.vector_load %arg12[%get3A_1382, %get3A_1383] {strides = array<i32>} : memref<16x64xf32, #tpu.memory_space<vmem>>, vector<16xf32>,
        %mul3A_1385 = arith.mulf %add3A_1294, %get3A_1384 : vector<16xf32>
        %get3A_1386 = arith.index_cast %add3A_1057 : i32 to index
        %get3A_1387 = arith.constant 48 : index
        %get3A_1388 = tpu.vector_load %arg12[%get3A_1386, %get3A_1387] {strides = array<i32>} : memref<16x64xf32, #tpu.memory_space<vmem>>, vector<16xf32>,
        %mul3A_1389 = arith.mulf %add3A_1373, %get3A_1388 : vector<16xf32>
        %mul3A_1390 = arith.constant 32 : i32
        %mul3A_1391 = vector.broadcast %mul3A_1390 : i32 to vector<16xi32>
        %mul3A_1392 = arith.muli %iota3A, %mul3A_1391 : vector<16xi32>
        %add3A_1393 = arith.constant 0 : i32
        %add3A_1394 = vector.broadcast %add3A_1393 : i32 to vector<16xi32>
        %add3A_1395 = arith.addi %mul3A_1392, %add3A_1394 : vector<16xi32>
        %add3A_1396 = arith.addf %mul3A_1377, %mul3A_1381 : vector<16xf32>
        %add3A_1397 = arith.addf %mul3A_1385, %mul3A_1389 : vector<16xf32>
        %add3A_1398 = arith.addf %add3A_1396, %add3A_1397 : vector<16xf32>
        tpu.vector_store_idx %arg21[%add3A_1395], %add3A_1398 : memref<512xf32, #tpu.memory_space<vmem>>[vector<16xi32>], vector<16xf32>,
        %mul3A_1399 = arith.constant 20 : i32
        %mul3A_1400 = arith.muli %add3A_1057, %mul3A_1399 : i32
        %add3A_1401 = arith.constant 0 : i32
        %add3A_1402 = arith.addi %mul3A_1400, %add3A_1401 : i32
        %get3A_1403 = arith.index_cast %add3A_1402 : i32 to index
        %get3A_1404 = arith.constant 0 : index
        %get3A_1405 = tpu.vector_load %arg13[%get3A_1403, %get3A_1404] {strides = array<i32>} : memref<320x64xf32, #tpu.memory_space<vmem>>, vector<16xf32>,
        %mul3A_1406 = arith.mulf %add3A_1136, %get3A_1405 : vector<16xf32>
        %get3A_1407 = arith.index_cast %add3A_1402 : i32 to index
        %get3A_1408 = arith.constant 16 : index
        %get3A_1409 = tpu.vector_load %arg13[%get3A_1407, %get3A_1408] {strides = array<i32>} : memref<320x64xf32, #tpu.memory_space<vmem>>, vector<16xf32>,
        %mul3A_1410 = arith.mulf %add3A_1215, %get3A_1409 : vector<16xf32>
        %get3A_1411 = arith.index_cast %add3A_1402 : i32 to index
        %get3A_1412 = arith.constant 32 : index
        %get3A_1413 = tpu.vector_load %arg13[%get3A_1411, %get3A_1412] {strides = array<i32>} : memref<320x64xf32, #tpu.memory_space<vmem>>, vector<16xf32>,
        %mul3A_1414 = arith.mulf %add3A_1294, %get3A_1413 : vector<16xf32>
        %get3A_1415 = arith.index_cast %add3A_1402 : i32 to index
        %get3A_1416 = arith.constant 48 : index
        %get3A_1417 = tpu.vector_load %arg13[%get3A_1415, %get3A_1416] {strides = array<i32>} : memref<320x64xf32, #tpu.memory_space<vmem>>, vector<16xf32>,
        %mul3A_1418 = arith.mulf %add3A_1373, %get3A_1417 : vector<16xf32>
        %mul3A_1419 = arith.constant 32 : i32
        %mul3A_1420 = vector.broadcast %mul3A_1419 : i32 to vector<16xi32>
        %mul3A_1421 = arith.muli %iota3A, %mul3A_1420 : vector<16xi32>
        %add3A_1422 = arith.constant 1 : i32
        %add3A_1423 = vector.broadcast %add3A_1422 : i32 to vector<16xi32>
        %add3A_1424 = arith.addi %mul3A_1421, %add3A_1423 : vector<16xi32>
        %add3A_1425 = arith.addf %mul3A_1406, %mul3A_1410 : vector<16xf32>
        %add3A_1426 = arith.addf %mul3A_1414, %mul3A_1418 : vector<16xf32>
        %add3A_1427 = arith.addf %add3A_1425, %add3A_1426 : vector<16xf32>
        tpu.vector_store_idx %arg21[%add3A_1424], %add3A_1427 : memref<512xf32, #tpu.memory_space<vmem>>[vector<16xi32>], vector<16xf32>,
        %mul3A_1428 = arith.constant 20 : i32
        %mul3A_1429 = arith.muli %add3A_1057, %mul3A_1428 : i32
        %add3A_1430 = arith.constant 1 : i32
        %add3A_1431 = arith.addi %mul3A_1429, %add3A_1430 : i32
        %get3A_1432 = arith.index_cast %add3A_1431 : i32 to index
        %get3A_1433 = arith.constant 0 : index
        %get3A_1434 = tpu.vector_load %arg13[%get3A_1432, %get3A_1433] {strides = array<i32>} : memref<320x64xf32, #tpu.memory_space<vmem>>, vector<16xf32>,
        %mul3A_1435 = arith.mulf %add3A_1136, %get3A_1434 : vector<16xf32>
        %get3A_1436 = arith.index_cast %add3A_1431 : i32 to index
        %get3A_1437 = arith.constant 16 : index
        %get3A_1438 = tpu.vector_load %arg13[%get3A_1436, %get3A_1437] {strides = array<i32>} : memref<320x64xf32, #tpu.memory_space<vmem>>, vector<16xf32>,
        %mul3A_1439 = arith.mulf %add3A_1215, %get3A_1438 : vector<16xf32>
        %get3A_1440 = arith.index_cast %add3A_1431 : i32 to index
        %get3A_1441 = arith.constant 32 : index
        %get3A_1442 = tpu.vector_load %arg13[%get3A_1440, %get3A_1441] {strides = array<i32>} : memref<320x64xf32, #tpu.memory_space<vmem>>, vector<16xf32>,
        %mul3A_1443 = arith.mulf %add3A_1294, %get3A_1442 : vector<16xf32>
        %get3A_1444 = arith.index_cast %add3A_1431 : i32 to index
        %get3A_1445 = arith.constant 48 : index
        %get3A_1446 = tpu.vector_load %arg13[%get3A_1444, %get3A_1445] {strides = array<i32>} : memref<320x64xf32, #tpu.memory_space<vmem>>, vector<16xf32>,
        %mul3A_1447 = arith.mulf %add3A_1373, %get3A_1446 : vector<16xf32>
        %mul3A_1448 = arith.constant 32 : i32
        %mul3A_1449 = vector.broadcast %mul3A_1448 : i32 to vector<16xi32>
        %mul3A_1450 = arith.muli %iota3A, %mul3A_1449 : vector<16xi32>
        %add3A_1451 = arith.constant 2 : i32
        %add3A_1452 = vector.broadcast %add3A_1451 : i32 to vector<16xi32>
        %add3A_1453 = arith.addi %mul3A_1450, %add3A_1452 : vector<16xi32>
        %add3A_1454 = arith.addf %mul3A_1435, %mul3A_1439 : vector<16xf32>
        %add3A_1455 = arith.addf %mul3A_1443, %mul3A_1447 : vector<16xf32>
        %add3A_1456 = arith.addf %add3A_1454, %add3A_1455 : vector<16xf32>
        tpu.vector_store_idx %arg21[%add3A_1453], %add3A_1456 : memref<512xf32, #tpu.memory_space<vmem>>[vector<16xi32>], vector<16xf32>,
        %mul3A_1457 = arith.constant 20 : i32
        %mul3A_1458 = arith.muli %add3A_1057, %mul3A_1457 : i32
        %add3A_1459 = arith.constant 2 : i32
        %add3A_1460 = arith.addi %mul3A_1458, %add3A_1459 : i32
        %get3A_1461 = arith.index_cast %add3A_1460 : i32 to index
        %get3A_1462 = arith.constant 0 : index
        %get3A_1463 = tpu.vector_load %arg13[%get3A_1461, %get3A_1462] {strides = array<i32>} : memref<320x64xf32, #tpu.memory_space<vmem>>, vector<16xf32>,
        %mul3A_1464 = arith.mulf %add3A_1136, %get3A_1463 : vector<16xf32>
        %get3A_1465 = arith.index_cast %add3A_1460 : i32 to index
        %get3A_1466 = arith.constant 16 : index
        %get3A_1467 = tpu.vector_load %arg13[%get3A_1465, %get3A_1466] {strides = array<i32>} : memref<320x64xf32, #tpu.memory_space<vmem>>, vector<16xf32>,
        %mul3A_1468 = arith.mulf %add3A_1215, %get3A_1467 : vector<16xf32>
        %get3A_1469 = arith.index_cast %add3A_1460 : i32 to index
        %get3A_1470 = arith.constant 32 : index
        %get3A_1471 = tpu.vector_load %arg13[%get3A_1469, %get3A_1470] {strides = array<i32>} : memref<320x64xf32, #tpu.memory_space<vmem>>, vector<16xf32>,
        %mul3A_1472 = arith.mulf %add3A_1294, %get3A_1471 : vector<16xf32>
        %get3A_1473 = arith.index_cast %add3A_1460 : i32 to index
        %get3A_1474 = arith.constant 48 : index
        %get3A_1475 = tpu.vector_load %arg13[%get3A_1473, %get3A_1474] {strides = array<i32>} : memref<320x64xf32, #tpu.memory_space<vmem>>, vector<16xf32>,
        %mul3A_1476 = arith.mulf %add3A_1373, %get3A_1475 : vector<16xf32>
        %mul3A_1477 = arith.constant 32 : i32
        %mul3A_1478 = vector.broadcast %mul3A_1477 : i32 to vector<16xi32>
        %mul3A_1479 = arith.muli %iota3A, %mul3A_1478 : vector<16xi32>
        %add3A_1480 = arith.constant 3 : i32
        %add3A_1481 = vector.broadcast %add3A_1480 : i32 to vector<16xi32>
        %add3A_1482 = arith.addi %mul3A_1479, %add3A_1481 : vector<16xi32>
        %add3A_1483 = arith.addf %mul3A_1464, %mul3A_1468 : vector<16xf32>
        %add3A_1484 = arith.addf %mul3A_1472, %mul3A_1476 : vector<16xf32>
        %add3A_1485 = arith.addf %add3A_1483, %add3A_1484 : vector<16xf32>
        tpu.vector_store_idx %arg21[%add3A_1482], %add3A_1485 : memref<512xf32, #tpu.memory_space<vmem>>[vector<16xi32>], vector<16xf32>,
        %mul3A_1486 = arith.constant 20 : i32
        %mul3A_1487 = arith.muli %add3A_1057, %mul3A_1486 : i32
        %add3A_1488 = arith.constant 3 : i32
        %add3A_1489 = arith.addi %mul3A_1487, %add3A_1488 : i32
        %get3A_1490 = arith.index_cast %add3A_1489 : i32 to index
        %get3A_1491 = arith.constant 0 : index
        %get3A_1492 = tpu.vector_load %arg13[%get3A_1490, %get3A_1491] {strides = array<i32>} : memref<320x64xf32, #tpu.memory_space<vmem>>, vector<16xf32>,
        %mul3A_1493 = arith.mulf %add3A_1136, %get3A_1492 : vector<16xf32>
        %get3A_1494 = arith.index_cast %add3A_1489 : i32 to index
        %get3A_1495 = arith.constant 16 : index
        %get3A_1496 = tpu.vector_load %arg13[%get3A_1494, %get3A_1495] {strides = array<i32>} : memref<320x64xf32, #tpu.memory_space<vmem>>, vector<16xf32>,
        %mul3A_1497 = arith.mulf %add3A_1215, %get3A_1496 : vector<16xf32>
        %get3A_1498 = arith.index_cast %add3A_1489 : i32 to index
        %get3A_1499 = arith.constant 32 : index
        %get3A_1500 = tpu.vector_load %arg13[%get3A_1498, %get3A_1499] {strides = array<i32>} : memref<320x64xf32, #tpu.memory_space<vmem>>, vector<16xf32>,
        %mul3A_1501 = arith.mulf %add3A_1294, %get3A_1500 : vector<16xf32>
        %get3A_1502 = arith.index_cast %add3A_1489 : i32 to index
        %get3A_1503 = arith.constant 48 : index
        %get3A_1504 = tpu.vector_load %arg13[%get3A_1502, %get3A_1503] {strides = array<i32>} : memref<320x64xf32, #tpu.memory_space<vmem>>, vector<16xf32>,
        %mul3A_1505 = arith.mulf %add3A_1373, %get3A_1504 : vector<16xf32>
        %mul3A_1506 = arith.constant 32 : i32
        %mul3A_1507 = vector.broadcast %mul3A_1506 : i32 to vector<16xi32>
        %mul3A_1508 = arith.muli %iota3A, %mul3A_1507 : vector<16xi32>
        %add3A_1509 = arith.constant 4 : i32
        %add3A_1510 = vector.broadcast %add3A_1509 : i32 to vector<16xi32>
        %add3A_1511 = arith.addi %mul3A_1508, %add3A_1510 : vector<16xi32>
        %add3A_1512 = arith.addf %mul3A_1493, %mul3A_1497 : vector<16xf32>
        %add3A_1513 = arith.addf %mul3A_1501, %mul3A_1505 : vector<16xf32>
        %add3A_1514 = arith.addf %add3A_1512, %add3A_1513 : vector<16xf32>
        tpu.vector_store_idx %arg21[%add3A_1511], %add3A_1514 : memref<512xf32, #tpu.memory_space<vmem>>[vector<16xi32>], vector<16xf32>,
        %mul3A_1515 = arith.constant 20 : i32
        %mul3A_1516 = arith.muli %add3A_1057, %mul3A_1515 : i32
        %add3A_1517 = arith.constant 4 : i32
        %add3A_1518 = arith.addi %mul3A_1516, %add3A_1517 : i32
        %get3A_1519 = arith.index_cast %add3A_1518 : i32 to index
        %get3A_1520 = arith.constant 0 : index
        %get3A_1521 = tpu.vector_load %arg13[%get3A_1519, %get3A_1520] {strides = array<i32>} : memref<320x64xf32, #tpu.memory_space<vmem>>, vector<16xf32>,
        %mul3A_1522 = arith.mulf %add3A_1136, %get3A_1521 : vector<16xf32>
        %get3A_1523 = arith.index_cast %add3A_1518 : i32 to index
        %get3A_1524 = arith.constant 16 : index
        %get3A_1525 = tpu.vector_load %arg13[%get3A_1523, %get3A_1524] {strides = array<i32>} : memref<320x64xf32, #tpu.memory_space<vmem>>, vector<16xf32>,
        %mul3A_1526 = arith.mulf %add3A_1215, %get3A_1525 : vector<16xf32>
        %get3A_1527 = arith.index_cast %add3A_1518 : i32 to index
        %get3A_1528 = arith.constant 32 : index
        %get3A_1529 = tpu.vector_load %arg13[%get3A_1527, %get3A_1528] {strides = array<i32>} : memref<320x64xf32, #tpu.memory_space<vmem>>, vector<16xf32>,
        %mul3A_1530 = arith.mulf %add3A_1294, %get3A_1529 : vector<16xf32>
        %get3A_1531 = arith.index_cast %add3A_1518 : i32 to index
        %get3A_1532 = arith.constant 48 : index
        %get3A_1533 = tpu.vector_load %arg13[%get3A_1531, %get3A_1532] {strides = array<i32>} : memref<320x64xf32, #tpu.memory_space<vmem>>, vector<16xf32>,
        %mul3A_1534 = arith.mulf %add3A_1373, %get3A_1533 : vector<16xf32>
        %mul3A_1535 = arith.constant 32 : i32
        %mul3A_1536 = vector.broadcast %mul3A_1535 : i32 to vector<16xi32>
        %mul3A_1537 = arith.muli %iota3A, %mul3A_1536 : vector<16xi32>
        %add3A_1538 = arith.constant 5 : i32
        %add3A_1539 = vector.broadcast %add3A_1538 : i32 to vector<16xi32>
        %add3A_1540 = arith.addi %mul3A_1537, %add3A_1539 : vector<16xi32>
        %add3A_1541 = arith.addf %mul3A_1522, %mul3A_1526 : vector<16xf32>
        %add3A_1542 = arith.addf %mul3A_1530, %mul3A_1534 : vector<16xf32>
        %add3A_1543 = arith.addf %add3A_1541, %add3A_1542 : vector<16xf32>
        tpu.vector_store_idx %arg21[%add3A_1540], %add3A_1543 : memref<512xf32, #tpu.memory_space<vmem>>[vector<16xi32>], vector<16xf32>,
        %mul3A_1544 = arith.constant 20 : i32
        %mul3A_1545 = arith.muli %add3A_1057, %mul3A_1544 : i32
        %add3A_1546 = arith.constant 5 : i32
        %add3A_1547 = arith.addi %mul3A_1545, %add3A_1546 : i32
        %get3A_1548 = arith.index_cast %add3A_1547 : i32 to index
        %get3A_1549 = arith.constant 0 : index
        %get3A_1550 = tpu.vector_load %arg13[%get3A_1548, %get3A_1549] {strides = array<i32>} : memref<320x64xf32, #tpu.memory_space<vmem>>, vector<16xf32>,
        %mul3A_1551 = arith.mulf %add3A_1136, %get3A_1550 : vector<16xf32>
        %get3A_1552 = arith.index_cast %add3A_1547 : i32 to index
        %get3A_1553 = arith.constant 16 : index
        %get3A_1554 = tpu.vector_load %arg13[%get3A_1552, %get3A_1553] {strides = array<i32>} : memref<320x64xf32, #tpu.memory_space<vmem>>, vector<16xf32>,
        %mul3A_1555 = arith.mulf %add3A_1215, %get3A_1554 : vector<16xf32>
        %get3A_1556 = arith.index_cast %add3A_1547 : i32 to index
        %get3A_1557 = arith.constant 32 : index
        %get3A_1558 = tpu.vector_load %arg13[%get3A_1556, %get3A_1557] {strides = array<i32>} : memref<320x64xf32, #tpu.memory_space<vmem>>, vector<16xf32>,
        %mul3A_1559 = arith.mulf %add3A_1294, %get3A_1558 : vector<16xf32>
        %get3A_1560 = arith.index_cast %add3A_1547 : i32 to index
        %get3A_1561 = arith.constant 48 : index
        %get3A_1562 = tpu.vector_load %arg13[%get3A_1560, %get3A_1561] {strides = array<i32>} : memref<320x64xf32, #tpu.memory_space<vmem>>, vector<16xf32>,
        %mul3A_1563 = arith.mulf %add3A_1373, %get3A_1562 : vector<16xf32>
        %mul3A_1564 = arith.constant 32 : i32
        %mul3A_1565 = vector.broadcast %mul3A_1564 : i32 to vector<16xi32>
        %mul3A_1566 = arith.muli %iota3A, %mul3A_1565 : vector<16xi32>
        %add3A_1567 = arith.constant 6 : i32
        %add3A_1568 = vector.broadcast %add3A_1567 : i32 to vector<16xi32>
        %add3A_1569 = arith.addi %mul3A_1566, %add3A_1568 : vector<16xi32>
        %add3A_1570 = arith.addf %mul3A_1551, %mul3A_1555 : vector<16xf32>
        %add3A_1571 = arith.addf %mul3A_1559, %mul3A_1563 : vector<16xf32>
        %add3A_1572 = arith.addf %add3A_1570, %add3A_1571 : vector<16xf32>
        tpu.vector_store_idx %arg21[%add3A_1569], %add3A_1572 : memref<512xf32, #tpu.memory_space<vmem>>[vector<16xi32>], vector<16xf32>,
        %mul3A_1573 = arith.constant 20 : i32
        %mul3A_1574 = arith.muli %add3A_1057, %mul3A_1573 : i32
        %add3A_1575 = arith.constant 6 : i32
        %add3A_1576 = arith.addi %mul3A_1574, %add3A_1575 : i32
        %get3A_1577 = arith.index_cast %add3A_1576 : i32 to index
        %get3A_1578 = arith.constant 0 : index
        %get3A_1579 = tpu.vector_load %arg13[%get3A_1577, %get3A_1578] {strides = array<i32>} : memref<320x64xf32, #tpu.memory_space<vmem>>, vector<16xf32>,
        %mul3A_1580 = arith.mulf %add3A_1136, %get3A_1579 : vector<16xf32>
        %get3A_1581 = arith.index_cast %add3A_1576 : i32 to index
        %get3A_1582 = arith.constant 16 : index
        %get3A_1583 = tpu.vector_load %arg13[%get3A_1581, %get3A_1582] {strides = array<i32>} : memref<320x64xf32, #tpu.memory_space<vmem>>, vector<16xf32>,
        %mul3A_1584 = arith.mulf %add3A_1215, %get3A_1583 : vector<16xf32>
        %get3A_1585 = arith.index_cast %add3A_1576 : i32 to index
        %get3A_1586 = arith.constant 32 : index
        %get3A_1587 = tpu.vector_load %arg13[%get3A_1585, %get3A_1586] {strides = array<i32>} : memref<320x64xf32, #tpu.memory_space<vmem>>, vector<16xf32>,
        %mul3A_1588 = arith.mulf %add3A_1294, %get3A_1587 : vector<16xf32>
        %get3A_1589 = arith.index_cast %add3A_1576 : i32 to index
        %get3A_1590 = arith.constant 48 : index
        %get3A_1591 = tpu.vector_load %arg13[%get3A_1589, %get3A_1590] {strides = array<i32>} : memref<320x64xf32, #tpu.memory_space<vmem>>, vector<16xf32>,
        %mul3A_1592 = arith.mulf %add3A_1373, %get3A_1591 : vector<16xf32>
        %mul3A_1593 = arith.constant 32 : i32
        %mul3A_1594 = vector.broadcast %mul3A_1593 : i32 to vector<16xi32>
        %mul3A_1595 = arith.muli %iota3A, %mul3A_1594 : vector<16xi32>
        %add3A_1596 = arith.constant 7 : i32
        %add3A_1597 = vector.broadcast %add3A_1596 : i32 to vector<16xi32>
        %add3A_1598 = arith.addi %mul3A_1595, %add3A_1597 : vector<16xi32>
        %add3A_1599 = arith.addf %mul3A_1580, %mul3A_1584 : vector<16xf32>
        %add3A_1600 = arith.addf %mul3A_1588, %mul3A_1592 : vector<16xf32>
        %add3A_1601 = arith.addf %add3A_1599, %add3A_1600 : vector<16xf32>
        tpu.vector_store_idx %arg21[%add3A_1598], %add3A_1601 : memref<512xf32, #tpu.memory_space<vmem>>[vector<16xi32>], vector<16xf32>,
        %mul3A_1602 = arith.constant 20 : i32
        %mul3A_1603 = arith.muli %add3A_1057, %mul3A_1602 : i32
        %add3A_1604 = arith.constant 7 : i32
        %add3A_1605 = arith.addi %mul3A_1603, %add3A_1604 : i32
        %get3A_1606 = arith.index_cast %add3A_1605 : i32 to index
        %get3A_1607 = arith.constant 0 : index
        %get3A_1608 = tpu.vector_load %arg13[%get3A_1606, %get3A_1607] {strides = array<i32>} : memref<320x64xf32, #tpu.memory_space<vmem>>, vector<16xf32>,
        %mul3A_1609 = arith.mulf %add3A_1136, %get3A_1608 : vector<16xf32>
        %get3A_1610 = arith.index_cast %add3A_1605 : i32 to index
        %get3A_1611 = arith.constant 16 : index
        %get3A_1612 = tpu.vector_load %arg13[%get3A_1610, %get3A_1611] {strides = array<i32>} : memref<320x64xf32, #tpu.memory_space<vmem>>, vector<16xf32>,
        %mul3A_1613 = arith.mulf %add3A_1215, %get3A_1612 : vector<16xf32>
        %get3A_1614 = arith.index_cast %add3A_1605 : i32 to index
        %get3A_1615 = arith.constant 32 : index
        %get3A_1616 = tpu.vector_load %arg13[%get3A_1614, %get3A_1615] {strides = array<i32>} : memref<320x64xf32, #tpu.memory_space<vmem>>, vector<16xf32>,
        %mul3A_1617 = arith.mulf %add3A_1294, %get3A_1616 : vector<16xf32>
        %get3A_1618 = arith.index_cast %add3A_1605 : i32 to index
        %get3A_1619 = arith.constant 48 : index
        %get3A_1620 = tpu.vector_load %arg13[%get3A_1618, %get3A_1619] {strides = array<i32>} : memref<320x64xf32, #tpu.memory_space<vmem>>, vector<16xf32>,
        %mul3A_1621 = arith.mulf %add3A_1373, %get3A_1620 : vector<16xf32>
        %mul3A_1622 = arith.constant 32 : i32
        %mul3A_1623 = vector.broadcast %mul3A_1622 : i32 to vector<16xi32>
        %mul3A_1624 = arith.muli %iota3A, %mul3A_1623 : vector<16xi32>
        %add3A_1625 = arith.constant 8 : i32
        %add3A_1626 = vector.broadcast %add3A_1625 : i32 to vector<16xi32>
        %add3A_1627 = arith.addi %mul3A_1624, %add3A_1626 : vector<16xi32>
        %add3A_1628 = arith.addf %mul3A_1609, %mul3A_1613 : vector<16xf32>
        %add3A_1629 = arith.addf %mul3A_1617, %mul3A_1621 : vector<16xf32>
        %add3A_1630 = arith.addf %add3A_1628, %add3A_1629 : vector<16xf32>
        tpu.vector_store_idx %arg21[%add3A_1627], %add3A_1630 : memref<512xf32, #tpu.memory_space<vmem>>[vector<16xi32>], vector<16xf32>,
        %mul3A_1631 = arith.constant 20 : i32
        %mul3A_1632 = arith.muli %add3A_1057, %mul3A_1631 : i32
        %add3A_1633 = arith.constant 8 : i32
        %add3A_1634 = arith.addi %mul3A_1632, %add3A_1633 : i32
        %get3A_1635 = arith.index_cast %add3A_1634 : i32 to index
        %get3A_1636 = arith.constant 0 : index
        %get3A_1637 = tpu.vector_load %arg13[%get3A_1635, %get3A_1636] {strides = array<i32>} : memref<320x64xf32, #tpu.memory_space<vmem>>, vector<16xf32>,
        %mul3A_1638 = arith.mulf %add3A_1136, %get3A_1637 : vector<16xf32>
        %get3A_1639 = arith.index_cast %add3A_1634 : i32 to index
        %get3A_1640 = arith.constant 16 : index
        %get3A_1641 = tpu.vector_load %arg13[%get3A_1639, %get3A_1640] {strides = array<i32>} : memref<320x64xf32, #tpu.memory_space<vmem>>, vector<16xf32>,
        %mul3A_1642 = arith.mulf %add3A_1215, %get3A_1641 : vector<16xf32>
        %get3A_1643 = arith.index_cast %add3A_1634 : i32 to index
        %get3A_1644 = arith.constant 32 : index
        %get3A_1645 = tpu.vector_load %arg13[%get3A_1643, %get3A_1644] {strides = array<i32>} : memref<320x64xf32, #tpu.memory_space<vmem>>, vector<16xf32>,
        %mul3A_1646 = arith.mulf %add3A_1294, %get3A_1645 : vector<16xf32>
        %get3A_1647 = arith.index_cast %add3A_1634 : i32 to index
        %get3A_1648 = arith.constant 48 : index
        %get3A_1649 = tpu.vector_load %arg13[%get3A_1647, %get3A_1648] {strides = array<i32>} : memref<320x64xf32, #tpu.memory_space<vmem>>, vector<16xf32>,
        %mul3A_1650 = arith.mulf %add3A_1373, %get3A_1649 : vector<16xf32>
        %mul3A_1651 = arith.constant 32 : i32
        %mul3A_1652 = vector.broadcast %mul3A_1651 : i32 to vector<16xi32>
        %mul3A_1653 = arith.muli %iota3A, %mul3A_1652 : vector<16xi32>
        %add3A_1654 = arith.constant 9 : i32
        %add3A_1655 = vector.broadcast %add3A_1654 : i32 to vector<16xi32>
        %add3A_1656 = arith.addi %mul3A_1653, %add3A_1655 : vector<16xi32>
        %add3A_1657 = arith.addf %mul3A_1638, %mul3A_1642 : vector<16xf32>
        %add3A_1658 = arith.addf %mul3A_1646, %mul3A_1650 : vector<16xf32>
        %add3A_1659 = arith.addf %add3A_1657, %add3A_1658 : vector<16xf32>
        tpu.vector_store_idx %arg21[%add3A_1656], %add3A_1659 : memref<512xf32, #tpu.memory_space<vmem>>[vector<16xi32>], vector<16xf32>,
        %mul3A_1660 = arith.constant 20 : i32
        %mul3A_1661 = arith.muli %add3A_1057, %mul3A_1660 : i32
        %add3A_1662 = arith.constant 9 : i32
        %add3A_1663 = arith.addi %mul3A_1661, %add3A_1662 : i32
        %get3A_1664 = arith.index_cast %add3A_1663 : i32 to index
        %get3A_1665 = arith.constant 0 : index
        %get3A_1666 = tpu.vector_load %arg13[%get3A_1664, %get3A_1665] {strides = array<i32>} : memref<320x64xf32, #tpu.memory_space<vmem>>, vector<16xf32>,
        %mul3A_1667 = arith.mulf %add3A_1136, %get3A_1666 : vector<16xf32>
        %get3A_1668 = arith.index_cast %add3A_1663 : i32 to index
        %get3A_1669 = arith.constant 16 : index
        %get3A_1670 = tpu.vector_load %arg13[%get3A_1668, %get3A_1669] {strides = array<i32>} : memref<320x64xf32, #tpu.memory_space<vmem>>, vector<16xf32>,
        %mul3A_1671 = arith.mulf %add3A_1215, %get3A_1670 : vector<16xf32>
        %get3A_1672 = arith.index_cast %add3A_1663 : i32 to index
        %get3A_1673 = arith.constant 32 : index
        %get3A_1674 = tpu.vector_load %arg13[%get3A_1672, %get3A_1673] {strides = array<i32>} : memref<320x64xf32, #tpu.memory_space<vmem>>, vector<16xf32>,
        %mul3A_1675 = arith.mulf %add3A_1294, %get3A_1674 : vector<16xf32>
        %get3A_1676 = arith.index_cast %add3A_1663 : i32 to index
        %get3A_1677 = arith.constant 48 : index
        %get3A_1678 = tpu.vector_load %arg13[%get3A_1676, %get3A_1677] {strides = array<i32>} : memref<320x64xf32, #tpu.memory_space<vmem>>, vector<16xf32>,
        %mul3A_1679 = arith.mulf %add3A_1373, %get3A_1678 : vector<16xf32>
        %mul3A_1680 = arith.constant 32 : i32
        %mul3A_1681 = vector.broadcast %mul3A_1680 : i32 to vector<16xi32>
        %mul3A_1682 = arith.muli %iota3A, %mul3A_1681 : vector<16xi32>
        %add3A_1683 = arith.constant 10 : i32
        %add3A_1684 = vector.broadcast %add3A_1683 : i32 to vector<16xi32>
        %add3A_1685 = arith.addi %mul3A_1682, %add3A_1684 : vector<16xi32>
        %add3A_1686 = arith.addf %mul3A_1667, %mul3A_1671 : vector<16xf32>
        %add3A_1687 = arith.addf %mul3A_1675, %mul3A_1679 : vector<16xf32>
        %add3A_1688 = arith.addf %add3A_1686, %add3A_1687 : vector<16xf32>
        tpu.vector_store_idx %arg21[%add3A_1685], %add3A_1688 : memref<512xf32, #tpu.memory_space<vmem>>[vector<16xi32>], vector<16xf32>,
        %mul3A_1689 = arith.constant 20 : i32
        %mul3A_1690 = arith.muli %add3A_1057, %mul3A_1689 : i32
        %add3A_1691 = arith.constant 10 : i32
        %add3A_1692 = arith.addi %mul3A_1690, %add3A_1691 : i32
        %get3A_1693 = arith.index_cast %add3A_1692 : i32 to index
        %get3A_1694 = arith.constant 0 : index
        %get3A_1695 = tpu.vector_load %arg13[%get3A_1693, %get3A_1694] {strides = array<i32>} : memref<320x64xf32, #tpu.memory_space<vmem>>, vector<16xf32>,
        %mul3A_1696 = arith.mulf %add3A_1136, %get3A_1695 : vector<16xf32>
        %get3A_1697 = arith.index_cast %add3A_1692 : i32 to index
        %get3A_1698 = arith.constant 16 : index
        %get3A_1699 = tpu.vector_load %arg13[%get3A_1697, %get3A_1698] {strides = array<i32>} : memref<320x64xf32, #tpu.memory_space<vmem>>, vector<16xf32>,
        %mul3A_1700 = arith.mulf %add3A_1215, %get3A_1699 : vector<16xf32>
        %get3A_1701 = arith.index_cast %add3A_1692 : i32 to index
        %get3A_1702 = arith.constant 32 : index
        %get3A_1703 = tpu.vector_load %arg13[%get3A_1701, %get3A_1702] {strides = array<i32>} : memref<320x64xf32, #tpu.memory_space<vmem>>, vector<16xf32>,
        %mul3A_1704 = arith.mulf %add3A_1294, %get3A_1703 : vector<16xf32>
        %get3A_1705 = arith.index_cast %add3A_1692 : i32 to index
        %get3A_1706 = arith.constant 48 : index
        %get3A_1707 = tpu.vector_load %arg13[%get3A_1705, %get3A_1706] {strides = array<i32>} : memref<320x64xf32, #tpu.memory_space<vmem>>, vector<16xf32>,
        %mul3A_1708 = arith.mulf %add3A_1373, %get3A_1707 : vector<16xf32>
        %mul3A_1709 = arith.constant 32 : i32
        %mul3A_1710 = vector.broadcast %mul3A_1709 : i32 to vector<16xi32>
        %mul3A_1711 = arith.muli %iota3A, %mul3A_1710 : vector<16xi32>
        %add3A_1712 = arith.constant 11 : i32
        %add3A_1713 = vector.broadcast %add3A_1712 : i32 to vector<16xi32>
        %add3A_1714 = arith.addi %mul3A_1711, %add3A_1713 : vector<16xi32>
        %add3A_1715 = arith.addf %mul3A_1696, %mul3A_1700 : vector<16xf32>
        %add3A_1716 = arith.addf %mul3A_1704, %mul3A_1708 : vector<16xf32>
        %add3A_1717 = arith.addf %add3A_1715, %add3A_1716 : vector<16xf32>
        tpu.vector_store_idx %arg21[%add3A_1714], %add3A_1717 : memref<512xf32, #tpu.memory_space<vmem>>[vector<16xi32>], vector<16xf32>,
        %mul3A_1718 = arith.constant 20 : i32
        %mul3A_1719 = arith.muli %add3A_1057, %mul3A_1718 : i32
        %add3A_1720 = arith.constant 11 : i32
        %add3A_1721 = arith.addi %mul3A_1719, %add3A_1720 : i32
        %get3A_1722 = arith.index_cast %add3A_1721 : i32 to index
        %get3A_1723 = arith.constant 0 : index
        %get3A_1724 = tpu.vector_load %arg13[%get3A_1722, %get3A_1723] {strides = array<i32>} : memref<320x64xf32, #tpu.memory_space<vmem>>, vector<16xf32>,
        %mul3A_1725 = arith.mulf %add3A_1136, %get3A_1724 : vector<16xf32>
        %get3A_1726 = arith.index_cast %add3A_1721 : i32 to index
        %get3A_1727 = arith.constant 16 : index
        %get3A_1728 = tpu.vector_load %arg13[%get3A_1726, %get3A_1727] {strides = array<i32>} : memref<320x64xf32, #tpu.memory_space<vmem>>, vector<16xf32>,
        %mul3A_1729 = arith.mulf %add3A_1215, %get3A_1728 : vector<16xf32>
        %get3A_1730 = arith.index_cast %add3A_1721 : i32 to index
        %get3A_1731 = arith.constant 32 : index
        %get3A_1732 = tpu.vector_load %arg13[%get3A_1730, %get3A_1731] {strides = array<i32>} : memref<320x64xf32, #tpu.memory_space<vmem>>, vector<16xf32>,
        %mul3A_1733 = arith.mulf %add3A_1294, %get3A_1732 : vector<16xf32>
        %get3A_1734 = arith.index_cast %add3A_1721 : i32 to index
        %get3A_1735 = arith.constant 48 : index
        %get3A_1736 = tpu.vector_load %arg13[%get3A_1734, %get3A_1735] {strides = array<i32>} : memref<320x64xf32, #tpu.memory_space<vmem>>, vector<16xf32>,
        %mul3A_1737 = arith.mulf %add3A_1373, %get3A_1736 : vector<16xf32>
        %mul3A_1738 = arith.constant 32 : i32
        %mul3A_1739 = vector.broadcast %mul3A_1738 : i32 to vector<16xi32>
        %mul3A_1740 = arith.muli %iota3A, %mul3A_1739 : vector<16xi32>
        %add3A_1741 = arith.constant 12 : i32
        %add3A_1742 = vector.broadcast %add3A_1741 : i32 to vector<16xi32>
        %add3A_1743 = arith.addi %mul3A_1740, %add3A_1742 : vector<16xi32>
        %add3A_1744 = arith.addf %mul3A_1725, %mul3A_1729 : vector<16xf32>
        %add3A_1745 = arith.addf %mul3A_1733, %mul3A_1737 : vector<16xf32>
        %add3A_1746 = arith.addf %add3A_1744, %add3A_1745 : vector<16xf32>
        tpu.vector_store_idx %arg21[%add3A_1743], %add3A_1746 : memref<512xf32, #tpu.memory_space<vmem>>[vector<16xi32>], vector<16xf32>,
        %mul3A_1747 = arith.constant 20 : i32
        %mul3A_1748 = arith.muli %add3A_1057, %mul3A_1747 : i32
        %add3A_1749 = arith.constant 12 : i32
        %add3A_1750 = arith.addi %mul3A_1748, %add3A_1749 : i32
        %get3A_1751 = arith.index_cast %add3A_1750 : i32 to index
        %get3A_1752 = arith.constant 0 : index
        %get3A_1753 = tpu.vector_load %arg13[%get3A_1751, %get3A_1752] {strides = array<i32>} : memref<320x64xf32, #tpu.memory_space<vmem>>, vector<16xf32>,
        %mul3A_1754 = arith.mulf %add3A_1136, %get3A_1753 : vector<16xf32>
        %get3A_1755 = arith.index_cast %add3A_1750 : i32 to index
        %get3A_1756 = arith.constant 16 : index
        %get3A_1757 = tpu.vector_load %arg13[%get3A_1755, %get3A_1756] {strides = array<i32>} : memref<320x64xf32, #tpu.memory_space<vmem>>, vector<16xf32>,
        %mul3A_1758 = arith.mulf %add3A_1215, %get3A_1757 : vector<16xf32>
        %get3A_1759 = arith.index_cast %add3A_1750 : i32 to index
        %get3A_1760 = arith.constant 32 : index
        %get3A_1761 = tpu.vector_load %arg13[%get3A_1759, %get3A_1760] {strides = array<i32>} : memref<320x64xf32, #tpu.memory_space<vmem>>, vector<16xf32>,
        %mul3A_1762 = arith.mulf %add3A_1294, %get3A_1761 : vector<16xf32>
        %get3A_1763 = arith.index_cast %add3A_1750 : i32 to index
        %get3A_1764 = arith.constant 48 : index
        %get3A_1765 = tpu.vector_load %arg13[%get3A_1763, %get3A_1764] {strides = array<i32>} : memref<320x64xf32, #tpu.memory_space<vmem>>, vector<16xf32>,
        %mul3A_1766 = arith.mulf %add3A_1373, %get3A_1765 : vector<16xf32>
        %mul3A_1767 = arith.constant 32 : i32
        %mul3A_1768 = vector.broadcast %mul3A_1767 : i32 to vector<16xi32>
        %mul3A_1769 = arith.muli %iota3A, %mul3A_1768 : vector<16xi32>
        %add3A_1770 = arith.constant 13 : i32
        %add3A_1771 = vector.broadcast %add3A_1770 : i32 to vector<16xi32>
        %add3A_1772 = arith.addi %mul3A_1769, %add3A_1771 : vector<16xi32>
        %add3A_1773 = arith.addf %mul3A_1754, %mul3A_1758 : vector<16xf32>
        %add3A_1774 = arith.addf %mul3A_1762, %mul3A_1766 : vector<16xf32>
        %add3A_1775 = arith.addf %add3A_1773, %add3A_1774 : vector<16xf32>
        tpu.vector_store_idx %arg21[%add3A_1772], %add3A_1775 : memref<512xf32, #tpu.memory_space<vmem>>[vector<16xi32>], vector<16xf32>,
        %mul3A_1776 = arith.constant 20 : i32
        %mul3A_1777 = arith.muli %add3A_1057, %mul3A_1776 : i32
        %add3A_1778 = arith.constant 13 : i32
        %add3A_1779 = arith.addi %mul3A_1777, %add3A_1778 : i32
        %get3A_1780 = arith.index_cast %add3A_1779 : i32 to index
        %get3A_1781 = arith.constant 0 : index
        %get3A_1782 = tpu.vector_load %arg13[%get3A_1780, %get3A_1781] {strides = array<i32>} : memref<320x64xf32, #tpu.memory_space<vmem>>, vector<16xf32>,
        %mul3A_1783 = arith.mulf %add3A_1136, %get3A_1782 : vector<16xf32>
        %get3A_1784 = arith.index_cast %add3A_1779 : i32 to index
        %get3A_1785 = arith.constant 16 : index
        %get3A_1786 = tpu.vector_load %arg13[%get3A_1784, %get3A_1785] {strides = array<i32>} : memref<320x64xf32, #tpu.memory_space<vmem>>, vector<16xf32>,
        %mul3A_1787 = arith.mulf %add3A_1215, %get3A_1786 : vector<16xf32>
        %get3A_1788 = arith.index_cast %add3A_1779 : i32 to index
        %get3A_1789 = arith.constant 32 : index
        %get3A_1790 = tpu.vector_load %arg13[%get3A_1788, %get3A_1789] {strides = array<i32>} : memref<320x64xf32, #tpu.memory_space<vmem>>, vector<16xf32>,
        %mul3A_1791 = arith.mulf %add3A_1294, %get3A_1790 : vector<16xf32>
        %get3A_1792 = arith.index_cast %add3A_1779 : i32 to index
        %get3A_1793 = arith.constant 48 : index
        %get3A_1794 = tpu.vector_load %arg13[%get3A_1792, %get3A_1793] {strides = array<i32>} : memref<320x64xf32, #tpu.memory_space<vmem>>, vector<16xf32>,
        %mul3A_1795 = arith.mulf %add3A_1373, %get3A_1794 : vector<16xf32>
        %mul3A_1796 = arith.constant 32 : i32
        %mul3A_1797 = vector.broadcast %mul3A_1796 : i32 to vector<16xi32>
        %mul3A_1798 = arith.muli %iota3A, %mul3A_1797 : vector<16xi32>
        %add3A_1799 = arith.constant 14 : i32
        %add3A_1800 = vector.broadcast %add3A_1799 : i32 to vector<16xi32>
        %add3A_1801 = arith.addi %mul3A_1798, %add3A_1800 : vector<16xi32>
        %add3A_1802 = arith.addf %mul3A_1783, %mul3A_1787 : vector<16xf32>
        %add3A_1803 = arith.addf %mul3A_1791, %mul3A_1795 : vector<16xf32>
        %add3A_1804 = arith.addf %add3A_1802, %add3A_1803 : vector<16xf32>
        tpu.vector_store_idx %arg21[%add3A_1801], %add3A_1804 : memref<512xf32, #tpu.memory_space<vmem>>[vector<16xi32>], vector<16xf32>,
        %mul3A_1805 = arith.constant 20 : i32
        %mul3A_1806 = arith.muli %add3A_1057, %mul3A_1805 : i32
        %add3A_1807 = arith.constant 14 : i32
        %add3A_1808 = arith.addi %mul3A_1806, %add3A_1807 : i32
        %get3A_1809 = arith.index_cast %add3A_1808 : i32 to index
        %get3A_1810 = arith.constant 0 : index
        %get3A_1811 = tpu.vector_load %arg13[%get3A_1809, %get3A_1810] {strides = array<i32>} : memref<320x64xf32, #tpu.memory_space<vmem>>, vector<16xf32>,
        %mul3A_1812 = arith.mulf %add3A_1136, %get3A_1811 : vector<16xf32>
        %get3A_1813 = arith.index_cast %add3A_1808 : i32 to index
        %get3A_1814 = arith.constant 16 : index
        %get3A_1815 = tpu.vector_load %arg13[%get3A_1813, %get3A_1814] {strides = array<i32>} : memref<320x64xf32, #tpu.memory_space<vmem>>, vector<16xf32>,
        %mul3A_1816 = arith.mulf %add3A_1215, %get3A_1815 : vector<16xf32>
        %get3A_1817 = arith.index_cast %add3A_1808 : i32 to index
        %get3A_1818 = arith.constant 32 : index
        %get3A_1819 = tpu.vector_load %arg13[%get3A_1817, %get3A_1818] {strides = array<i32>} : memref<320x64xf32, #tpu.memory_space<vmem>>, vector<16xf32>,
        %mul3A_1820 = arith.mulf %add3A_1294, %get3A_1819 : vector<16xf32>
        %get3A_1821 = arith.index_cast %add3A_1808 : i32 to index
        %get3A_1822 = arith.constant 48 : index
        %get3A_1823 = tpu.vector_load %arg13[%get3A_1821, %get3A_1822] {strides = array<i32>} : memref<320x64xf32, #tpu.memory_space<vmem>>, vector<16xf32>,
        %mul3A_1824 = arith.mulf %add3A_1373, %get3A_1823 : vector<16xf32>
        %mul3A_1825 = arith.constant 32 : i32
        %mul3A_1826 = vector.broadcast %mul3A_1825 : i32 to vector<16xi32>
        %mul3A_1827 = arith.muli %iota3A, %mul3A_1826 : vector<16xi32>
        %add3A_1828 = arith.constant 15 : i32
        %add3A_1829 = vector.broadcast %add3A_1828 : i32 to vector<16xi32>
        %add3A_1830 = arith.addi %mul3A_1827, %add3A_1829 : vector<16xi32>
        %add3A_1831 = arith.addf %mul3A_1812, %mul3A_1816 : vector<16xf32>
        %add3A_1832 = arith.addf %mul3A_1820, %mul3A_1824 : vector<16xf32>
        %add3A_1833 = arith.addf %add3A_1831, %add3A_1832 : vector<16xf32>
        tpu.vector_store_idx %arg21[%add3A_1830], %add3A_1833 : memref<512xf32, #tpu.memory_space<vmem>>[vector<16xi32>], vector<16xf32>,
        %mul3A_1834 = arith.constant 20 : i32
        %mul3A_1835 = arith.muli %add3A_1057, %mul3A_1834 : i32
        %add3A_1836 = arith.constant 15 : i32
        %add3A_1837 = arith.addi %mul3A_1835, %add3A_1836 : i32
        %get3A_1838 = arith.index_cast %add3A_1837 : i32 to index
        %get3A_1839 = arith.constant 0 : index
        %get3A_1840 = tpu.vector_load %arg13[%get3A_1838, %get3A_1839] {strides = array<i32>} : memref<320x64xf32, #tpu.memory_space<vmem>>, vector<16xf32>,
        %mul3A_1841 = arith.mulf %add3A_1136, %get3A_1840 : vector<16xf32>
        %get3A_1842 = arith.index_cast %add3A_1837 : i32 to index
        %get3A_1843 = arith.constant 16 : index
        %get3A_1844 = tpu.vector_load %arg13[%get3A_1842, %get3A_1843] {strides = array<i32>} : memref<320x64xf32, #tpu.memory_space<vmem>>, vector<16xf32>,
        %mul3A_1845 = arith.mulf %add3A_1215, %get3A_1844 : vector<16xf32>
        %get3A_1846 = arith.index_cast %add3A_1837 : i32 to index
        %get3A_1847 = arith.constant 32 : index
        %get3A_1848 = tpu.vector_load %arg13[%get3A_1846, %get3A_1847] {strides = array<i32>} : memref<320x64xf32, #tpu.memory_space<vmem>>, vector<16xf32>,
        %mul3A_1849 = arith.mulf %add3A_1294, %get3A_1848 : vector<16xf32>
        %get3A_1850 = arith.index_cast %add3A_1837 : i32 to index
        %get3A_1851 = arith.constant 48 : index
        %get3A_1852 = tpu.vector_load %arg13[%get3A_1850, %get3A_1851] {strides = array<i32>} : memref<320x64xf32, #tpu.memory_space<vmem>>, vector<16xf32>,
        %mul3A_1853 = arith.mulf %add3A_1373, %get3A_1852 : vector<16xf32>
        %mul3A_1854 = arith.constant 32 : i32
        %mul3A_1855 = vector.broadcast %mul3A_1854 : i32 to vector<16xi32>
        %mul3A_1856 = arith.muli %iota3A, %mul3A_1855 : vector<16xi32>
        %add3A_1857 = arith.constant 16 : i32
        %add3A_1858 = vector.broadcast %add3A_1857 : i32 to vector<16xi32>
        %add3A_1859 = arith.addi %mul3A_1856, %add3A_1858 : vector<16xi32>
        %add3A_1860 = arith.addf %mul3A_1841, %mul3A_1845 : vector<16xf32>
        %add3A_1861 = arith.addf %mul3A_1849, %mul3A_1853 : vector<16xf32>
        %add3A_1862 = arith.addf %add3A_1860, %add3A_1861 : vector<16xf32>
        tpu.vector_store_idx %arg21[%add3A_1859], %add3A_1862 : memref<512xf32, #tpu.memory_space<vmem>>[vector<16xi32>], vector<16xf32>,
        %mul3A_1863 = arith.constant 20 : i32
        %mul3A_1864 = arith.muli %add3A_1057, %mul3A_1863 : i32
        %add3A_1865 = arith.constant 16 : i32
        %add3A_1866 = arith.addi %mul3A_1864, %add3A_1865 : i32
        %get3A_1867 = arith.index_cast %add3A_1866 : i32 to index
        %get3A_1868 = arith.constant 0 : index
        %get3A_1869 = tpu.vector_load %arg13[%get3A_1867, %get3A_1868] {strides = array<i32>} : memref<320x64xf32, #tpu.memory_space<vmem>>, vector<16xf32>,
        %mul3A_1870 = arith.mulf %add3A_1136, %get3A_1869 : vector<16xf32>
        %get3A_1871 = arith.index_cast %add3A_1866 : i32 to index
        %get3A_1872 = arith.constant 16 : index
        %get3A_1873 = tpu.vector_load %arg13[%get3A_1871, %get3A_1872] {strides = array<i32>} : memref<320x64xf32, #tpu.memory_space<vmem>>, vector<16xf32>,
        %mul3A_1874 = arith.mulf %add3A_1215, %get3A_1873 : vector<16xf32>
        %get3A_1875 = arith.index_cast %add3A_1866 : i32 to index
        %get3A_1876 = arith.constant 32 : index
        %get3A_1877 = tpu.vector_load %arg13[%get3A_1875, %get3A_1876] {strides = array<i32>} : memref<320x64xf32, #tpu.memory_space<vmem>>, vector<16xf32>,
        %mul3A_1878 = arith.mulf %add3A_1294, %get3A_1877 : vector<16xf32>
        %get3A_1879 = arith.index_cast %add3A_1866 : i32 to index
        %get3A_1880 = arith.constant 48 : index
        %get3A_1881 = tpu.vector_load %arg13[%get3A_1879, %get3A_1880] {strides = array<i32>} : memref<320x64xf32, #tpu.memory_space<vmem>>, vector<16xf32>,
        %mul3A_1882 = arith.mulf %add3A_1373, %get3A_1881 : vector<16xf32>
        %mul3A_1883 = arith.constant 32 : i32
        %mul3A_1884 = vector.broadcast %mul3A_1883 : i32 to vector<16xi32>
        %mul3A_1885 = arith.muli %iota3A, %mul3A_1884 : vector<16xi32>
        %add3A_1886 = arith.constant 17 : i32
        %add3A_1887 = vector.broadcast %add3A_1886 : i32 to vector<16xi32>
        %add3A_1888 = arith.addi %mul3A_1885, %add3A_1887 : vector<16xi32>
        %add3A_1889 = arith.addf %mul3A_1870, %mul3A_1874 : vector<16xf32>
        %add3A_1890 = arith.addf %mul3A_1878, %mul3A_1882 : vector<16xf32>
        %add3A_1891 = arith.addf %add3A_1889, %add3A_1890 : vector<16xf32>
        tpu.vector_store_idx %arg21[%add3A_1888], %add3A_1891 : memref<512xf32, #tpu.memory_space<vmem>>[vector<16xi32>], vector<16xf32>,
        %mul3A_1892 = arith.constant 20 : i32
        %mul3A_1893 = arith.muli %add3A_1057, %mul3A_1892 : i32
        %add3A_1894 = arith.constant 17 : i32
        %add3A_1895 = arith.addi %mul3A_1893, %add3A_1894 : i32
        %get3A_1896 = arith.index_cast %add3A_1895 : i32 to index
        %get3A_1897 = arith.constant 0 : index
        %get3A_1898 = tpu.vector_load %arg13[%get3A_1896, %get3A_1897] {strides = array<i32>} : memref<320x64xf32, #tpu.memory_space<vmem>>, vector<16xf32>,
        %mul3A_1899 = arith.mulf %add3A_1136, %get3A_1898 : vector<16xf32>
        %get3A_1900 = arith.index_cast %add3A_1895 : i32 to index
        %get3A_1901 = arith.constant 16 : index
        %get3A_1902 = tpu.vector_load %arg13[%get3A_1900, %get3A_1901] {strides = array<i32>} : memref<320x64xf32, #tpu.memory_space<vmem>>, vector<16xf32>,
        %mul3A_1903 = arith.mulf %add3A_1215, %get3A_1902 : vector<16xf32>
        %get3A_1904 = arith.index_cast %add3A_1895 : i32 to index
        %get3A_1905 = arith.constant 32 : index
        %get3A_1906 = tpu.vector_load %arg13[%get3A_1904, %get3A_1905] {strides = array<i32>} : memref<320x64xf32, #tpu.memory_space<vmem>>, vector<16xf32>,
        %mul3A_1907 = arith.mulf %add3A_1294, %get3A_1906 : vector<16xf32>
        %get3A_1908 = arith.index_cast %add3A_1895 : i32 to index
        %get3A_1909 = arith.constant 48 : index
        %get3A_1910 = tpu.vector_load %arg13[%get3A_1908, %get3A_1909] {strides = array<i32>} : memref<320x64xf32, #tpu.memory_space<vmem>>, vector<16xf32>,
        %mul3A_1911 = arith.mulf %add3A_1373, %get3A_1910 : vector<16xf32>
        %mul3A_1912 = arith.constant 32 : i32
        %mul3A_1913 = vector.broadcast %mul3A_1912 : i32 to vector<16xi32>
        %mul3A_1914 = arith.muli %iota3A, %mul3A_1913 : vector<16xi32>
        %add3A_1915 = arith.constant 18 : i32
        %add3A_1916 = vector.broadcast %add3A_1915 : i32 to vector<16xi32>
        %add3A_1917 = arith.addi %mul3A_1914, %add3A_1916 : vector<16xi32>
        %add3A_1918 = arith.addf %mul3A_1899, %mul3A_1903 : vector<16xf32>
        %add3A_1919 = arith.addf %mul3A_1907, %mul3A_1911 : vector<16xf32>
        %add3A_1920 = arith.addf %add3A_1918, %add3A_1919 : vector<16xf32>
        tpu.vector_store_idx %arg21[%add3A_1917], %add3A_1920 : memref<512xf32, #tpu.memory_space<vmem>>[vector<16xi32>], vector<16xf32>,
        %mul3A_1921 = arith.constant 20 : i32
        %mul3A_1922 = arith.muli %add3A_1057, %mul3A_1921 : i32
        %add3A_1923 = arith.constant 18 : i32
        %add3A_1924 = arith.addi %mul3A_1922, %add3A_1923 : i32
        %get3A_1925 = arith.index_cast %add3A_1924 : i32 to index
        %get3A_1926 = arith.constant 0 : index
        %get3A_1927 = tpu.vector_load %arg13[%get3A_1925, %get3A_1926] {strides = array<i32>} : memref<320x64xf32, #tpu.memory_space<vmem>>, vector<16xf32>,
        %mul3A_1928 = arith.mulf %add3A_1136, %get3A_1927 : vector<16xf32>
        %get3A_1929 = arith.index_cast %add3A_1924 : i32 to index
        %get3A_1930 = arith.constant 16 : index
        %get3A_1931 = tpu.vector_load %arg13[%get3A_1929, %get3A_1930] {strides = array<i32>} : memref<320x64xf32, #tpu.memory_space<vmem>>, vector<16xf32>,
        %mul3A_1932 = arith.mulf %add3A_1215, %get3A_1931 : vector<16xf32>
        %get3A_1933 = arith.index_cast %add3A_1924 : i32 to index
        %get3A_1934 = arith.constant 32 : index
        %get3A_1935 = tpu.vector_load %arg13[%get3A_1933, %get3A_1934] {strides = array<i32>} : memref<320x64xf32, #tpu.memory_space<vmem>>, vector<16xf32>,
        %mul3A_1936 = arith.mulf %add3A_1294, %get3A_1935 : vector<16xf32>
        %get3A_1937 = arith.index_cast %add3A_1924 : i32 to index
        %get3A_1938 = arith.constant 48 : index
        %get3A_1939 = tpu.vector_load %arg13[%get3A_1937, %get3A_1938] {strides = array<i32>} : memref<320x64xf32, #tpu.memory_space<vmem>>, vector<16xf32>,
        %mul3A_1940 = arith.mulf %add3A_1373, %get3A_1939 : vector<16xf32>
        %mul3A_1941 = arith.constant 32 : i32
        %mul3A_1942 = vector.broadcast %mul3A_1941 : i32 to vector<16xi32>
        %mul3A_1943 = arith.muli %iota3A, %mul3A_1942 : vector<16xi32>
        %add3A_1944 = arith.constant 19 : i32
        %add3A_1945 = vector.broadcast %add3A_1944 : i32 to vector<16xi32>
        %add3A_1946 = arith.addi %mul3A_1943, %add3A_1945 : vector<16xi32>
        %add3A_1947 = arith.addf %mul3A_1928, %mul3A_1932 : vector<16xf32>
        %add3A_1948 = arith.addf %mul3A_1936, %mul3A_1940 : vector<16xf32>
        %add3A_1949 = arith.addf %add3A_1947, %add3A_1948 : vector<16xf32>
        tpu.vector_store_idx %arg21[%add3A_1946], %add3A_1949 : memref<512xf32, #tpu.memory_space<vmem>>[vector<16xi32>], vector<16xf32>,
        %mul3A_1950 = arith.constant 20 : i32
        %mul3A_1951 = arith.muli %add3A_1057, %mul3A_1950 : i32
        %add3A_1952 = arith.constant 19 : i32
        %add3A_1953 = arith.addi %mul3A_1951, %add3A_1952 : i32
        %get3A_1954 = arith.index_cast %add3A_1953 : i32 to index
        %get3A_1955 = arith.constant 0 : index
        %get3A_1956 = tpu.vector_load %arg13[%get3A_1954, %get3A_1955] {strides = array<i32>} : memref<320x64xf32, #tpu.memory_space<vmem>>, vector<16xf32>,
        %mul3A_1957 = arith.mulf %add3A_1136, %get3A_1956 : vector<16xf32>
        %get3A_1958 = arith.index_cast %add3A_1953 : i32 to index
        %get3A_1959 = arith.constant 16 : index
        %get3A_1960 = tpu.vector_load %arg13[%get3A_1958, %get3A_1959] {strides = array<i32>} : memref<320x64xf32, #tpu.memory_space<vmem>>, vector<16xf32>,
        %mul3A_1961 = arith.mulf %add3A_1215, %get3A_1960 : vector<16xf32>
        %get3A_1962 = arith.index_cast %add3A_1953 : i32 to index
        %get3A_1963 = arith.constant 32 : index
        %get3A_1964 = tpu.vector_load %arg13[%get3A_1962, %get3A_1963] {strides = array<i32>} : memref<320x64xf32, #tpu.memory_space<vmem>>, vector<16xf32>,
        %mul3A_1965 = arith.mulf %add3A_1294, %get3A_1964 : vector<16xf32>
        %get3A_1966 = arith.index_cast %add3A_1953 : i32 to index
        %get3A_1967 = arith.constant 48 : index
        %get3A_1968 = tpu.vector_load %arg13[%get3A_1966, %get3A_1967] {strides = array<i32>} : memref<320x64xf32, #tpu.memory_space<vmem>>, vector<16xf32>,
        %mul3A_1969 = arith.mulf %add3A_1373, %get3A_1968 : vector<16xf32>
        %mul3A_1970 = arith.constant 32 : i32
        %mul3A_1971 = vector.broadcast %mul3A_1970 : i32 to vector<16xi32>
        %mul3A_1972 = arith.muli %iota3A, %mul3A_1971 : vector<16xi32>
        %add3A_1973 = arith.constant 20 : i32
        %add3A_1974 = vector.broadcast %add3A_1973 : i32 to vector<16xi32>
        %add3A_1975 = arith.addi %mul3A_1972, %add3A_1974 : vector<16xi32>
        %add3A_1976 = arith.addf %mul3A_1957, %mul3A_1961 : vector<16xf32>
        %add3A_1977 = arith.addf %mul3A_1965, %mul3A_1969 : vector<16xf32>
        %add3A_1978 = arith.addf %add3A_1976, %add3A_1977 : vector<16xf32>
        tpu.vector_store_idx %arg21[%add3A_1975], %add3A_1978 : memref<512xf32, #tpu.memory_space<vmem>>[vector<16xi32>], vector<16xf32>,
        %get3A_1979 = arith.constant 0 : index
        %get3A_1980 = tpu.vector_load %arg20[%get3A_1979] {strides = array<i32>} : memref<512xf32, #tpu.memory_space<vmem>>, vector<16xf32>,
        %get3A_1981 = arith.constant 32 : index
        %get3A_1982 = tpu.vector_load %arg20[%get3A_1981] {strides = array<i32>} : memref<512xf32, #tpu.memory_space<vmem>>, vector<16xf32>,
        %get3A_1983 = arith.constant 64 : index
        %get3A_1984 = tpu.vector_load %arg20[%get3A_1983] {strides = array<i32>} : memref<512xf32, #tpu.memory_space<vmem>>, vector<16xf32>,
        %get3A_1985 = arith.constant 96 : index
        %get3A_1986 = tpu.vector_load %arg20[%get3A_1985] {strides = array<i32>} : memref<512xf32, #tpu.memory_space<vmem>>, vector<16xf32>,
        %get3A_1987 = arith.constant 128 : index
        %get3A_1988 = tpu.vector_load %arg20[%get3A_1987] {strides = array<i32>} : memref<512xf32, #tpu.memory_space<vmem>>, vector<16xf32>,
        %get3A_1989 = arith.constant 160 : index
        %get3A_1990 = tpu.vector_load %arg20[%get3A_1989] {strides = array<i32>} : memref<512xf32, #tpu.memory_space<vmem>>, vector<16xf32>,
        %get3A_1991 = arith.constant 192 : index
        %get3A_1992 = tpu.vector_load %arg20[%get3A_1991] {strides = array<i32>} : memref<512xf32, #tpu.memory_space<vmem>>, vector<16xf32>,
        %get3A_1993 = arith.constant 224 : index
        %get3A_1994 = tpu.vector_load %arg20[%get3A_1993] {strides = array<i32>} : memref<512xf32, #tpu.memory_space<vmem>>, vector<16xf32>,
        %get3A_1995 = arith.constant 256 : index
        %get3A_1996 = tpu.vector_load %arg20[%get3A_1995] {strides = array<i32>} : memref<512xf32, #tpu.memory_space<vmem>>, vector<16xf32>,
        %get3A_1997 = arith.constant 288 : index
        %get3A_1998 = tpu.vector_load %arg20[%get3A_1997] {strides = array<i32>} : memref<512xf32, #tpu.memory_space<vmem>>, vector<16xf32>,
        %get3A_1999 = arith.constant 320 : index
        %get3A_2000 = tpu.vector_load %arg20[%get3A_1999] {strides = array<i32>} : memref<512xf32, #tpu.memory_space<vmem>>, vector<16xf32>,
        %get3A_2001 = arith.constant 352 : index
        %get3A_2002 = tpu.vector_load %arg20[%get3A_2001] {strides = array<i32>} : memref<512xf32, #tpu.memory_space<vmem>>, vector<16xf32>,
        %get3A_2003 = arith.constant 384 : index
        %get3A_2004 = tpu.vector_load %arg20[%get3A_2003] {strides = array<i32>} : memref<512xf32, #tpu.memory_space<vmem>>, vector<16xf32>,
        %get3A_2005 = arith.constant 416 : index
        %get3A_2006 = tpu.vector_load %arg20[%get3A_2005] {strides = array<i32>} : memref<512xf32, #tpu.memory_space<vmem>>, vector<16xf32>,
        %get3A_2007 = arith.constant 448 : index
        %get3A_2008 = tpu.vector_load %arg20[%get3A_2007] {strides = array<i32>} : memref<512xf32, #tpu.memory_space<vmem>>, vector<16xf32>,
        %get3A_2009 = arith.constant 480 : index
        %get3A_2010 = tpu.vector_load %arg20[%get3A_2009] {strides = array<i32>} : memref<512xf32, #tpu.memory_space<vmem>>, vector<16xf32>,
        %add3A_2011 = arith.addf %get3A_1980, %get3A_1982 : vector<16xf32>
        %add3A_2012 = arith.addf %get3A_1984, %get3A_1986 : vector<16xf32>
        %add3A_2013 = arith.addf %get3A_1988, %get3A_1990 : vector<16xf32>
        %add3A_2014 = arith.addf %get3A_1992, %get3A_1994 : vector<16xf32>
        %add3A_2015 = arith.addf %get3A_1996, %get3A_1998 : vector<16xf32>
        %add3A_2016 = arith.addf %get3A_2000, %get3A_2002 : vector<16xf32>
        %add3A_2017 = arith.addf %get3A_2004, %get3A_2006 : vector<16xf32>
        %add3A_2018 = arith.addf %get3A_2008, %get3A_2010 : vector<16xf32>
        %add3A_2019 = arith.addf %add3A_2011, %add3A_2012 : vector<16xf32>
        %add3A_2020 = arith.addf %add3A_2013, %add3A_2014 : vector<16xf32>
        %add3A_2021 = arith.addf %add3A_2015, %add3A_2016 : vector<16xf32>
        %add3A_2022 = arith.addf %add3A_2017, %add3A_2018 : vector<16xf32>
        %add3A_2023 = arith.addf %add3A_2019, %add3A_2020 : vector<16xf32>
        %add3A_2024 = arith.addf %add3A_2021, %add3A_2022 : vector<16xf32>
        %add3A_2025 = arith.addf %add3A_2023, %add3A_2024 : vector<16xf32>
        %get3A_2026 = arith.constant 16 : index
        %get3A_2027 = tpu.vector_load %arg20[%get3A_2026] {strides = array<i32>} : memref<512xf32, #tpu.memory_space<vmem>>, vector<16xf32>,
        %get3A_2028 = arith.constant 48 : index
        %get3A_2029 = tpu.vector_load %arg20[%get3A_2028] {strides = array<i32>} : memref<512xf32, #tpu.memory_space<vmem>>, vector<16xf32>,
        %get3A_2030 = arith.constant 80 : index
        %get3A_2031 = tpu.vector_load %arg20[%get3A_2030] {strides = array<i32>} : memref<512xf32, #tpu.memory_space<vmem>>, vector<16xf32>,
        %get3A_2032 = arith.constant 112 : index
        %get3A_2033 = tpu.vector_load %arg20[%get3A_2032] {strides = array<i32>} : memref<512xf32, #tpu.memory_space<vmem>>, vector<16xf32>,
        %get3A_2034 = arith.constant 144 : index
        %get3A_2035 = tpu.vector_load %arg20[%get3A_2034] {strides = array<i32>} : memref<512xf32, #tpu.memory_space<vmem>>, vector<16xf32>,
        %get3A_2036 = arith.constant 176 : index
        %get3A_2037 = tpu.vector_load %arg20[%get3A_2036] {strides = array<i32>} : memref<512xf32, #tpu.memory_space<vmem>>, vector<16xf32>,
        %get3A_2038 = arith.constant 208 : index
        %get3A_2039 = tpu.vector_load %arg20[%get3A_2038] {strides = array<i32>} : memref<512xf32, #tpu.memory_space<vmem>>, vector<16xf32>,
        %get3A_2040 = arith.constant 240 : index
        %get3A_2041 = tpu.vector_load %arg20[%get3A_2040] {strides = array<i32>} : memref<512xf32, #tpu.memory_space<vmem>>, vector<16xf32>,
        %get3A_2042 = arith.constant 272 : index
        %get3A_2043 = tpu.vector_load %arg20[%get3A_2042] {strides = array<i32>} : memref<512xf32, #tpu.memory_space<vmem>>, vector<16xf32>,
        %get3A_2044 = arith.constant 304 : index
        %get3A_2045 = tpu.vector_load %arg20[%get3A_2044] {strides = array<i32>} : memref<512xf32, #tpu.memory_space<vmem>>, vector<16xf32>,
        %get3A_2046 = arith.constant 336 : index
        %get3A_2047 = tpu.vector_load %arg20[%get3A_2046] {strides = array<i32>} : memref<512xf32, #tpu.memory_space<vmem>>, vector<16xf32>,
        %get3A_2048 = arith.constant 368 : index
        %get3A_2049 = tpu.vector_load %arg20[%get3A_2048] {strides = array<i32>} : memref<512xf32, #tpu.memory_space<vmem>>, vector<16xf32>,
        %get3A_2050 = arith.constant 400 : index
        %get3A_2051 = tpu.vector_load %arg20[%get3A_2050] {strides = array<i32>} : memref<512xf32, #tpu.memory_space<vmem>>, vector<16xf32>,
        %get3A_2052 = arith.constant 432 : index
        %get3A_2053 = tpu.vector_load %arg20[%get3A_2052] {strides = array<i32>} : memref<512xf32, #tpu.memory_space<vmem>>, vector<16xf32>,
        %get3A_2054 = arith.constant 464 : index
        %get3A_2055 = tpu.vector_load %arg20[%get3A_2054] {strides = array<i32>} : memref<512xf32, #tpu.memory_space<vmem>>, vector<16xf32>,
        %get3A_2056 = arith.constant 496 : index
        %get3A_2057 = tpu.vector_load %arg20[%get3A_2056] {strides = array<i32>} : memref<512xf32, #tpu.memory_space<vmem>>, vector<16xf32>,
        %add3A_2058 = arith.addf %get3A_2027, %get3A_2029 : vector<16xf32>
        %add3A_2059 = arith.addf %get3A_2031, %get3A_2033 : vector<16xf32>
        %add3A_2060 = arith.addf %get3A_2035, %get3A_2037 : vector<16xf32>
        %add3A_2061 = arith.addf %get3A_2039, %get3A_2041 : vector<16xf32>
        %add3A_2062 = arith.addf %get3A_2043, %get3A_2045 : vector<16xf32>
        %add3A_2063 = arith.addf %get3A_2047, %get3A_2049 : vector<16xf32>
        %add3A_2064 = arith.addf %get3A_2051, %get3A_2053 : vector<16xf32>
        %add3A_2065 = arith.addf %get3A_2055, %get3A_2057 : vector<16xf32>
        %add3A_2066 = arith.addf %add3A_2058, %add3A_2059 : vector<16xf32>
        %add3A_2067 = arith.addf %add3A_2060, %add3A_2061 : vector<16xf32>
        %add3A_2068 = arith.addf %add3A_2062, %add3A_2063 : vector<16xf32>
        %add3A_2069 = arith.addf %add3A_2064, %add3A_2065 : vector<16xf32>
        %add3A_2070 = arith.addf %add3A_2066, %add3A_2067 : vector<16xf32>
        %add3A_2071 = arith.addf %add3A_2068, %add3A_2069 : vector<16xf32>
        %add3A_2072 = arith.addf %add3A_2070, %add3A_2071 : vector<16xf32>
        %swap3A = arith.index_cast %mul3A_135 : i32 to index
        %swap3A_2073 = arith.constant 0 : index
        %swap3A_2074 = tpu.vector_load %arg22[%swap3A, %swap3A_2073] {strides = array<i32>} : memref<16x32xf32, #tpu.memory_space<vmem>>, vector<16xf32>,
        tpu.vector_store %arg22[%swap3A, %swap3A_2073], %add3A_2025 {strides = array<i32>} : memref<16x32xf32, #tpu.memory_space<vmem>>, vector<16xf32>,
        %swap3A_2075 = arith.index_cast %mul3A_135 : i32 to index
        %swap3A_2076 = arith.constant 16 : index
        %swap3A_2077 = tpu.vector_load %arg22[%swap3A_2075, %swap3A_2076] {strides = array<i32>} : memref<16x32xf32, #tpu.memory_space<vmem>>, vector<16xf32>,
        tpu.vector_store %arg22[%swap3A_2075, %swap3A_2076], %add3A_2072 {strides = array<i32>} : memref<16x32xf32, #tpu.memory_space<vmem>>, vector<16xf32>,
        %add3A_2078 = arith.constant 1 : i32
        %add3A_2079 = arith.addi %mul3A_135, %add3A_2078 : i32
        %get3A_2080 = arith.constant 0 : index
        %get3A_2081 = tpu.vector_load %arg21[%get3A_2080] {strides = array<i32>} : memref<512xf32, #tpu.memory_space<vmem>>, vector<16xf32>,
        %get3A_2082 = arith.constant 32 : index
        %get3A_2083 = tpu.vector_load %arg21[%get3A_2082] {strides = array<i32>} : memref<512xf32, #tpu.memory_space<vmem>>, vector<16xf32>,
        %get3A_2084 = arith.constant 64 : index
        %get3A_2085 = tpu.vector_load %arg21[%get3A_2084] {strides = array<i32>} : memref<512xf32, #tpu.memory_space<vmem>>, vector<16xf32>,
        %get3A_2086 = arith.constant 96 : index
        %get3A_2087 = tpu.vector_load %arg21[%get3A_2086] {strides = array<i32>} : memref<512xf32, #tpu.memory_space<vmem>>, vector<16xf32>,
        %get3A_2088 = arith.constant 128 : index
        %get3A_2089 = tpu.vector_load %arg21[%get3A_2088] {strides = array<i32>} : memref<512xf32, #tpu.memory_space<vmem>>, vector<16xf32>,
        %get3A_2090 = arith.constant 160 : index
        %get3A_2091 = tpu.vector_load %arg21[%get3A_2090] {strides = array<i32>} : memref<512xf32, #tpu.memory_space<vmem>>, vector<16xf32>,
        %get3A_2092 = arith.constant 192 : index
        %get3A_2093 = tpu.vector_load %arg21[%get3A_2092] {strides = array<i32>} : memref<512xf32, #tpu.memory_space<vmem>>, vector<16xf32>,
        %get3A_2094 = arith.constant 224 : index
        %get3A_2095 = tpu.vector_load %arg21[%get3A_2094] {strides = array<i32>} : memref<512xf32, #tpu.memory_space<vmem>>, vector<16xf32>,
        %get3A_2096 = arith.constant 256 : index
        %get3A_2097 = tpu.vector_load %arg21[%get3A_2096] {strides = array<i32>} : memref<512xf32, #tpu.memory_space<vmem>>, vector<16xf32>,
        %get3A_2098 = arith.constant 288 : index
        %get3A_2099 = tpu.vector_load %arg21[%get3A_2098] {strides = array<i32>} : memref<512xf32, #tpu.memory_space<vmem>>, vector<16xf32>,
        %get3A_2100 = arith.constant 320 : index
        %get3A_2101 = tpu.vector_load %arg21[%get3A_2100] {strides = array<i32>} : memref<512xf32, #tpu.memory_space<vmem>>, vector<16xf32>,
        %get3A_2102 = arith.constant 352 : index
        %get3A_2103 = tpu.vector_load %arg21[%get3A_2102] {strides = array<i32>} : memref<512xf32, #tpu.memory_space<vmem>>, vector<16xf32>,
        %get3A_2104 = arith.constant 384 : index
        %get3A_2105 = tpu.vector_load %arg21[%get3A_2104] {strides = array<i32>} : memref<512xf32, #tpu.memory_space<vmem>>, vector<16xf32>,
        %get3A_2106 = arith.constant 416 : index
        %get3A_2107 = tpu.vector_load %arg21[%get3A_2106] {strides = array<i32>} : memref<512xf32, #tpu.memory_space<vmem>>, vector<16xf32>,
        %get3A_2108 = arith.constant 448 : index
        %get3A_2109 = tpu.vector_load %arg21[%get3A_2108] {strides = array<i32>} : memref<512xf32, #tpu.memory_space<vmem>>, vector<16xf32>,
        %get3A_2110 = arith.constant 480 : index
        %get3A_2111 = tpu.vector_load %arg21[%get3A_2110] {strides = array<i32>} : memref<512xf32, #tpu.memory_space<vmem>>, vector<16xf32>,
        %add3A_2112 = arith.addf %get3A_2081, %get3A_2083 : vector<16xf32>
        %add3A_2113 = arith.addf %get3A_2085, %get3A_2087 : vector<16xf32>
        %add3A_2114 = arith.addf %get3A_2089, %get3A_2091 : vector<16xf32>
        %add3A_2115 = arith.addf %get3A_2093, %get3A_2095 : vector<16xf32>
        %add3A_2116 = arith.addf %get3A_2097, %get3A_2099 : vector<16xf32>
        %add3A_2117 = arith.addf %get3A_2101, %get3A_2103 : vector<16xf32>
        %add3A_2118 = arith.addf %get3A_2105, %get3A_2107 : vector<16xf32>
        %add3A_2119 = arith.addf %get3A_2109, %get3A_2111 : vector<16xf32>
        %add3A_2120 = arith.addf %add3A_2112, %add3A_2113 : vector<16xf32>
        %add3A_2121 = arith.addf %add3A_2114, %add3A_2115 : vector<16xf32>
        %add3A_2122 = arith.addf %add3A_2116, %add3A_2117 : vector<16xf32>
        %add3A_2123 = arith.addf %add3A_2118, %add3A_2119 : vector<16xf32>
        %add3A_2124 = arith.addf %add3A_2120, %add3A_2121 : vector<16xf32>
        %add3A_2125 = arith.addf %add3A_2122, %add3A_2123 : vector<16xf32>
        %add3A_2126 = arith.addf %add3A_2124, %add3A_2125 : vector<16xf32>
        %get3A_2127 = arith.constant 16 : index
        %get3A_2128 = tpu.vector_load %arg21[%get3A_2127] {strides = array<i32>} : memref<512xf32, #tpu.memory_space<vmem>>, vector<16xf32>,
        %get3A_2129 = arith.constant 48 : index
        %get3A_2130 = tpu.vector_load %arg21[%get3A_2129] {strides = array<i32>} : memref<512xf32, #tpu.memory_space<vmem>>, vector<16xf32>,
        %get3A_2131 = arith.constant 80 : index
        %get3A_2132 = tpu.vector_load %arg21[%get3A_2131] {strides = array<i32>} : memref<512xf32, #tpu.memory_space<vmem>>, vector<16xf32>,
        %get3A_2133 = arith.constant 112 : index
        %get3A_2134 = tpu.vector_load %arg21[%get3A_2133] {strides = array<i32>} : memref<512xf32, #tpu.memory_space<vmem>>, vector<16xf32>,
        %get3A_2135 = arith.constant 144 : index
        %get3A_2136 = tpu.vector_load %arg21[%get3A_2135] {strides = array<i32>} : memref<512xf32, #tpu.memory_space<vmem>>, vector<16xf32>,
        %get3A_2137 = arith.constant 176 : index
        %get3A_2138 = tpu.vector_load %arg21[%get3A_2137] {strides = array<i32>} : memref<512xf32, #tpu.memory_space<vmem>>, vector<16xf32>,
        %get3A_2139 = arith.constant 208 : index
        %get3A_2140 = tpu.vector_load %arg21[%get3A_2139] {strides = array<i32>} : memref<512xf32, #tpu.memory_space<vmem>>, vector<16xf32>,
        %get3A_2141 = arith.constant 240 : index
        %get3A_2142 = tpu.vector_load %arg21[%get3A_2141] {strides = array<i32>} : memref<512xf32, #tpu.memory_space<vmem>>, vector<16xf32>,
        %get3A_2143 = arith.constant 272 : index
        %get3A_2144 = tpu.vector_load %arg21[%get3A_2143] {strides = array<i32>} : memref<512xf32, #tpu.memory_space<vmem>>, vector<16xf32>,
        %get3A_2145 = arith.constant 304 : index
        %get3A_2146 = tpu.vector_load %arg21[%get3A_2145] {strides = array<i32>} : memref<512xf32, #tpu.memory_space<vmem>>, vector<16xf32>,
        %get3A_2147 = arith.constant 336 : index
        %get3A_2148 = tpu.vector_load %arg21[%get3A_2147] {strides = array<i32>} : memref<512xf32, #tpu.memory_space<vmem>>, vector<16xf32>,
        %get3A_2149 = arith.constant 368 : index
        %get3A_2150 = tpu.vector_load %arg21[%get3A_2149] {strides = array<i32>} : memref<512xf32, #tpu.memory_space<vmem>>, vector<16xf32>,
        %get3A_2151 = arith.constant 400 : index
        %get3A_2152 = tpu.vector_load %arg21[%get3A_2151] {strides = array<i32>} : memref<512xf32, #tpu.memory_space<vmem>>, vector<16xf32>,
        %get3A_2153 = arith.constant 432 : index
        %get3A_2154 = tpu.vector_load %arg21[%get3A_2153] {strides = array<i32>} : memref<512xf32, #tpu.memory_space<vmem>>, vector<16xf32>,
        %get3A_2155 = arith.constant 464 : index
        %get3A_2156 = tpu.vector_load %arg21[%get3A_2155] {strides = array<i32>} : memref<512xf32, #tpu.memory_space<vmem>>, vector<16xf32>,
        %get3A_2157 = arith.constant 496 : index
        %get3A_2158 = tpu.vector_load %arg21[%get3A_2157] {strides = array<i32>} : memref<512xf32, #tpu.memory_space<vmem>>, vector<16xf32>,
        %add3A_2159 = arith.addf %get3A_2128, %get3A_2130 : vector<16xf32>
        %add3A_2160 = arith.addf %get3A_2132, %get3A_2134 : vector<16xf32>
        %add3A_2161 = arith.addf %get3A_2136, %get3A_2138 : vector<16xf32>
        %add3A_2162 = arith.addf %get3A_2140, %get3A_2142 : vector<16xf32>
        %add3A_2163 = arith.addf %get3A_2144, %get3A_2146 : vector<16xf32>
        %add3A_2164 = arith.addf %get3A_2148, %get3A_2150 : vector<16xf32>
        %add3A_2165 = arith.addf %get3A_2152, %get3A_2154 : vector<16xf32>
        %add3A_2166 = arith.addf %get3A_2156, %get3A_2158 : vector<16xf32>
        %add3A_2167 = arith.addf %add3A_2159, %add3A_2160 : vector<16xf32>
        %add3A_2168 = arith.addf %add3A_2161, %add3A_2162 : vector<16xf32>
        %add3A_2169 = arith.addf %add3A_2163, %add3A_2164 : vector<16xf32>
        %add3A_2170 = arith.addf %add3A_2165, %add3A_2166 : vector<16xf32>
        %add3A_2171 = arith.addf %add3A_2167, %add3A_2168 : vector<16xf32>
        %add3A_2172 = arith.addf %add3A_2169, %add3A_2170 : vector<16xf32>
        %add3A_2173 = arith.addf %add3A_2171, %add3A_2172 : vector<16xf32>
        %swap3A_2174 = arith.index_cast %add3A_2079 : i32 to index
        %swap3A_2175 = arith.constant 0 : index
        %swap3A_2176 = tpu.vector_load %arg22[%swap3A_2174, %swap3A_2175] {strides = array<i32>} : memref<16x32xf32, #tpu.memory_space<vmem>>, vector<16xf32>,
        tpu.vector_store %arg22[%swap3A_2174, %swap3A_2175], %add3A_2126 {strides = array<i32>} : memref<16x32xf32, #tpu.memory_space<vmem>>, vector<16xf32>,
        %swap3A_2177 = arith.index_cast %add3A_2079 : i32 to index
        %swap3A_2178 = arith.constant 16 : index
        %swap3A_2179 = tpu.vector_load %arg22[%swap3A_2177, %swap3A_2178] {strides = array<i32>} : memref<16x32xf32, #tpu.memory_space<vmem>>, vector<16xf32>,
        tpu.vector_store %arg22[%swap3A_2177, %swap3A_2178], %add3A_2173 {strides = array<i32>} : memref<16x32xf32, #tpu.memory_space<vmem>>, vector<16xf32>,
      }
      %scan3A_100 = arith.constant 8 : i32
      %mul3A_101 = arith.constant 512 : i32
      %mul3A_102 = arith.muli %add3A, %mul3A_101 : i32
      %mul3A_103 = arith.constant 16 : i32
      %mul3A_104 = arith.muli %mul3A_57, %mul3A_103 : i32
      %add3A_105 = arith.addi %mul3A_102, %mul3A_104 : i32
      "tpu.region"() ({
        %run_scoped3A = tpu.sem_alloc : memref<!tpu.dma_semaphore, #tpu.memory_space<semaphore_mem>>
        %dma_start3A_133 = arith.constant 0 : i32
        %dma_start3A_134 = tpu.memref_slice %arg7[%add3A_105, %dma_start3A_133] : memref<16384x32xf32, #tpu.memory_space<hbm>> -> memref<16x32xf32, #tpu.memory_space<hbm>>
        %dma_start3A_135 = arith.constant 0 : i32
        %dma_start3A_136 = tpu.memref_slice %arg7[%add3A_105, %dma_start3A_135] : memref<16384x32xf32, #tpu.memory_space<hbm>> -> memref<16x32xf32, #tpu.memory_space<hbm>>
        tpu.enqueue_dma source(%arg22 : memref<16x32xf32, #tpu.memory_space<vmem>>) target(%dma_start3A_136 : memref<16x32xf32, #tpu.memory_space<hbm>>) target_semaphore(%run_scoped3A : memref<!tpu.dma_semaphore, #tpu.memory_space<semaphore_mem>>)
        %dma_wait3A_137 = arith.constant 0 : i32
        %dma_wait3A_138 = tpu.memref_slice %arg7[%add3A_105, %dma_wait3A_137] : memref<16384x32xf32, #tpu.memory_space<hbm>> -> memref<16x32xf32, #tpu.memory_space<hbm>>
        %dma_wait3A_139 = arith.constant 0 : i32
        %dma_wait3A_140 = tpu.memref_slice %arg7[%add3A_105, %dma_wait3A_139] : memref<16384x32xf32, #tpu.memory_space<hbm>> -> memref<16x32xf32, #tpu.memory_space<hbm>>
        tpu.wait_dma2 semaphore(%run_scoped3A : memref<!tpu.dma_semaphore, #tpu.memory_space<semaphore_mem>>) src(%arg22 : memref<16x32xf32, #tpu.memory_space<vmem>>) dst(%dma_wait3A_140 : memref<16x32xf32, #tpu.memory_space<hbm>>)
        tpu.yield
      }) : () -> ()
      %dma_wait3A_106 = arith.constant 0 : i32
      %dma_wait3A_107 = arith.constant 0 : i32
      %dma_wait3A_108 = tpu.memref_slice %arg5[%dma_wait3A_106, %dma_wait3A_107] : memref<1000000x64xf32, #tpu.memory_space<hbm>> -> memref<1000000x64xf32, #tpu.memory_space<hbm>>
      tpu.wait_indirect_dma semaphore(%arg24 : memref<!tpu.dma_semaphore, #tpu.memory_space<semaphore_mem>>) src(%dma_wait3A_108 : memref<1000000x64xf32, #tpu.memory_space<hbm>>) dst(%arg17 : memref<160x64xf32, #tpu.memory_space<vmem>>)
      %dma_wait3A_109 = arith.constant 0 : i32
      %dma_wait3A_110 = arith.constant 0 : i32
      %dma_wait3A_111 = tpu.memref_slice %arg6[%dma_wait3A_109, %dma_wait3A_110] : memref<1000000x64xf32, #tpu.memory_space<hbm>> -> memref<1000000x64xf32, #tpu.memory_space<hbm>>
      tpu.wait_indirect_dma semaphore(%arg24 : memref<!tpu.dma_semaphore, #tpu.memory_space<semaphore_mem>>) src(%dma_wait3A_111 : memref<1000000x64xf32, #tpu.memory_space<hbm>>) dst(%arg18 : memref<16x64xf32, #tpu.memory_space<vmem>>)
      %dma_wait3A_112 = arith.constant 0 : i32
      %dma_wait3A_113 = arith.constant 0 : i32
      %dma_wait3A_114 = tpu.memref_slice %arg6[%dma_wait3A_112, %dma_wait3A_113] : memref<1000000x64xf32, #tpu.memory_space<hbm>> -> memref<1000000x64xf32, #tpu.memory_space<hbm>>
      tpu.wait_indirect_dma semaphore(%arg24 : memref<!tpu.dma_semaphore, #tpu.memory_space<semaphore_mem>>) src(%dma_wait3A_114 : memref<1000000x64xf32, #tpu.memory_space<hbm>>) dst(%arg19 : memref<320x64xf32, #tpu.memory_space<vmem>>)
      %lt3A_115 = arith.constant 15 : i32
      %lt3A_116 = arith.cmpi slt, %scan3A_55, %lt3A_115 : i32
      %convert_element_type3A_117 = arith.extui %lt3A_116 : i1 to i32
      %cond3A_118 = arith.constant 0 : i32
      %cond3A_119 = arith.cmpi ne, %convert_element_type3A_117, %cond3A_118 : i32
      scf.if %cond3A_119 {
        %add3A_133 = arith.constant 2 : i32
        %add3A_134 = arith.addi %mul3A_57, %add3A_133 : i32
        %mul3A_135 = arith.constant 512 : i32
        %mul3A_136 = arith.muli %add3A, %mul3A_135 : i32
        %mul3A_137 = arith.constant 16 : i32
        %mul3A_138 = arith.muli %add3A_134, %mul3A_137 : i32
        %add3A_139 = arith.addi %mul3A_136, %mul3A_138 : i32
        %mul3A_140 = arith.constant 10 : i32
        %mul3A_141 = arith.muli %add3A_139, %mul3A_140 : i32
        %mul3A_142 = arith.constant 20 : i32
        %mul3A_143 = arith.muli %add3A_139, %mul3A_142 : i32
        %dma_wait3A_144 = tpu.memref_slice %arg2[%mul3A_141] : memref<163840xi32, #tpu.memory_space<hbm>> -> memref<160xi32, #tpu.memory_space<hbm>>
        %dma_wait3A_145 = tpu.memref_slice %arg2[%mul3A_141] : memref<163840xi32, #tpu.memory_space<hbm>> -> memref<160xi32, #tpu.memory_space<hbm>>
        tpu.wait_dma2 semaphore(%arg25 : memref<!tpu.dma_semaphore, #tpu.memory_space<semaphore_mem>>) src(%dma_wait3A_145 : memref<160xi32, #tpu.memory_space<hbm>>) dst(%arg8 : memref<160xi32, #tpu.memory_space<vmem>>)
        %dma_wait3A_146 = tpu.memref_slice %arg3[%add3A_139] : memref<16384xi32, #tpu.memory_space<hbm>> -> memref<16xi32, #tpu.memory_space<hbm>>
        %dma_wait3A_147 = tpu.memref_slice %arg3[%add3A_139] : memref<16384xi32, #tpu.memory_space<hbm>> -> memref<16xi32, #tpu.memory_space<hbm>>
        tpu.wait_dma2 semaphore(%arg25 : memref<!tpu.dma_semaphore, #tpu.memory_space<semaphore_mem>>) src(%dma_wait3A_147 : memref<16xi32, #tpu.memory_space<hbm>>) dst(%arg9 : memref<16xi32, #tpu.memory_space<vmem>>)
        %dma_wait3A_148 = tpu.memref_slice %arg4[%mul3A_143] : memref<327680xi32, #tpu.memory_space<hbm>> -> memref<320xi32, #tpu.memory_space<hbm>>
        %dma_wait3A_149 = tpu.memref_slice %arg4[%mul3A_143] : memref<327680xi32, #tpu.memory_space<hbm>> -> memref<320xi32, #tpu.memory_space<hbm>>
        tpu.wait_dma2 semaphore(%arg25 : memref<!tpu.dma_semaphore, #tpu.memory_space<semaphore_mem>>) src(%dma_wait3A_149 : memref<320xi32, #tpu.memory_space<hbm>>) dst(%arg10 : memref<320xi32, #tpu.memory_space<vmem>>)
        %dma_start3A_150 = arith.constant 0 : i32
        %dma_start3A_151 = arith.constant 0 : i32
        %dma_start3A_152 = tpu.memref_slice %arg5[%dma_start3A_150, %dma_start3A_151] : memref<1000000x64xf32, #tpu.memory_space<hbm>> -> memref<1000000x64xf32, #tpu.memory_space<hbm>>
        tpu.enqueue_indirect_dma source(%dma_start3A_152 : memref<1000000x64xf32, #tpu.memory_space<hbm>>) target(%arg11 : memref<160x64xf32, #tpu.memory_space<vmem>>) offsets(%arg8 : memref<160xi32, #tpu.memory_space<vmem>>) semaphore(%arg23 : memref<!tpu.dma_semaphore, #tpu.memory_space<semaphore_mem>>)
        %dma_start3A_153 = arith.constant 0 : i32
        %dma_start3A_154 = arith.constant 0 : i32
        %dma_start3A_155 = tpu.memref_slice %arg6[%dma_start3A_153, %dma_start3A_154] : memref<1000000x64xf32, #tpu.memory_space<hbm>> -> memref<1000000x64xf32, #tpu.memory_space<hbm>>
        tpu.enqueue_indirect_dma source(%dma_start3A_155 : memref<1000000x64xf32, #tpu.memory_space<hbm>>) target(%arg12 : memref<16x64xf32, #tpu.memory_space<vmem>>) offsets(%arg9 : memref<16xi32, #tpu.memory_space<vmem>>) semaphore(%arg23 : memref<!tpu.dma_semaphore, #tpu.memory_space<semaphore_mem>>)
        %dma_start3A_156 = arith.constant 0 : i32
        %dma_start3A_157 = arith.constant 0 : i32
        %dma_start3A_158 = tpu.memref_slice %arg6[%dma_start3A_156, %dma_start3A_157] : memref<1000000x64xf32, #tpu.memory_space<hbm>> -> memref<1000000x64xf32, #tpu.memory_space<hbm>>
        tpu.enqueue_indirect_dma source(%dma_start3A_158 : memref<1000000x64xf32, #tpu.memory_space<hbm>>) target(%arg13 : memref<320x64xf32, #tpu.memory_space<vmem>>) offsets(%arg10 : memref<320xi32, #tpu.memory_space<vmem>>) semaphore(%arg23 : memref<!tpu.dma_semaphore, #tpu.memory_space<semaphore_mem>>)
        %add3A_159 = arith.constant 3 : i32
        %add3A_160 = arith.addi %mul3A_57, %add3A_159 : i32
        %mul3A_161 = arith.constant 512 : i32
        %mul3A_162 = arith.muli %add3A, %mul3A_161 : i32
        %mul3A_163 = arith.constant 16 : i32
        %mul3A_164 = arith.muli %add3A_160, %mul3A_163 : i32
        %add3A_165 = arith.addi %mul3A_162, %mul3A_164 : i32
        %mul3A_166 = arith.constant 10 : i32
        %mul3A_167 = arith.muli %add3A_165, %mul3A_166 : i32
        %mul3A_168 = arith.constant 20 : i32
        %mul3A_169 = arith.muli %add3A_165, %mul3A_168 : i32
        %dma_start3A_170 = tpu.memref_slice %arg2[%mul3A_167] : memref<163840xi32, #tpu.memory_space<hbm>> -> memref<160xi32, #tpu.memory_space<hbm>>
        %dma_start3A_171 = tpu.memref_slice %arg2[%mul3A_167] : memref<163840xi32, #tpu.memory_space<hbm>> -> memref<160xi32, #tpu.memory_space<hbm>>
        tpu.enqueue_dma source(%dma_start3A_171 : memref<160xi32, #tpu.memory_space<hbm>>) target(%arg14 : memref<160xi32, #tpu.memory_space<vmem>>) target_semaphore(%arg26 : memref<!tpu.dma_semaphore, #tpu.memory_space<semaphore_mem>>)
        %dma_start3A_172 = tpu.memref_slice %arg3[%add3A_165] : memref<16384xi32, #tpu.memory_space<hbm>> -> memref<16xi32, #tpu.memory_space<hbm>>
        %dma_start3A_173 = tpu.memref_slice %arg3[%add3A_165] : memref<16384xi32, #tpu.memory_space<hbm>> -> memref<16xi32, #tpu.memory_space<hbm>>
        tpu.enqueue_dma source(%dma_start3A_173 : memref<16xi32, #tpu.memory_space<hbm>>) target(%arg15 : memref<16xi32, #tpu.memory_space<vmem>>) target_semaphore(%arg26 : memref<!tpu.dma_semaphore, #tpu.memory_space<semaphore_mem>>)
        %dma_start3A_174 = tpu.memref_slice %arg4[%mul3A_169] : memref<327680xi32, #tpu.memory_space<hbm>> -> memref<320xi32, #tpu.memory_space<hbm>>
        %dma_start3A_175 = tpu.memref_slice %arg4[%mul3A_169] : memref<327680xi32, #tpu.memory_space<hbm>> -> memref<320xi32, #tpu.memory_space<hbm>>
        tpu.enqueue_dma source(%dma_start3A_175 : memref<320xi32, #tpu.memory_space<hbm>>) target(%arg16 : memref<320xi32, #tpu.memory_space<vmem>>) target_semaphore(%arg26 : memref<!tpu.dma_semaphore, #tpu.memory_space<semaphore_mem>>)
      } else {
      }
      %add3A_120 = arith.constant 1 : i32
      %add3A_121 = arith.addi %mul3A_57, %add3A_120 : i32
      %scan3A_122 = arith.constant 0 : i32
      %scan3A_123 = arith.constant 0 : i32
      %scan3A_124 = arith.constant 8 : i32
      %scan3A_125 = arith.addi %scan3A_123, %scan3A_124 : i32
      %scan3A_126 = arith.constant 1 : i32
      scf.for %scan3A_133 = %scan3A_123 to %scan3A_125 step %scan3A_126  : i32 {
        %mul3A_134 = arith.constant 2 : i32
        %mul3A_135 = arith.muli %mul3A_134, %scan3A_133 : i32
        %mul3A_136 = arith.constant 10 : i32
        %mul3A_137 = arith.muli %mul3A_135, %mul3A_136 : i32
        %add3A_138 = arith.constant 0 : i32
        %add3A_139 = arith.addi %mul3A_137, %add3A_138 : i32
        %get3A = arith.index_cast %add3A_139 : i32 to index
        %get3A_140 = arith.constant 0 : index
        %get3A_141 = tpu.vector_load %arg17[%get3A, %get3A_140] {strides = array<i32>} : memref<160x64xf32, #tpu.memory_space<vmem>>, vector<16xf32>,
        %mul3A_142 = arith.constant 10 : i32
        %mul3A_143 = arith.muli %mul3A_135, %mul3A_142 : i32
        %add3A_144 = arith.constant 1 : i32
        %add3A_145 = arith.addi %mul3A_143, %add3A_144 : i32
        %get3A_146 = arith.index_cast %add3A_145 : i32 to index
        %get3A_147 = arith.constant 0 : index
        %get3A_148 = tpu.vector_load %arg17[%get3A_146, %get3A_147] {strides = array<i32>} : memref<160x64xf32, #tpu.memory_space<vmem>>, vector<16xf32>,
        %mul3A_149 = arith.constant 10 : i32
        %mul3A_150 = arith.muli %mul3A_135, %mul3A_149 : i32
        %add3A_151 = arith.constant 2 : i32
        %add3A_152 = arith.addi %mul3A_150, %add3A_151 : i32
        %get3A_153 = arith.index_cast %add3A_152 : i32 to index
        %get3A_154 = arith.constant 0 : index
        %get3A_155 = tpu.vector_load %arg17[%get3A_153, %get3A_154] {strides = array<i32>} : memref<160x64xf32, #tpu.memory_space<vmem>>, vector<16xf32>,
        %mul3A_156 = arith.constant 10 : i32
        %mul3A_157 = arith.muli %mul3A_135, %mul3A_156 : i32
        %add3A_158 = arith.constant 3 : i32
        %add3A_159 = arith.addi %mul3A_157, %add3A_158 : i32
        %get3A_160 = arith.index_cast %add3A_159 : i32 to index
        %get3A_161 = arith.constant 0 : index
        %get3A_162 = tpu.vector_load %arg17[%get3A_160, %get3A_161] {strides = array<i32>} : memref<160x64xf32, #tpu.memory_space<vmem>>, vector<16xf32>,
        %mul3A_163 = arith.constant 10 : i32
        %mul3A_164 = arith.muli %mul3A_135, %mul3A_163 : i32
        %add3A_165 = arith.constant 4 : i32
        %add3A_166 = arith.addi %mul3A_164, %add3A_165 : i32
        %get3A_167 = arith.index_cast %add3A_166 : i32 to index
        %get3A_168 = arith.constant 0 : index
        %get3A_169 = tpu.vector_load %arg17[%get3A_167, %get3A_168] {strides = array<i32>} : memref<160x64xf32, #tpu.memory_space<vmem>>, vector<16xf32>,
        %mul3A_170 = arith.constant 10 : i32
        %mul3A_171 = arith.muli %mul3A_135, %mul3A_170 : i32
        %add3A_172 = arith.constant 5 : i32
        %add3A_173 = arith.addi %mul3A_171, %add3A_172 : i32
        %get3A_174 = arith.index_cast %add3A_173 : i32 to index
        %get3A_175 = arith.constant 0 : index
        %get3A_176 = tpu.vector_load %arg17[%get3A_174, %get3A_175] {strides = array<i32>} : memref<160x64xf32, #tpu.memory_space<vmem>>, vector<16xf32>,
        %mul3A_177 = arith.constant 10 : i32
        %mul3A_178 = arith.muli %mul3A_135, %mul3A_177 : i32
        %add3A_179 = arith.constant 6 : i32
        %add3A_180 = arith.addi %mul3A_178, %add3A_179 : i32
        %get3A_181 = arith.index_cast %add3A_180 : i32 to index
        %get3A_182 = arith.constant 0 : index
        %get3A_183 = tpu.vector_load %arg17[%get3A_181, %get3A_182] {strides = array<i32>} : memref<160x64xf32, #tpu.memory_space<vmem>>, vector<16xf32>,
        %mul3A_184 = arith.constant 10 : i32
        %mul3A_185 = arith.muli %mul3A_135, %mul3A_184 : i32
        %add3A_186 = arith.constant 7 : i32
        %add3A_187 = arith.addi %mul3A_185, %add3A_186 : i32
        %get3A_188 = arith.index_cast %add3A_187 : i32 to index
        %get3A_189 = arith.constant 0 : index
        %get3A_190 = tpu.vector_load %arg17[%get3A_188, %get3A_189] {strides = array<i32>} : memref<160x64xf32, #tpu.memory_space<vmem>>, vector<16xf32>,
        %mul3A_191 = arith.constant 10 : i32
        %mul3A_192 = arith.muli %mul3A_135, %mul3A_191 : i32
        %add3A_193 = arith.constant 8 : i32
        %add3A_194 = arith.addi %mul3A_192, %add3A_193 : i32
        %get3A_195 = arith.index_cast %add3A_194 : i32 to index
        %get3A_196 = arith.constant 0 : index
        %get3A_197 = tpu.vector_load %arg17[%get3A_195, %get3A_196] {strides = array<i32>} : memref<160x64xf32, #tpu.memory_space<vmem>>, vector<16xf32>,
        %mul3A_198 = arith.constant 10 : i32
        %mul3A_199 = arith.muli %mul3A_135, %mul3A_198 : i32
        %add3A_200 = arith.constant 9 : i32
        %add3A_201 = arith.addi %mul3A_199, %add3A_200 : i32
        %get3A_202 = arith.index_cast %add3A_201 : i32 to index
        %get3A_203 = arith.constant 0 : index
        %get3A_204 = tpu.vector_load %arg17[%get3A_202, %get3A_203] {strides = array<i32>} : memref<160x64xf32, #tpu.memory_space<vmem>>, vector<16xf32>,
        %add3A_205 = arith.addf %get3A_141, %get3A_148 : vector<16xf32>
        %add3A_206 = arith.addf %get3A_155, %get3A_162 : vector<16xf32>
        %add3A_207 = arith.addf %get3A_169, %get3A_176 : vector<16xf32>
        %add3A_208 = arith.addf %get3A_183, %get3A_190 : vector<16xf32>
        %add3A_209 = arith.addf %get3A_197, %get3A_204 : vector<16xf32>
        %add3A_210 = arith.addf %add3A_205, %add3A_206 : vector<16xf32>
        %add3A_211 = arith.addf %add3A_207, %add3A_208 : vector<16xf32>
        %add3A_212 = arith.addf %add3A_210, %add3A_211 : vector<16xf32>
        %add3A_213 = arith.addf %add3A_212, %add3A_209 : vector<16xf32>
        %mul3A_214 = arith.constant 10 : i32
        %mul3A_215 = arith.muli %mul3A_135, %mul3A_214 : i32
        %add3A_216 = arith.constant 0 : i32
        %add3A_217 = arith.addi %mul3A_215, %add3A_216 : i32
        %get3A_218 = arith.index_cast %add3A_217 : i32 to index
        %get3A_219 = arith.constant 16 : index
        %get3A_220 = tpu.vector_load %arg17[%get3A_218, %get3A_219] {strides = array<i32>} : memref<160x64xf32, #tpu.memory_space<vmem>>, vector<16xf32>,
        %mul3A_221 = arith.constant 10 : i32
        %mul3A_222 = arith.muli %mul3A_135, %mul3A_221 : i32
        %add3A_223 = arith.constant 1 : i32
        %add3A_224 = arith.addi %mul3A_222, %add3A_223 : i32
        %get3A_225 = arith.index_cast %add3A_224 : i32 to index
        %get3A_226 = arith.constant 16 : index
        %get3A_227 = tpu.vector_load %arg17[%get3A_225, %get3A_226] {strides = array<i32>} : memref<160x64xf32, #tpu.memory_space<vmem>>, vector<16xf32>,
        %mul3A_228 = arith.constant 10 : i32
        %mul3A_229 = arith.muli %mul3A_135, %mul3A_228 : i32
        %add3A_230 = arith.constant 2 : i32
        %add3A_231 = arith.addi %mul3A_229, %add3A_230 : i32
        %get3A_232 = arith.index_cast %add3A_231 : i32 to index
        %get3A_233 = arith.constant 16 : index
        %get3A_234 = tpu.vector_load %arg17[%get3A_232, %get3A_233] {strides = array<i32>} : memref<160x64xf32, #tpu.memory_space<vmem>>, vector<16xf32>,
        %mul3A_235 = arith.constant 10 : i32
        %mul3A_236 = arith.muli %mul3A_135, %mul3A_235 : i32
        %add3A_237 = arith.constant 3 : i32
        %add3A_238 = arith.addi %mul3A_236, %add3A_237 : i32
        %get3A_239 = arith.index_cast %add3A_238 : i32 to index
        %get3A_240 = arith.constant 16 : index
        %get3A_241 = tpu.vector_load %arg17[%get3A_239, %get3A_240] {strides = array<i32>} : memref<160x64xf32, #tpu.memory_space<vmem>>, vector<16xf32>,
        %mul3A_242 = arith.constant 10 : i32
        %mul3A_243 = arith.muli %mul3A_135, %mul3A_242 : i32
        %add3A_244 = arith.constant 4 : i32
        %add3A_245 = arith.addi %mul3A_243, %add3A_244 : i32
        %get3A_246 = arith.index_cast %add3A_245 : i32 to index
        %get3A_247 = arith.constant 16 : index
        %get3A_248 = tpu.vector_load %arg17[%get3A_246, %get3A_247] {strides = array<i32>} : memref<160x64xf32, #tpu.memory_space<vmem>>, vector<16xf32>,
        %mul3A_249 = arith.constant 10 : i32
        %mul3A_250 = arith.muli %mul3A_135, %mul3A_249 : i32
        %add3A_251 = arith.constant 5 : i32
        %add3A_252 = arith.addi %mul3A_250, %add3A_251 : i32
        %get3A_253 = arith.index_cast %add3A_252 : i32 to index
        %get3A_254 = arith.constant 16 : index
        %get3A_255 = tpu.vector_load %arg17[%get3A_253, %get3A_254] {strides = array<i32>} : memref<160x64xf32, #tpu.memory_space<vmem>>, vector<16xf32>,
        %mul3A_256 = arith.constant 10 : i32
        %mul3A_257 = arith.muli %mul3A_135, %mul3A_256 : i32
        %add3A_258 = arith.constant 6 : i32
        %add3A_259 = arith.addi %mul3A_257, %add3A_258 : i32
        %get3A_260 = arith.index_cast %add3A_259 : i32 to index
        %get3A_261 = arith.constant 16 : index
        %get3A_262 = tpu.vector_load %arg17[%get3A_260, %get3A_261] {strides = array<i32>} : memref<160x64xf32, #tpu.memory_space<vmem>>, vector<16xf32>,
        %mul3A_263 = arith.constant 10 : i32
        %mul3A_264 = arith.muli %mul3A_135, %mul3A_263 : i32
        %add3A_265 = arith.constant 7 : i32
        %add3A_266 = arith.addi %mul3A_264, %add3A_265 : i32
        %get3A_267 = arith.index_cast %add3A_266 : i32 to index
        %get3A_268 = arith.constant 16 : index
        %get3A_269 = tpu.vector_load %arg17[%get3A_267, %get3A_268] {strides = array<i32>} : memref<160x64xf32, #tpu.memory_space<vmem>>, vector<16xf32>,
        %mul3A_270 = arith.constant 10 : i32
        %mul3A_271 = arith.muli %mul3A_135, %mul3A_270 : i32
        %add3A_272 = arith.constant 8 : i32
        %add3A_273 = arith.addi %mul3A_271, %add3A_272 : i32
        %get3A_274 = arith.index_cast %add3A_273 : i32 to index
        %get3A_275 = arith.constant 16 : index
        %get3A_276 = tpu.vector_load %arg17[%get3A_274, %get3A_275] {strides = array<i32>} : memref<160x64xf32, #tpu.memory_space<vmem>>, vector<16xf32>,
        %mul3A_277 = arith.constant 10 : i32
        %mul3A_278 = arith.muli %mul3A_135, %mul3A_277 : i32
        %add3A_279 = arith.constant 9 : i32
        %add3A_280 = arith.addi %mul3A_278, %add3A_279 : i32
        %get3A_281 = arith.index_cast %add3A_280 : i32 to index
        %get3A_282 = arith.constant 16 : index
        %get3A_283 = tpu.vector_load %arg17[%get3A_281, %get3A_282] {strides = array<i32>} : memref<160x64xf32, #tpu.memory_space<vmem>>, vector<16xf32>,
        %add3A_284 = arith.addf %get3A_220, %get3A_227 : vector<16xf32>
        %add3A_285 = arith.addf %get3A_234, %get3A_241 : vector<16xf32>
        %add3A_286 = arith.addf %get3A_248, %get3A_255 : vector<16xf32>
        %add3A_287 = arith.addf %get3A_262, %get3A_269 : vector<16xf32>
        %add3A_288 = arith.addf %get3A_276, %get3A_283 : vector<16xf32>
        %add3A_289 = arith.addf %add3A_284, %add3A_285 : vector<16xf32>
        %add3A_290 = arith.addf %add3A_286, %add3A_287 : vector<16xf32>
        %add3A_291 = arith.addf %add3A_289, %add3A_290 : vector<16xf32>
        %add3A_292 = arith.addf %add3A_291, %add3A_288 : vector<16xf32>
        %mul3A_293 = arith.constant 10 : i32
        %mul3A_294 = arith.muli %mul3A_135, %mul3A_293 : i32
        %add3A_295 = arith.constant 0 : i32
        %add3A_296 = arith.addi %mul3A_294, %add3A_295 : i32
        %get3A_297 = arith.index_cast %add3A_296 : i32 to index
        %get3A_298 = arith.constant 32 : index
        %get3A_299 = tpu.vector_load %arg17[%get3A_297, %get3A_298] {strides = array<i32>} : memref<160x64xf32, #tpu.memory_space<vmem>>, vector<16xf32>,
        %mul3A_300 = arith.constant 10 : i32
        %mul3A_301 = arith.muli %mul3A_135, %mul3A_300 : i32
        %add3A_302 = arith.constant 1 : i32
        %add3A_303 = arith.addi %mul3A_301, %add3A_302 : i32
        %get3A_304 = arith.index_cast %add3A_303 : i32 to index
        %get3A_305 = arith.constant 32 : index
        %get3A_306 = tpu.vector_load %arg17[%get3A_304, %get3A_305] {strides = array<i32>} : memref<160x64xf32, #tpu.memory_space<vmem>>, vector<16xf32>,
        %mul3A_307 = arith.constant 10 : i32
        %mul3A_308 = arith.muli %mul3A_135, %mul3A_307 : i32
        %add3A_309 = arith.constant 2 : i32
        %add3A_310 = arith.addi %mul3A_308, %add3A_309 : i32
        %get3A_311 = arith.index_cast %add3A_310 : i32 to index
        %get3A_312 = arith.constant 32 : index
        %get3A_313 = tpu.vector_load %arg17[%get3A_311, %get3A_312] {strides = array<i32>} : memref<160x64xf32, #tpu.memory_space<vmem>>, vector<16xf32>,
        %mul3A_314 = arith.constant 10 : i32
        %mul3A_315 = arith.muli %mul3A_135, %mul3A_314 : i32
        %add3A_316 = arith.constant 3 : i32
        %add3A_317 = arith.addi %mul3A_315, %add3A_316 : i32
        %get3A_318 = arith.index_cast %add3A_317 : i32 to index
        %get3A_319 = arith.constant 32 : index
        %get3A_320 = tpu.vector_load %arg17[%get3A_318, %get3A_319] {strides = array<i32>} : memref<160x64xf32, #tpu.memory_space<vmem>>, vector<16xf32>,
        %mul3A_321 = arith.constant 10 : i32
        %mul3A_322 = arith.muli %mul3A_135, %mul3A_321 : i32
        %add3A_323 = arith.constant 4 : i32
        %add3A_324 = arith.addi %mul3A_322, %add3A_323 : i32
        %get3A_325 = arith.index_cast %add3A_324 : i32 to index
        %get3A_326 = arith.constant 32 : index
        %get3A_327 = tpu.vector_load %arg17[%get3A_325, %get3A_326] {strides = array<i32>} : memref<160x64xf32, #tpu.memory_space<vmem>>, vector<16xf32>,
        %mul3A_328 = arith.constant 10 : i32
        %mul3A_329 = arith.muli %mul3A_135, %mul3A_328 : i32
        %add3A_330 = arith.constant 5 : i32
        %add3A_331 = arith.addi %mul3A_329, %add3A_330 : i32
        %get3A_332 = arith.index_cast %add3A_331 : i32 to index
        %get3A_333 = arith.constant 32 : index
        %get3A_334 = tpu.vector_load %arg17[%get3A_332, %get3A_333] {strides = array<i32>} : memref<160x64xf32, #tpu.memory_space<vmem>>, vector<16xf32>,
        %mul3A_335 = arith.constant 10 : i32
        %mul3A_336 = arith.muli %mul3A_135, %mul3A_335 : i32
        %add3A_337 = arith.constant 6 : i32
        %add3A_338 = arith.addi %mul3A_336, %add3A_337 : i32
        %get3A_339 = arith.index_cast %add3A_338 : i32 to index
        %get3A_340 = arith.constant 32 : index
        %get3A_341 = tpu.vector_load %arg17[%get3A_339, %get3A_340] {strides = array<i32>} : memref<160x64xf32, #tpu.memory_space<vmem>>, vector<16xf32>,
        %mul3A_342 = arith.constant 10 : i32
        %mul3A_343 = arith.muli %mul3A_135, %mul3A_342 : i32
        %add3A_344 = arith.constant 7 : i32
        %add3A_345 = arith.addi %mul3A_343, %add3A_344 : i32
        %get3A_346 = arith.index_cast %add3A_345 : i32 to index
        %get3A_347 = arith.constant 32 : index
        %get3A_348 = tpu.vector_load %arg17[%get3A_346, %get3A_347] {strides = array<i32>} : memref<160x64xf32, #tpu.memory_space<vmem>>, vector<16xf32>,
        %mul3A_349 = arith.constant 10 : i32
        %mul3A_350 = arith.muli %mul3A_135, %mul3A_349 : i32
        %add3A_351 = arith.constant 8 : i32
        %add3A_352 = arith.addi %mul3A_350, %add3A_351 : i32
        %get3A_353 = arith.index_cast %add3A_352 : i32 to index
        %get3A_354 = arith.constant 32 : index
        %get3A_355 = tpu.vector_load %arg17[%get3A_353, %get3A_354] {strides = array<i32>} : memref<160x64xf32, #tpu.memory_space<vmem>>, vector<16xf32>,
        %mul3A_356 = arith.constant 10 : i32
        %mul3A_357 = arith.muli %mul3A_135, %mul3A_356 : i32
        %add3A_358 = arith.constant 9 : i32
        %add3A_359 = arith.addi %mul3A_357, %add3A_358 : i32
        %get3A_360 = arith.index_cast %add3A_359 : i32 to index
        %get3A_361 = arith.constant 32 : index
        %get3A_362 = tpu.vector_load %arg17[%get3A_360, %get3A_361] {strides = array<i32>} : memref<160x64xf32, #tpu.memory_space<vmem>>, vector<16xf32>,
        %add3A_363 = arith.addf %get3A_299, %get3A_306 : vector<16xf32>
        %add3A_364 = arith.addf %get3A_313, %get3A_320 : vector<16xf32>
        %add3A_365 = arith.addf %get3A_327, %get3A_334 : vector<16xf32>
        %add3A_366 = arith.addf %get3A_341, %get3A_348 : vector<16xf32>
        %add3A_367 = arith.addf %get3A_355, %get3A_362 : vector<16xf32>
        %add3A_368 = arith.addf %add3A_363, %add3A_364 : vector<16xf32>
        %add3A_369 = arith.addf %add3A_365, %add3A_366 : vector<16xf32>
        %add3A_370 = arith.addf %add3A_368, %add3A_369 : vector<16xf32>
        %add3A_371 = arith.addf %add3A_370, %add3A_367 : vector<16xf32>
        %mul3A_372 = arith.constant 10 : i32
        %mul3A_373 = arith.muli %mul3A_135, %mul3A_372 : i32
        %add3A_374 = arith.constant 0 : i32
        %add3A_375 = arith.addi %mul3A_373, %add3A_374 : i32
        %get3A_376 = arith.index_cast %add3A_375 : i32 to index
        %get3A_377 = arith.constant 48 : index
        %get3A_378 = tpu.vector_load %arg17[%get3A_376, %get3A_377] {strides = array<i32>} : memref<160x64xf32, #tpu.memory_space<vmem>>, vector<16xf32>,
        %mul3A_379 = arith.constant 10 : i32
        %mul3A_380 = arith.muli %mul3A_135, %mul3A_379 : i32
        %add3A_381 = arith.constant 1 : i32
        %add3A_382 = arith.addi %mul3A_380, %add3A_381 : i32
        %get3A_383 = arith.index_cast %add3A_382 : i32 to index
        %get3A_384 = arith.constant 48 : index
        %get3A_385 = tpu.vector_load %arg17[%get3A_383, %get3A_384] {strides = array<i32>} : memref<160x64xf32, #tpu.memory_space<vmem>>, vector<16xf32>,
        %mul3A_386 = arith.constant 10 : i32
        %mul3A_387 = arith.muli %mul3A_135, %mul3A_386 : i32
        %add3A_388 = arith.constant 2 : i32
        %add3A_389 = arith.addi %mul3A_387, %add3A_388 : i32
        %get3A_390 = arith.index_cast %add3A_389 : i32 to index
        %get3A_391 = arith.constant 48 : index
        %get3A_392 = tpu.vector_load %arg17[%get3A_390, %get3A_391] {strides = array<i32>} : memref<160x64xf32, #tpu.memory_space<vmem>>, vector<16xf32>,
        %mul3A_393 = arith.constant 10 : i32
        %mul3A_394 = arith.muli %mul3A_135, %mul3A_393 : i32
        %add3A_395 = arith.constant 3 : i32
        %add3A_396 = arith.addi %mul3A_394, %add3A_395 : i32
        %get3A_397 = arith.index_cast %add3A_396 : i32 to index
        %get3A_398 = arith.constant 48 : index
        %get3A_399 = tpu.vector_load %arg17[%get3A_397, %get3A_398] {strides = array<i32>} : memref<160x64xf32, #tpu.memory_space<vmem>>, vector<16xf32>,
        %mul3A_400 = arith.constant 10 : i32
        %mul3A_401 = arith.muli %mul3A_135, %mul3A_400 : i32
        %add3A_402 = arith.constant 4 : i32
        %add3A_403 = arith.addi %mul3A_401, %add3A_402 : i32
        %get3A_404 = arith.index_cast %add3A_403 : i32 to index
        %get3A_405 = arith.constant 48 : index
        %get3A_406 = tpu.vector_load %arg17[%get3A_404, %get3A_405] {strides = array<i32>} : memref<160x64xf32, #tpu.memory_space<vmem>>, vector<16xf32>,
        %mul3A_407 = arith.constant 10 : i32
        %mul3A_408 = arith.muli %mul3A_135, %mul3A_407 : i32
        %add3A_409 = arith.constant 5 : i32
        %add3A_410 = arith.addi %mul3A_408, %add3A_409 : i32
        %get3A_411 = arith.index_cast %add3A_410 : i32 to index
        %get3A_412 = arith.constant 48 : index
        %get3A_413 = tpu.vector_load %arg17[%get3A_411, %get3A_412] {strides = array<i32>} : memref<160x64xf32, #tpu.memory_space<vmem>>, vector<16xf32>,
        %mul3A_414 = arith.constant 10 : i32
        %mul3A_415 = arith.muli %mul3A_135, %mul3A_414 : i32
        %add3A_416 = arith.constant 6 : i32
        %add3A_417 = arith.addi %mul3A_415, %add3A_416 : i32
        %get3A_418 = arith.index_cast %add3A_417 : i32 to index
        %get3A_419 = arith.constant 48 : index
        %get3A_420 = tpu.vector_load %arg17[%get3A_418, %get3A_419] {strides = array<i32>} : memref<160x64xf32, #tpu.memory_space<vmem>>, vector<16xf32>,
        %mul3A_421 = arith.constant 10 : i32
        %mul3A_422 = arith.muli %mul3A_135, %mul3A_421 : i32
        %add3A_423 = arith.constant 7 : i32
        %add3A_424 = arith.addi %mul3A_422, %add3A_423 : i32
        %get3A_425 = arith.index_cast %add3A_424 : i32 to index
        %get3A_426 = arith.constant 48 : index
        %get3A_427 = tpu.vector_load %arg17[%get3A_425, %get3A_426] {strides = array<i32>} : memref<160x64xf32, #tpu.memory_space<vmem>>, vector<16xf32>,
        %mul3A_428 = arith.constant 10 : i32
        %mul3A_429 = arith.muli %mul3A_135, %mul3A_428 : i32
        %add3A_430 = arith.constant 8 : i32
        %add3A_431 = arith.addi %mul3A_429, %add3A_430 : i32
        %get3A_432 = arith.index_cast %add3A_431 : i32 to index
        %get3A_433 = arith.constant 48 : index
        %get3A_434 = tpu.vector_load %arg17[%get3A_432, %get3A_433] {strides = array<i32>} : memref<160x64xf32, #tpu.memory_space<vmem>>, vector<16xf32>,
        %mul3A_435 = arith.constant 10 : i32
        %mul3A_436 = arith.muli %mul3A_135, %mul3A_435 : i32
        %add3A_437 = arith.constant 9 : i32
        %add3A_438 = arith.addi %mul3A_436, %add3A_437 : i32
        %get3A_439 = arith.index_cast %add3A_438 : i32 to index
        %get3A_440 = arith.constant 48 : index
        %get3A_441 = tpu.vector_load %arg17[%get3A_439, %get3A_440] {strides = array<i32>} : memref<160x64xf32, #tpu.memory_space<vmem>>, vector<16xf32>,
        %add3A_442 = arith.addf %get3A_378, %get3A_385 : vector<16xf32>
        %add3A_443 = arith.addf %get3A_392, %get3A_399 : vector<16xf32>
        %add3A_444 = arith.addf %get3A_406, %get3A_413 : vector<16xf32>
        %add3A_445 = arith.addf %get3A_420, %get3A_427 : vector<16xf32>
        %add3A_446 = arith.addf %get3A_434, %get3A_441 : vector<16xf32>
        %add3A_447 = arith.addf %add3A_442, %add3A_443 : vector<16xf32>
        %add3A_448 = arith.addf %add3A_444, %add3A_445 : vector<16xf32>
        %add3A_449 = arith.addf %add3A_447, %add3A_448 : vector<16xf32>
        %add3A_450 = arith.addf %add3A_449, %add3A_446 : vector<16xf32>
        %get3A_451 = arith.index_cast %mul3A_135 : i32 to index
        %get3A_452 = arith.constant 0 : index
        %get3A_453 = tpu.vector_load %arg18[%get3A_451, %get3A_452] {strides = array<i32>} : memref<16x64xf32, #tpu.memory_space<vmem>>, vector<16xf32>,
        %mul3A_454 = arith.mulf %add3A_213, %get3A_453 : vector<16xf32>
        %get3A_455 = arith.index_cast %mul3A_135 : i32 to index
        %get3A_456 = arith.constant 16 : index
        %get3A_457 = tpu.vector_load %arg18[%get3A_455, %get3A_456] {strides = array<i32>} : memref<16x64xf32, #tpu.memory_space<vmem>>, vector<16xf32>,
        %mul3A_458 = arith.mulf %add3A_292, %get3A_457 : vector<16xf32>
        %get3A_459 = arith.index_cast %mul3A_135 : i32 to index
        %get3A_460 = arith.constant 32 : index
        %get3A_461 = tpu.vector_load %arg18[%get3A_459, %get3A_460] {strides = array<i32>} : memref<16x64xf32, #tpu.memory_space<vmem>>, vector<16xf32>,
        %mul3A_462 = arith.mulf %add3A_371, %get3A_461 : vector<16xf32>
        %get3A_463 = arith.index_cast %mul3A_135 : i32 to index
        %get3A_464 = arith.constant 48 : index
        %get3A_465 = tpu.vector_load %arg18[%get3A_463, %get3A_464] {strides = array<i32>} : memref<16x64xf32, #tpu.memory_space<vmem>>, vector<16xf32>,
        %mul3A_466 = arith.mulf %add3A_450, %get3A_465 : vector<16xf32>
        %mul3A_467 = arith.constant 32 : i32
        %mul3A_468 = vector.broadcast %mul3A_467 : i32 to vector<16xi32>
        %mul3A_469 = arith.muli %iota3A, %mul3A_468 : vector<16xi32>
        %add3A_470 = arith.constant 0 : i32
        %add3A_471 = vector.broadcast %add3A_470 : i32 to vector<16xi32>
        %add3A_472 = arith.addi %mul3A_469, %add3A_471 : vector<16xi32>
        %add3A_473 = arith.addf %mul3A_454, %mul3A_458 : vector<16xf32>
        %add3A_474 = arith.addf %mul3A_462, %mul3A_466 : vector<16xf32>
        %add3A_475 = arith.addf %add3A_473, %add3A_474 : vector<16xf32>
        tpu.vector_store_idx %arg20[%add3A_472], %add3A_475 : memref<512xf32, #tpu.memory_space<vmem>>[vector<16xi32>], vector<16xf32>,
        %mul3A_476 = arith.constant 20 : i32
        %mul3A_477 = arith.muli %mul3A_135, %mul3A_476 : i32
        %add3A_478 = arith.constant 0 : i32
        %add3A_479 = arith.addi %mul3A_477, %add3A_478 : i32
        %get3A_480 = arith.index_cast %add3A_479 : i32 to index
        %get3A_481 = arith.constant 0 : index
        %get3A_482 = tpu.vector_load %arg19[%get3A_480, %get3A_481] {strides = array<i32>} : memref<320x64xf32, #tpu.memory_space<vmem>>, vector<16xf32>,
        %mul3A_483 = arith.mulf %add3A_213, %get3A_482 : vector<16xf32>
        %get3A_484 = arith.index_cast %add3A_479 : i32 to index
        %get3A_485 = arith.constant 16 : index
        %get3A_486 = tpu.vector_load %arg19[%get3A_484, %get3A_485] {strides = array<i32>} : memref<320x64xf32, #tpu.memory_space<vmem>>, vector<16xf32>,
        %mul3A_487 = arith.mulf %add3A_292, %get3A_486 : vector<16xf32>
        %get3A_488 = arith.index_cast %add3A_479 : i32 to index
        %get3A_489 = arith.constant 32 : index
        %get3A_490 = tpu.vector_load %arg19[%get3A_488, %get3A_489] {strides = array<i32>} : memref<320x64xf32, #tpu.memory_space<vmem>>, vector<16xf32>,
        %mul3A_491 = arith.mulf %add3A_371, %get3A_490 : vector<16xf32>
        %get3A_492 = arith.index_cast %add3A_479 : i32 to index
        %get3A_493 = arith.constant 48 : index
        %get3A_494 = tpu.vector_load %arg19[%get3A_492, %get3A_493] {strides = array<i32>} : memref<320x64xf32, #tpu.memory_space<vmem>>, vector<16xf32>,
        %mul3A_495 = arith.mulf %add3A_450, %get3A_494 : vector<16xf32>
        %mul3A_496 = arith.constant 32 : i32
        %mul3A_497 = vector.broadcast %mul3A_496 : i32 to vector<16xi32>
        %mul3A_498 = arith.muli %iota3A, %mul3A_497 : vector<16xi32>
        %add3A_499 = arith.constant 1 : i32
        %add3A_500 = vector.broadcast %add3A_499 : i32 to vector<16xi32>
        %add3A_501 = arith.addi %mul3A_498, %add3A_500 : vector<16xi32>
        %add3A_502 = arith.addf %mul3A_483, %mul3A_487 : vector<16xf32>
        %add3A_503 = arith.addf %mul3A_491, %mul3A_495 : vector<16xf32>
        %add3A_504 = arith.addf %add3A_502, %add3A_503 : vector<16xf32>
        tpu.vector_store_idx %arg20[%add3A_501], %add3A_504 : memref<512xf32, #tpu.memory_space<vmem>>[vector<16xi32>], vector<16xf32>,
        %mul3A_505 = arith.constant 20 : i32
        %mul3A_506 = arith.muli %mul3A_135, %mul3A_505 : i32
        %add3A_507 = arith.constant 1 : i32
        %add3A_508 = arith.addi %mul3A_506, %add3A_507 : i32
        %get3A_509 = arith.index_cast %add3A_508 : i32 to index
        %get3A_510 = arith.constant 0 : index
        %get3A_511 = tpu.vector_load %arg19[%get3A_509, %get3A_510] {strides = array<i32>} : memref<320x64xf32, #tpu.memory_space<vmem>>, vector<16xf32>,
        %mul3A_512 = arith.mulf %add3A_213, %get3A_511 : vector<16xf32>
        %get3A_513 = arith.index_cast %add3A_508 : i32 to index
        %get3A_514 = arith.constant 16 : index
        %get3A_515 = tpu.vector_load %arg19[%get3A_513, %get3A_514] {strides = array<i32>} : memref<320x64xf32, #tpu.memory_space<vmem>>, vector<16xf32>,
        %mul3A_516 = arith.mulf %add3A_292, %get3A_515 : vector<16xf32>
        %get3A_517 = arith.index_cast %add3A_508 : i32 to index
        %get3A_518 = arith.constant 32 : index
        %get3A_519 = tpu.vector_load %arg19[%get3A_517, %get3A_518] {strides = array<i32>} : memref<320x64xf32, #tpu.memory_space<vmem>>, vector<16xf32>,
        %mul3A_520 = arith.mulf %add3A_371, %get3A_519 : vector<16xf32>
        %get3A_521 = arith.index_cast %add3A_508 : i32 to index
        %get3A_522 = arith.constant 48 : index
        %get3A_523 = tpu.vector_load %arg19[%get3A_521, %get3A_522] {strides = array<i32>} : memref<320x64xf32, #tpu.memory_space<vmem>>, vector<16xf32>,
        %mul3A_524 = arith.mulf %add3A_450, %get3A_523 : vector<16xf32>
        %mul3A_525 = arith.constant 32 : i32
        %mul3A_526 = vector.broadcast %mul3A_525 : i32 to vector<16xi32>
        %mul3A_527 = arith.muli %iota3A, %mul3A_526 : vector<16xi32>
        %add3A_528 = arith.constant 2 : i32
        %add3A_529 = vector.broadcast %add3A_528 : i32 to vector<16xi32>
        %add3A_530 = arith.addi %mul3A_527, %add3A_529 : vector<16xi32>
        %add3A_531 = arith.addf %mul3A_512, %mul3A_516 : vector<16xf32>
        %add3A_532 = arith.addf %mul3A_520, %mul3A_524 : vector<16xf32>
        %add3A_533 = arith.addf %add3A_531, %add3A_532 : vector<16xf32>
        tpu.vector_store_idx %arg20[%add3A_530], %add3A_533 : memref<512xf32, #tpu.memory_space<vmem>>[vector<16xi32>], vector<16xf32>,
        %mul3A_534 = arith.constant 20 : i32
        %mul3A_535 = arith.muli %mul3A_135, %mul3A_534 : i32
        %add3A_536 = arith.constant 2 : i32
        %add3A_537 = arith.addi %mul3A_535, %add3A_536 : i32
        %get3A_538 = arith.index_cast %add3A_537 : i32 to index
        %get3A_539 = arith.constant 0 : index
        %get3A_540 = tpu.vector_load %arg19[%get3A_538, %get3A_539] {strides = array<i32>} : memref<320x64xf32, #tpu.memory_space<vmem>>, vector<16xf32>,
        %mul3A_541 = arith.mulf %add3A_213, %get3A_540 : vector<16xf32>
        %get3A_542 = arith.index_cast %add3A_537 : i32 to index
        %get3A_543 = arith.constant 16 : index
        %get3A_544 = tpu.vector_load %arg19[%get3A_542, %get3A_543] {strides = array<i32>} : memref<320x64xf32, #tpu.memory_space<vmem>>, vector<16xf32>,
        %mul3A_545 = arith.mulf %add3A_292, %get3A_544 : vector<16xf32>
        %get3A_546 = arith.index_cast %add3A_537 : i32 to index
        %get3A_547 = arith.constant 32 : index
        %get3A_548 = tpu.vector_load %arg19[%get3A_546, %get3A_547] {strides = array<i32>} : memref<320x64xf32, #tpu.memory_space<vmem>>, vector<16xf32>,
        %mul3A_549 = arith.mulf %add3A_371, %get3A_548 : vector<16xf32>
        %get3A_550 = arith.index_cast %add3A_537 : i32 to index
        %get3A_551 = arith.constant 48 : index
        %get3A_552 = tpu.vector_load %arg19[%get3A_550, %get3A_551] {strides = array<i32>} : memref<320x64xf32, #tpu.memory_space<vmem>>, vector<16xf32>,
        %mul3A_553 = arith.mulf %add3A_450, %get3A_552 : vector<16xf32>
        %mul3A_554 = arith.constant 32 : i32
        %mul3A_555 = vector.broadcast %mul3A_554 : i32 to vector<16xi32>
        %mul3A_556 = arith.muli %iota3A, %mul3A_555 : vector<16xi32>
        %add3A_557 = arith.constant 3 : i32
        %add3A_558 = vector.broadcast %add3A_557 : i32 to vector<16xi32>
        %add3A_559 = arith.addi %mul3A_556, %add3A_558 : vector<16xi32>
        %add3A_560 = arith.addf %mul3A_541, %mul3A_545 : vector<16xf32>
        %add3A_561 = arith.addf %mul3A_549, %mul3A_553 : vector<16xf32>
        %add3A_562 = arith.addf %add3A_560, %add3A_561 : vector<16xf32>
        tpu.vector_store_idx %arg20[%add3A_559], %add3A_562 : memref<512xf32, #tpu.memory_space<vmem>>[vector<16xi32>], vector<16xf32>,
        %mul3A_563 = arith.constant 20 : i32
        %mul3A_564 = arith.muli %mul3A_135, %mul3A_563 : i32
        %add3A_565 = arith.constant 3 : i32
        %add3A_566 = arith.addi %mul3A_564, %add3A_565 : i32
        %get3A_567 = arith.index_cast %add3A_566 : i32 to index
        %get3A_568 = arith.constant 0 : index
        %get3A_569 = tpu.vector_load %arg19[%get3A_567, %get3A_568] {strides = array<i32>} : memref<320x64xf32, #tpu.memory_space<vmem>>, vector<16xf32>,
        %mul3A_570 = arith.mulf %add3A_213, %get3A_569 : vector<16xf32>
        %get3A_571 = arith.index_cast %add3A_566 : i32 to index
        %get3A_572 = arith.constant 16 : index
        %get3A_573 = tpu.vector_load %arg19[%get3A_571, %get3A_572] {strides = array<i32>} : memref<320x64xf32, #tpu.memory_space<vmem>>, vector<16xf32>,
        %mul3A_574 = arith.mulf %add3A_292, %get3A_573 : vector<16xf32>
        %get3A_575 = arith.index_cast %add3A_566 : i32 to index
        %get3A_576 = arith.constant 32 : index
        %get3A_577 = tpu.vector_load %arg19[%get3A_575, %get3A_576] {strides = array<i32>} : memref<320x64xf32, #tpu.memory_space<vmem>>, vector<16xf32>,
        %mul3A_578 = arith.mulf %add3A_371, %get3A_577 : vector<16xf32>
        %get3A_579 = arith.index_cast %add3A_566 : i32 to index
        %get3A_580 = arith.constant 48 : index
        %get3A_581 = tpu.vector_load %arg19[%get3A_579, %get3A_580] {strides = array<i32>} : memref<320x64xf32, #tpu.memory_space<vmem>>, vector<16xf32>,
        %mul3A_582 = arith.mulf %add3A_450, %get3A_581 : vector<16xf32>
        %mul3A_583 = arith.constant 32 : i32
        %mul3A_584 = vector.broadcast %mul3A_583 : i32 to vector<16xi32>
        %mul3A_585 = arith.muli %iota3A, %mul3A_584 : vector<16xi32>
        %add3A_586 = arith.constant 4 : i32
        %add3A_587 = vector.broadcast %add3A_586 : i32 to vector<16xi32>
        %add3A_588 = arith.addi %mul3A_585, %add3A_587 : vector<16xi32>
        %add3A_589 = arith.addf %mul3A_570, %mul3A_574 : vector<16xf32>
        %add3A_590 = arith.addf %mul3A_578, %mul3A_582 : vector<16xf32>
        %add3A_591 = arith.addf %add3A_589, %add3A_590 : vector<16xf32>
        tpu.vector_store_idx %arg20[%add3A_588], %add3A_591 : memref<512xf32, #tpu.memory_space<vmem>>[vector<16xi32>], vector<16xf32>,
        %mul3A_592 = arith.constant 20 : i32
        %mul3A_593 = arith.muli %mul3A_135, %mul3A_592 : i32
        %add3A_594 = arith.constant 4 : i32
        %add3A_595 = arith.addi %mul3A_593, %add3A_594 : i32
        %get3A_596 = arith.index_cast %add3A_595 : i32 to index
        %get3A_597 = arith.constant 0 : index
        %get3A_598 = tpu.vector_load %arg19[%get3A_596, %get3A_597] {strides = array<i32>} : memref<320x64xf32, #tpu.memory_space<vmem>>, vector<16xf32>,
        %mul3A_599 = arith.mulf %add3A_213, %get3A_598 : vector<16xf32>
        %get3A_600 = arith.index_cast %add3A_595 : i32 to index
        %get3A_601 = arith.constant 16 : index
        %get3A_602 = tpu.vector_load %arg19[%get3A_600, %get3A_601] {strides = array<i32>} : memref<320x64xf32, #tpu.memory_space<vmem>>, vector<16xf32>,
        %mul3A_603 = arith.mulf %add3A_292, %get3A_602 : vector<16xf32>
        %get3A_604 = arith.index_cast %add3A_595 : i32 to index
        %get3A_605 = arith.constant 32 : index
        %get3A_606 = tpu.vector_load %arg19[%get3A_604, %get3A_605] {strides = array<i32>} : memref<320x64xf32, #tpu.memory_space<vmem>>, vector<16xf32>,
        %mul3A_607 = arith.mulf %add3A_371, %get3A_606 : vector<16xf32>
        %get3A_608 = arith.index_cast %add3A_595 : i32 to index
        %get3A_609 = arith.constant 48 : index
        %get3A_610 = tpu.vector_load %arg19[%get3A_608, %get3A_609] {strides = array<i32>} : memref<320x64xf32, #tpu.memory_space<vmem>>, vector<16xf32>,
        %mul3A_611 = arith.mulf %add3A_450, %get3A_610 : vector<16xf32>
        %mul3A_612 = arith.constant 32 : i32
        %mul3A_613 = vector.broadcast %mul3A_612 : i32 to vector<16xi32>
        %mul3A_614 = arith.muli %iota3A, %mul3A_613 : vector<16xi32>
        %add3A_615 = arith.constant 5 : i32
        %add3A_616 = vector.broadcast %add3A_615 : i32 to vector<16xi32>
        %add3A_617 = arith.addi %mul3A_614, %add3A_616 : vector<16xi32>
        %add3A_618 = arith.addf %mul3A_599, %mul3A_603 : vector<16xf32>
        %add3A_619 = arith.addf %mul3A_607, %mul3A_611 : vector<16xf32>
        %add3A_620 = arith.addf %add3A_618, %add3A_619 : vector<16xf32>
        tpu.vector_store_idx %arg20[%add3A_617], %add3A_620 : memref<512xf32, #tpu.memory_space<vmem>>[vector<16xi32>], vector<16xf32>,
        %mul3A_621 = arith.constant 20 : i32
        %mul3A_622 = arith.muli %mul3A_135, %mul3A_621 : i32
        %add3A_623 = arith.constant 5 : i32
        %add3A_624 = arith.addi %mul3A_622, %add3A_623 : i32
        %get3A_625 = arith.index_cast %add3A_624 : i32 to index
        %get3A_626 = arith.constant 0 : index
        %get3A_627 = tpu.vector_load %arg19[%get3A_625, %get3A_626] {strides = array<i32>} : memref<320x64xf32, #tpu.memory_space<vmem>>, vector<16xf32>,
        %mul3A_628 = arith.mulf %add3A_213, %get3A_627 : vector<16xf32>
        %get3A_629 = arith.index_cast %add3A_624 : i32 to index
        %get3A_630 = arith.constant 16 : index
        %get3A_631 = tpu.vector_load %arg19[%get3A_629, %get3A_630] {strides = array<i32>} : memref<320x64xf32, #tpu.memory_space<vmem>>, vector<16xf32>,
        %mul3A_632 = arith.mulf %add3A_292, %get3A_631 : vector<16xf32>
        %get3A_633 = arith.index_cast %add3A_624 : i32 to index
        %get3A_634 = arith.constant 32 : index
        %get3A_635 = tpu.vector_load %arg19[%get3A_633, %get3A_634] {strides = array<i32>} : memref<320x64xf32, #tpu.memory_space<vmem>>, vector<16xf32>,
        %mul3A_636 = arith.mulf %add3A_371, %get3A_635 : vector<16xf32>
        %get3A_637 = arith.index_cast %add3A_624 : i32 to index
        %get3A_638 = arith.constant 48 : index
        %get3A_639 = tpu.vector_load %arg19[%get3A_637, %get3A_638] {strides = array<i32>} : memref<320x64xf32, #tpu.memory_space<vmem>>, vector<16xf32>,
        %mul3A_640 = arith.mulf %add3A_450, %get3A_639 : vector<16xf32>
        %mul3A_641 = arith.constant 32 : i32
        %mul3A_642 = vector.broadcast %mul3A_641 : i32 to vector<16xi32>
        %mul3A_643 = arith.muli %iota3A, %mul3A_642 : vector<16xi32>
        %add3A_644 = arith.constant 6 : i32
        %add3A_645 = vector.broadcast %add3A_644 : i32 to vector<16xi32>
        %add3A_646 = arith.addi %mul3A_643, %add3A_645 : vector<16xi32>
        %add3A_647 = arith.addf %mul3A_628, %mul3A_632 : vector<16xf32>
        %add3A_648 = arith.addf %mul3A_636, %mul3A_640 : vector<16xf32>
        %add3A_649 = arith.addf %add3A_647, %add3A_648 : vector<16xf32>
        tpu.vector_store_idx %arg20[%add3A_646], %add3A_649 : memref<512xf32, #tpu.memory_space<vmem>>[vector<16xi32>], vector<16xf32>,
        %mul3A_650 = arith.constant 20 : i32
        %mul3A_651 = arith.muli %mul3A_135, %mul3A_650 : i32
        %add3A_652 = arith.constant 6 : i32
        %add3A_653 = arith.addi %mul3A_651, %add3A_652 : i32
        %get3A_654 = arith.index_cast %add3A_653 : i32 to index
        %get3A_655 = arith.constant 0 : index
        %get3A_656 = tpu.vector_load %arg19[%get3A_654, %get3A_655] {strides = array<i32>} : memref<320x64xf32, #tpu.memory_space<vmem>>, vector<16xf32>,
        %mul3A_657 = arith.mulf %add3A_213, %get3A_656 : vector<16xf32>
        %get3A_658 = arith.index_cast %add3A_653 : i32 to index
        %get3A_659 = arith.constant 16 : index
        %get3A_660 = tpu.vector_load %arg19[%get3A_658, %get3A_659] {strides = array<i32>} : memref<320x64xf32, #tpu.memory_space<vmem>>, vector<16xf32>,
        %mul3A_661 = arith.mulf %add3A_292, %get3A_660 : vector<16xf32>
        %get3A_662 = arith.index_cast %add3A_653 : i32 to index
        %get3A_663 = arith.constant 32 : index
        %get3A_664 = tpu.vector_load %arg19[%get3A_662, %get3A_663] {strides = array<i32>} : memref<320x64xf32, #tpu.memory_space<vmem>>, vector<16xf32>,
        %mul3A_665 = arith.mulf %add3A_371, %get3A_664 : vector<16xf32>
        %get3A_666 = arith.index_cast %add3A_653 : i32 to index
        %get3A_667 = arith.constant 48 : index
        %get3A_668 = tpu.vector_load %arg19[%get3A_666, %get3A_667] {strides = array<i32>} : memref<320x64xf32, #tpu.memory_space<vmem>>, vector<16xf32>,
        %mul3A_669 = arith.mulf %add3A_450, %get3A_668 : vector<16xf32>
        %mul3A_670 = arith.constant 32 : i32
        %mul3A_671 = vector.broadcast %mul3A_670 : i32 to vector<16xi32>
        %mul3A_672 = arith.muli %iota3A, %mul3A_671 : vector<16xi32>
        %add3A_673 = arith.constant 7 : i32
        %add3A_674 = vector.broadcast %add3A_673 : i32 to vector<16xi32>
        %add3A_675 = arith.addi %mul3A_672, %add3A_674 : vector<16xi32>
        %add3A_676 = arith.addf %mul3A_657, %mul3A_661 : vector<16xf32>
        %add3A_677 = arith.addf %mul3A_665, %mul3A_669 : vector<16xf32>
        %add3A_678 = arith.addf %add3A_676, %add3A_677 : vector<16xf32>
        tpu.vector_store_idx %arg20[%add3A_675], %add3A_678 : memref<512xf32, #tpu.memory_space<vmem>>[vector<16xi32>], vector<16xf32>,
        %mul3A_679 = arith.constant 20 : i32
        %mul3A_680 = arith.muli %mul3A_135, %mul3A_679 : i32
        %add3A_681 = arith.constant 7 : i32
        %add3A_682 = arith.addi %mul3A_680, %add3A_681 : i32
        %get3A_683 = arith.index_cast %add3A_682 : i32 to index
        %get3A_684 = arith.constant 0 : index
        %get3A_685 = tpu.vector_load %arg19[%get3A_683, %get3A_684] {strides = array<i32>} : memref<320x64xf32, #tpu.memory_space<vmem>>, vector<16xf32>,
        %mul3A_686 = arith.mulf %add3A_213, %get3A_685 : vector<16xf32>
        %get3A_687 = arith.index_cast %add3A_682 : i32 to index
        %get3A_688 = arith.constant 16 : index
        %get3A_689 = tpu.vector_load %arg19[%get3A_687, %get3A_688] {strides = array<i32>} : memref<320x64xf32, #tpu.memory_space<vmem>>, vector<16xf32>,
        %mul3A_690 = arith.mulf %add3A_292, %get3A_689 : vector<16xf32>
        %get3A_691 = arith.index_cast %add3A_682 : i32 to index
        %get3A_692 = arith.constant 32 : index
        %get3A_693 = tpu.vector_load %arg19[%get3A_691, %get3A_692] {strides = array<i32>} : memref<320x64xf32, #tpu.memory_space<vmem>>, vector<16xf32>,
        %mul3A_694 = arith.mulf %add3A_371, %get3A_693 : vector<16xf32>
        %get3A_695 = arith.index_cast %add3A_682 : i32 to index
        %get3A_696 = arith.constant 48 : index
        %get3A_697 = tpu.vector_load %arg19[%get3A_695, %get3A_696] {strides = array<i32>} : memref<320x64xf32, #tpu.memory_space<vmem>>, vector<16xf32>,
        %mul3A_698 = arith.mulf %add3A_450, %get3A_697 : vector<16xf32>
        %mul3A_699 = arith.constant 32 : i32
        %mul3A_700 = vector.broadcast %mul3A_699 : i32 to vector<16xi32>
        %mul3A_701 = arith.muli %iota3A, %mul3A_700 : vector<16xi32>
        %add3A_702 = arith.constant 8 : i32
        %add3A_703 = vector.broadcast %add3A_702 : i32 to vector<16xi32>
        %add3A_704 = arith.addi %mul3A_701, %add3A_703 : vector<16xi32>
        %add3A_705 = arith.addf %mul3A_686, %mul3A_690 : vector<16xf32>
        %add3A_706 = arith.addf %mul3A_694, %mul3A_698 : vector<16xf32>
        %add3A_707 = arith.addf %add3A_705, %add3A_706 : vector<16xf32>
        tpu.vector_store_idx %arg20[%add3A_704], %add3A_707 : memref<512xf32, #tpu.memory_space<vmem>>[vector<16xi32>], vector<16xf32>,
        %mul3A_708 = arith.constant 20 : i32
        %mul3A_709 = arith.muli %mul3A_135, %mul3A_708 : i32
        %add3A_710 = arith.constant 8 : i32
        %add3A_711 = arith.addi %mul3A_709, %add3A_710 : i32
        %get3A_712 = arith.index_cast %add3A_711 : i32 to index
        %get3A_713 = arith.constant 0 : index
        %get3A_714 = tpu.vector_load %arg19[%get3A_712, %get3A_713] {strides = array<i32>} : memref<320x64xf32, #tpu.memory_space<vmem>>, vector<16xf32>,
        %mul3A_715 = arith.mulf %add3A_213, %get3A_714 : vector<16xf32>
        %get3A_716 = arith.index_cast %add3A_711 : i32 to index
        %get3A_717 = arith.constant 16 : index
        %get3A_718 = tpu.vector_load %arg19[%get3A_716, %get3A_717] {strides = array<i32>} : memref<320x64xf32, #tpu.memory_space<vmem>>, vector<16xf32>,
        %mul3A_719 = arith.mulf %add3A_292, %get3A_718 : vector<16xf32>
        %get3A_720 = arith.index_cast %add3A_711 : i32 to index
        %get3A_721 = arith.constant 32 : index
        %get3A_722 = tpu.vector_load %arg19[%get3A_720, %get3A_721] {strides = array<i32>} : memref<320x64xf32, #tpu.memory_space<vmem>>, vector<16xf32>,
        %mul3A_723 = arith.mulf %add3A_371, %get3A_722 : vector<16xf32>
        %get3A_724 = arith.index_cast %add3A_711 : i32 to index
        %get3A_725 = arith.constant 48 : index
        %get3A_726 = tpu.vector_load %arg19[%get3A_724, %get3A_725] {strides = array<i32>} : memref<320x64xf32, #tpu.memory_space<vmem>>, vector<16xf32>,
        %mul3A_727 = arith.mulf %add3A_450, %get3A_726 : vector<16xf32>
        %mul3A_728 = arith.constant 32 : i32
        %mul3A_729 = vector.broadcast %mul3A_728 : i32 to vector<16xi32>
        %mul3A_730 = arith.muli %iota3A, %mul3A_729 : vector<16xi32>
        %add3A_731 = arith.constant 9 : i32
        %add3A_732 = vector.broadcast %add3A_731 : i32 to vector<16xi32>
        %add3A_733 = arith.addi %mul3A_730, %add3A_732 : vector<16xi32>
        %add3A_734 = arith.addf %mul3A_715, %mul3A_719 : vector<16xf32>
        %add3A_735 = arith.addf %mul3A_723, %mul3A_727 : vector<16xf32>
        %add3A_736 = arith.addf %add3A_734, %add3A_735 : vector<16xf32>
        tpu.vector_store_idx %arg20[%add3A_733], %add3A_736 : memref<512xf32, #tpu.memory_space<vmem>>[vector<16xi32>], vector<16xf32>,
        %mul3A_737 = arith.constant 20 : i32
        %mul3A_738 = arith.muli %mul3A_135, %mul3A_737 : i32
        %add3A_739 = arith.constant 9 : i32
        %add3A_740 = arith.addi %mul3A_738, %add3A_739 : i32
        %get3A_741 = arith.index_cast %add3A_740 : i32 to index
        %get3A_742 = arith.constant 0 : index
        %get3A_743 = tpu.vector_load %arg19[%get3A_741, %get3A_742] {strides = array<i32>} : memref<320x64xf32, #tpu.memory_space<vmem>>, vector<16xf32>,
        %mul3A_744 = arith.mulf %add3A_213, %get3A_743 : vector<16xf32>
        %get3A_745 = arith.index_cast %add3A_740 : i32 to index
        %get3A_746 = arith.constant 16 : index
        %get3A_747 = tpu.vector_load %arg19[%get3A_745, %get3A_746] {strides = array<i32>} : memref<320x64xf32, #tpu.memory_space<vmem>>, vector<16xf32>,
        %mul3A_748 = arith.mulf %add3A_292, %get3A_747 : vector<16xf32>
        %get3A_749 = arith.index_cast %add3A_740 : i32 to index
        %get3A_750 = arith.constant 32 : index
        %get3A_751 = tpu.vector_load %arg19[%get3A_749, %get3A_750] {strides = array<i32>} : memref<320x64xf32, #tpu.memory_space<vmem>>, vector<16xf32>,
        %mul3A_752 = arith.mulf %add3A_371, %get3A_751 : vector<16xf32>
        %get3A_753 = arith.index_cast %add3A_740 : i32 to index
        %get3A_754 = arith.constant 48 : index
        %get3A_755 = tpu.vector_load %arg19[%get3A_753, %get3A_754] {strides = array<i32>} : memref<320x64xf32, #tpu.memory_space<vmem>>, vector<16xf32>,
        %mul3A_756 = arith.mulf %add3A_450, %get3A_755 : vector<16xf32>
        %mul3A_757 = arith.constant 32 : i32
        %mul3A_758 = vector.broadcast %mul3A_757 : i32 to vector<16xi32>
        %mul3A_759 = arith.muli %iota3A, %mul3A_758 : vector<16xi32>
        %add3A_760 = arith.constant 10 : i32
        %add3A_761 = vector.broadcast %add3A_760 : i32 to vector<16xi32>
        %add3A_762 = arith.addi %mul3A_759, %add3A_761 : vector<16xi32>
        %add3A_763 = arith.addf %mul3A_744, %mul3A_748 : vector<16xf32>
        %add3A_764 = arith.addf %mul3A_752, %mul3A_756 : vector<16xf32>
        %add3A_765 = arith.addf %add3A_763, %add3A_764 : vector<16xf32>
        tpu.vector_store_idx %arg20[%add3A_762], %add3A_765 : memref<512xf32, #tpu.memory_space<vmem>>[vector<16xi32>], vector<16xf32>,
        %mul3A_766 = arith.constant 20 : i32
        %mul3A_767 = arith.muli %mul3A_135, %mul3A_766 : i32
        %add3A_768 = arith.constant 10 : i32
        %add3A_769 = arith.addi %mul3A_767, %add3A_768 : i32
        %get3A_770 = arith.index_cast %add3A_769 : i32 to index
        %get3A_771 = arith.constant 0 : index
        %get3A_772 = tpu.vector_load %arg19[%get3A_770, %get3A_771] {strides = array<i32>} : memref<320x64xf32, #tpu.memory_space<vmem>>, vector<16xf32>,
        %mul3A_773 = arith.mulf %add3A_213, %get3A_772 : vector<16xf32>
        %get3A_774 = arith.index_cast %add3A_769 : i32 to index
        %get3A_775 = arith.constant 16 : index
        %get3A_776 = tpu.vector_load %arg19[%get3A_774, %get3A_775] {strides = array<i32>} : memref<320x64xf32, #tpu.memory_space<vmem>>, vector<16xf32>,
        %mul3A_777 = arith.mulf %add3A_292, %get3A_776 : vector<16xf32>
        %get3A_778 = arith.index_cast %add3A_769 : i32 to index
        %get3A_779 = arith.constant 32 : index
        %get3A_780 = tpu.vector_load %arg19[%get3A_778, %get3A_779] {strides = array<i32>} : memref<320x64xf32, #tpu.memory_space<vmem>>, vector<16xf32>,
        %mul3A_781 = arith.mulf %add3A_371, %get3A_780 : vector<16xf32>
        %get3A_782 = arith.index_cast %add3A_769 : i32 to index
        %get3A_783 = arith.constant 48 : index
        %get3A_784 = tpu.vector_load %arg19[%get3A_782, %get3A_783] {strides = array<i32>} : memref<320x64xf32, #tpu.memory_space<vmem>>, vector<16xf32>,
        %mul3A_785 = arith.mulf %add3A_450, %get3A_784 : vector<16xf32>
        %mul3A_786 = arith.constant 32 : i32
        %mul3A_787 = vector.broadcast %mul3A_786 : i32 to vector<16xi32>
        %mul3A_788 = arith.muli %iota3A, %mul3A_787 : vector<16xi32>
        %add3A_789 = arith.constant 11 : i32
        %add3A_790 = vector.broadcast %add3A_789 : i32 to vector<16xi32>
        %add3A_791 = arith.addi %mul3A_788, %add3A_790 : vector<16xi32>
        %add3A_792 = arith.addf %mul3A_773, %mul3A_777 : vector<16xf32>
        %add3A_793 = arith.addf %mul3A_781, %mul3A_785 : vector<16xf32>
        %add3A_794 = arith.addf %add3A_792, %add3A_793 : vector<16xf32>
        tpu.vector_store_idx %arg20[%add3A_791], %add3A_794 : memref<512xf32, #tpu.memory_space<vmem>>[vector<16xi32>], vector<16xf32>,
        %mul3A_795 = arith.constant 20 : i32
        %mul3A_796 = arith.muli %mul3A_135, %mul3A_795 : i32
        %add3A_797 = arith.constant 11 : i32
        %add3A_798 = arith.addi %mul3A_796, %add3A_797 : i32
        %get3A_799 = arith.index_cast %add3A_798 : i32 to index
        %get3A_800 = arith.constant 0 : index
        %get3A_801 = tpu.vector_load %arg19[%get3A_799, %get3A_800] {strides = array<i32>} : memref<320x64xf32, #tpu.memory_space<vmem>>, vector<16xf32>,
        %mul3A_802 = arith.mulf %add3A_213, %get3A_801 : vector<16xf32>
        %get3A_803 = arith.index_cast %add3A_798 : i32 to index
        %get3A_804 = arith.constant 16 : index
        %get3A_805 = tpu.vector_load %arg19[%get3A_803, %get3A_804] {strides = array<i32>} : memref<320x64xf32, #tpu.memory_space<vmem>>, vector<16xf32>,
        %mul3A_806 = arith.mulf %add3A_292, %get3A_805 : vector<16xf32>
        %get3A_807 = arith.index_cast %add3A_798 : i32 to index
        %get3A_808 = arith.constant 32 : index
        %get3A_809 = tpu.vector_load %arg19[%get3A_807, %get3A_808] {strides = array<i32>} : memref<320x64xf32, #tpu.memory_space<vmem>>, vector<16xf32>,
        %mul3A_810 = arith.mulf %add3A_371, %get3A_809 : vector<16xf32>
        %get3A_811 = arith.index_cast %add3A_798 : i32 to index
        %get3A_812 = arith.constant 48 : index
        %get3A_813 = tpu.vector_load %arg19[%get3A_811, %get3A_812] {strides = array<i32>} : memref<320x64xf32, #tpu.memory_space<vmem>>, vector<16xf32>,
        %mul3A_814 = arith.mulf %add3A_450, %get3A_813 : vector<16xf32>
        %mul3A_815 = arith.constant 32 : i32
        %mul3A_816 = vector.broadcast %mul3A_815 : i32 to vector<16xi32>
        %mul3A_817 = arith.muli %iota3A, %mul3A_816 : vector<16xi32>
        %add3A_818 = arith.constant 12 : i32
        %add3A_819 = vector.broadcast %add3A_818 : i32 to vector<16xi32>
        %add3A_820 = arith.addi %mul3A_817, %add3A_819 : vector<16xi32>
        %add3A_821 = arith.addf %mul3A_802, %mul3A_806 : vector<16xf32>
        %add3A_822 = arith.addf %mul3A_810, %mul3A_814 : vector<16xf32>
        %add3A_823 = arith.addf %add3A_821, %add3A_822 : vector<16xf32>
        tpu.vector_store_idx %arg20[%add3A_820], %add3A_823 : memref<512xf32, #tpu.memory_space<vmem>>[vector<16xi32>], vector<16xf32>,
        %mul3A_824 = arith.constant 20 : i32
        %mul3A_825 = arith.muli %mul3A_135, %mul3A_824 : i32
        %add3A_826 = arith.constant 12 : i32
        %add3A_827 = arith.addi %mul3A_825, %add3A_826 : i32
        %get3A_828 = arith.index_cast %add3A_827 : i32 to index
        %get3A_829 = arith.constant 0 : index
        %get3A_830 = tpu.vector_load %arg19[%get3A_828, %get3A_829] {strides = array<i32>} : memref<320x64xf32, #tpu.memory_space<vmem>>, vector<16xf32>,
        %mul3A_831 = arith.mulf %add3A_213, %get3A_830 : vector<16xf32>
        %get3A_832 = arith.index_cast %add3A_827 : i32 to index
        %get3A_833 = arith.constant 16 : index
        %get3A_834 = tpu.vector_load %arg19[%get3A_832, %get3A_833] {strides = array<i32>} : memref<320x64xf32, #tpu.memory_space<vmem>>, vector<16xf32>,
        %mul3A_835 = arith.mulf %add3A_292, %get3A_834 : vector<16xf32>
        %get3A_836 = arith.index_cast %add3A_827 : i32 to index
        %get3A_837 = arith.constant 32 : index
        %get3A_838 = tpu.vector_load %arg19[%get3A_836, %get3A_837] {strides = array<i32>} : memref<320x64xf32, #tpu.memory_space<vmem>>, vector<16xf32>,
        %mul3A_839 = arith.mulf %add3A_371, %get3A_838 : vector<16xf32>
        %get3A_840 = arith.index_cast %add3A_827 : i32 to index
        %get3A_841 = arith.constant 48 : index
        %get3A_842 = tpu.vector_load %arg19[%get3A_840, %get3A_841] {strides = array<i32>} : memref<320x64xf32, #tpu.memory_space<vmem>>, vector<16xf32>,
        %mul3A_843 = arith.mulf %add3A_450, %get3A_842 : vector<16xf32>
        %mul3A_844 = arith.constant 32 : i32
        %mul3A_845 = vector.broadcast %mul3A_844 : i32 to vector<16xi32>
        %mul3A_846 = arith.muli %iota3A, %mul3A_845 : vector<16xi32>
        %add3A_847 = arith.constant 13 : i32
        %add3A_848 = vector.broadcast %add3A_847 : i32 to vector<16xi32>
        %add3A_849 = arith.addi %mul3A_846, %add3A_848 : vector<16xi32>
        %add3A_850 = arith.addf %mul3A_831, %mul3A_835 : vector<16xf32>
        %add3A_851 = arith.addf %mul3A_839, %mul3A_843 : vector<16xf32>
        %add3A_852 = arith.addf %add3A_850, %add3A_851 : vector<16xf32>
        tpu.vector_store_idx %arg20[%add3A_849], %add3A_852 : memref<512xf32, #tpu.memory_space<vmem>>[vector<16xi32>], vector<16xf32>,
        %mul3A_853 = arith.constant 20 : i32
        %mul3A_854 = arith.muli %mul3A_135, %mul3A_853 : i32
        %add3A_855 = arith.constant 13 : i32
        %add3A_856 = arith.addi %mul3A_854, %add3A_855 : i32
        %get3A_857 = arith.index_cast %add3A_856 : i32 to index
        %get3A_858 = arith.constant 0 : index
        %get3A_859 = tpu.vector_load %arg19[%get3A_857, %get3A_858] {strides = array<i32>} : memref<320x64xf32, #tpu.memory_space<vmem>>, vector<16xf32>,
        %mul3A_860 = arith.mulf %add3A_213, %get3A_859 : vector<16xf32>
        %get3A_861 = arith.index_cast %add3A_856 : i32 to index
        %get3A_862 = arith.constant 16 : index
        %get3A_863 = tpu.vector_load %arg19[%get3A_861, %get3A_862] {strides = array<i32>} : memref<320x64xf32, #tpu.memory_space<vmem>>, vector<16xf32>,
        %mul3A_864 = arith.mulf %add3A_292, %get3A_863 : vector<16xf32>
        %get3A_865 = arith.index_cast %add3A_856 : i32 to index
        %get3A_866 = arith.constant 32 : index
        %get3A_867 = tpu.vector_load %arg19[%get3A_865, %get3A_866] {strides = array<i32>} : memref<320x64xf32, #tpu.memory_space<vmem>>, vector<16xf32>,
        %mul3A_868 = arith.mulf %add3A_371, %get3A_867 : vector<16xf32>
        %get3A_869 = arith.index_cast %add3A_856 : i32 to index
        %get3A_870 = arith.constant 48 : index
        %get3A_871 = tpu.vector_load %arg19[%get3A_869, %get3A_870] {strides = array<i32>} : memref<320x64xf32, #tpu.memory_space<vmem>>, vector<16xf32>,
        %mul3A_872 = arith.mulf %add3A_450, %get3A_871 : vector<16xf32>
        %mul3A_873 = arith.constant 32 : i32
        %mul3A_874 = vector.broadcast %mul3A_873 : i32 to vector<16xi32>
        %mul3A_875 = arith.muli %iota3A, %mul3A_874 : vector<16xi32>
        %add3A_876 = arith.constant 14 : i32
        %add3A_877 = vector.broadcast %add3A_876 : i32 to vector<16xi32>
        %add3A_878 = arith.addi %mul3A_875, %add3A_877 : vector<16xi32>
        %add3A_879 = arith.addf %mul3A_860, %mul3A_864 : vector<16xf32>
        %add3A_880 = arith.addf %mul3A_868, %mul3A_872 : vector<16xf32>
        %add3A_881 = arith.addf %add3A_879, %add3A_880 : vector<16xf32>
        tpu.vector_store_idx %arg20[%add3A_878], %add3A_881 : memref<512xf32, #tpu.memory_space<vmem>>[vector<16xi32>], vector<16xf32>,
        %mul3A_882 = arith.constant 20 : i32
        %mul3A_883 = arith.muli %mul3A_135, %mul3A_882 : i32
        %add3A_884 = arith.constant 14 : i32
        %add3A_885 = arith.addi %mul3A_883, %add3A_884 : i32
        %get3A_886 = arith.index_cast %add3A_885 : i32 to index
        %get3A_887 = arith.constant 0 : index
        %get3A_888 = tpu.vector_load %arg19[%get3A_886, %get3A_887] {strides = array<i32>} : memref<320x64xf32, #tpu.memory_space<vmem>>, vector<16xf32>,
        %mul3A_889 = arith.mulf %add3A_213, %get3A_888 : vector<16xf32>
        %get3A_890 = arith.index_cast %add3A_885 : i32 to index
        %get3A_891 = arith.constant 16 : index
        %get3A_892 = tpu.vector_load %arg19[%get3A_890, %get3A_891] {strides = array<i32>} : memref<320x64xf32, #tpu.memory_space<vmem>>, vector<16xf32>,
        %mul3A_893 = arith.mulf %add3A_292, %get3A_892 : vector<16xf32>
        %get3A_894 = arith.index_cast %add3A_885 : i32 to index
        %get3A_895 = arith.constant 32 : index
        %get3A_896 = tpu.vector_load %arg19[%get3A_894, %get3A_895] {strides = array<i32>} : memref<320x64xf32, #tpu.memory_space<vmem>>, vector<16xf32>,
        %mul3A_897 = arith.mulf %add3A_371, %get3A_896 : vector<16xf32>
        %get3A_898 = arith.index_cast %add3A_885 : i32 to index
        %get3A_899 = arith.constant 48 : index
        %get3A_900 = tpu.vector_load %arg19[%get3A_898, %get3A_899] {strides = array<i32>} : memref<320x64xf32, #tpu.memory_space<vmem>>, vector<16xf32>,
        %mul3A_901 = arith.mulf %add3A_450, %get3A_900 : vector<16xf32>
        %mul3A_902 = arith.constant 32 : i32
        %mul3A_903 = vector.broadcast %mul3A_902 : i32 to vector<16xi32>
        %mul3A_904 = arith.muli %iota3A, %mul3A_903 : vector<16xi32>
        %add3A_905 = arith.constant 15 : i32
        %add3A_906 = vector.broadcast %add3A_905 : i32 to vector<16xi32>
        %add3A_907 = arith.addi %mul3A_904, %add3A_906 : vector<16xi32>
        %add3A_908 = arith.addf %mul3A_889, %mul3A_893 : vector<16xf32>
        %add3A_909 = arith.addf %mul3A_897, %mul3A_901 : vector<16xf32>
        %add3A_910 = arith.addf %add3A_908, %add3A_909 : vector<16xf32>
        tpu.vector_store_idx %arg20[%add3A_907], %add3A_910 : memref<512xf32, #tpu.memory_space<vmem>>[vector<16xi32>], vector<16xf32>,
        %mul3A_911 = arith.constant 20 : i32
        %mul3A_912 = arith.muli %mul3A_135, %mul3A_911 : i32
        %add3A_913 = arith.constant 15 : i32
        %add3A_914 = arith.addi %mul3A_912, %add3A_913 : i32
        %get3A_915 = arith.index_cast %add3A_914 : i32 to index
        %get3A_916 = arith.constant 0 : index
        %get3A_917 = tpu.vector_load %arg19[%get3A_915, %get3A_916] {strides = array<i32>} : memref<320x64xf32, #tpu.memory_space<vmem>>, vector<16xf32>,
        %mul3A_918 = arith.mulf %add3A_213, %get3A_917 : vector<16xf32>
        %get3A_919 = arith.index_cast %add3A_914 : i32 to index
        %get3A_920 = arith.constant 16 : index
        %get3A_921 = tpu.vector_load %arg19[%get3A_919, %get3A_920] {strides = array<i32>} : memref<320x64xf32, #tpu.memory_space<vmem>>, vector<16xf32>,
        %mul3A_922 = arith.mulf %add3A_292, %get3A_921 : vector<16xf32>
        %get3A_923 = arith.index_cast %add3A_914 : i32 to index
        %get3A_924 = arith.constant 32 : index
        %get3A_925 = tpu.vector_load %arg19[%get3A_923, %get3A_924] {strides = array<i32>} : memref<320x64xf32, #tpu.memory_space<vmem>>, vector<16xf32>,
        %mul3A_926 = arith.mulf %add3A_371, %get3A_925 : vector<16xf32>
        %get3A_927 = arith.index_cast %add3A_914 : i32 to index
        %get3A_928 = arith.constant 48 : index
        %get3A_929 = tpu.vector_load %arg19[%get3A_927, %get3A_928] {strides = array<i32>} : memref<320x64xf32, #tpu.memory_space<vmem>>, vector<16xf32>,
        %mul3A_930 = arith.mulf %add3A_450, %get3A_929 : vector<16xf32>
        %mul3A_931 = arith.constant 32 : i32
        %mul3A_932 = vector.broadcast %mul3A_931 : i32 to vector<16xi32>
        %mul3A_933 = arith.muli %iota3A, %mul3A_932 : vector<16xi32>
        %add3A_934 = arith.constant 16 : i32
        %add3A_935 = vector.broadcast %add3A_934 : i32 to vector<16xi32>
        %add3A_936 = arith.addi %mul3A_933, %add3A_935 : vector<16xi32>
        %add3A_937 = arith.addf %mul3A_918, %mul3A_922 : vector<16xf32>
        %add3A_938 = arith.addf %mul3A_926, %mul3A_930 : vector<16xf32>
        %add3A_939 = arith.addf %add3A_937, %add3A_938 : vector<16xf32>
        tpu.vector_store_idx %arg20[%add3A_936], %add3A_939 : memref<512xf32, #tpu.memory_space<vmem>>[vector<16xi32>], vector<16xf32>,
        %mul3A_940 = arith.constant 20 : i32
        %mul3A_941 = arith.muli %mul3A_135, %mul3A_940 : i32
        %add3A_942 = arith.constant 16 : i32
        %add3A_943 = arith.addi %mul3A_941, %add3A_942 : i32
        %get3A_944 = arith.index_cast %add3A_943 : i32 to index
        %get3A_945 = arith.constant 0 : index
        %get3A_946 = tpu.vector_load %arg19[%get3A_944, %get3A_945] {strides = array<i32>} : memref<320x64xf32, #tpu.memory_space<vmem>>, vector<16xf32>,
        %mul3A_947 = arith.mulf %add3A_213, %get3A_946 : vector<16xf32>
        %get3A_948 = arith.index_cast %add3A_943 : i32 to index
        %get3A_949 = arith.constant 16 : index
        %get3A_950 = tpu.vector_load %arg19[%get3A_948, %get3A_949] {strides = array<i32>} : memref<320x64xf32, #tpu.memory_space<vmem>>, vector<16xf32>,
        %mul3A_951 = arith.mulf %add3A_292, %get3A_950 : vector<16xf32>
        %get3A_952 = arith.index_cast %add3A_943 : i32 to index
        %get3A_953 = arith.constant 32 : index
        %get3A_954 = tpu.vector_load %arg19[%get3A_952, %get3A_953] {strides = array<i32>} : memref<320x64xf32, #tpu.memory_space<vmem>>, vector<16xf32>,
        %mul3A_955 = arith.mulf %add3A_371, %get3A_954 : vector<16xf32>
        %get3A_956 = arith.index_cast %add3A_943 : i32 to index
        %get3A_957 = arith.constant 48 : index
        %get3A_958 = tpu.vector_load %arg19[%get3A_956, %get3A_957] {strides = array<i32>} : memref<320x64xf32, #tpu.memory_space<vmem>>, vector<16xf32>,
        %mul3A_959 = arith.mulf %add3A_450, %get3A_958 : vector<16xf32>
        %mul3A_960 = arith.constant 32 : i32
        %mul3A_961 = vector.broadcast %mul3A_960 : i32 to vector<16xi32>
        %mul3A_962 = arith.muli %iota3A, %mul3A_961 : vector<16xi32>
        %add3A_963 = arith.constant 17 : i32
        %add3A_964 = vector.broadcast %add3A_963 : i32 to vector<16xi32>
        %add3A_965 = arith.addi %mul3A_962, %add3A_964 : vector<16xi32>
        %add3A_966 = arith.addf %mul3A_947, %mul3A_951 : vector<16xf32>
        %add3A_967 = arith.addf %mul3A_955, %mul3A_959 : vector<16xf32>
        %add3A_968 = arith.addf %add3A_966, %add3A_967 : vector<16xf32>
        tpu.vector_store_idx %arg20[%add3A_965], %add3A_968 : memref<512xf32, #tpu.memory_space<vmem>>[vector<16xi32>], vector<16xf32>,
        %mul3A_969 = arith.constant 20 : i32
        %mul3A_970 = arith.muli %mul3A_135, %mul3A_969 : i32
        %add3A_971 = arith.constant 17 : i32
        %add3A_972 = arith.addi %mul3A_970, %add3A_971 : i32
        %get3A_973 = arith.index_cast %add3A_972 : i32 to index
        %get3A_974 = arith.constant 0 : index
        %get3A_975 = tpu.vector_load %arg19[%get3A_973, %get3A_974] {strides = array<i32>} : memref<320x64xf32, #tpu.memory_space<vmem>>, vector<16xf32>,
        %mul3A_976 = arith.mulf %add3A_213, %get3A_975 : vector<16xf32>
        %get3A_977 = arith.index_cast %add3A_972 : i32 to index
        %get3A_978 = arith.constant 16 : index
        %get3A_979 = tpu.vector_load %arg19[%get3A_977, %get3A_978] {strides = array<i32>} : memref<320x64xf32, #tpu.memory_space<vmem>>, vector<16xf32>,
        %mul3A_980 = arith.mulf %add3A_292, %get3A_979 : vector<16xf32>
        %get3A_981 = arith.index_cast %add3A_972 : i32 to index
        %get3A_982 = arith.constant 32 : index
        %get3A_983 = tpu.vector_load %arg19[%get3A_981, %get3A_982] {strides = array<i32>} : memref<320x64xf32, #tpu.memory_space<vmem>>, vector<16xf32>,
        %mul3A_984 = arith.mulf %add3A_371, %get3A_983 : vector<16xf32>
        %get3A_985 = arith.index_cast %add3A_972 : i32 to index
        %get3A_986 = arith.constant 48 : index
        %get3A_987 = tpu.vector_load %arg19[%get3A_985, %get3A_986] {strides = array<i32>} : memref<320x64xf32, #tpu.memory_space<vmem>>, vector<16xf32>,
        %mul3A_988 = arith.mulf %add3A_450, %get3A_987 : vector<16xf32>
        %mul3A_989 = arith.constant 32 : i32
        %mul3A_990 = vector.broadcast %mul3A_989 : i32 to vector<16xi32>
        %mul3A_991 = arith.muli %iota3A, %mul3A_990 : vector<16xi32>
        %add3A_992 = arith.constant 18 : i32
        %add3A_993 = vector.broadcast %add3A_992 : i32 to vector<16xi32>
        %add3A_994 = arith.addi %mul3A_991, %add3A_993 : vector<16xi32>
        %add3A_995 = arith.addf %mul3A_976, %mul3A_980 : vector<16xf32>
        %add3A_996 = arith.addf %mul3A_984, %mul3A_988 : vector<16xf32>
        %add3A_997 = arith.addf %add3A_995, %add3A_996 : vector<16xf32>
        tpu.vector_store_idx %arg20[%add3A_994], %add3A_997 : memref<512xf32, #tpu.memory_space<vmem>>[vector<16xi32>], vector<16xf32>,
        %mul3A_998 = arith.constant 20 : i32
        %mul3A_999 = arith.muli %mul3A_135, %mul3A_998 : i32
        %add3A_1000 = arith.constant 18 : i32
        %add3A_1001 = arith.addi %mul3A_999, %add3A_1000 : i32
        %get3A_1002 = arith.index_cast %add3A_1001 : i32 to index
        %get3A_1003 = arith.constant 0 : index
        %get3A_1004 = tpu.vector_load %arg19[%get3A_1002, %get3A_1003] {strides = array<i32>} : memref<320x64xf32, #tpu.memory_space<vmem>>, vector<16xf32>,
        %mul3A_1005 = arith.mulf %add3A_213, %get3A_1004 : vector<16xf32>
        %get3A_1006 = arith.index_cast %add3A_1001 : i32 to index
        %get3A_1007 = arith.constant 16 : index
        %get3A_1008 = tpu.vector_load %arg19[%get3A_1006, %get3A_1007] {strides = array<i32>} : memref<320x64xf32, #tpu.memory_space<vmem>>, vector<16xf32>,
        %mul3A_1009 = arith.mulf %add3A_292, %get3A_1008 : vector<16xf32>
        %get3A_1010 = arith.index_cast %add3A_1001 : i32 to index
        %get3A_1011 = arith.constant 32 : index
        %get3A_1012 = tpu.vector_load %arg19[%get3A_1010, %get3A_1011] {strides = array<i32>} : memref<320x64xf32, #tpu.memory_space<vmem>>, vector<16xf32>,
        %mul3A_1013 = arith.mulf %add3A_371, %get3A_1012 : vector<16xf32>
        %get3A_1014 = arith.index_cast %add3A_1001 : i32 to index
        %get3A_1015 = arith.constant 48 : index
        %get3A_1016 = tpu.vector_load %arg19[%get3A_1014, %get3A_1015] {strides = array<i32>} : memref<320x64xf32, #tpu.memory_space<vmem>>, vector<16xf32>,
        %mul3A_1017 = arith.mulf %add3A_450, %get3A_1016 : vector<16xf32>
        %mul3A_1018 = arith.constant 32 : i32
        %mul3A_1019 = vector.broadcast %mul3A_1018 : i32 to vector<16xi32>
        %mul3A_1020 = arith.muli %iota3A, %mul3A_1019 : vector<16xi32>
        %add3A_1021 = arith.constant 19 : i32
        %add3A_1022 = vector.broadcast %add3A_1021 : i32 to vector<16xi32>
        %add3A_1023 = arith.addi %mul3A_1020, %add3A_1022 : vector<16xi32>
        %add3A_1024 = arith.addf %mul3A_1005, %mul3A_1009 : vector<16xf32>
        %add3A_1025 = arith.addf %mul3A_1013, %mul3A_1017 : vector<16xf32>
        %add3A_1026 = arith.addf %add3A_1024, %add3A_1025 : vector<16xf32>
        tpu.vector_store_idx %arg20[%add3A_1023], %add3A_1026 : memref<512xf32, #tpu.memory_space<vmem>>[vector<16xi32>], vector<16xf32>,
        %mul3A_1027 = arith.constant 20 : i32
        %mul3A_1028 = arith.muli %mul3A_135, %mul3A_1027 : i32
        %add3A_1029 = arith.constant 19 : i32
        %add3A_1030 = arith.addi %mul3A_1028, %add3A_1029 : i32
        %get3A_1031 = arith.index_cast %add3A_1030 : i32 to index
        %get3A_1032 = arith.constant 0 : index
        %get3A_1033 = tpu.vector_load %arg19[%get3A_1031, %get3A_1032] {strides = array<i32>} : memref<320x64xf32, #tpu.memory_space<vmem>>, vector<16xf32>,
        %mul3A_1034 = arith.mulf %add3A_213, %get3A_1033 : vector<16xf32>
        %get3A_1035 = arith.index_cast %add3A_1030 : i32 to index
        %get3A_1036 = arith.constant 16 : index
        %get3A_1037 = tpu.vector_load %arg19[%get3A_1035, %get3A_1036] {strides = array<i32>} : memref<320x64xf32, #tpu.memory_space<vmem>>, vector<16xf32>,
        %mul3A_1038 = arith.mulf %add3A_292, %get3A_1037 : vector<16xf32>
        %get3A_1039 = arith.index_cast %add3A_1030 : i32 to index
        %get3A_1040 = arith.constant 32 : index
        %get3A_1041 = tpu.vector_load %arg19[%get3A_1039, %get3A_1040] {strides = array<i32>} : memref<320x64xf32, #tpu.memory_space<vmem>>, vector<16xf32>,
        %mul3A_1042 = arith.mulf %add3A_371, %get3A_1041 : vector<16xf32>
        %get3A_1043 = arith.index_cast %add3A_1030 : i32 to index
        %get3A_1044 = arith.constant 48 : index
        %get3A_1045 = tpu.vector_load %arg19[%get3A_1043, %get3A_1044] {strides = array<i32>} : memref<320x64xf32, #tpu.memory_space<vmem>>, vector<16xf32>,
        %mul3A_1046 = arith.mulf %add3A_450, %get3A_1045 : vector<16xf32>
        %mul3A_1047 = arith.constant 32 : i32
        %mul3A_1048 = vector.broadcast %mul3A_1047 : i32 to vector<16xi32>
        %mul3A_1049 = arith.muli %iota3A, %mul3A_1048 : vector<16xi32>
        %add3A_1050 = arith.constant 20 : i32
        %add3A_1051 = vector.broadcast %add3A_1050 : i32 to vector<16xi32>
        %add3A_1052 = arith.addi %mul3A_1049, %add3A_1051 : vector<16xi32>
        %add3A_1053 = arith.addf %mul3A_1034, %mul3A_1038 : vector<16xf32>
        %add3A_1054 = arith.addf %mul3A_1042, %mul3A_1046 : vector<16xf32>
        %add3A_1055 = arith.addf %add3A_1053, %add3A_1054 : vector<16xf32>
        tpu.vector_store_idx %arg20[%add3A_1052], %add3A_1055 : memref<512xf32, #tpu.memory_space<vmem>>[vector<16xi32>], vector<16xf32>,
        %add3A_1056 = arith.constant 1 : i32
        %add3A_1057 = arith.addi %mul3A_135, %add3A_1056 : i32
        %mul3A_1058 = arith.constant 10 : i32
        %mul3A_1059 = arith.muli %add3A_1057, %mul3A_1058 : i32
        %add3A_1060 = arith.constant 0 : i32
        %add3A_1061 = arith.addi %mul3A_1059, %add3A_1060 : i32
        %get3A_1062 = arith.index_cast %add3A_1061 : i32 to index
        %get3A_1063 = arith.constant 0 : index
        %get3A_1064 = tpu.vector_load %arg17[%get3A_1062, %get3A_1063] {strides = array<i32>} : memref<160x64xf32, #tpu.memory_space<vmem>>, vector<16xf32>,
        %mul3A_1065 = arith.constant 10 : i32
        %mul3A_1066 = arith.muli %add3A_1057, %mul3A_1065 : i32
        %add3A_1067 = arith.constant 1 : i32
        %add3A_1068 = arith.addi %mul3A_1066, %add3A_1067 : i32
        %get3A_1069 = arith.index_cast %add3A_1068 : i32 to index
        %get3A_1070 = arith.constant 0 : index
        %get3A_1071 = tpu.vector_load %arg17[%get3A_1069, %get3A_1070] {strides = array<i32>} : memref<160x64xf32, #tpu.memory_space<vmem>>, vector<16xf32>,
        %mul3A_1072 = arith.constant 10 : i32
        %mul3A_1073 = arith.muli %add3A_1057, %mul3A_1072 : i32
        %add3A_1074 = arith.constant 2 : i32
        %add3A_1075 = arith.addi %mul3A_1073, %add3A_1074 : i32
        %get3A_1076 = arith.index_cast %add3A_1075 : i32 to index
        %get3A_1077 = arith.constant 0 : index
        %get3A_1078 = tpu.vector_load %arg17[%get3A_1076, %get3A_1077] {strides = array<i32>} : memref<160x64xf32, #tpu.memory_space<vmem>>, vector<16xf32>,
        %mul3A_1079 = arith.constant 10 : i32
        %mul3A_1080 = arith.muli %add3A_1057, %mul3A_1079 : i32
        %add3A_1081 = arith.constant 3 : i32
        %add3A_1082 = arith.addi %mul3A_1080, %add3A_1081 : i32
        %get3A_1083 = arith.index_cast %add3A_1082 : i32 to index
        %get3A_1084 = arith.constant 0 : index
        %get3A_1085 = tpu.vector_load %arg17[%get3A_1083, %get3A_1084] {strides = array<i32>} : memref<160x64xf32, #tpu.memory_space<vmem>>, vector<16xf32>,
        %mul3A_1086 = arith.constant 10 : i32
        %mul3A_1087 = arith.muli %add3A_1057, %mul3A_1086 : i32
        %add3A_1088 = arith.constant 4 : i32
        %add3A_1089 = arith.addi %mul3A_1087, %add3A_1088 : i32
        %get3A_1090 = arith.index_cast %add3A_1089 : i32 to index
        %get3A_1091 = arith.constant 0 : index
        %get3A_1092 = tpu.vector_load %arg17[%get3A_1090, %get3A_1091] {strides = array<i32>} : memref<160x64xf32, #tpu.memory_space<vmem>>, vector<16xf32>,
        %mul3A_1093 = arith.constant 10 : i32
        %mul3A_1094 = arith.muli %add3A_1057, %mul3A_1093 : i32
        %add3A_1095 = arith.constant 5 : i32
        %add3A_1096 = arith.addi %mul3A_1094, %add3A_1095 : i32
        %get3A_1097 = arith.index_cast %add3A_1096 : i32 to index
        %get3A_1098 = arith.constant 0 : index
        %get3A_1099 = tpu.vector_load %arg17[%get3A_1097, %get3A_1098] {strides = array<i32>} : memref<160x64xf32, #tpu.memory_space<vmem>>, vector<16xf32>,
        %mul3A_1100 = arith.constant 10 : i32
        %mul3A_1101 = arith.muli %add3A_1057, %mul3A_1100 : i32
        %add3A_1102 = arith.constant 6 : i32
        %add3A_1103 = arith.addi %mul3A_1101, %add3A_1102 : i32
        %get3A_1104 = arith.index_cast %add3A_1103 : i32 to index
        %get3A_1105 = arith.constant 0 : index
        %get3A_1106 = tpu.vector_load %arg17[%get3A_1104, %get3A_1105] {strides = array<i32>} : memref<160x64xf32, #tpu.memory_space<vmem>>, vector<16xf32>,
        %mul3A_1107 = arith.constant 10 : i32
        %mul3A_1108 = arith.muli %add3A_1057, %mul3A_1107 : i32
        %add3A_1109 = arith.constant 7 : i32
        %add3A_1110 = arith.addi %mul3A_1108, %add3A_1109 : i32
        %get3A_1111 = arith.index_cast %add3A_1110 : i32 to index
        %get3A_1112 = arith.constant 0 : index
        %get3A_1113 = tpu.vector_load %arg17[%get3A_1111, %get3A_1112] {strides = array<i32>} : memref<160x64xf32, #tpu.memory_space<vmem>>, vector<16xf32>,
        %mul3A_1114 = arith.constant 10 : i32
        %mul3A_1115 = arith.muli %add3A_1057, %mul3A_1114 : i32
        %add3A_1116 = arith.constant 8 : i32
        %add3A_1117 = arith.addi %mul3A_1115, %add3A_1116 : i32
        %get3A_1118 = arith.index_cast %add3A_1117 : i32 to index
        %get3A_1119 = arith.constant 0 : index
        %get3A_1120 = tpu.vector_load %arg17[%get3A_1118, %get3A_1119] {strides = array<i32>} : memref<160x64xf32, #tpu.memory_space<vmem>>, vector<16xf32>,
        %mul3A_1121 = arith.constant 10 : i32
        %mul3A_1122 = arith.muli %add3A_1057, %mul3A_1121 : i32
        %add3A_1123 = arith.constant 9 : i32
        %add3A_1124 = arith.addi %mul3A_1122, %add3A_1123 : i32
        %get3A_1125 = arith.index_cast %add3A_1124 : i32 to index
        %get3A_1126 = arith.constant 0 : index
        %get3A_1127 = tpu.vector_load %arg17[%get3A_1125, %get3A_1126] {strides = array<i32>} : memref<160x64xf32, #tpu.memory_space<vmem>>, vector<16xf32>,
        %add3A_1128 = arith.addf %get3A_1064, %get3A_1071 : vector<16xf32>
        %add3A_1129 = arith.addf %get3A_1078, %get3A_1085 : vector<16xf32>
        %add3A_1130 = arith.addf %get3A_1092, %get3A_1099 : vector<16xf32>
        %add3A_1131 = arith.addf %get3A_1106, %get3A_1113 : vector<16xf32>
        %add3A_1132 = arith.addf %get3A_1120, %get3A_1127 : vector<16xf32>
        %add3A_1133 = arith.addf %add3A_1128, %add3A_1129 : vector<16xf32>
        %add3A_1134 = arith.addf %add3A_1130, %add3A_1131 : vector<16xf32>
        %add3A_1135 = arith.addf %add3A_1133, %add3A_1134 : vector<16xf32>
        %add3A_1136 = arith.addf %add3A_1135, %add3A_1132 : vector<16xf32>
        %mul3A_1137 = arith.constant 10 : i32
        %mul3A_1138 = arith.muli %add3A_1057, %mul3A_1137 : i32
        %add3A_1139 = arith.constant 0 : i32
        %add3A_1140 = arith.addi %mul3A_1138, %add3A_1139 : i32
        %get3A_1141 = arith.index_cast %add3A_1140 : i32 to index
        %get3A_1142 = arith.constant 16 : index
        %get3A_1143 = tpu.vector_load %arg17[%get3A_1141, %get3A_1142] {strides = array<i32>} : memref<160x64xf32, #tpu.memory_space<vmem>>, vector<16xf32>,
        %mul3A_1144 = arith.constant 10 : i32
        %mul3A_1145 = arith.muli %add3A_1057, %mul3A_1144 : i32
        %add3A_1146 = arith.constant 1 : i32
        %add3A_1147 = arith.addi %mul3A_1145, %add3A_1146 : i32
        %get3A_1148 = arith.index_cast %add3A_1147 : i32 to index
        %get3A_1149 = arith.constant 16 : index
        %get3A_1150 = tpu.vector_load %arg17[%get3A_1148, %get3A_1149] {strides = array<i32>} : memref<160x64xf32, #tpu.memory_space<vmem>>, vector<16xf32>,
        %mul3A_1151 = arith.constant 10 : i32
        %mul3A_1152 = arith.muli %add3A_1057, %mul3A_1151 : i32
        %add3A_1153 = arith.constant 2 : i32
        %add3A_1154 = arith.addi %mul3A_1152, %add3A_1153 : i32
        %get3A_1155 = arith.index_cast %add3A_1154 : i32 to index
        %get3A_1156 = arith.constant 16 : index
        %get3A_1157 = tpu.vector_load %arg17[%get3A_1155, %get3A_1156] {strides = array<i32>} : memref<160x64xf32, #tpu.memory_space<vmem>>, vector<16xf32>,
        %mul3A_1158 = arith.constant 10 : i32
        %mul3A_1159 = arith.muli %add3A_1057, %mul3A_1158 : i32
        %add3A_1160 = arith.constant 3 : i32
        %add3A_1161 = arith.addi %mul3A_1159, %add3A_1160 : i32
        %get3A_1162 = arith.index_cast %add3A_1161 : i32 to index
        %get3A_1163 = arith.constant 16 : index
        %get3A_1164 = tpu.vector_load %arg17[%get3A_1162, %get3A_1163] {strides = array<i32>} : memref<160x64xf32, #tpu.memory_space<vmem>>, vector<16xf32>,
        %mul3A_1165 = arith.constant 10 : i32
        %mul3A_1166 = arith.muli %add3A_1057, %mul3A_1165 : i32
        %add3A_1167 = arith.constant 4 : i32
        %add3A_1168 = arith.addi %mul3A_1166, %add3A_1167 : i32
        %get3A_1169 = arith.index_cast %add3A_1168 : i32 to index
        %get3A_1170 = arith.constant 16 : index
        %get3A_1171 = tpu.vector_load %arg17[%get3A_1169, %get3A_1170] {strides = array<i32>} : memref<160x64xf32, #tpu.memory_space<vmem>>, vector<16xf32>,
        %mul3A_1172 = arith.constant 10 : i32
        %mul3A_1173 = arith.muli %add3A_1057, %mul3A_1172 : i32
        %add3A_1174 = arith.constant 5 : i32
        %add3A_1175 = arith.addi %mul3A_1173, %add3A_1174 : i32
        %get3A_1176 = arith.index_cast %add3A_1175 : i32 to index
        %get3A_1177 = arith.constant 16 : index
        %get3A_1178 = tpu.vector_load %arg17[%get3A_1176, %get3A_1177] {strides = array<i32>} : memref<160x64xf32, #tpu.memory_space<vmem>>, vector<16xf32>,
        %mul3A_1179 = arith.constant 10 : i32
        %mul3A_1180 = arith.muli %add3A_1057, %mul3A_1179 : i32
        %add3A_1181 = arith.constant 6 : i32
        %add3A_1182 = arith.addi %mul3A_1180, %add3A_1181 : i32
        %get3A_1183 = arith.index_cast %add3A_1182 : i32 to index
        %get3A_1184 = arith.constant 16 : index
        %get3A_1185 = tpu.vector_load %arg17[%get3A_1183, %get3A_1184] {strides = array<i32>} : memref<160x64xf32, #tpu.memory_space<vmem>>, vector<16xf32>,
        %mul3A_1186 = arith.constant 10 : i32
        %mul3A_1187 = arith.muli %add3A_1057, %mul3A_1186 : i32
        %add3A_1188 = arith.constant 7 : i32
        %add3A_1189 = arith.addi %mul3A_1187, %add3A_1188 : i32
        %get3A_1190 = arith.index_cast %add3A_1189 : i32 to index
        %get3A_1191 = arith.constant 16 : index
        %get3A_1192 = tpu.vector_load %arg17[%get3A_1190, %get3A_1191] {strides = array<i32>} : memref<160x64xf32, #tpu.memory_space<vmem>>, vector<16xf32>,
        %mul3A_1193 = arith.constant 10 : i32
        %mul3A_1194 = arith.muli %add3A_1057, %mul3A_1193 : i32
        %add3A_1195 = arith.constant 8 : i32
        %add3A_1196 = arith.addi %mul3A_1194, %add3A_1195 : i32
        %get3A_1197 = arith.index_cast %add3A_1196 : i32 to index
        %get3A_1198 = arith.constant 16 : index
        %get3A_1199 = tpu.vector_load %arg17[%get3A_1197, %get3A_1198] {strides = array<i32>} : memref<160x64xf32, #tpu.memory_space<vmem>>, vector<16xf32>,
        %mul3A_1200 = arith.constant 10 : i32
        %mul3A_1201 = arith.muli %add3A_1057, %mul3A_1200 : i32
        %add3A_1202 = arith.constant 9 : i32
        %add3A_1203 = arith.addi %mul3A_1201, %add3A_1202 : i32
        %get3A_1204 = arith.index_cast %add3A_1203 : i32 to index
        %get3A_1205 = arith.constant 16 : index
        %get3A_1206 = tpu.vector_load %arg17[%get3A_1204, %get3A_1205] {strides = array<i32>} : memref<160x64xf32, #tpu.memory_space<vmem>>, vector<16xf32>,
        %add3A_1207 = arith.addf %get3A_1143, %get3A_1150 : vector<16xf32>
        %add3A_1208 = arith.addf %get3A_1157, %get3A_1164 : vector<16xf32>
        %add3A_1209 = arith.addf %get3A_1171, %get3A_1178 : vector<16xf32>
        %add3A_1210 = arith.addf %get3A_1185, %get3A_1192 : vector<16xf32>
        %add3A_1211 = arith.addf %get3A_1199, %get3A_1206 : vector<16xf32>
        %add3A_1212 = arith.addf %add3A_1207, %add3A_1208 : vector<16xf32>
        %add3A_1213 = arith.addf %add3A_1209, %add3A_1210 : vector<16xf32>
        %add3A_1214 = arith.addf %add3A_1212, %add3A_1213 : vector<16xf32>
        %add3A_1215 = arith.addf %add3A_1214, %add3A_1211 : vector<16xf32>
        %mul3A_1216 = arith.constant 10 : i32
        %mul3A_1217 = arith.muli %add3A_1057, %mul3A_1216 : i32
        %add3A_1218 = arith.constant 0 : i32
        %add3A_1219 = arith.addi %mul3A_1217, %add3A_1218 : i32
        %get3A_1220 = arith.index_cast %add3A_1219 : i32 to index
        %get3A_1221 = arith.constant 32 : index
        %get3A_1222 = tpu.vector_load %arg17[%get3A_1220, %get3A_1221] {strides = array<i32>} : memref<160x64xf32, #tpu.memory_space<vmem>>, vector<16xf32>,
        %mul3A_1223 = arith.constant 10 : i32
        %mul3A_1224 = arith.muli %add3A_1057, %mul3A_1223 : i32
        %add3A_1225 = arith.constant 1 : i32
        %add3A_1226 = arith.addi %mul3A_1224, %add3A_1225 : i32
        %get3A_1227 = arith.index_cast %add3A_1226 : i32 to index
        %get3A_1228 = arith.constant 32 : index
        %get3A_1229 = tpu.vector_load %arg17[%get3A_1227, %get3A_1228] {strides = array<i32>} : memref<160x64xf32, #tpu.memory_space<vmem>>, vector<16xf32>,
        %mul3A_1230 = arith.constant 10 : i32
        %mul3A_1231 = arith.muli %add3A_1057, %mul3A_1230 : i32
        %add3A_1232 = arith.constant 2 : i32
        %add3A_1233 = arith.addi %mul3A_1231, %add3A_1232 : i32
        %get3A_1234 = arith.index_cast %add3A_1233 : i32 to index
        %get3A_1235 = arith.constant 32 : index
        %get3A_1236 = tpu.vector_load %arg17[%get3A_1234, %get3A_1235] {strides = array<i32>} : memref<160x64xf32, #tpu.memory_space<vmem>>, vector<16xf32>,
        %mul3A_1237 = arith.constant 10 : i32
        %mul3A_1238 = arith.muli %add3A_1057, %mul3A_1237 : i32
        %add3A_1239 = arith.constant 3 : i32
        %add3A_1240 = arith.addi %mul3A_1238, %add3A_1239 : i32
        %get3A_1241 = arith.index_cast %add3A_1240 : i32 to index
        %get3A_1242 = arith.constant 32 : index
        %get3A_1243 = tpu.vector_load %arg17[%get3A_1241, %get3A_1242] {strides = array<i32>} : memref<160x64xf32, #tpu.memory_space<vmem>>, vector<16xf32>,
        %mul3A_1244 = arith.constant 10 : i32
        %mul3A_1245 = arith.muli %add3A_1057, %mul3A_1244 : i32
        %add3A_1246 = arith.constant 4 : i32
        %add3A_1247 = arith.addi %mul3A_1245, %add3A_1246 : i32
        %get3A_1248 = arith.index_cast %add3A_1247 : i32 to index
        %get3A_1249 = arith.constant 32 : index
        %get3A_1250 = tpu.vector_load %arg17[%get3A_1248, %get3A_1249] {strides = array<i32>} : memref<160x64xf32, #tpu.memory_space<vmem>>, vector<16xf32>,
        %mul3A_1251 = arith.constant 10 : i32
        %mul3A_1252 = arith.muli %add3A_1057, %mul3A_1251 : i32
        %add3A_1253 = arith.constant 5 : i32
        %add3A_1254 = arith.addi %mul3A_1252, %add3A_1253 : i32
        %get3A_1255 = arith.index_cast %add3A_1254 : i32 to index
        %get3A_1256 = arith.constant 32 : index
        %get3A_1257 = tpu.vector_load %arg17[%get3A_1255, %get3A_1256] {strides = array<i32>} : memref<160x64xf32, #tpu.memory_space<vmem>>, vector<16xf32>,
        %mul3A_1258 = arith.constant 10 : i32
        %mul3A_1259 = arith.muli %add3A_1057, %mul3A_1258 : i32
        %add3A_1260 = arith.constant 6 : i32
        %add3A_1261 = arith.addi %mul3A_1259, %add3A_1260 : i32
        %get3A_1262 = arith.index_cast %add3A_1261 : i32 to index
        %get3A_1263 = arith.constant 32 : index
        %get3A_1264 = tpu.vector_load %arg17[%get3A_1262, %get3A_1263] {strides = array<i32>} : memref<160x64xf32, #tpu.memory_space<vmem>>, vector<16xf32>,
        %mul3A_1265 = arith.constant 10 : i32
        %mul3A_1266 = arith.muli %add3A_1057, %mul3A_1265 : i32
        %add3A_1267 = arith.constant 7 : i32
        %add3A_1268 = arith.addi %mul3A_1266, %add3A_1267 : i32
        %get3A_1269 = arith.index_cast %add3A_1268 : i32 to index
        %get3A_1270 = arith.constant 32 : index
        %get3A_1271 = tpu.vector_load %arg17[%get3A_1269, %get3A_1270] {strides = array<i32>} : memref<160x64xf32, #tpu.memory_space<vmem>>, vector<16xf32>,
        %mul3A_1272 = arith.constant 10 : i32
        %mul3A_1273 = arith.muli %add3A_1057, %mul3A_1272 : i32
        %add3A_1274 = arith.constant 8 : i32
        %add3A_1275 = arith.addi %mul3A_1273, %add3A_1274 : i32
        %get3A_1276 = arith.index_cast %add3A_1275 : i32 to index
        %get3A_1277 = arith.constant 32 : index
        %get3A_1278 = tpu.vector_load %arg17[%get3A_1276, %get3A_1277] {strides = array<i32>} : memref<160x64xf32, #tpu.memory_space<vmem>>, vector<16xf32>,
        %mul3A_1279 = arith.constant 10 : i32
        %mul3A_1280 = arith.muli %add3A_1057, %mul3A_1279 : i32
        %add3A_1281 = arith.constant 9 : i32
        %add3A_1282 = arith.addi %mul3A_1280, %add3A_1281 : i32
        %get3A_1283 = arith.index_cast %add3A_1282 : i32 to index
        %get3A_1284 = arith.constant 32 : index
        %get3A_1285 = tpu.vector_load %arg17[%get3A_1283, %get3A_1284] {strides = array<i32>} : memref<160x64xf32, #tpu.memory_space<vmem>>, vector<16xf32>,
        %add3A_1286 = arith.addf %get3A_1222, %get3A_1229 : vector<16xf32>
        %add3A_1287 = arith.addf %get3A_1236, %get3A_1243 : vector<16xf32>
        %add3A_1288 = arith.addf %get3A_1250, %get3A_1257 : vector<16xf32>
        %add3A_1289 = arith.addf %get3A_1264, %get3A_1271 : vector<16xf32>
        %add3A_1290 = arith.addf %get3A_1278, %get3A_1285 : vector<16xf32>
        %add3A_1291 = arith.addf %add3A_1286, %add3A_1287 : vector<16xf32>
        %add3A_1292 = arith.addf %add3A_1288, %add3A_1289 : vector<16xf32>
        %add3A_1293 = arith.addf %add3A_1291, %add3A_1292 : vector<16xf32>
        %add3A_1294 = arith.addf %add3A_1293, %add3A_1290 : vector<16xf32>
        %mul3A_1295 = arith.constant 10 : i32
        %mul3A_1296 = arith.muli %add3A_1057, %mul3A_1295 : i32
        %add3A_1297 = arith.constant 0 : i32
        %add3A_1298 = arith.addi %mul3A_1296, %add3A_1297 : i32
        %get3A_1299 = arith.index_cast %add3A_1298 : i32 to index
        %get3A_1300 = arith.constant 48 : index
        %get3A_1301 = tpu.vector_load %arg17[%get3A_1299, %get3A_1300] {strides = array<i32>} : memref<160x64xf32, #tpu.memory_space<vmem>>, vector<16xf32>,
        %mul3A_1302 = arith.constant 10 : i32
        %mul3A_1303 = arith.muli %add3A_1057, %mul3A_1302 : i32
        %add3A_1304 = arith.constant 1 : i32
        %add3A_1305 = arith.addi %mul3A_1303, %add3A_1304 : i32
        %get3A_1306 = arith.index_cast %add3A_1305 : i32 to index
        %get3A_1307 = arith.constant 48 : index
        %get3A_1308 = tpu.vector_load %arg17[%get3A_1306, %get3A_1307] {strides = array<i32>} : memref<160x64xf32, #tpu.memory_space<vmem>>, vector<16xf32>,
        %mul3A_1309 = arith.constant 10 : i32
        %mul3A_1310 = arith.muli %add3A_1057, %mul3A_1309 : i32
        %add3A_1311 = arith.constant 2 : i32
        %add3A_1312 = arith.addi %mul3A_1310, %add3A_1311 : i32
        %get3A_1313 = arith.index_cast %add3A_1312 : i32 to index
        %get3A_1314 = arith.constant 48 : index
        %get3A_1315 = tpu.vector_load %arg17[%get3A_1313, %get3A_1314] {strides = array<i32>} : memref<160x64xf32, #tpu.memory_space<vmem>>, vector<16xf32>,
        %mul3A_1316 = arith.constant 10 : i32
        %mul3A_1317 = arith.muli %add3A_1057, %mul3A_1316 : i32
        %add3A_1318 = arith.constant 3 : i32
        %add3A_1319 = arith.addi %mul3A_1317, %add3A_1318 : i32
        %get3A_1320 = arith.index_cast %add3A_1319 : i32 to index
        %get3A_1321 = arith.constant 48 : index
        %get3A_1322 = tpu.vector_load %arg17[%get3A_1320, %get3A_1321] {strides = array<i32>} : memref<160x64xf32, #tpu.memory_space<vmem>>, vector<16xf32>,
        %mul3A_1323 = arith.constant 10 : i32
        %mul3A_1324 = arith.muli %add3A_1057, %mul3A_1323 : i32
        %add3A_1325 = arith.constant 4 : i32
        %add3A_1326 = arith.addi %mul3A_1324, %add3A_1325 : i32
        %get3A_1327 = arith.index_cast %add3A_1326 : i32 to index
        %get3A_1328 = arith.constant 48 : index
        %get3A_1329 = tpu.vector_load %arg17[%get3A_1327, %get3A_1328] {strides = array<i32>} : memref<160x64xf32, #tpu.memory_space<vmem>>, vector<16xf32>,
        %mul3A_1330 = arith.constant 10 : i32
        %mul3A_1331 = arith.muli %add3A_1057, %mul3A_1330 : i32
        %add3A_1332 = arith.constant 5 : i32
        %add3A_1333 = arith.addi %mul3A_1331, %add3A_1332 : i32
        %get3A_1334 = arith.index_cast %add3A_1333 : i32 to index
        %get3A_1335 = arith.constant 48 : index
        %get3A_1336 = tpu.vector_load %arg17[%get3A_1334, %get3A_1335] {strides = array<i32>} : memref<160x64xf32, #tpu.memory_space<vmem>>, vector<16xf32>,
        %mul3A_1337 = arith.constant 10 : i32
        %mul3A_1338 = arith.muli %add3A_1057, %mul3A_1337 : i32
        %add3A_1339 = arith.constant 6 : i32
        %add3A_1340 = arith.addi %mul3A_1338, %add3A_1339 : i32
        %get3A_1341 = arith.index_cast %add3A_1340 : i32 to index
        %get3A_1342 = arith.constant 48 : index
        %get3A_1343 = tpu.vector_load %arg17[%get3A_1341, %get3A_1342] {strides = array<i32>} : memref<160x64xf32, #tpu.memory_space<vmem>>, vector<16xf32>,
        %mul3A_1344 = arith.constant 10 : i32
        %mul3A_1345 = arith.muli %add3A_1057, %mul3A_1344 : i32
        %add3A_1346 = arith.constant 7 : i32
        %add3A_1347 = arith.addi %mul3A_1345, %add3A_1346 : i32
        %get3A_1348 = arith.index_cast %add3A_1347 : i32 to index
        %get3A_1349 = arith.constant 48 : index
        %get3A_1350 = tpu.vector_load %arg17[%get3A_1348, %get3A_1349] {strides = array<i32>} : memref<160x64xf32, #tpu.memory_space<vmem>>, vector<16xf32>,
        %mul3A_1351 = arith.constant 10 : i32
        %mul3A_1352 = arith.muli %add3A_1057, %mul3A_1351 : i32
        %add3A_1353 = arith.constant 8 : i32
        %add3A_1354 = arith.addi %mul3A_1352, %add3A_1353 : i32
        %get3A_1355 = arith.index_cast %add3A_1354 : i32 to index
        %get3A_1356 = arith.constant 48 : index
        %get3A_1357 = tpu.vector_load %arg17[%get3A_1355, %get3A_1356] {strides = array<i32>} : memref<160x64xf32, #tpu.memory_space<vmem>>, vector<16xf32>,
        %mul3A_1358 = arith.constant 10 : i32
        %mul3A_1359 = arith.muli %add3A_1057, %mul3A_1358 : i32
        %add3A_1360 = arith.constant 9 : i32
        %add3A_1361 = arith.addi %mul3A_1359, %add3A_1360 : i32
        %get3A_1362 = arith.index_cast %add3A_1361 : i32 to index
        %get3A_1363 = arith.constant 48 : index
        %get3A_1364 = tpu.vector_load %arg17[%get3A_1362, %get3A_1363] {strides = array<i32>} : memref<160x64xf32, #tpu.memory_space<vmem>>, vector<16xf32>,
        %add3A_1365 = arith.addf %get3A_1301, %get3A_1308 : vector<16xf32>
        %add3A_1366 = arith.addf %get3A_1315, %get3A_1322 : vector<16xf32>
        %add3A_1367 = arith.addf %get3A_1329, %get3A_1336 : vector<16xf32>
        %add3A_1368 = arith.addf %get3A_1343, %get3A_1350 : vector<16xf32>
        %add3A_1369 = arith.addf %get3A_1357, %get3A_1364 : vector<16xf32>
        %add3A_1370 = arith.addf %add3A_1365, %add3A_1366 : vector<16xf32>
        %add3A_1371 = arith.addf %add3A_1367, %add3A_1368 : vector<16xf32>
        %add3A_1372 = arith.addf %add3A_1370, %add3A_1371 : vector<16xf32>
        %add3A_1373 = arith.addf %add3A_1372, %add3A_1369 : vector<16xf32>
        %get3A_1374 = arith.index_cast %add3A_1057 : i32 to index
        %get3A_1375 = arith.constant 0 : index
        %get3A_1376 = tpu.vector_load %arg18[%get3A_1374, %get3A_1375] {strides = array<i32>} : memref<16x64xf32, #tpu.memory_space<vmem>>, vector<16xf32>,
        %mul3A_1377 = arith.mulf %add3A_1136, %get3A_1376 : vector<16xf32>
        %get3A_1378 = arith.index_cast %add3A_1057 : i32 to index
        %get3A_1379 = arith.constant 16 : index
        %get3A_1380 = tpu.vector_load %arg18[%get3A_1378, %get3A_1379] {strides = array<i32>} : memref<16x64xf32, #tpu.memory_space<vmem>>, vector<16xf32>,
        %mul3A_1381 = arith.mulf %add3A_1215, %get3A_1380 : vector<16xf32>
        %get3A_1382 = arith.index_cast %add3A_1057 : i32 to index
        %get3A_1383 = arith.constant 32 : index
        %get3A_1384 = tpu.vector_load %arg18[%get3A_1382, %get3A_1383] {strides = array<i32>} : memref<16x64xf32, #tpu.memory_space<vmem>>, vector<16xf32>,
        %mul3A_1385 = arith.mulf %add3A_1294, %get3A_1384 : vector<16xf32>
        %get3A_1386 = arith.index_cast %add3A_1057 : i32 to index
        %get3A_1387 = arith.constant 48 : index
        %get3A_1388 = tpu.vector_load %arg18[%get3A_1386, %get3A_1387] {strides = array<i32>} : memref<16x64xf32, #tpu.memory_space<vmem>>, vector<16xf32>,
        %mul3A_1389 = arith.mulf %add3A_1373, %get3A_1388 : vector<16xf32>
        %mul3A_1390 = arith.constant 32 : i32
        %mul3A_1391 = vector.broadcast %mul3A_1390 : i32 to vector<16xi32>
        %mul3A_1392 = arith.muli %iota3A, %mul3A_1391 : vector<16xi32>
        %add3A_1393 = arith.constant 0 : i32
        %add3A_1394 = vector.broadcast %add3A_1393 : i32 to vector<16xi32>
        %add3A_1395 = arith.addi %mul3A_1392, %add3A_1394 : vector<16xi32>
        %add3A_1396 = arith.addf %mul3A_1377, %mul3A_1381 : vector<16xf32>
        %add3A_1397 = arith.addf %mul3A_1385, %mul3A_1389 : vector<16xf32>
        %add3A_1398 = arith.addf %add3A_1396, %add3A_1397 : vector<16xf32>
        tpu.vector_store_idx %arg21[%add3A_1395], %add3A_1398 : memref<512xf32, #tpu.memory_space<vmem>>[vector<16xi32>], vector<16xf32>,
        %mul3A_1399 = arith.constant 20 : i32
        %mul3A_1400 = arith.muli %add3A_1057, %mul3A_1399 : i32
        %add3A_1401 = arith.constant 0 : i32
        %add3A_1402 = arith.addi %mul3A_1400, %add3A_1401 : i32
        %get3A_1403 = arith.index_cast %add3A_1402 : i32 to index
        %get3A_1404 = arith.constant 0 : index
        %get3A_1405 = tpu.vector_load %arg19[%get3A_1403, %get3A_1404] {strides = array<i32>} : memref<320x64xf32, #tpu.memory_space<vmem>>, vector<16xf32>,
        %mul3A_1406 = arith.mulf %add3A_1136, %get3A_1405 : vector<16xf32>
        %get3A_1407 = arith.index_cast %add3A_1402 : i32 to index
        %get3A_1408 = arith.constant 16 : index
        %get3A_1409 = tpu.vector_load %arg19[%get3A_1407, %get3A_1408] {strides = array<i32>} : memref<320x64xf32, #tpu.memory_space<vmem>>, vector<16xf32>,
        %mul3A_1410 = arith.mulf %add3A_1215, %get3A_1409 : vector<16xf32>
        %get3A_1411 = arith.index_cast %add3A_1402 : i32 to index
        %get3A_1412 = arith.constant 32 : index
        %get3A_1413 = tpu.vector_load %arg19[%get3A_1411, %get3A_1412] {strides = array<i32>} : memref<320x64xf32, #tpu.memory_space<vmem>>, vector<16xf32>,
        %mul3A_1414 = arith.mulf %add3A_1294, %get3A_1413 : vector<16xf32>
        %get3A_1415 = arith.index_cast %add3A_1402 : i32 to index
        %get3A_1416 = arith.constant 48 : index
        %get3A_1417 = tpu.vector_load %arg19[%get3A_1415, %get3A_1416] {strides = array<i32>} : memref<320x64xf32, #tpu.memory_space<vmem>>, vector<16xf32>,
        %mul3A_1418 = arith.mulf %add3A_1373, %get3A_1417 : vector<16xf32>
        %mul3A_1419 = arith.constant 32 : i32
        %mul3A_1420 = vector.broadcast %mul3A_1419 : i32 to vector<16xi32>
        %mul3A_1421 = arith.muli %iota3A, %mul3A_1420 : vector<16xi32>
        %add3A_1422 = arith.constant 1 : i32
        %add3A_1423 = vector.broadcast %add3A_1422 : i32 to vector<16xi32>
        %add3A_1424 = arith.addi %mul3A_1421, %add3A_1423 : vector<16xi32>
        %add3A_1425 = arith.addf %mul3A_1406, %mul3A_1410 : vector<16xf32>
        %add3A_1426 = arith.addf %mul3A_1414, %mul3A_1418 : vector<16xf32>
        %add3A_1427 = arith.addf %add3A_1425, %add3A_1426 : vector<16xf32>
        tpu.vector_store_idx %arg21[%add3A_1424], %add3A_1427 : memref<512xf32, #tpu.memory_space<vmem>>[vector<16xi32>], vector<16xf32>,
        %mul3A_1428 = arith.constant 20 : i32
        %mul3A_1429 = arith.muli %add3A_1057, %mul3A_1428 : i32
        %add3A_1430 = arith.constant 1 : i32
        %add3A_1431 = arith.addi %mul3A_1429, %add3A_1430 : i32
        %get3A_1432 = arith.index_cast %add3A_1431 : i32 to index
        %get3A_1433 = arith.constant 0 : index
        %get3A_1434 = tpu.vector_load %arg19[%get3A_1432, %get3A_1433] {strides = array<i32>} : memref<320x64xf32, #tpu.memory_space<vmem>>, vector<16xf32>,
        %mul3A_1435 = arith.mulf %add3A_1136, %get3A_1434 : vector<16xf32>
        %get3A_1436 = arith.index_cast %add3A_1431 : i32 to index
        %get3A_1437 = arith.constant 16 : index
        %get3A_1438 = tpu.vector_load %arg19[%get3A_1436, %get3A_1437] {strides = array<i32>} : memref<320x64xf32, #tpu.memory_space<vmem>>, vector<16xf32>,
        %mul3A_1439 = arith.mulf %add3A_1215, %get3A_1438 : vector<16xf32>
        %get3A_1440 = arith.index_cast %add3A_1431 : i32 to index
        %get3A_1441 = arith.constant 32 : index
        %get3A_1442 = tpu.vector_load %arg19[%get3A_1440, %get3A_1441] {strides = array<i32>} : memref<320x64xf32, #tpu.memory_space<vmem>>, vector<16xf32>,
        %mul3A_1443 = arith.mulf %add3A_1294, %get3A_1442 : vector<16xf32>
        %get3A_1444 = arith.index_cast %add3A_1431 : i32 to index
        %get3A_1445 = arith.constant 48 : index
        %get3A_1446 = tpu.vector_load %arg19[%get3A_1444, %get3A_1445] {strides = array<i32>} : memref<320x64xf32, #tpu.memory_space<vmem>>, vector<16xf32>,
        %mul3A_1447 = arith.mulf %add3A_1373, %get3A_1446 : vector<16xf32>
        %mul3A_1448 = arith.constant 32 : i32
        %mul3A_1449 = vector.broadcast %mul3A_1448 : i32 to vector<16xi32>
        %mul3A_1450 = arith.muli %iota3A, %mul3A_1449 : vector<16xi32>
        %add3A_1451 = arith.constant 2 : i32
        %add3A_1452 = vector.broadcast %add3A_1451 : i32 to vector<16xi32>
        %add3A_1453 = arith.addi %mul3A_1450, %add3A_1452 : vector<16xi32>
        %add3A_1454 = arith.addf %mul3A_1435, %mul3A_1439 : vector<16xf32>
        %add3A_1455 = arith.addf %mul3A_1443, %mul3A_1447 : vector<16xf32>
        %add3A_1456 = arith.addf %add3A_1454, %add3A_1455 : vector<16xf32>
        tpu.vector_store_idx %arg21[%add3A_1453], %add3A_1456 : memref<512xf32, #tpu.memory_space<vmem>>[vector<16xi32>], vector<16xf32>,
        %mul3A_1457 = arith.constant 20 : i32
        %mul3A_1458 = arith.muli %add3A_1057, %mul3A_1457 : i32
        %add3A_1459 = arith.constant 2 : i32
        %add3A_1460 = arith.addi %mul3A_1458, %add3A_1459 : i32
        %get3A_1461 = arith.index_cast %add3A_1460 : i32 to index
        %get3A_1462 = arith.constant 0 : index
        %get3A_1463 = tpu.vector_load %arg19[%get3A_1461, %get3A_1462] {strides = array<i32>} : memref<320x64xf32, #tpu.memory_space<vmem>>, vector<16xf32>,
        %mul3A_1464 = arith.mulf %add3A_1136, %get3A_1463 : vector<16xf32>
        %get3A_1465 = arith.index_cast %add3A_1460 : i32 to index
        %get3A_1466 = arith.constant 16 : index
        %get3A_1467 = tpu.vector_load %arg19[%get3A_1465, %get3A_1466] {strides = array<i32>} : memref<320x64xf32, #tpu.memory_space<vmem>>, vector<16xf32>,
        %mul3A_1468 = arith.mulf %add3A_1215, %get3A_1467 : vector<16xf32>
        %get3A_1469 = arith.index_cast %add3A_1460 : i32 to index
        %get3A_1470 = arith.constant 32 : index
        %get3A_1471 = tpu.vector_load %arg19[%get3A_1469, %get3A_1470] {strides = array<i32>} : memref<320x64xf32, #tpu.memory_space<vmem>>, vector<16xf32>,
        %mul3A_1472 = arith.mulf %add3A_1294, %get3A_1471 : vector<16xf32>
        %get3A_1473 = arith.index_cast %add3A_1460 : i32 to index
        %get3A_1474 = arith.constant 48 : index
        %get3A_1475 = tpu.vector_load %arg19[%get3A_1473, %get3A_1474] {strides = array<i32>} : memref<320x64xf32, #tpu.memory_space<vmem>>, vector<16xf32>,
        %mul3A_1476 = arith.mulf %add3A_1373, %get3A_1475 : vector<16xf32>
        %mul3A_1477 = arith.constant 32 : i32
        %mul3A_1478 = vector.broadcast %mul3A_1477 : i32 to vector<16xi32>
        %mul3A_1479 = arith.muli %iota3A, %mul3A_1478 : vector<16xi32>
        %add3A_1480 = arith.constant 3 : i32
        %add3A_1481 = vector.broadcast %add3A_1480 : i32 to vector<16xi32>
        %add3A_1482 = arith.addi %mul3A_1479, %add3A_1481 : vector<16xi32>
        %add3A_1483 = arith.addf %mul3A_1464, %mul3A_1468 : vector<16xf32>
        %add3A_1484 = arith.addf %mul3A_1472, %mul3A_1476 : vector<16xf32>
        %add3A_1485 = arith.addf %add3A_1483, %add3A_1484 : vector<16xf32>
        tpu.vector_store_idx %arg21[%add3A_1482], %add3A_1485 : memref<512xf32, #tpu.memory_space<vmem>>[vector<16xi32>], vector<16xf32>,
        %mul3A_1486 = arith.constant 20 : i32
        %mul3A_1487 = arith.muli %add3A_1057, %mul3A_1486 : i32
        %add3A_1488 = arith.constant 3 : i32
        %add3A_1489 = arith.addi %mul3A_1487, %add3A_1488 : i32
        %get3A_1490 = arith.index_cast %add3A_1489 : i32 to index
        %get3A_1491 = arith.constant 0 : index
        %get3A_1492 = tpu.vector_load %arg19[%get3A_1490, %get3A_1491] {strides = array<i32>} : memref<320x64xf32, #tpu.memory_space<vmem>>, vector<16xf32>,
        %mul3A_1493 = arith.mulf %add3A_1136, %get3A_1492 : vector<16xf32>
        %get3A_1494 = arith.index_cast %add3A_1489 : i32 to index
        %get3A_1495 = arith.constant 16 : index
        %get3A_1496 = tpu.vector_load %arg19[%get3A_1494, %get3A_1495] {strides = array<i32>} : memref<320x64xf32, #tpu.memory_space<vmem>>, vector<16xf32>,
        %mul3A_1497 = arith.mulf %add3A_1215, %get3A_1496 : vector<16xf32>
        %get3A_1498 = arith.index_cast %add3A_1489 : i32 to index
        %get3A_1499 = arith.constant 32 : index
        %get3A_1500 = tpu.vector_load %arg19[%get3A_1498, %get3A_1499] {strides = array<i32>} : memref<320x64xf32, #tpu.memory_space<vmem>>, vector<16xf32>,
        %mul3A_1501 = arith.mulf %add3A_1294, %get3A_1500 : vector<16xf32>
        %get3A_1502 = arith.index_cast %add3A_1489 : i32 to index
        %get3A_1503 = arith.constant 48 : index
        %get3A_1504 = tpu.vector_load %arg19[%get3A_1502, %get3A_1503] {strides = array<i32>} : memref<320x64xf32, #tpu.memory_space<vmem>>, vector<16xf32>,
        %mul3A_1505 = arith.mulf %add3A_1373, %get3A_1504 : vector<16xf32>
        %mul3A_1506 = arith.constant 32 : i32
        %mul3A_1507 = vector.broadcast %mul3A_1506 : i32 to vector<16xi32>
        %mul3A_1508 = arith.muli %iota3A, %mul3A_1507 : vector<16xi32>
        %add3A_1509 = arith.constant 4 : i32
        %add3A_1510 = vector.broadcast %add3A_1509 : i32 to vector<16xi32>
        %add3A_1511 = arith.addi %mul3A_1508, %add3A_1510 : vector<16xi32>
        %add3A_1512 = arith.addf %mul3A_1493, %mul3A_1497 : vector<16xf32>
        %add3A_1513 = arith.addf %mul3A_1501, %mul3A_1505 : vector<16xf32>
        %add3A_1514 = arith.addf %add3A_1512, %add3A_1513 : vector<16xf32>
        tpu.vector_store_idx %arg21[%add3A_1511], %add3A_1514 : memref<512xf32, #tpu.memory_space<vmem>>[vector<16xi32>], vector<16xf32>,
        %mul3A_1515 = arith.constant 20 : i32
        %mul3A_1516 = arith.muli %add3A_1057, %mul3A_1515 : i32
        %add3A_1517 = arith.constant 4 : i32
        %add3A_1518 = arith.addi %mul3A_1516, %add3A_1517 : i32
        %get3A_1519 = arith.index_cast %add3A_1518 : i32 to index
        %get3A_1520 = arith.constant 0 : index
        %get3A_1521 = tpu.vector_load %arg19[%get3A_1519, %get3A_1520] {strides = array<i32>} : memref<320x64xf32, #tpu.memory_space<vmem>>, vector<16xf32>,
        %mul3A_1522 = arith.mulf %add3A_1136, %get3A_1521 : vector<16xf32>
        %get3A_1523 = arith.index_cast %add3A_1518 : i32 to index
        %get3A_1524 = arith.constant 16 : index
        %get3A_1525 = tpu.vector_load %arg19[%get3A_1523, %get3A_1524] {strides = array<i32>} : memref<320x64xf32, #tpu.memory_space<vmem>>, vector<16xf32>,
        %mul3A_1526 = arith.mulf %add3A_1215, %get3A_1525 : vector<16xf32>
        %get3A_1527 = arith.index_cast %add3A_1518 : i32 to index
        %get3A_1528 = arith.constant 32 : index
        %get3A_1529 = tpu.vector_load %arg19[%get3A_1527, %get3A_1528] {strides = array<i32>} : memref<320x64xf32, #tpu.memory_space<vmem>>, vector<16xf32>,
        %mul3A_1530 = arith.mulf %add3A_1294, %get3A_1529 : vector<16xf32>
        %get3A_1531 = arith.index_cast %add3A_1518 : i32 to index
        %get3A_1532 = arith.constant 48 : index
        %get3A_1533 = tpu.vector_load %arg19[%get3A_1531, %get3A_1532] {strides = array<i32>} : memref<320x64xf32, #tpu.memory_space<vmem>>, vector<16xf32>,
        %mul3A_1534 = arith.mulf %add3A_1373, %get3A_1533 : vector<16xf32>
        %mul3A_1535 = arith.constant 32 : i32
        %mul3A_1536 = vector.broadcast %mul3A_1535 : i32 to vector<16xi32>
        %mul3A_1537 = arith.muli %iota3A, %mul3A_1536 : vector<16xi32>
        %add3A_1538 = arith.constant 5 : i32
        %add3A_1539 = vector.broadcast %add3A_1538 : i32 to vector<16xi32>
        %add3A_1540 = arith.addi %mul3A_1537, %add3A_1539 : vector<16xi32>
        %add3A_1541 = arith.addf %mul3A_1522, %mul3A_1526 : vector<16xf32>
        %add3A_1542 = arith.addf %mul3A_1530, %mul3A_1534 : vector<16xf32>
        %add3A_1543 = arith.addf %add3A_1541, %add3A_1542 : vector<16xf32>
        tpu.vector_store_idx %arg21[%add3A_1540], %add3A_1543 : memref<512xf32, #tpu.memory_space<vmem>>[vector<16xi32>], vector<16xf32>,
        %mul3A_1544 = arith.constant 20 : i32
        %mul3A_1545 = arith.muli %add3A_1057, %mul3A_1544 : i32
        %add3A_1546 = arith.constant 5 : i32
        %add3A_1547 = arith.addi %mul3A_1545, %add3A_1546 : i32
        %get3A_1548 = arith.index_cast %add3A_1547 : i32 to index
        %get3A_1549 = arith.constant 0 : index
        %get3A_1550 = tpu.vector_load %arg19[%get3A_1548, %get3A_1549] {strides = array<i32>} : memref<320x64xf32, #tpu.memory_space<vmem>>, vector<16xf32>,
        %mul3A_1551 = arith.mulf %add3A_1136, %get3A_1550 : vector<16xf32>
        %get3A_1552 = arith.index_cast %add3A_1547 : i32 to index
        %get3A_1553 = arith.constant 16 : index
        %get3A_1554 = tpu.vector_load %arg19[%get3A_1552, %get3A_1553] {strides = array<i32>} : memref<320x64xf32, #tpu.memory_space<vmem>>, vector<16xf32>,
        %mul3A_1555 = arith.mulf %add3A_1215, %get3A_1554 : vector<16xf32>
        %get3A_1556 = arith.index_cast %add3A_1547 : i32 to index
        %get3A_1557 = arith.constant 32 : index
        %get3A_1558 = tpu.vector_load %arg19[%get3A_1556, %get3A_1557] {strides = array<i32>} : memref<320x64xf32, #tpu.memory_space<vmem>>, vector<16xf32>,
        %mul3A_1559 = arith.mulf %add3A_1294, %get3A_1558 : vector<16xf32>
        %get3A_1560 = arith.index_cast %add3A_1547 : i32 to index
        %get3A_1561 = arith.constant 48 : index
        %get3A_1562 = tpu.vector_load %arg19[%get3A_1560, %get3A_1561] {strides = array<i32>} : memref<320x64xf32, #tpu.memory_space<vmem>>, vector<16xf32>,
        %mul3A_1563 = arith.mulf %add3A_1373, %get3A_1562 : vector<16xf32>
        %mul3A_1564 = arith.constant 32 : i32
        %mul3A_1565 = vector.broadcast %mul3A_1564 : i32 to vector<16xi32>
        %mul3A_1566 = arith.muli %iota3A, %mul3A_1565 : vector<16xi32>
        %add3A_1567 = arith.constant 6 : i32
        %add3A_1568 = vector.broadcast %add3A_1567 : i32 to vector<16xi32>
        %add3A_1569 = arith.addi %mul3A_1566, %add3A_1568 : vector<16xi32>
        %add3A_1570 = arith.addf %mul3A_1551, %mul3A_1555 : vector<16xf32>
        %add3A_1571 = arith.addf %mul3A_1559, %mul3A_1563 : vector<16xf32>
        %add3A_1572 = arith.addf %add3A_1570, %add3A_1571 : vector<16xf32>
        tpu.vector_store_idx %arg21[%add3A_1569], %add3A_1572 : memref<512xf32, #tpu.memory_space<vmem>>[vector<16xi32>], vector<16xf32>,
        %mul3A_1573 = arith.constant 20 : i32
        %mul3A_1574 = arith.muli %add3A_1057, %mul3A_1573 : i32
        %add3A_1575 = arith.constant 6 : i32
        %add3A_1576 = arith.addi %mul3A_1574, %add3A_1575 : i32
        %get3A_1577 = arith.index_cast %add3A_1576 : i32 to index
        %get3A_1578 = arith.constant 0 : index
        %get3A_1579 = tpu.vector_load %arg19[%get3A_1577, %get3A_1578] {strides = array<i32>} : memref<320x64xf32, #tpu.memory_space<vmem>>, vector<16xf32>,
        %mul3A_1580 = arith.mulf %add3A_1136, %get3A_1579 : vector<16xf32>
        %get3A_1581 = arith.index_cast %add3A_1576 : i32 to index
        %get3A_1582 = arith.constant 16 : index
        %get3A_1583 = tpu.vector_load %arg19[%get3A_1581, %get3A_1582] {strides = array<i32>} : memref<320x64xf32, #tpu.memory_space<vmem>>, vector<16xf32>,
        %mul3A_1584 = arith.mulf %add3A_1215, %get3A_1583 : vector<16xf32>
        %get3A_1585 = arith.index_cast %add3A_1576 : i32 to index
        %get3A_1586 = arith.constant 32 : index
        %get3A_1587 = tpu.vector_load %arg19[%get3A_1585, %get3A_1586] {strides = array<i32>} : memref<320x64xf32, #tpu.memory_space<vmem>>, vector<16xf32>,
        %mul3A_1588 = arith.mulf %add3A_1294, %get3A_1587 : vector<16xf32>
        %get3A_1589 = arith.index_cast %add3A_1576 : i32 to index
        %get3A_1590 = arith.constant 48 : index
        %get3A_1591 = tpu.vector_load %arg19[%get3A_1589, %get3A_1590] {strides = array<i32>} : memref<320x64xf32, #tpu.memory_space<vmem>>, vector<16xf32>,
        %mul3A_1592 = arith.mulf %add3A_1373, %get3A_1591 : vector<16xf32>
        %mul3A_1593 = arith.constant 32 : i32
        %mul3A_1594 = vector.broadcast %mul3A_1593 : i32 to vector<16xi32>
        %mul3A_1595 = arith.muli %iota3A, %mul3A_1594 : vector<16xi32>
        %add3A_1596 = arith.constant 7 : i32
        %add3A_1597 = vector.broadcast %add3A_1596 : i32 to vector<16xi32>
        %add3A_1598 = arith.addi %mul3A_1595, %add3A_1597 : vector<16xi32>
        %add3A_1599 = arith.addf %mul3A_1580, %mul3A_1584 : vector<16xf32>
        %add3A_1600 = arith.addf %mul3A_1588, %mul3A_1592 : vector<16xf32>
        %add3A_1601 = arith.addf %add3A_1599, %add3A_1600 : vector<16xf32>
        tpu.vector_store_idx %arg21[%add3A_1598], %add3A_1601 : memref<512xf32, #tpu.memory_space<vmem>>[vector<16xi32>], vector<16xf32>,
        %mul3A_1602 = arith.constant 20 : i32
        %mul3A_1603 = arith.muli %add3A_1057, %mul3A_1602 : i32
        %add3A_1604 = arith.constant 7 : i32
        %add3A_1605 = arith.addi %mul3A_1603, %add3A_1604 : i32
        %get3A_1606 = arith.index_cast %add3A_1605 : i32 to index
        %get3A_1607 = arith.constant 0 : index
        %get3A_1608 = tpu.vector_load %arg19[%get3A_1606, %get3A_1607] {strides = array<i32>} : memref<320x64xf32, #tpu.memory_space<vmem>>, vector<16xf32>,
        %mul3A_1609 = arith.mulf %add3A_1136, %get3A_1608 : vector<16xf32>
        %get3A_1610 = arith.index_cast %add3A_1605 : i32 to index
        %get3A_1611 = arith.constant 16 : index
        %get3A_1612 = tpu.vector_load %arg19[%get3A_1610, %get3A_1611] {strides = array<i32>} : memref<320x64xf32, #tpu.memory_space<vmem>>, vector<16xf32>,
        %mul3A_1613 = arith.mulf %add3A_1215, %get3A_1612 : vector<16xf32>
        %get3A_1614 = arith.index_cast %add3A_1605 : i32 to index
        %get3A_1615 = arith.constant 32 : index
        %get3A_1616 = tpu.vector_load %arg19[%get3A_1614, %get3A_1615] {strides = array<i32>} : memref<320x64xf32, #tpu.memory_space<vmem>>, vector<16xf32>,
        %mul3A_1617 = arith.mulf %add3A_1294, %get3A_1616 : vector<16xf32>
        %get3A_1618 = arith.index_cast %add3A_1605 : i32 to index
        %get3A_1619 = arith.constant 48 : index
        %get3A_1620 = tpu.vector_load %arg19[%get3A_1618, %get3A_1619] {strides = array<i32>} : memref<320x64xf32, #tpu.memory_space<vmem>>, vector<16xf32>,
        %mul3A_1621 = arith.mulf %add3A_1373, %get3A_1620 : vector<16xf32>
        %mul3A_1622 = arith.constant 32 : i32
        %mul3A_1623 = vector.broadcast %mul3A_1622 : i32 to vector<16xi32>
        %mul3A_1624 = arith.muli %iota3A, %mul3A_1623 : vector<16xi32>
        %add3A_1625 = arith.constant 8 : i32
        %add3A_1626 = vector.broadcast %add3A_1625 : i32 to vector<16xi32>
        %add3A_1627 = arith.addi %mul3A_1624, %add3A_1626 : vector<16xi32>
        %add3A_1628 = arith.addf %mul3A_1609, %mul3A_1613 : vector<16xf32>
        %add3A_1629 = arith.addf %mul3A_1617, %mul3A_1621 : vector<16xf32>
        %add3A_1630 = arith.addf %add3A_1628, %add3A_1629 : vector<16xf32>
        tpu.vector_store_idx %arg21[%add3A_1627], %add3A_1630 : memref<512xf32, #tpu.memory_space<vmem>>[vector<16xi32>], vector<16xf32>,
        %mul3A_1631 = arith.constant 20 : i32
        %mul3A_1632 = arith.muli %add3A_1057, %mul3A_1631 : i32
        %add3A_1633 = arith.constant 8 : i32
        %add3A_1634 = arith.addi %mul3A_1632, %add3A_1633 : i32
        %get3A_1635 = arith.index_cast %add3A_1634 : i32 to index
        %get3A_1636 = arith.constant 0 : index
        %get3A_1637 = tpu.vector_load %arg19[%get3A_1635, %get3A_1636] {strides = array<i32>} : memref<320x64xf32, #tpu.memory_space<vmem>>, vector<16xf32>,
        %mul3A_1638 = arith.mulf %add3A_1136, %get3A_1637 : vector<16xf32>
        %get3A_1639 = arith.index_cast %add3A_1634 : i32 to index
        %get3A_1640 = arith.constant 16 : index
        %get3A_1641 = tpu.vector_load %arg19[%get3A_1639, %get3A_1640] {strides = array<i32>} : memref<320x64xf32, #tpu.memory_space<vmem>>, vector<16xf32>,
        %mul3A_1642 = arith.mulf %add3A_1215, %get3A_1641 : vector<16xf32>
        %get3A_1643 = arith.index_cast %add3A_1634 : i32 to index
        %get3A_1644 = arith.constant 32 : index
        %get3A_1645 = tpu.vector_load %arg19[%get3A_1643, %get3A_1644] {strides = array<i32>} : memref<320x64xf32, #tpu.memory_space<vmem>>, vector<16xf32>,
        %mul3A_1646 = arith.mulf %add3A_1294, %get3A_1645 : vector<16xf32>
        %get3A_1647 = arith.index_cast %add3A_1634 : i32 to index
        %get3A_1648 = arith.constant 48 : index
        %get3A_1649 = tpu.vector_load %arg19[%get3A_1647, %get3A_1648] {strides = array<i32>} : memref<320x64xf32, #tpu.memory_space<vmem>>, vector<16xf32>,
        %mul3A_1650 = arith.mulf %add3A_1373, %get3A_1649 : vector<16xf32>
        %mul3A_1651 = arith.constant 32 : i32
        %mul3A_1652 = vector.broadcast %mul3A_1651 : i32 to vector<16xi32>
        %mul3A_1653 = arith.muli %iota3A, %mul3A_1652 : vector<16xi32>
        %add3A_1654 = arith.constant 9 : i32
        %add3A_1655 = vector.broadcast %add3A_1654 : i32 to vector<16xi32>
        %add3A_1656 = arith.addi %mul3A_1653, %add3A_1655 : vector<16xi32>
        %add3A_1657 = arith.addf %mul3A_1638, %mul3A_1642 : vector<16xf32>
        %add3A_1658 = arith.addf %mul3A_1646, %mul3A_1650 : vector<16xf32>
        %add3A_1659 = arith.addf %add3A_1657, %add3A_1658 : vector<16xf32>
        tpu.vector_store_idx %arg21[%add3A_1656], %add3A_1659 : memref<512xf32, #tpu.memory_space<vmem>>[vector<16xi32>], vector<16xf32>,
        %mul3A_1660 = arith.constant 20 : i32
        %mul3A_1661 = arith.muli %add3A_1057, %mul3A_1660 : i32
        %add3A_1662 = arith.constant 9 : i32
        %add3A_1663 = arith.addi %mul3A_1661, %add3A_1662 : i32
        %get3A_1664 = arith.index_cast %add3A_1663 : i32 to index
        %get3A_1665 = arith.constant 0 : index
        %get3A_1666 = tpu.vector_load %arg19[%get3A_1664, %get3A_1665] {strides = array<i32>} : memref<320x64xf32, #tpu.memory_space<vmem>>, vector<16xf32>,
        %mul3A_1667 = arith.mulf %add3A_1136, %get3A_1666 : vector<16xf32>
        %get3A_1668 = arith.index_cast %add3A_1663 : i32 to index
        %get3A_1669 = arith.constant 16 : index
        %get3A_1670 = tpu.vector_load %arg19[%get3A_1668, %get3A_1669] {strides = array<i32>} : memref<320x64xf32, #tpu.memory_space<vmem>>, vector<16xf32>,
        %mul3A_1671 = arith.mulf %add3A_1215, %get3A_1670 : vector<16xf32>
        %get3A_1672 = arith.index_cast %add3A_1663 : i32 to index
        %get3A_1673 = arith.constant 32 : index
        %get3A_1674 = tpu.vector_load %arg19[%get3A_1672, %get3A_1673] {strides = array<i32>} : memref<320x64xf32, #tpu.memory_space<vmem>>, vector<16xf32>,
        %mul3A_1675 = arith.mulf %add3A_1294, %get3A_1674 : vector<16xf32>
        %get3A_1676 = arith.index_cast %add3A_1663 : i32 to index
        %get3A_1677 = arith.constant 48 : index
        %get3A_1678 = tpu.vector_load %arg19[%get3A_1676, %get3A_1677] {strides = array<i32>} : memref<320x64xf32, #tpu.memory_space<vmem>>, vector<16xf32>,
        %mul3A_1679 = arith.mulf %add3A_1373, %get3A_1678 : vector<16xf32>
        %mul3A_1680 = arith.constant 32 : i32
        %mul3A_1681 = vector.broadcast %mul3A_1680 : i32 to vector<16xi32>
        %mul3A_1682 = arith.muli %iota3A, %mul3A_1681 : vector<16xi32>
        %add3A_1683 = arith.constant 10 : i32
        %add3A_1684 = vector.broadcast %add3A_1683 : i32 to vector<16xi32>
        %add3A_1685 = arith.addi %mul3A_1682, %add3A_1684 : vector<16xi32>
        %add3A_1686 = arith.addf %mul3A_1667, %mul3A_1671 : vector<16xf32>
        %add3A_1687 = arith.addf %mul3A_1675, %mul3A_1679 : vector<16xf32>
        %add3A_1688 = arith.addf %add3A_1686, %add3A_1687 : vector<16xf32>
        tpu.vector_store_idx %arg21[%add3A_1685], %add3A_1688 : memref<512xf32, #tpu.memory_space<vmem>>[vector<16xi32>], vector<16xf32>,
        %mul3A_1689 = arith.constant 20 : i32
        %mul3A_1690 = arith.muli %add3A_1057, %mul3A_1689 : i32
        %add3A_1691 = arith.constant 10 : i32
        %add3A_1692 = arith.addi %mul3A_1690, %add3A_1691 : i32
        %get3A_1693 = arith.index_cast %add3A_1692 : i32 to index
        %get3A_1694 = arith.constant 0 : index
        %get3A_1695 = tpu.vector_load %arg19[%get3A_1693, %get3A_1694] {strides = array<i32>} : memref<320x64xf32, #tpu.memory_space<vmem>>, vector<16xf32>,
        %mul3A_1696 = arith.mulf %add3A_1136, %get3A_1695 : vector<16xf32>
        %get3A_1697 = arith.index_cast %add3A_1692 : i32 to index
        %get3A_1698 = arith.constant 16 : index
        %get3A_1699 = tpu.vector_load %arg19[%get3A_1697, %get3A_1698] {strides = array<i32>} : memref<320x64xf32, #tpu.memory_space<vmem>>, vector<16xf32>,
        %mul3A_1700 = arith.mulf %add3A_1215, %get3A_1699 : vector<16xf32>
        %get3A_1701 = arith.index_cast %add3A_1692 : i32 to index
        %get3A_1702 = arith.constant 32 : index
        %get3A_1703 = tpu.vector_load %arg19[%get3A_1701, %get3A_1702] {strides = array<i32>} : memref<320x64xf32, #tpu.memory_space<vmem>>, vector<16xf32>,
        %mul3A_1704 = arith.mulf %add3A_1294, %get3A_1703 : vector<16xf32>
        %get3A_1705 = arith.index_cast %add3A_1692 : i32 to index
        %get3A_1706 = arith.constant 48 : index
        %get3A_1707 = tpu.vector_load %arg19[%get3A_1705, %get3A_1706] {strides = array<i32>} : memref<320x64xf32, #tpu.memory_space<vmem>>, vector<16xf32>,
        %mul3A_1708 = arith.mulf %add3A_1373, %get3A_1707 : vector<16xf32>
        %mul3A_1709 = arith.constant 32 : i32
        %mul3A_1710 = vector.broadcast %mul3A_1709 : i32 to vector<16xi32>
        %mul3A_1711 = arith.muli %iota3A, %mul3A_1710 : vector<16xi32>
        %add3A_1712 = arith.constant 11 : i32
        %add3A_1713 = vector.broadcast %add3A_1712 : i32 to vector<16xi32>
        %add3A_1714 = arith.addi %mul3A_1711, %add3A_1713 : vector<16xi32>
        %add3A_1715 = arith.addf %mul3A_1696, %mul3A_1700 : vector<16xf32>
        %add3A_1716 = arith.addf %mul3A_1704, %mul3A_1708 : vector<16xf32>
        %add3A_1717 = arith.addf %add3A_1715, %add3A_1716 : vector<16xf32>
        tpu.vector_store_idx %arg21[%add3A_1714], %add3A_1717 : memref<512xf32, #tpu.memory_space<vmem>>[vector<16xi32>], vector<16xf32>,
        %mul3A_1718 = arith.constant 20 : i32
        %mul3A_1719 = arith.muli %add3A_1057, %mul3A_1718 : i32
        %add3A_1720 = arith.constant 11 : i32
        %add3A_1721 = arith.addi %mul3A_1719, %add3A_1720 : i32
        %get3A_1722 = arith.index_cast %add3A_1721 : i32 to index
        %get3A_1723 = arith.constant 0 : index
        %get3A_1724 = tpu.vector_load %arg19[%get3A_1722, %get3A_1723] {strides = array<i32>} : memref<320x64xf32, #tpu.memory_space<vmem>>, vector<16xf32>,
        %mul3A_1725 = arith.mulf %add3A_1136, %get3A_1724 : vector<16xf32>
        %get3A_1726 = arith.index_cast %add3A_1721 : i32 to index
        %get3A_1727 = arith.constant 16 : index
        %get3A_1728 = tpu.vector_load %arg19[%get3A_1726, %get3A_1727] {strides = array<i32>} : memref<320x64xf32, #tpu.memory_space<vmem>>, vector<16xf32>,
        %mul3A_1729 = arith.mulf %add3A_1215, %get3A_1728 : vector<16xf32>
        %get3A_1730 = arith.index_cast %add3A_1721 : i32 to index
        %get3A_1731 = arith.constant 32 : index
        %get3A_1732 = tpu.vector_load %arg19[%get3A_1730, %get3A_1731] {strides = array<i32>} : memref<320x64xf32, #tpu.memory_space<vmem>>, vector<16xf32>,
        %mul3A_1733 = arith.mulf %add3A_1294, %get3A_1732 : vector<16xf32>
        %get3A_1734 = arith.index_cast %add3A_1721 : i32 to index
        %get3A_1735 = arith.constant 48 : index
        %get3A_1736 = tpu.vector_load %arg19[%get3A_1734, %get3A_1735] {strides = array<i32>} : memref<320x64xf32, #tpu.memory_space<vmem>>, vector<16xf32>,
        %mul3A_1737 = arith.mulf %add3A_1373, %get3A_1736 : vector<16xf32>
        %mul3A_1738 = arith.constant 32 : i32
        %mul3A_1739 = vector.broadcast %mul3A_1738 : i32 to vector<16xi32>
        %mul3A_1740 = arith.muli %iota3A, %mul3A_1739 : vector<16xi32>
        %add3A_1741 = arith.constant 12 : i32
        %add3A_1742 = vector.broadcast %add3A_1741 : i32 to vector<16xi32>
        %add3A_1743 = arith.addi %mul3A_1740, %add3A_1742 : vector<16xi32>
        %add3A_1744 = arith.addf %mul3A_1725, %mul3A_1729 : vector<16xf32>
        %add3A_1745 = arith.addf %mul3A_1733, %mul3A_1737 : vector<16xf32>
        %add3A_1746 = arith.addf %add3A_1744, %add3A_1745 : vector<16xf32>
        tpu.vector_store_idx %arg21[%add3A_1743], %add3A_1746 : memref<512xf32, #tpu.memory_space<vmem>>[vector<16xi32>], vector<16xf32>,
        %mul3A_1747 = arith.constant 20 : i32
        %mul3A_1748 = arith.muli %add3A_1057, %mul3A_1747 : i32
        %add3A_1749 = arith.constant 12 : i32
        %add3A_1750 = arith.addi %mul3A_1748, %add3A_1749 : i32
        %get3A_1751 = arith.index_cast %add3A_1750 : i32 to index
        %get3A_1752 = arith.constant 0 : index
        %get3A_1753 = tpu.vector_load %arg19[%get3A_1751, %get3A_1752] {strides = array<i32>} : memref<320x64xf32, #tpu.memory_space<vmem>>, vector<16xf32>,
        %mul3A_1754 = arith.mulf %add3A_1136, %get3A_1753 : vector<16xf32>
        %get3A_1755 = arith.index_cast %add3A_1750 : i32 to index
        %get3A_1756 = arith.constant 16 : index
        %get3A_1757 = tpu.vector_load %arg19[%get3A_1755, %get3A_1756] {strides = array<i32>} : memref<320x64xf32, #tpu.memory_space<vmem>>, vector<16xf32>,
        %mul3A_1758 = arith.mulf %add3A_1215, %get3A_1757 : vector<16xf32>
        %get3A_1759 = arith.index_cast %add3A_1750 : i32 to index
        %get3A_1760 = arith.constant 32 : index
        %get3A_1761 = tpu.vector_load %arg19[%get3A_1759, %get3A_1760] {strides = array<i32>} : memref<320x64xf32, #tpu.memory_space<vmem>>, vector<16xf32>,
        %mul3A_1762 = arith.mulf %add3A_1294, %get3A_1761 : vector<16xf32>
        %get3A_1763 = arith.index_cast %add3A_1750 : i32 to index
        %get3A_1764 = arith.constant 48 : index
        %get3A_1765 = tpu.vector_load %arg19[%get3A_1763, %get3A_1764] {strides = array<i32>} : memref<320x64xf32, #tpu.memory_space<vmem>>, vector<16xf32>,
        %mul3A_1766 = arith.mulf %add3A_1373, %get3A_1765 : vector<16xf32>
        %mul3A_1767 = arith.constant 32 : i32
        %mul3A_1768 = vector.broadcast %mul3A_1767 : i32 to vector<16xi32>
        %mul3A_1769 = arith.muli %iota3A, %mul3A_1768 : vector<16xi32>
        %add3A_1770 = arith.constant 13 : i32
        %add3A_1771 = vector.broadcast %add3A_1770 : i32 to vector<16xi32>
        %add3A_1772 = arith.addi %mul3A_1769, %add3A_1771 : vector<16xi32>
        %add3A_1773 = arith.addf %mul3A_1754, %mul3A_1758 : vector<16xf32>
        %add3A_1774 = arith.addf %mul3A_1762, %mul3A_1766 : vector<16xf32>
        %add3A_1775 = arith.addf %add3A_1773, %add3A_1774 : vector<16xf32>
        tpu.vector_store_idx %arg21[%add3A_1772], %add3A_1775 : memref<512xf32, #tpu.memory_space<vmem>>[vector<16xi32>], vector<16xf32>,
        %mul3A_1776 = arith.constant 20 : i32
        %mul3A_1777 = arith.muli %add3A_1057, %mul3A_1776 : i32
        %add3A_1778 = arith.constant 13 : i32
        %add3A_1779 = arith.addi %mul3A_1777, %add3A_1778 : i32
        %get3A_1780 = arith.index_cast %add3A_1779 : i32 to index
        %get3A_1781 = arith.constant 0 : index
        %get3A_1782 = tpu.vector_load %arg19[%get3A_1780, %get3A_1781] {strides = array<i32>} : memref<320x64xf32, #tpu.memory_space<vmem>>, vector<16xf32>,
        %mul3A_1783 = arith.mulf %add3A_1136, %get3A_1782 : vector<16xf32>
        %get3A_1784 = arith.index_cast %add3A_1779 : i32 to index
        %get3A_1785 = arith.constant 16 : index
        %get3A_1786 = tpu.vector_load %arg19[%get3A_1784, %get3A_1785] {strides = array<i32>} : memref<320x64xf32, #tpu.memory_space<vmem>>, vector<16xf32>,
        %mul3A_1787 = arith.mulf %add3A_1215, %get3A_1786 : vector<16xf32>
        %get3A_1788 = arith.index_cast %add3A_1779 : i32 to index
        %get3A_1789 = arith.constant 32 : index
        %get3A_1790 = tpu.vector_load %arg19[%get3A_1788, %get3A_1789] {strides = array<i32>} : memref<320x64xf32, #tpu.memory_space<vmem>>, vector<16xf32>,
        %mul3A_1791 = arith.mulf %add3A_1294, %get3A_1790 : vector<16xf32>
        %get3A_1792 = arith.index_cast %add3A_1779 : i32 to index
        %get3A_1793 = arith.constant 48 : index
        %get3A_1794 = tpu.vector_load %arg19[%get3A_1792, %get3A_1793] {strides = array<i32>} : memref<320x64xf32, #tpu.memory_space<vmem>>, vector<16xf32>,
        %mul3A_1795 = arith.mulf %add3A_1373, %get3A_1794 : vector<16xf32>
        %mul3A_1796 = arith.constant 32 : i32
        %mul3A_1797 = vector.broadcast %mul3A_1796 : i32 to vector<16xi32>
        %mul3A_1798 = arith.muli %iota3A, %mul3A_1797 : vector<16xi32>
        %add3A_1799 = arith.constant 14 : i32
        %add3A_1800 = vector.broadcast %add3A_1799 : i32 to vector<16xi32>
        %add3A_1801 = arith.addi %mul3A_1798, %add3A_1800 : vector<16xi32>
        %add3A_1802 = arith.addf %mul3A_1783, %mul3A_1787 : vector<16xf32>
        %add3A_1803 = arith.addf %mul3A_1791, %mul3A_1795 : vector<16xf32>
        %add3A_1804 = arith.addf %add3A_1802, %add3A_1803 : vector<16xf32>
        tpu.vector_store_idx %arg21[%add3A_1801], %add3A_1804 : memref<512xf32, #tpu.memory_space<vmem>>[vector<16xi32>], vector<16xf32>,
        %mul3A_1805 = arith.constant 20 : i32
        %mul3A_1806 = arith.muli %add3A_1057, %mul3A_1805 : i32
        %add3A_1807 = arith.constant 14 : i32
        %add3A_1808 = arith.addi %mul3A_1806, %add3A_1807 : i32
        %get3A_1809 = arith.index_cast %add3A_1808 : i32 to index
        %get3A_1810 = arith.constant 0 : index
        %get3A_1811 = tpu.vector_load %arg19[%get3A_1809, %get3A_1810] {strides = array<i32>} : memref<320x64xf32, #tpu.memory_space<vmem>>, vector<16xf32>,
        %mul3A_1812 = arith.mulf %add3A_1136, %get3A_1811 : vector<16xf32>
        %get3A_1813 = arith.index_cast %add3A_1808 : i32 to index
        %get3A_1814 = arith.constant 16 : index
        %get3A_1815 = tpu.vector_load %arg19[%get3A_1813, %get3A_1814] {strides = array<i32>} : memref<320x64xf32, #tpu.memory_space<vmem>>, vector<16xf32>,
        %mul3A_1816 = arith.mulf %add3A_1215, %get3A_1815 : vector<16xf32>
        %get3A_1817 = arith.index_cast %add3A_1808 : i32 to index
        %get3A_1818 = arith.constant 32 : index
        %get3A_1819 = tpu.vector_load %arg19[%get3A_1817, %get3A_1818] {strides = array<i32>} : memref<320x64xf32, #tpu.memory_space<vmem>>, vector<16xf32>,
        %mul3A_1820 = arith.mulf %add3A_1294, %get3A_1819 : vector<16xf32>
        %get3A_1821 = arith.index_cast %add3A_1808 : i32 to index
        %get3A_1822 = arith.constant 48 : index
        %get3A_1823 = tpu.vector_load %arg19[%get3A_1821, %get3A_1822] {strides = array<i32>} : memref<320x64xf32, #tpu.memory_space<vmem>>, vector<16xf32>,
        %mul3A_1824 = arith.mulf %add3A_1373, %get3A_1823 : vector<16xf32>
        %mul3A_1825 = arith.constant 32 : i32
        %mul3A_1826 = vector.broadcast %mul3A_1825 : i32 to vector<16xi32>
        %mul3A_1827 = arith.muli %iota3A, %mul3A_1826 : vector<16xi32>
        %add3A_1828 = arith.constant 15 : i32
        %add3A_1829 = vector.broadcast %add3A_1828 : i32 to vector<16xi32>
        %add3A_1830 = arith.addi %mul3A_1827, %add3A_1829 : vector<16xi32>
        %add3A_1831 = arith.addf %mul3A_1812, %mul3A_1816 : vector<16xf32>
        %add3A_1832 = arith.addf %mul3A_1820, %mul3A_1824 : vector<16xf32>
        %add3A_1833 = arith.addf %add3A_1831, %add3A_1832 : vector<16xf32>
        tpu.vector_store_idx %arg21[%add3A_1830], %add3A_1833 : memref<512xf32, #tpu.memory_space<vmem>>[vector<16xi32>], vector<16xf32>,
        %mul3A_1834 = arith.constant 20 : i32
        %mul3A_1835 = arith.muli %add3A_1057, %mul3A_1834 : i32
        %add3A_1836 = arith.constant 15 : i32
        %add3A_1837 = arith.addi %mul3A_1835, %add3A_1836 : i32
        %get3A_1838 = arith.index_cast %add3A_1837 : i32 to index
        %get3A_1839 = arith.constant 0 : index
        %get3A_1840 = tpu.vector_load %arg19[%get3A_1838, %get3A_1839] {strides = array<i32>} : memref<320x64xf32, #tpu.memory_space<vmem>>, vector<16xf32>,
        %mul3A_1841 = arith.mulf %add3A_1136, %get3A_1840 : vector<16xf32>
        %get3A_1842 = arith.index_cast %add3A_1837 : i32 to index
        %get3A_1843 = arith.constant 16 : index
        %get3A_1844 = tpu.vector_load %arg19[%get3A_1842, %get3A_1843] {strides = array<i32>} : memref<320x64xf32, #tpu.memory_space<vmem>>, vector<16xf32>,
        %mul3A_1845 = arith.mulf %add3A_1215, %get3A_1844 : vector<16xf32>
        %get3A_1846 = arith.index_cast %add3A_1837 : i32 to index
        %get3A_1847 = arith.constant 32 : index
        %get3A_1848 = tpu.vector_load %arg19[%get3A_1846, %get3A_1847] {strides = array<i32>} : memref<320x64xf32, #tpu.memory_space<vmem>>, vector<16xf32>,
        %mul3A_1849 = arith.mulf %add3A_1294, %get3A_1848 : vector<16xf32>
        %get3A_1850 = arith.index_cast %add3A_1837 : i32 to index
        %get3A_1851 = arith.constant 48 : index
        %get3A_1852 = tpu.vector_load %arg19[%get3A_1850, %get3A_1851] {strides = array<i32>} : memref<320x64xf32, #tpu.memory_space<vmem>>, vector<16xf32>,
        %mul3A_1853 = arith.mulf %add3A_1373, %get3A_1852 : vector<16xf32>
        %mul3A_1854 = arith.constant 32 : i32
        %mul3A_1855 = vector.broadcast %mul3A_1854 : i32 to vector<16xi32>
        %mul3A_1856 = arith.muli %iota3A, %mul3A_1855 : vector<16xi32>
        %add3A_1857 = arith.constant 16 : i32
        %add3A_1858 = vector.broadcast %add3A_1857 : i32 to vector<16xi32>
        %add3A_1859 = arith.addi %mul3A_1856, %add3A_1858 : vector<16xi32>
        %add3A_1860 = arith.addf %mul3A_1841, %mul3A_1845 : vector<16xf32>
        %add3A_1861 = arith.addf %mul3A_1849, %mul3A_1853 : vector<16xf32>
        %add3A_1862 = arith.addf %add3A_1860, %add3A_1861 : vector<16xf32>
        tpu.vector_store_idx %arg21[%add3A_1859], %add3A_1862 : memref<512xf32, #tpu.memory_space<vmem>>[vector<16xi32>], vector<16xf32>,
        %mul3A_1863 = arith.constant 20 : i32
        %mul3A_1864 = arith.muli %add3A_1057, %mul3A_1863 : i32
        %add3A_1865 = arith.constant 16 : i32
        %add3A_1866 = arith.addi %mul3A_1864, %add3A_1865 : i32
        %get3A_1867 = arith.index_cast %add3A_1866 : i32 to index
        %get3A_1868 = arith.constant 0 : index
        %get3A_1869 = tpu.vector_load %arg19[%get3A_1867, %get3A_1868] {strides = array<i32>} : memref<320x64xf32, #tpu.memory_space<vmem>>, vector<16xf32>,
        %mul3A_1870 = arith.mulf %add3A_1136, %get3A_1869 : vector<16xf32>
        %get3A_1871 = arith.index_cast %add3A_1866 : i32 to index
        %get3A_1872 = arith.constant 16 : index
        %get3A_1873 = tpu.vector_load %arg19[%get3A_1871, %get3A_1872] {strides = array<i32>} : memref<320x64xf32, #tpu.memory_space<vmem>>, vector<16xf32>,
        %mul3A_1874 = arith.mulf %add3A_1215, %get3A_1873 : vector<16xf32>
        %get3A_1875 = arith.index_cast %add3A_1866 : i32 to index
        %get3A_1876 = arith.constant 32 : index
        %get3A_1877 = tpu.vector_load %arg19[%get3A_1875, %get3A_1876] {strides = array<i32>} : memref<320x64xf32, #tpu.memory_space<vmem>>, vector<16xf32>,
        %mul3A_1878 = arith.mulf %add3A_1294, %get3A_1877 : vector<16xf32>
        %get3A_1879 = arith.index_cast %add3A_1866 : i32 to index
        %get3A_1880 = arith.constant 48 : index
        %get3A_1881 = tpu.vector_load %arg19[%get3A_1879, %get3A_1880] {strides = array<i32>} : memref<320x64xf32, #tpu.memory_space<vmem>>, vector<16xf32>,
        %mul3A_1882 = arith.mulf %add3A_1373, %get3A_1881 : vector<16xf32>
        %mul3A_1883 = arith.constant 32 : i32
        %mul3A_1884 = vector.broadcast %mul3A_1883 : i32 to vector<16xi32>
        %mul3A_1885 = arith.muli %iota3A, %mul3A_1884 : vector<16xi32>
        %add3A_1886 = arith.constant 17 : i32
        %add3A_1887 = vector.broadcast %add3A_1886 : i32 to vector<16xi32>
        %add3A_1888 = arith.addi %mul3A_1885, %add3A_1887 : vector<16xi32>
        %add3A_1889 = arith.addf %mul3A_1870, %mul3A_1874 : vector<16xf32>
        %add3A_1890 = arith.addf %mul3A_1878, %mul3A_1882 : vector<16xf32>
        %add3A_1891 = arith.addf %add3A_1889, %add3A_1890 : vector<16xf32>
        tpu.vector_store_idx %arg21[%add3A_1888], %add3A_1891 : memref<512xf32, #tpu.memory_space<vmem>>[vector<16xi32>], vector<16xf32>,
        %mul3A_1892 = arith.constant 20 : i32
        %mul3A_1893 = arith.muli %add3A_1057, %mul3A_1892 : i32
        %add3A_1894 = arith.constant 17 : i32
        %add3A_1895 = arith.addi %mul3A_1893, %add3A_1894 : i32
        %get3A_1896 = arith.index_cast %add3A_1895 : i32 to index
        %get3A_1897 = arith.constant 0 : index
        %get3A_1898 = tpu.vector_load %arg19[%get3A_1896, %get3A_1897] {strides = array<i32>} : memref<320x64xf32, #tpu.memory_space<vmem>>, vector<16xf32>,
        %mul3A_1899 = arith.mulf %add3A_1136, %get3A_1898 : vector<16xf32>
        %get3A_1900 = arith.index_cast %add3A_1895 : i32 to index
        %get3A_1901 = arith.constant 16 : index
        %get3A_1902 = tpu.vector_load %arg19[%get3A_1900, %get3A_1901] {strides = array<i32>} : memref<320x64xf32, #tpu.memory_space<vmem>>, vector<16xf32>,
        %mul3A_1903 = arith.mulf %add3A_1215, %get3A_1902 : vector<16xf32>
        %get3A_1904 = arith.index_cast %add3A_1895 : i32 to index
        %get3A_1905 = arith.constant 32 : index
        %get3A_1906 = tpu.vector_load %arg19[%get3A_1904, %get3A_1905] {strides = array<i32>} : memref<320x64xf32, #tpu.memory_space<vmem>>, vector<16xf32>,
        %mul3A_1907 = arith.mulf %add3A_1294, %get3A_1906 : vector<16xf32>
        %get3A_1908 = arith.index_cast %add3A_1895 : i32 to index
        %get3A_1909 = arith.constant 48 : index
        %get3A_1910 = tpu.vector_load %arg19[%get3A_1908, %get3A_1909] {strides = array<i32>} : memref<320x64xf32, #tpu.memory_space<vmem>>, vector<16xf32>,
        %mul3A_1911 = arith.mulf %add3A_1373, %get3A_1910 : vector<16xf32>
        %mul3A_1912 = arith.constant 32 : i32
        %mul3A_1913 = vector.broadcast %mul3A_1912 : i32 to vector<16xi32>
        %mul3A_1914 = arith.muli %iota3A, %mul3A_1913 : vector<16xi32>
        %add3A_1915 = arith.constant 18 : i32
        %add3A_1916 = vector.broadcast %add3A_1915 : i32 to vector<16xi32>
        %add3A_1917 = arith.addi %mul3A_1914, %add3A_1916 : vector<16xi32>
        %add3A_1918 = arith.addf %mul3A_1899, %mul3A_1903 : vector<16xf32>
        %add3A_1919 = arith.addf %mul3A_1907, %mul3A_1911 : vector<16xf32>
        %add3A_1920 = arith.addf %add3A_1918, %add3A_1919 : vector<16xf32>
        tpu.vector_store_idx %arg21[%add3A_1917], %add3A_1920 : memref<512xf32, #tpu.memory_space<vmem>>[vector<16xi32>], vector<16xf32>,
        %mul3A_1921 = arith.constant 20 : i32
        %mul3A_1922 = arith.muli %add3A_1057, %mul3A_1921 : i32
        %add3A_1923 = arith.constant 18 : i32
        %add3A_1924 = arith.addi %mul3A_1922, %add3A_1923 : i32
        %get3A_1925 = arith.index_cast %add3A_1924 : i32 to index
        %get3A_1926 = arith.constant 0 : index
        %get3A_1927 = tpu.vector_load %arg19[%get3A_1925, %get3A_1926] {strides = array<i32>} : memref<320x64xf32, #tpu.memory_space<vmem>>, vector<16xf32>,
        %mul3A_1928 = arith.mulf %add3A_1136, %get3A_1927 : vector<16xf32>
        %get3A_1929 = arith.index_cast %add3A_1924 : i32 to index
        %get3A_1930 = arith.constant 16 : index
        %get3A_1931 = tpu.vector_load %arg19[%get3A_1929, %get3A_1930] {strides = array<i32>} : memref<320x64xf32, #tpu.memory_space<vmem>>, vector<16xf32>,
        %mul3A_1932 = arith.mulf %add3A_1215, %get3A_1931 : vector<16xf32>
        %get3A_1933 = arith.index_cast %add3A_1924 : i32 to index
        %get3A_1934 = arith.constant 32 : index
        %get3A_1935 = tpu.vector_load %arg19[%get3A_1933, %get3A_1934] {strides = array<i32>} : memref<320x64xf32, #tpu.memory_space<vmem>>, vector<16xf32>,
        %mul3A_1936 = arith.mulf %add3A_1294, %get3A_1935 : vector<16xf32>
        %get3A_1937 = arith.index_cast %add3A_1924 : i32 to index
        %get3A_1938 = arith.constant 48 : index
        %get3A_1939 = tpu.vector_load %arg19[%get3A_1937, %get3A_1938] {strides = array<i32>} : memref<320x64xf32, #tpu.memory_space<vmem>>, vector<16xf32>,
        %mul3A_1940 = arith.mulf %add3A_1373, %get3A_1939 : vector<16xf32>
        %mul3A_1941 = arith.constant 32 : i32
        %mul3A_1942 = vector.broadcast %mul3A_1941 : i32 to vector<16xi32>
        %mul3A_1943 = arith.muli %iota3A, %mul3A_1942 : vector<16xi32>
        %add3A_1944 = arith.constant 19 : i32
        %add3A_1945 = vector.broadcast %add3A_1944 : i32 to vector<16xi32>
        %add3A_1946 = arith.addi %mul3A_1943, %add3A_1945 : vector<16xi32>
        %add3A_1947 = arith.addf %mul3A_1928, %mul3A_1932 : vector<16xf32>
        %add3A_1948 = arith.addf %mul3A_1936, %mul3A_1940 : vector<16xf32>
        %add3A_1949 = arith.addf %add3A_1947, %add3A_1948 : vector<16xf32>
        tpu.vector_store_idx %arg21[%add3A_1946], %add3A_1949 : memref<512xf32, #tpu.memory_space<vmem>>[vector<16xi32>], vector<16xf32>,
        %mul3A_1950 = arith.constant 20 : i32
        %mul3A_1951 = arith.muli %add3A_1057, %mul3A_1950 : i32
        %add3A_1952 = arith.constant 19 : i32
        %add3A_1953 = arith.addi %mul3A_1951, %add3A_1952 : i32
        %get3A_1954 = arith.index_cast %add3A_1953 : i32 to index
        %get3A_1955 = arith.constant 0 : index
        %get3A_1956 = tpu.vector_load %arg19[%get3A_1954, %get3A_1955] {strides = array<i32>} : memref<320x64xf32, #tpu.memory_space<vmem>>, vector<16xf32>,
        %mul3A_1957 = arith.mulf %add3A_1136, %get3A_1956 : vector<16xf32>
        %get3A_1958 = arith.index_cast %add3A_1953 : i32 to index
        %get3A_1959 = arith.constant 16 : index
        %get3A_1960 = tpu.vector_load %arg19[%get3A_1958, %get3A_1959] {strides = array<i32>} : memref<320x64xf32, #tpu.memory_space<vmem>>, vector<16xf32>,
        %mul3A_1961 = arith.mulf %add3A_1215, %get3A_1960 : vector<16xf32>
        %get3A_1962 = arith.index_cast %add3A_1953 : i32 to index
        %get3A_1963 = arith.constant 32 : index
        %get3A_1964 = tpu.vector_load %arg19[%get3A_1962, %get3A_1963] {strides = array<i32>} : memref<320x64xf32, #tpu.memory_space<vmem>>, vector<16xf32>,
        %mul3A_1965 = arith.mulf %add3A_1294, %get3A_1964 : vector<16xf32>
        %get3A_1966 = arith.index_cast %add3A_1953 : i32 to index
        %get3A_1967 = arith.constant 48 : index
        %get3A_1968 = tpu.vector_load %arg19[%get3A_1966, %get3A_1967] {strides = array<i32>} : memref<320x64xf32, #tpu.memory_space<vmem>>, vector<16xf32>,
        %mul3A_1969 = arith.mulf %add3A_1373, %get3A_1968 : vector<16xf32>
        %mul3A_1970 = arith.constant 32 : i32
        %mul3A_1971 = vector.broadcast %mul3A_1970 : i32 to vector<16xi32>
        %mul3A_1972 = arith.muli %iota3A, %mul3A_1971 : vector<16xi32>
        %add3A_1973 = arith.constant 20 : i32
        %add3A_1974 = vector.broadcast %add3A_1973 : i32 to vector<16xi32>
        %add3A_1975 = arith.addi %mul3A_1972, %add3A_1974 : vector<16xi32>
        %add3A_1976 = arith.addf %mul3A_1957, %mul3A_1961 : vector<16xf32>
        %add3A_1977 = arith.addf %mul3A_1965, %mul3A_1969 : vector<16xf32>
        %add3A_1978 = arith.addf %add3A_1976, %add3A_1977 : vector<16xf32>
        tpu.vector_store_idx %arg21[%add3A_1975], %add3A_1978 : memref<512xf32, #tpu.memory_space<vmem>>[vector<16xi32>], vector<16xf32>,
        %get3A_1979 = arith.constant 0 : index
        %get3A_1980 = tpu.vector_load %arg20[%get3A_1979] {strides = array<i32>} : memref<512xf32, #tpu.memory_space<vmem>>, vector<16xf32>,
        %get3A_1981 = arith.constant 32 : index
        %get3A_1982 = tpu.vector_load %arg20[%get3A_1981] {strides = array<i32>} : memref<512xf32, #tpu.memory_space<vmem>>, vector<16xf32>,
        %get3A_1983 = arith.constant 64 : index
        %get3A_1984 = tpu.vector_load %arg20[%get3A_1983] {strides = array<i32>} : memref<512xf32, #tpu.memory_space<vmem>>, vector<16xf32>,
        %get3A_1985 = arith.constant 96 : index
        %get3A_1986 = tpu.vector_load %arg20[%get3A_1985] {strides = array<i32>} : memref<512xf32, #tpu.memory_space<vmem>>, vector<16xf32>,
        %get3A_1987 = arith.constant 128 : index
        %get3A_1988 = tpu.vector_load %arg20[%get3A_1987] {strides = array<i32>} : memref<512xf32, #tpu.memory_space<vmem>>, vector<16xf32>,
        %get3A_1989 = arith.constant 160 : index
        %get3A_1990 = tpu.vector_load %arg20[%get3A_1989] {strides = array<i32>} : memref<512xf32, #tpu.memory_space<vmem>>, vector<16xf32>,
        %get3A_1991 = arith.constant 192 : index
        %get3A_1992 = tpu.vector_load %arg20[%get3A_1991] {strides = array<i32>} : memref<512xf32, #tpu.memory_space<vmem>>, vector<16xf32>,
        %get3A_1993 = arith.constant 224 : index
        %get3A_1994 = tpu.vector_load %arg20[%get3A_1993] {strides = array<i32>} : memref<512xf32, #tpu.memory_space<vmem>>, vector<16xf32>,
        %get3A_1995 = arith.constant 256 : index
        %get3A_1996 = tpu.vector_load %arg20[%get3A_1995] {strides = array<i32>} : memref<512xf32, #tpu.memory_space<vmem>>, vector<16xf32>,
        %get3A_1997 = arith.constant 288 : index
        %get3A_1998 = tpu.vector_load %arg20[%get3A_1997] {strides = array<i32>} : memref<512xf32, #tpu.memory_space<vmem>>, vector<16xf32>,
        %get3A_1999 = arith.constant 320 : index
        %get3A_2000 = tpu.vector_load %arg20[%get3A_1999] {strides = array<i32>} : memref<512xf32, #tpu.memory_space<vmem>>, vector<16xf32>,
        %get3A_2001 = arith.constant 352 : index
        %get3A_2002 = tpu.vector_load %arg20[%get3A_2001] {strides = array<i32>} : memref<512xf32, #tpu.memory_space<vmem>>, vector<16xf32>,
        %get3A_2003 = arith.constant 384 : index
        %get3A_2004 = tpu.vector_load %arg20[%get3A_2003] {strides = array<i32>} : memref<512xf32, #tpu.memory_space<vmem>>, vector<16xf32>,
        %get3A_2005 = arith.constant 416 : index
        %get3A_2006 = tpu.vector_load %arg20[%get3A_2005] {strides = array<i32>} : memref<512xf32, #tpu.memory_space<vmem>>, vector<16xf32>,
        %get3A_2007 = arith.constant 448 : index
        %get3A_2008 = tpu.vector_load %arg20[%get3A_2007] {strides = array<i32>} : memref<512xf32, #tpu.memory_space<vmem>>, vector<16xf32>,
        %get3A_2009 = arith.constant 480 : index
        %get3A_2010 = tpu.vector_load %arg20[%get3A_2009] {strides = array<i32>} : memref<512xf32, #tpu.memory_space<vmem>>, vector<16xf32>,
        %add3A_2011 = arith.addf %get3A_1980, %get3A_1982 : vector<16xf32>
        %add3A_2012 = arith.addf %get3A_1984, %get3A_1986 : vector<16xf32>
        %add3A_2013 = arith.addf %get3A_1988, %get3A_1990 : vector<16xf32>
        %add3A_2014 = arith.addf %get3A_1992, %get3A_1994 : vector<16xf32>
        %add3A_2015 = arith.addf %get3A_1996, %get3A_1998 : vector<16xf32>
        %add3A_2016 = arith.addf %get3A_2000, %get3A_2002 : vector<16xf32>
        %add3A_2017 = arith.addf %get3A_2004, %get3A_2006 : vector<16xf32>
        %add3A_2018 = arith.addf %get3A_2008, %get3A_2010 : vector<16xf32>
        %add3A_2019 = arith.addf %add3A_2011, %add3A_2012 : vector<16xf32>
        %add3A_2020 = arith.addf %add3A_2013, %add3A_2014 : vector<16xf32>
        %add3A_2021 = arith.addf %add3A_2015, %add3A_2016 : vector<16xf32>
        %add3A_2022 = arith.addf %add3A_2017, %add3A_2018 : vector<16xf32>
        %add3A_2023 = arith.addf %add3A_2019, %add3A_2020 : vector<16xf32>
        %add3A_2024 = arith.addf %add3A_2021, %add3A_2022 : vector<16xf32>
        %add3A_2025 = arith.addf %add3A_2023, %add3A_2024 : vector<16xf32>
        %get3A_2026 = arith.constant 16 : index
        %get3A_2027 = tpu.vector_load %arg20[%get3A_2026] {strides = array<i32>} : memref<512xf32, #tpu.memory_space<vmem>>, vector<16xf32>,
        %get3A_2028 = arith.constant 48 : index
        %get3A_2029 = tpu.vector_load %arg20[%get3A_2028] {strides = array<i32>} : memref<512xf32, #tpu.memory_space<vmem>>, vector<16xf32>,
        %get3A_2030 = arith.constant 80 : index
        %get3A_2031 = tpu.vector_load %arg20[%get3A_2030] {strides = array<i32>} : memref<512xf32, #tpu.memory_space<vmem>>, vector<16xf32>,
        %get3A_2032 = arith.constant 112 : index
        %get3A_2033 = tpu.vector_load %arg20[%get3A_2032] {strides = array<i32>} : memref<512xf32, #tpu.memory_space<vmem>>, vector<16xf32>,
        %get3A_2034 = arith.constant 144 : index
        %get3A_2035 = tpu.vector_load %arg20[%get3A_2034] {strides = array<i32>} : memref<512xf32, #tpu.memory_space<vmem>>, vector<16xf32>,
        %get3A_2036 = arith.constant 176 : index
        %get3A_2037 = tpu.vector_load %arg20[%get3A_2036] {strides = array<i32>} : memref<512xf32, #tpu.memory_space<vmem>>, vector<16xf32>,
        %get3A_2038 = arith.constant 208 : index
        %get3A_2039 = tpu.vector_load %arg20[%get3A_2038] {strides = array<i32>} : memref<512xf32, #tpu.memory_space<vmem>>, vector<16xf32>,
        %get3A_2040 = arith.constant 240 : index
        %get3A_2041 = tpu.vector_load %arg20[%get3A_2040] {strides = array<i32>} : memref<512xf32, #tpu.memory_space<vmem>>, vector<16xf32>,
        %get3A_2042 = arith.constant 272 : index
        %get3A_2043 = tpu.vector_load %arg20[%get3A_2042] {strides = array<i32>} : memref<512xf32, #tpu.memory_space<vmem>>, vector<16xf32>,
        %get3A_2044 = arith.constant 304 : index
        %get3A_2045 = tpu.vector_load %arg20[%get3A_2044] {strides = array<i32>} : memref<512xf32, #tpu.memory_space<vmem>>, vector<16xf32>,
        %get3A_2046 = arith.constant 336 : index
        %get3A_2047 = tpu.vector_load %arg20[%get3A_2046] {strides = array<i32>} : memref<512xf32, #tpu.memory_space<vmem>>, vector<16xf32>,
        %get3A_2048 = arith.constant 368 : index
        %get3A_2049 = tpu.vector_load %arg20[%get3A_2048] {strides = array<i32>} : memref<512xf32, #tpu.memory_space<vmem>>, vector<16xf32>,
        %get3A_2050 = arith.constant 400 : index
        %get3A_2051 = tpu.vector_load %arg20[%get3A_2050] {strides = array<i32>} : memref<512xf32, #tpu.memory_space<vmem>>, vector<16xf32>,
        %get3A_2052 = arith.constant 432 : index
        %get3A_2053 = tpu.vector_load %arg20[%get3A_2052] {strides = array<i32>} : memref<512xf32, #tpu.memory_space<vmem>>, vector<16xf32>,
        %get3A_2054 = arith.constant 464 : index
        %get3A_2055 = tpu.vector_load %arg20[%get3A_2054] {strides = array<i32>} : memref<512xf32, #tpu.memory_space<vmem>>, vector<16xf32>,
        %get3A_2056 = arith.constant 496 : index
        %get3A_2057 = tpu.vector_load %arg20[%get3A_2056] {strides = array<i32>} : memref<512xf32, #tpu.memory_space<vmem>>, vector<16xf32>,
        %add3A_2058 = arith.addf %get3A_2027, %get3A_2029 : vector<16xf32>
        %add3A_2059 = arith.addf %get3A_2031, %get3A_2033 : vector<16xf32>
        %add3A_2060 = arith.addf %get3A_2035, %get3A_2037 : vector<16xf32>
        %add3A_2061 = arith.addf %get3A_2039, %get3A_2041 : vector<16xf32>
        %add3A_2062 = arith.addf %get3A_2043, %get3A_2045 : vector<16xf32>
        %add3A_2063 = arith.addf %get3A_2047, %get3A_2049 : vector<16xf32>
        %add3A_2064 = arith.addf %get3A_2051, %get3A_2053 : vector<16xf32>
        %add3A_2065 = arith.addf %get3A_2055, %get3A_2057 : vector<16xf32>
        %add3A_2066 = arith.addf %add3A_2058, %add3A_2059 : vector<16xf32>
        %add3A_2067 = arith.addf %add3A_2060, %add3A_2061 : vector<16xf32>
        %add3A_2068 = arith.addf %add3A_2062, %add3A_2063 : vector<16xf32>
        %add3A_2069 = arith.addf %add3A_2064, %add3A_2065 : vector<16xf32>
        %add3A_2070 = arith.addf %add3A_2066, %add3A_2067 : vector<16xf32>
        %add3A_2071 = arith.addf %add3A_2068, %add3A_2069 : vector<16xf32>
        %add3A_2072 = arith.addf %add3A_2070, %add3A_2071 : vector<16xf32>
        %swap3A = arith.index_cast %mul3A_135 : i32 to index
        %swap3A_2073 = arith.constant 0 : index
        %swap3A_2074 = tpu.vector_load %arg22[%swap3A, %swap3A_2073] {strides = array<i32>} : memref<16x32xf32, #tpu.memory_space<vmem>>, vector<16xf32>,
        tpu.vector_store %arg22[%swap3A, %swap3A_2073], %add3A_2025 {strides = array<i32>} : memref<16x32xf32, #tpu.memory_space<vmem>>, vector<16xf32>,
        %swap3A_2075 = arith.index_cast %mul3A_135 : i32 to index
        %swap3A_2076 = arith.constant 16 : index
        %swap3A_2077 = tpu.vector_load %arg22[%swap3A_2075, %swap3A_2076] {strides = array<i32>} : memref<16x32xf32, #tpu.memory_space<vmem>>, vector<16xf32>,
        tpu.vector_store %arg22[%swap3A_2075, %swap3A_2076], %add3A_2072 {strides = array<i32>} : memref<16x32xf32, #tpu.memory_space<vmem>>, vector<16xf32>,
        %add3A_2078 = arith.constant 1 : i32
        %add3A_2079 = arith.addi %mul3A_135, %add3A_2078 : i32
        %get3A_2080 = arith.constant 0 : index
        %get3A_2081 = tpu.vector_load %arg21[%get3A_2080] {strides = array<i32>} : memref<512xf32, #tpu.memory_space<vmem>>, vector<16xf32>,
        %get3A_2082 = arith.constant 32 : index
        %get3A_2083 = tpu.vector_load %arg21[%get3A_2082] {strides = array<i32>} : memref<512xf32, #tpu.memory_space<vmem>>, vector<16xf32>,
        %get3A_2084 = arith.constant 64 : index
        %get3A_2085 = tpu.vector_load %arg21[%get3A_2084] {strides = array<i32>} : memref<512xf32, #tpu.memory_space<vmem>>, vector<16xf32>,
        %get3A_2086 = arith.constant 96 : index
        %get3A_2087 = tpu.vector_load %arg21[%get3A_2086] {strides = array<i32>} : memref<512xf32, #tpu.memory_space<vmem>>, vector<16xf32>,
        %get3A_2088 = arith.constant 128 : index
        %get3A_2089 = tpu.vector_load %arg21[%get3A_2088] {strides = array<i32>} : memref<512xf32, #tpu.memory_space<vmem>>, vector<16xf32>,
        %get3A_2090 = arith.constant 160 : index
        %get3A_2091 = tpu.vector_load %arg21[%get3A_2090] {strides = array<i32>} : memref<512xf32, #tpu.memory_space<vmem>>, vector<16xf32>,
        %get3A_2092 = arith.constant 192 : index
        %get3A_2093 = tpu.vector_load %arg21[%get3A_2092] {strides = array<i32>} : memref<512xf32, #tpu.memory_space<vmem>>, vector<16xf32>,
        %get3A_2094 = arith.constant 224 : index
        %get3A_2095 = tpu.vector_load %arg21[%get3A_2094] {strides = array<i32>} : memref<512xf32, #tpu.memory_space<vmem>>, vector<16xf32>,
        %get3A_2096 = arith.constant 256 : index
        %get3A_2097 = tpu.vector_load %arg21[%get3A_2096] {strides = array<i32>} : memref<512xf32, #tpu.memory_space<vmem>>, vector<16xf32>,
        %get3A_2098 = arith.constant 288 : index
        %get3A_2099 = tpu.vector_load %arg21[%get3A_2098] {strides = array<i32>} : memref<512xf32, #tpu.memory_space<vmem>>, vector<16xf32>,
        %get3A_2100 = arith.constant 320 : index
        %get3A_2101 = tpu.vector_load %arg21[%get3A_2100] {strides = array<i32>} : memref<512xf32, #tpu.memory_space<vmem>>, vector<16xf32>,
        %get3A_2102 = arith.constant 352 : index
        %get3A_2103 = tpu.vector_load %arg21[%get3A_2102] {strides = array<i32>} : memref<512xf32, #tpu.memory_space<vmem>>, vector<16xf32>,
        %get3A_2104 = arith.constant 384 : index
        %get3A_2105 = tpu.vector_load %arg21[%get3A_2104] {strides = array<i32>} : memref<512xf32, #tpu.memory_space<vmem>>, vector<16xf32>,
        %get3A_2106 = arith.constant 416 : index
        %get3A_2107 = tpu.vector_load %arg21[%get3A_2106] {strides = array<i32>} : memref<512xf32, #tpu.memory_space<vmem>>, vector<16xf32>,
        %get3A_2108 = arith.constant 448 : index
        %get3A_2109 = tpu.vector_load %arg21[%get3A_2108] {strides = array<i32>} : memref<512xf32, #tpu.memory_space<vmem>>, vector<16xf32>,
        %get3A_2110 = arith.constant 480 : index
        %get3A_2111 = tpu.vector_load %arg21[%get3A_2110] {strides = array<i32>} : memref<512xf32, #tpu.memory_space<vmem>>, vector<16xf32>,
        %add3A_2112 = arith.addf %get3A_2081, %get3A_2083 : vector<16xf32>
        %add3A_2113 = arith.addf %get3A_2085, %get3A_2087 : vector<16xf32>
        %add3A_2114 = arith.addf %get3A_2089, %get3A_2091 : vector<16xf32>
        %add3A_2115 = arith.addf %get3A_2093, %get3A_2095 : vector<16xf32>
        %add3A_2116 = arith.addf %get3A_2097, %get3A_2099 : vector<16xf32>
        %add3A_2117 = arith.addf %get3A_2101, %get3A_2103 : vector<16xf32>
        %add3A_2118 = arith.addf %get3A_2105, %get3A_2107 : vector<16xf32>
        %add3A_2119 = arith.addf %get3A_2109, %get3A_2111 : vector<16xf32>
        %add3A_2120 = arith.addf %add3A_2112, %add3A_2113 : vector<16xf32>
        %add3A_2121 = arith.addf %add3A_2114, %add3A_2115 : vector<16xf32>
        %add3A_2122 = arith.addf %add3A_2116, %add3A_2117 : vector<16xf32>
        %add3A_2123 = arith.addf %add3A_2118, %add3A_2119 : vector<16xf32>
        %add3A_2124 = arith.addf %add3A_2120, %add3A_2121 : vector<16xf32>
        %add3A_2125 = arith.addf %add3A_2122, %add3A_2123 : vector<16xf32>
        %add3A_2126 = arith.addf %add3A_2124, %add3A_2125 : vector<16xf32>
        %get3A_2127 = arith.constant 16 : index
        %get3A_2128 = tpu.vector_load %arg21[%get3A_2127] {strides = array<i32>} : memref<512xf32, #tpu.memory_space<vmem>>, vector<16xf32>,
        %get3A_2129 = arith.constant 48 : index
        %get3A_2130 = tpu.vector_load %arg21[%get3A_2129] {strides = array<i32>} : memref<512xf32, #tpu.memory_space<vmem>>, vector<16xf32>,
        %get3A_2131 = arith.constant 80 : index
        %get3A_2132 = tpu.vector_load %arg21[%get3A_2131] {strides = array<i32>} : memref<512xf32, #tpu.memory_space<vmem>>, vector<16xf32>,
        %get3A_2133 = arith.constant 112 : index
        %get3A_2134 = tpu.vector_load %arg21[%get3A_2133] {strides = array<i32>} : memref<512xf32, #tpu.memory_space<vmem>>, vector<16xf32>,
        %get3A_2135 = arith.constant 144 : index
        %get3A_2136 = tpu.vector_load %arg21[%get3A_2135] {strides = array<i32>} : memref<512xf32, #tpu.memory_space<vmem>>, vector<16xf32>,
        %get3A_2137 = arith.constant 176 : index
        %get3A_2138 = tpu.vector_load %arg21[%get3A_2137] {strides = array<i32>} : memref<512xf32, #tpu.memory_space<vmem>>, vector<16xf32>,
        %get3A_2139 = arith.constant 208 : index
        %get3A_2140 = tpu.vector_load %arg21[%get3A_2139] {strides = array<i32>} : memref<512xf32, #tpu.memory_space<vmem>>, vector<16xf32>,
        %get3A_2141 = arith.constant 240 : index
        %get3A_2142 = tpu.vector_load %arg21[%get3A_2141] {strides = array<i32>} : memref<512xf32, #tpu.memory_space<vmem>>, vector<16xf32>,
        %get3A_2143 = arith.constant 272 : index
        %get3A_2144 = tpu.vector_load %arg21[%get3A_2143] {strides = array<i32>} : memref<512xf32, #tpu.memory_space<vmem>>, vector<16xf32>,
        %get3A_2145 = arith.constant 304 : index
        %get3A_2146 = tpu.vector_load %arg21[%get3A_2145] {strides = array<i32>} : memref<512xf32, #tpu.memory_space<vmem>>, vector<16xf32>,
        %get3A_2147 = arith.constant 336 : index
        %get3A_2148 = tpu.vector_load %arg21[%get3A_2147] {strides = array<i32>} : memref<512xf32, #tpu.memory_space<vmem>>, vector<16xf32>,
        %get3A_2149 = arith.constant 368 : index
        %get3A_2150 = tpu.vector_load %arg21[%get3A_2149] {strides = array<i32>} : memref<512xf32, #tpu.memory_space<vmem>>, vector<16xf32>,
        %get3A_2151 = arith.constant 400 : index
        %get3A_2152 = tpu.vector_load %arg21[%get3A_2151] {strides = array<i32>} : memref<512xf32, #tpu.memory_space<vmem>>, vector<16xf32>,
        %get3A_2153 = arith.constant 432 : index
        %get3A_2154 = tpu.vector_load %arg21[%get3A_2153] {strides = array<i32>} : memref<512xf32, #tpu.memory_space<vmem>>, vector<16xf32>,
        %get3A_2155 = arith.constant 464 : index
        %get3A_2156 = tpu.vector_load %arg21[%get3A_2155] {strides = array<i32>} : memref<512xf32, #tpu.memory_space<vmem>>, vector<16xf32>,
        %get3A_2157 = arith.constant 496 : index
        %get3A_2158 = tpu.vector_load %arg21[%get3A_2157] {strides = array<i32>} : memref<512xf32, #tpu.memory_space<vmem>>, vector<16xf32>,
        %add3A_2159 = arith.addf %get3A_2128, %get3A_2130 : vector<16xf32>
        %add3A_2160 = arith.addf %get3A_2132, %get3A_2134 : vector<16xf32>
        %add3A_2161 = arith.addf %get3A_2136, %get3A_2138 : vector<16xf32>
        %add3A_2162 = arith.addf %get3A_2140, %get3A_2142 : vector<16xf32>
        %add3A_2163 = arith.addf %get3A_2144, %get3A_2146 : vector<16xf32>
        %add3A_2164 = arith.addf %get3A_2148, %get3A_2150 : vector<16xf32>
        %add3A_2165 = arith.addf %get3A_2152, %get3A_2154 : vector<16xf32>
        %add3A_2166 = arith.addf %get3A_2156, %get3A_2158 : vector<16xf32>
        %add3A_2167 = arith.addf %add3A_2159, %add3A_2160 : vector<16xf32>
        %add3A_2168 = arith.addf %add3A_2161, %add3A_2162 : vector<16xf32>
        %add3A_2169 = arith.addf %add3A_2163, %add3A_2164 : vector<16xf32>
        %add3A_2170 = arith.addf %add3A_2165, %add3A_2166 : vector<16xf32>
        %add3A_2171 = arith.addf %add3A_2167, %add3A_2168 : vector<16xf32>
        %add3A_2172 = arith.addf %add3A_2169, %add3A_2170 : vector<16xf32>
        %add3A_2173 = arith.addf %add3A_2171, %add3A_2172 : vector<16xf32>
        %swap3A_2174 = arith.index_cast %add3A_2079 : i32 to index
        %swap3A_2175 = arith.constant 0 : index
        %swap3A_2176 = tpu.vector_load %arg22[%swap3A_2174, %swap3A_2175] {strides = array<i32>} : memref<16x32xf32, #tpu.memory_space<vmem>>, vector<16xf32>,
        tpu.vector_store %arg22[%swap3A_2174, %swap3A_2175], %add3A_2126 {strides = array<i32>} : memref<16x32xf32, #tpu.memory_space<vmem>>, vector<16xf32>,
        %swap3A_2177 = arith.index_cast %add3A_2079 : i32 to index
        %swap3A_2178 = arith.constant 16 : index
        %swap3A_2179 = tpu.vector_load %arg22[%swap3A_2177, %swap3A_2178] {strides = array<i32>} : memref<16x32xf32, #tpu.memory_space<vmem>>, vector<16xf32>,
        tpu.vector_store %arg22[%swap3A_2177, %swap3A_2178], %add3A_2173 {strides = array<i32>} : memref<16x32xf32, #tpu.memory_space<vmem>>, vector<16xf32>,
      }
      %scan3A_127 = arith.constant 8 : i32
      %mul3A_128 = arith.constant 512 : i32
      %mul3A_129 = arith.muli %add3A, %mul3A_128 : i32
      %mul3A_130 = arith.constant 16 : i32
      %mul3A_131 = arith.muli %add3A_121, %mul3A_130 : i32
      %add3A_132 = arith.addi %mul3A_129, %mul3A_131 : i32
      "tpu.region"() ({
        %run_scoped3A = tpu.sem_alloc : memref<!tpu.dma_semaphore, #tpu.memory_space<semaphore_mem>>
        %dma_start3A_133 = arith.constant 0 : i32
        %dma_start3A_134 = tpu.memref_slice %arg7[%add3A_132, %dma_start3A_133] : memref<16384x32xf32, #tpu.memory_space<hbm>> -> memref<16x32xf32, #tpu.memory_space<hbm>>
        %dma_start3A_135 = arith.constant 0 : i32
        %dma_start3A_136 = tpu.memref_slice %arg7[%add3A_132, %dma_start3A_135] : memref<16384x32xf32, #tpu.memory_space<hbm>> -> memref<16x32xf32, #tpu.memory_space<hbm>>
        tpu.enqueue_dma source(%arg22 : memref<16x32xf32, #tpu.memory_space<vmem>>) target(%dma_start3A_136 : memref<16x32xf32, #tpu.memory_space<hbm>>) target_semaphore(%run_scoped3A : memref<!tpu.dma_semaphore, #tpu.memory_space<semaphore_mem>>)
        %dma_wait3A_137 = arith.constant 0 : i32
        %dma_wait3A_138 = tpu.memref_slice %arg7[%add3A_132, %dma_wait3A_137] : memref<16384x32xf32, #tpu.memory_space<hbm>> -> memref<16x32xf32, #tpu.memory_space<hbm>>
        %dma_wait3A_139 = arith.constant 0 : i32
        %dma_wait3A_140 = tpu.memref_slice %arg7[%add3A_132, %dma_wait3A_139] : memref<16384x32xf32, #tpu.memory_space<hbm>> -> memref<16x32xf32, #tpu.memory_space<hbm>>
        tpu.wait_dma2 semaphore(%run_scoped3A : memref<!tpu.dma_semaphore, #tpu.memory_space<semaphore_mem>>) src(%arg22 : memref<16x32xf32, #tpu.memory_space<vmem>>) dst(%dma_wait3A_140 : memref<16x32xf32, #tpu.memory_space<hbm>>)
        tpu.yield
      }) : () -> ()
    }
    %scan3A_54 = arith.constant 16 : i32
    return
  }
}

</mosaic_0001>

<sc_bundles>
// kernel: _sc_logits.3.cloned.1.call-start
scs
__scs_entry_jumppad:
0x0: {  	(pc) =	sbr.rel $0x88, $3  }
0x1: {  	(tag) =	ssettag $0x0;
	lr =	simm.s32 $0x1  }
0x2: {  	[smem:$0x3F9C] =	sst lr;
	_ =	strace $0xD0000000  }
0x3: {  	_ = 	snop  }
0x4: {  	_ = 	snop  }
0x5: {  	_ = 	snop  }
0x6: {  	_ = 	snop  }
0x7: {  	_ = 	snop  }
__scs_overlays_trampoline_lowered:
0x8: {  	[smem:$0x3FAB] =	sst s0  }
0x9: {  	[smem:$0x3FAC] =	sst s1  }
0xa: {  	[smem:$0x3FAD] =	sst s2  }
0xb: {  	[smem:$0x3FAE] =	sst s3  }
0xc: {  	[smem:$0x3FAF] =	sst s4  }
0xd: {  	[smem:$0x3FB0] =	sst s5  }
0xe: {  	[smem:$0x3FB1] =	sst s6  }
0xf: {  	[smem:$0x3FB2] =	sst s7  }
0x10: {  	[smem:$0x3FB3] =	sst s8  }
0x11: {  	[smem:$0x3FB4] =	sst s9;
	s0 =	simm.s32 @!p0 $0x0  }
0x12: {  	s1 =	sld [smem:$0x3F9A];
	s0 =	simm.s32 @p0 $0x1  }
0x13: {  	[smem:$0x3FB5] =	sst s0;
	s0 =	simm.s32 @!p1 $0x0  }
0x14: {  	s2 =	sld [smem:$0x3F99];
	s0 =	simm.s32 @p1 $0x1  }
0x15: {  	[smem:$0x3FB6] =	sst s0;
	s0 =	simm.s32 @!p2 $0x0  }
0x16: {  	s3 =	sld [smem:$0x3FDB];
	s0 =	simm.s32 @p2 $0x1  }
0x17: {  	s4 =	simm.s32 $0x1BF5;
	[smem:$0x3FB8] =	sst s0  }
0x18: {  	s0 =	sld [smem:$0x3F9B];
	_ =	swait.ge [sflag:s4], $0x0  }
0x19: {  	s7 =	sld [smem:$0x3F9C]  }
0x1a: {  	s8 =	sadd.s32 $0xFFFFE003, lr  }
0x1b: {  	s9 =	sadd.s32 $0xFFFFFEF7, lr;
	s5 =	simm.s32 $0xFFFFFFFF;
	p2 =	slt.u32 s8, $0xFFFFF086  }
0x1c: {  	p1 =	slt.u32 s9, $0xF7A;
	s5 =	simm.s32 @!p2 $0x0  }
0x1d: {  	s5 =	simm.s32 @p1 $0x1;
	p0 =	seq.s32 s7, s2  }
0x1e: {  	s7 =	smul.u32 @!p0 $0xF7A, s2;
	p2 =	seq.s32 @!p0 s5, $0x0  }
0x1f: {  	s9 =	smul.u32 $0xF7A, s1;
	s8 =	simm.s32 @!p0 $0x1BF5;
	p2 =	por !p2, p0  }
0x20: {  	[sflag:s8] =	ssyncset.s32 @!p0 $0xFFFFF086;
	s6 =	sadd.s32 @!p0 s3, s7;
	s7 =	simm.s32 @!p0 $0x108  }
0x21: {  	s3 =	sadd.s32 s3, s9;
	s6 =	sadd.s32 @!p0 $0x88, s6;
	s7 =	simm.s32 @p2 $0x1082  }
0x22: {  	[simem:s7], [sflag:s8] =	dma.local @!p0 [hbm:s6], $0xF7A  }
0x23: {  	s9 =	sor.u32 $0xD0000000, s2;
	s6 =	simm.s32 $0x108;
	_ =	swait.ge @!p0 [sflag:s8], $0x0  }
0x24: {  	s3 =	sadd.s32 $0x88, s3;
	s6 =	simm.s32 @!p1 $0x1082;
	[sflag:s4] =	ssyncset.s32 $0xFFFFF086  }
0x25: {  	[simem:s6], [sflag:s4] =	dma.local [hbm:s3], $0xF7A  }
0x26: {  	[smem:$0x3F9C] =	sst s1;
	(tag) =	ssettag s2;
	_ =	strace s9  }
0x27: {  	s1 =	sld [smem:$0x3FAC]  }
0x28: {  	s2 =	sld [smem:$0x3FAD]  }
0x29: {  	s4 =	sld [smem:$0x3FAF]  }
0x2a: {  	p0 =	seq.s32 s5, $0x0;
	s5 =	sld [smem:$0x3FB0]  }
0x2b: {  	s6 =	sld [smem:$0x3FB1]  }
0x2c: {  	s7 =	sld [smem:$0x3FB2]  }
0x2d: {  	s3 =	simm.s32 $0x108;
	s8 =	sld [smem:$0x3FB3]  }
0x2e: {  	s3 =	simm.s32 @!p0 $0x1082;
	s9 =	sld [smem:$0x3FB4]  }
0x2f: {  	lr =	sadd.s32 s0, s3;
	s0 =	sld [smem:$0x3FAB]  }
0x30: {  	s3 =	sld [smem:$0x3FAE]  }
0x31: {  	[smem:$0x3FB7] =	sst s10  }
0x32: {  	s10 =	sld [smem:$0x3FB5];
	_ =	sdelay $0x3  }
0x33: {  	p0 =	seq.s32 s10, $0x1;
	s10 =	sld [smem:$0x3FB7];
	_ =	sdelay $0x3  }
0x34: {  	[smem:$0x3FB7] =	sst s10  }
0x35: {  	s10 =	sld [smem:$0x3FB6];
	_ =	sdelay $0x3  }
0x36: {  	p1 =	seq.s32 s10, $0x1;
	s10 =	sld [smem:$0x3FB7];
	_ =	sdelay $0x3  }
0x37: {  	[smem:$0x3FB7] =	sst s10  }
0x38: {  	s10 =	sld [smem:$0x3FB8]  }
0x39: {  	_ = 	snop;
	(pc) =	sbr.ind lr, $3  }
0x3a: {  	_ = 	snop  }
0x3b: {  	_ = 	snop  }
0x3c: {  	p2 =	seq.s32 s10, $0x1;
	s10 =	sld [smem:$0x3FB7]  }
0x3d: {  	_ =	shalt  }
0x3e: {  	_ =	shalt  }
0x3f: {  	_ =	shalt  }
0x40: {  	_ =	shalt  }
0x41: {  	_ =	shalt  }
0x42: {  	_ =	shalt  }
0x43: {  	_ =	shalt  }
0x44: {  	_ =	shalt  }
0x45: {  	_ =	shalt  }
0x46: {  	_ =	shalt  }
0x47: {  	_ =	shalt  }
0x48: {  	_ =	shalt  }
0x49: {  	_ =	shalt  }
0x4a: {  	_ =	shalt  }
0x4b: {  	_ =	shalt  }
0x4c: {  	_ =	shalt  }
0x4d: {  	_ =	shalt  }
0x4e: {  	_ =	shalt  }
0x4f: {  	_ =	shalt  }
0x50: {  	_ =	shalt  }
0x51: {  	_ =	shalt  }
0x52: {  	_ =	shalt  }
0x53: {  	_ =	shalt  }
0x54: {  	_ =	shalt  }
0x55: {  	_ =	shalt  }
0x56: {  	_ =	shalt  }
0x57: {  	_ =	shalt  }
0x58: {  	_ =	shalt  }
0x59: {  	_ =	shalt  }
0x5a: {  	_ =	shalt  }
0x5b: {  	_ =	shalt  }
0x5c: {  	_ =	shalt  }
0x5d: {  	_ =	shalt  }
0x5e: {  	_ =	shalt  }
0x5f: {  	_ =	shalt  }
0x60: {  	_ =	shalt  }
0x61: {  	_ =	shalt  }
0x62: {  	_ =	shalt  }
0x63: {  	_ =	shalt  }
0x64: {  	_ =	shalt  }
0x65: {  	_ =	shalt  }
0x66: {  	_ =	shalt  }
0x67: {  	_ =	shalt  }
0x68: {  	_ =	shalt  }
0x69: {  	_ =	shalt  }
0x6a: {  	_ =	shalt  }
0x6b: {  	_ =	shalt  }
0x6c: {  	_ =	shalt  }
0x6d: {  	_ =	shalt  }
0x6e: {  	_ =	shalt  }
0x6f: {  	_ =	shalt  }
0x70: {  	_ =	shalt  }
0x71: {  	_ =	shalt  }
0x72: {  	_ =	shalt  }
0x73: {  	_ =	shalt  }
0x74: {  	_ =	shalt  }
0x75: {  	_ =	shalt  }
0x76: {  	_ =	shalt  }
0x77: {  	_ =	shalt  }
0x78: {  	_ =	shalt  }
0x79: {  	_ =	shalt  }
0x7a: {  	_ =	shalt  }
0x7b: {  	_ =	shalt  }
0x7c: {  	_ =	shalt  }
0x7d: {  	_ =	shalt  }
0x7e: {  	_ =	shalt  }
0x7f: {  	_ =	shalt  }
0x80: {  	_ =	shalt  }
0x81: {  	_ =	shalt  }
0x82: {  	_ =	shalt  }
0x83: {  	_ =	shalt  }
0x84: {  	_ =	shalt  }
0x85: {  	_ =	shalt  }
0x86: {  	_ =	shalt  }
0x87: {  	_ =	shalt  }
.Lfunc_end0:
.L_simem_size_0:
called_computation_lowered:
.L_overlay_start_0:
0x88: {  	s2 =	sld [smem:$0x3FD9]  }
0x89: {  	s3 =	sld [smem:$0x3FFE];
	_ =	sdelay $0x1  }
0x8a: {  	s1 =	srdreg.scid  }
0x8b: {  	s0 =	sand.u32 $0x1, s1  }
0x8c: {  	s17 =	sshll.u32 s0, $0xA;
	s2 =	sadd.s32 s3, s2  }
0x8d: {  	s2 =	sadd.s32 s2, s17  }
0x8e: {  	[smem:$0x3FC3] =	sst s2  }
0x8f: {  	_ = 	snop  }
0x90: {  	s2 =	sld [smem:$0x3FC9]  }
0x91: {  	s18 =	sld [smem:$0x3FC8]  }
0x92: {  	s4 =	sld [smem:$0x3FC7]  }
0x93: {  	s5 =	sld [smem:$0x3FD0];
	(tm) =	ssettm $0x1  }
0x94: {  	s6 =	sld [smem:$0x3FFB];
	_ =	sdelay $0x3  }
0x95: {  	_ =	strace s6  }
0x96: {  	s6 =	sld [smem:$0x3FFC];
	_ =	sdelay $0x3  }
0x97: {  	_ =	strace s6  }
0x98: {  	s6 =	sld [smem:$0x3FFD];
	_ =	sdelay $0x3  }
0x99: {  	_ =	strace s6  }
0x9a: {  	_ =	strace $0x8FFFFFFF  }
0x9b: {  	s19 =	sld [smem:$0x3FDB];
	_ =	sdelay $0x1  }
0x9c: {  	s7 =	simm.s32 $_scs_section_size  }
0x9d: {  	s8 =	simm.s32 $_size__tile_overlayer_lowered;
	s9 =	simm.s32 $_tile_overlayer_lowered  }
0x9e: {  	s22 =	simm.s32 $0x1BFF;
	s21 =	sshll.u32 s9, $0x1;
	s6 =	sadd.s32 s7, s19  }
0x9f: {  	s10 =	simm.s32 $0x0;
	s20 =	sshll.u32 s8, $0x1;
	s8 =	sadd.s32 s21, s6  }
0xa0: {  	[timem:s10], [sflag:s22] =	dma.local [hbm:s8], s20  }
0xa1: {  	_ =	swait.ge [sflag:s22], s20  }
0xa2: {  	s7 =	ssub.s32 $0x0, s20;
	[sflag:s22] =	ssyncset.done $0x0  }
0xa3: {  	[sflag:s22] =	ssyncadd.s32 s7;
	_ =	sdelay $0x1  }
0xa4: {  	s23 =	simm.s32 $0x1B8B  }
0xa5: {  	_ =	swait.ge [sflag:s23], $0x1  }
0xa6: {  	[sflag:s23] =	ssyncset.done $0x0  }
0xa7: {  	s25 =	simm.s32 $0x1B8E;
	s24 =	sld [smem:$0x3FFE];
	[sflag:s23] =	ssyncadd.s32 $0xFFFFFFFF  }
0xa8: {  	s26 =	simm.s32 $execute0_lowered;
	[smem:$0x3FD2] =	sst s25  }
0xa9: {  	s8 =	sshll.u32 s26, $0x1;
	_ =	strace $0x80000046;
	[dreg:$0x1] =	wrdreg $0xFFFFFFFF  }
0xaa: {  	s28 =	simm.s32 $_size_execute0_lowered;
	s6 =	sadd.s32 s6, s8;
	[dreg:$0x0] =	wrdreg $0x0  }
0xab: {  	s8 =	sshll.u32 s28, $0x1;
	[dreg:$0x2] =	wrdreg s6  }
0xac: {  	[dreg:$0x3] =	wrdreg s8  }
0xad: {  	[dreg:$0x4] =	wrdreg $0xC0  }
0xae: {  	_ =	task [dreg:s10], $0x5FFFF  }
0xaf: {  	[dreg:$0x1] =	wrdreg $0xFFFFFFFF  }
0xb0: {  	[dreg:$0x0] =	wrdreg $0x60  }
0xb1: {  	[dreg:$0x2] =	wrdreg s2  }
0xb2: {  	[dreg:$0x3] =	wrdreg s18  }
0xb3: {  	[dreg:$0x4] =	wrdreg s4  }
0xb4: {  	[dreg:$0x5] =	wrdreg s24  }
0xb5: {  	[dreg:$0x6] =	wrdreg s5  }
0xb6: {  	[dreg:$0x7] =	wrdreg $0x9  }
0xb7: {  	_ =	task.clear_ibuf [dreg:s10], $0x8FFFF;
	_ =	strace $0x90000046  }
0xb8: {  	s29 =	simm.s32 $0x9;
	_ =	strace $0x80000048  }
0xb9: {  	_ =	swait.ge [sflag:s29], $0x1  }
0xba: {  	[sflag:s29] =	ssyncadd.s32 $0xFFFFFFFF  }
0xbb: {  	_ =	strace $0x90000048  }
0xbc: {  	_ =	sfence  }
0xbd: {  	s30 =	sld [smem:$0x0];
	_ =	sdelay $0x2  }
0xbe: {  	s31 =	sshll.u32 s1, $0xD;
	s1 =	sshrl.u32 s1, $0x2  }
0xbf: {  	s3 =	sand.u32 $0x4000, s31;
	s1 =	sadd.s32 s1, s30  }
0xc0: {  	s0 =	sor.u32 s3, s0;
	s1 =	sshll.u32 s1, $0x11  }
0xc1: {  	s0 =	sor.u32 s1, s0  }
0xc2: {  	s0 =	sadd.s32 $0x8F2B, s0  }
0xc3: {  	[sflag:s0] =	ssyncadd.remote.s32 $0x1  }
0xc4: {  	_ =	sfence.sel $0xFFFF  }
0xc5: {  	[dreg:$0x0] =	wrdreg $0xFFFFFFFF;
	(pc) =	sbr.abs _section_cstart, $3  }
0xc6: {  	[dreg:$0x1] =	wrdreg $0xFFFFFFFF  }
0xc7: {  	_ =	task.clear_ibuf [dreg:s10], $0x2FFFF;
	_ =	strace $0x9FFFFFFF  }
0xc8: {  	(tm) =	ssettm $0x7FFFFFFF  }
0xc9: {  	_ =	shalt  }
tec
execute0_lowered:
.L_overlay_start_1:
0x0: {  	(tag) =	ssettag $0x1  }
0x1: {  	s1 =	rddreg [dreg:$0x0]  }
0x2: {  	s2 =	rddreg [dreg:$0x1]  }
0x3: {  	s3 =	rddreg [dreg:$0x2]  }
0x4: {  	s0 =	rddreg [dreg:$0x3]  }
0x5: {  	s13 =	rddreg [dreg:$0x4];
	s6 =	simm.s32 $0x0  }
0x6: {  	s4 =	srdreg.scid;
	s5 =	stileid.u32;
	s29 =	simm.s32 $0x7DF0  }
0x7: {  	s30 =	simm.s32 $0x7E90;
	s31 =	simm.s32 $0x7EA0;
	s14 =	simm.s32 $0x0  }
0x8: {  	[smem:$0x7FF] =	sst s6;
	s4 =	sand.u32 $0x1, s4;
	s5 =	sshll.u32 s5, $0x1  }
0x9: {  	s7 =	sadd.s32 $0xF42800, s0;
	s9 =	sadd.s32 $0x16E3A00, s0;
	s5 =	sor.u32 s4, s5  }
0xa: {  	_ =	strace $0x80000047;
	s4 =	ssub.s32 $0x2, s4;
	s8 =	sshll.u32 s5, $0x9  }
0xb: {  	s10 =	sshrl.u32 s4, $0x1;
	s11 =	smul.u32 $0x280, s5;
	s23 =	sshll.u32 s5, $0x6  }
0xc: {  	s24 =	smul.u32 $0x500, s5;
	s5 =	sshll.u32 s5, $0xB;
	s12 =	sor.u32 $0x10, s8  }
0xd: {  	s20 =	ssub.s32 s4, s10;
	s10 =	sadd.s32 s2, s23;
	s16 =	sor.u32 $0x20, s8  }
0xe: {  	v0 =	vlaneseq.u32;
	s17 =	sadd.s32 s13, s5;
	s18 =	sor.u32 $0x30, s8;
	s13 =	simm.s32 $0x2  }
0xf: {  	v0 =	vmul.u32 $0x20, v0;
	s21 =	smul.u32 $0xA, s12;
	s22 =	sadd.s32 s1, s11;
	[dreg:$0x7] =	wrdreg s10  }
0x10: {  	s25 =	smul.u32 $0x14, s12;
	s11 =	sadd.s32 s3, s24;
	s26 =	sshrl.u32 s12, $0x3  }
0x11: {  	v1 =	vor.u32 $0x1, v0;
	v2 =	vor.u32 $0x2, v0;
	s0 =	smax.u32 s20, $0x1;
	s20 =	simm.s32 $0xA0;
	[dreg:$0x6] =	wrdreg s22  }
0x12: {  	v3 =	vor.u32 $0x3, v0;
	v4 =	vor.u32 $0x4, v0;
	v5 =	vor.u32 $0x5, v0;
	s24 =	simm.s32 $0x10;
	s10 =	simm.s32 $0xFDE0;
	[dreg:$0x8] =	wrdreg s11  }
0x13: {  	v6 =	vor.u32 $0x6, v0;
	v7 =	vor.u32 $0x7, v0;
	v8 =	vor.u32 $0x8, v0;
	s12 =	simm.s32 $0x5;
	[dreg:$0xc] =	wrdreg s0;
	s4 =	sshrl.u32 s21, $0x3  }
0x14: {  	v9 =	vor.u32 $0x9, v0;
	v10 =	vor.u32 $0xA, v0;
	v11 =	vor.u32 $0xB, v0;
	s0 =	simm.s32 $0x1;
	s11 =	simm.s32 $0xFFE0;
	s4 =	sadd.s32 s1, s4  }
0x15: {  	v12 =	vor.u32 $0xC, v0;
	v13 =	vor.u32 $0xD, v0;
	v14 =	vor.u32 $0xE, v0;
	s28 =	sshrl.u32 s25, $0x3;
	[dreg:$0x9] =	wrdreg s4;
	s4 =	sadd.s32 s2, s26  }
0x16: {  	v15 =	vor.u32 $0xF, v0;
	v16 =	vor.u32 $0x10, v0;
	v17 =	vor.u32 $0x11, v0;
	s21 =	simm.s32 $0xFBE0;
	[dreg:$0xa] =	wrdreg s4;
	s4 =	sadd.s32 s3, s28  }
0x17: {  	v18 =	vor.u32 $0x12, v0;
	v19 =	vor.u32 $0x13, v0;
	v20 =	vor.u32 $0x14, v0;
	s26 =	simm.s32 $0x140;
	[dreg:$0xb] =	wrdreg s4;
	s4 =	simm.s32 $0x4  }
.LBB2_1:
0x18: {  	[dreg:$0xd] =	wrdreg s14  }
0x19: {  	s5 =	rddreg [dreg:$0x6]  }
0x1a: {  	[tilespmem:s6], [sflag:$0x3] =	stream.linear.gather [hbm4b:s5+s6], $0xA0, $0x38;
	[tilespmem:$0x101E0] =	vst v63  }
0x1b: {  	s22 =	rddreg [dreg:$0x7]  }
0x1c: {  	[tilespmem:s20], [sflag:$0x3] =	stream.linear.gather [hbm4b:s22+s6], $0x10, $0x38;
	[tilespmem:$0x101E0] =	vst v63  }
0x1d: {  	s23 =	rddreg [dreg:$0x8];
	s25 =	simm.s32 $0xB0;
	s28 =	simm.s32 $0x3  }
0x1e: {  	[tilespmem:s25], [sflag:$0x3] =	stream.linear.gather [hbm4b:s23+s6], $0x140, $0x38;
	[tilespmem:$0x101E0] =	vst v63  }
0x1f: {  	_ =	swait.ge [sflag:s28], $0xA0  }
0x20: {  	[sflag:s28] =	ssyncset.done $0x0  }
0x21: {  	[sflag:s28] =	ssyncadd.s32 $0xFFFFFF60  }
0x22: {  	_ =	swait.ge [sflag:s28], $0x10  }
0x23: {  	[sflag:s28] =	ssyncset.done $0x0  }
0x24: {  	[sflag:s28] =	ssyncadd.s32 $0xFFFFFFF0  }
0x25: {  	_ =	swait.ge [sflag:s28], $0x140  }
0x26: {  	[sflag:s28] =	ssyncset.done $0x0  }
0x27: {  	s15 =	simm.s32 $0x1F0;
	[sflag:s28] =	ssyncadd.s32 $0xFFFFFEC0  }
0x28: {  	[tilespmem:s15], [sflag:$0x1] =	stream.indirect.gather [hbm4b:s7+s20], $0x40, s6, s20, $0xb8;
	[tilespmem:$0x101E0] =	vst v63  }
0x29: {  	s19 =	simm.s32 $0x29F0  }
0x2a: {  	[tilespmem:s19], [sflag:$0x1] =	stream.indirect.gather [hbm4b:s9+s24], $0x40, s20, s24, $0xb8;
	[tilespmem:$0x101E0] =	vst v63  }
0x2b: {  	s22 =	simm.s32 $0x2DF0  }
0x2c: {  	[tilespmem:s22], [sflag:$0x1] =	stream.indirect.gather [hbm4b:s9+s26], $0x40, s25, s26, $0xb8;
	[tilespmem:$0x101E0] =	vst v63  }
0x2d: {  	s23 =	rddreg [dreg:$0x9]  }
0x2e: {  	[tilespmem:s29], [sflag:$0x4] =	stream.linear.gather [hbm4b:s23+s6], $0xA0, $0x38;
	[tilespmem:$0x101E0] =	vst v63  }
0x2f: {  	s25 =	rddreg [dreg:$0xa]  }
0x30: {  	[tilespmem:s30], [sflag:$0x4] =	stream.linear.gather [hbm4b:s25+s6], $0x10, $0x38;
	[tilespmem:$0x101E0] =	vst v63  }
0x31: {  	s28 =	rddreg [dreg:$0xb];
	s15 =	simm.s32 $0x0  }
0x32: {  	[tilespmem:s31], [sflag:$0x4] =	stream.linear.gather [hbm4b:s28+s6], $0x140, $0x38;
	[tilespmem:$0x101E0] =	vst v63  }
.LBB2_2:
0x33: {  	_ =	swait.ge [sflag:s0], $0x2800  }
0x34: {  	[sflag:s0] =	ssyncset.done $0x0  }
0x35: {  	[sflag:s0] =	ssyncadd.s32 $0xFFFFD800  }
0x36: {  	_ =	swait.ge [sflag:s0], $0x400  }
0x37: {  	[sflag:s0] =	ssyncset.done $0x0  }
0x38: {  	[sflag:s0] =	ssyncadd.s32 $0xFFFFFC00  }
0x39: {  	_ =	swait.ge [sflag:s0], $0x5000  }
0x3a: {  	[sflag:s0] =	ssyncset.done $0x0  }
0x3b: {  	[sflag:s0] =	ssyncadd.s32 $0xFFFFB000  }
0x3c: {  	_ =	swait.ge [sflag:s4], $0xA0  }
0x3d: {  	[sflag:s4] =	ssyncset.done $0x0  }
0x3e: {  	[sflag:s4] =	ssyncadd.s32 $0xFFFFFF60  }
0x3f: {  	_ =	swait.ge [sflag:s4], $0x10  }
0x40: {  	[sflag:s4] =	ssyncset.done $0x0  }
0x41: {  	[sflag:s4] =	ssyncadd.s32 $0xFFFFFFF0  }
0x42: {  	_ =	swait.ge [sflag:s4], $0x140  }
0x43: {  	s5 =	simm.s32 $0x7FE0;
	[sflag:s4] =	ssyncset.done $0x0  }
0x44: {  	s22 =	sshll.u32 s15, $0x5;
	p0 =	seq.s32 s15, $0xF;
	[sflag:s4] =	ssyncadd.s32 $0xFFFFFEC0  }
0x45: {  	[tilespmem:s5], [sflag:$0x2] =	stream.indirect.gather [hbm4b:s7+s20], $0x40, s29, s20, $0xb8;
	[tilespmem:$0x101E0] =	vst v63  }
0x46: {  	s5 =	sadd.s32 @!p0 s22, s16  }
0x47: {  	s25 =	simm.s32 $0xA7E0;
	s14 =	smul.u32 @!p0 $0xA, s5  }
0x48: {  	[tilespmem:s25], [sflag:$0x2] =	stream.indirect.gather [hbm4b:s9+s24], $0x40, s30, s24, $0xb8;
	[tilespmem:$0x101E0] =	vst v63  }
0x49: {  	s19 =	simm.s32 $0xABE0;
	s14 =	sshrl.u32 @!p0 s14, $0x3  }
0x4a: {  	[tilespmem:s19], [sflag:$0x2] =	stream.indirect.gather [hbm4b:s9+s26], $0x40, s31, s26, $0xb8;
	[tilespmem:$0x101E0] =	vst v63  }
0x4b: {  	s14 =	sadd.s32 @!p0 s1, s14;
	s19 =	simm.s32 @!p0 $0x0  }
0x4c: {  	[tilespmem:s19], [sflag:$0x3] =	stream.linear.gather @!p0 [hbm4b:s14+s19], $0xA0, $0x38;
	[tilespmem:$0x101E0] =	vst v63  }
0x4d: {  	s14 =	sshrl.u32 @!p0 s5, $0x3  }
0x4e: {  	s23 =	simm.s32 @!p0 $0xA0;
	s5 =	smul.u32 @!p0 $0x14, s5;
	s14 =	sadd.s32 @!p0 s2, s14  }
0x4f: {  	[tilespmem:s23], [sflag:$0x3] =	stream.linear.gather @!p0 [hbm4b:s14+s19], $0x10, $0x38;
	[tilespmem:$0x101E0] =	vst v63  }
0x50: {  	s5 =	sshrl.u32 @!p0 s5, $0x3  }
0x51: {  	s28 =	sadd.s32 s22, s8;
	s14 =	simm.s32 @!p0 $0xB0;
	s5 =	sadd.s32 @!p0 s3, s5  }
0x52: {  	[tilespmem:s14], [sflag:$0x3] =	stream.linear.gather @!p0 [hbm4b:s5+s19], $0x140, $0x38;
	[tilespmem:$0x101E0] =	vst v63  }
0x53: {  	s19 =	sadd.s32 $0x10, s28;
	s14 =	simm.s32 $0x0  }
.LBB2_3:
0x54: {  	s5 =	smul.u32 $0x1400, s14;
	_ =	sdelay $0x1  }
0x55: {  	s5 =	sshra.s32 s5, $0x2  }
0x56: {  	v21 =	vld [tilespmem:s5+$0x1F0]  }
0x57: {  	v22 =	vld [tilespmem:s5+$0x230]  }
0x58: {  	v23 =	vld [tilespmem:s5+$0x270]  }
0x59: {  	v24 =	vld [tilespmem:s5+$0x2B0]  }
0x5a: {  	v25 =	vld [tilespmem:s5+$0x2F0]  }
0x5b: {  	v26 =	vld [tilespmem:s5+$0x330]  }
0x5c: {  	v27 =	vld [tilespmem:s5+$0x370]  }
0x5d: {  	v28 =	vld [tilespmem:s5+$0x3B0]  }
0x5e: {  	v29 =	vld [tilespmem:s5+$0x3F0]  }
0x5f: {  	v30 =	vld [tilespmem:s5+$0x430]  }
0x60: {  	v31 =	vld [tilespmem:s5+$0x200]  }
0x61: {  	v32 =	vld [tilespmem:s5+$0x240]  }
0x62: {  	v33 =	vld [tilespmem:s5+$0x280]  }
0x63: {  	v34 =	vld [tilespmem:s5+$0x2C0]  }
0x64: {  	v35 =	vld [tilespmem:s5+$0x300]  }
0x65: {  	v36 =	vld [tilespmem:s5+$0x340]  }
0x66: {  	v37 =	vld [tilespmem:s5+$0x380]  }
0x67: {  	v38 =	vld [tilespmem:s5+$0x3C0]  }
0x68: {  	v39 =	vld [tilespmem:s5+$0x400]  }
0x69: {  	v40 =	vld [tilespmem:s5+$0x440]  }
0x6a: {  	v41 =	vld [tilespmem:s5+$0x210]  }
0x6b: {  	v42 =	vld [tilespmem:s5+$0x250]  }
0x6c: {  	v43 =	vld [tilespmem:s5+$0x290]  }
0x6d: {  	v44 =	vld [tilespmem:s5+$0x2D0]  }
0x6e: {  	v45 =	vld [tilespmem:s5+$0x310]  }
0x6f: {  	v46 =	vld [tilespmem:s5+$0x350]  }
0x70: {  	v47 =	vld [tilespmem:s5+$0x390]  }
0x71: {  	v48 =	vld [tilespmem:s5+$0x3D0]  }
0x72: {  	v49 =	vld [tilespmem:s5+$0x220]  }
0x73: {  	v54 =	vld [tilespmem:s5+$0x2E0];
	v21 =	vadd.f32 v22, v21;
	v22 =	vadd.f32 v24, v23  }
0x74: {  	v57 =	vld [tilespmem:s5+$0x320];
	v50 =	vadd.f32 v26, v25;
	v51 =	vadd.f32 v28, v27  }
0x75: {  	v58 =	vld [tilespmem:s5+$0x360];
	v52 =	vadd.f32 v32, v31;
	v53 =	vadd.f32 v34, v33  }
0x76: {  	v61 =	vld [tilespmem:s5+$0x3A0];
	v55 =	vadd.f32 v36, v35;
	v56 =	vadd.f32 v38, v37  }
0x77: {  	v23 =	vld [tilespmem:s5+$0x260];
	v21 =	vadd.f32 v22, v21;
	v22 =	vadd.f32 v51, v50  }
0x78: {  	v26 =	vld [tilespmem:s5+$0x2A0];
	v29 =	vadd.f32 v30, v29;
	v30 =	vadd.f32 v40, v39  }
0x79: {  	v42 =	vadd.f32 v42, v41;
	v21 =	vadd.f32 v22, v21;
	v22 =	vld [tilespmem:s5+$0x3E0]  }
0x7a: {  	v62 =	vld [tilespmem:s5+$0x410];
	v44 =	vadd.f32 v44, v43;
	v24 =	vadd.f32 v58, v57  }
0x7b: {  	v63 =	vld [tilespmem:s5+$0x450];
	v59 =	vadd.f32 v53, v52;
	v60 =	vadd.f32 v56, v55  }
0x7c: {  	s23 =	sshll.u32 s14, $0x7;
	v50 =	vadd.f32 v46, v45;
	v51 =	vadd.f32 v48, v47;
	v52 =	vld [tilespmem:s5+$0x420]  }
0x7d: {  	s28 =	sand.u32 $0x3FFFFF80, s23;
	v53 =	vld [tilespmem:s5+$0x460];
	v55 =	vadd.f32 v44, v42;
	v23 =	vadd.f32 v23, v49  }
0x7e: {  	v57 =	vld [tilespmem:s28+$0x2A00];
	v26 =	vadd.f32 v54, v26;
	v22 =	vadd.f32 v22, v61  }
0x7f: {  	v58 =	vld [tilespmem:s28+$0x2A10];
	v25 =	vadd.f32 v60, v59;
	v56 =	vadd.f32 v51, v50  }
0x80: {  	v54 =	vld [tilespmem:s28+$0x29F0];
	v23 =	vadd.f32 v26, v23;
	v22 =	vadd.f32 v22, v24  }
0x81: {  	v59 =	vadd.f32 v63, v62;
	v60 =	vadd.f32 v56, v55;
	v61 =	vld [tilespmem:s28+$0x2A20]  }
0x82: {  	v62 =	vadd.f32 v53, v52;
	v63 =	vadd.f32 v22, v23  }
0x83: {  	v21 =	vadd.f32 v29, v21;
	v22 =	vadd.f32 v30, v25  }
0x84: {  	v23 =	vadd.f32 v59, v60;
	v24 =	vadd.f32 v62, v63  }
0x85: {  	v35 =	vmul.f32 v54, v21;
	v36 =	vmul.f32 v57, v22  }
0x86: {  	v26 =	vmul.f32 v58, v23;
	v37 =	vmul.f32 v61, v24;
	_ =	sdelay $0x1  }
0x87: {  	v25 =	vadd.f32 v36, v35;
	v26 =	vadd.f32 v37, v26;
	_ =	sdelay $0x1  }
0x88: {  	s23 =	smul.u32 $0x2800, s14;
	v25 =	vadd.f32 v26, v25;
	_ =	sdelay $0x1  }
0x89: {  	s5 =	sshra.s32 s23, $0x2;
	[tilespmem:v0+s21+$0x0] =	vst.idx.msk $0xffff, v25  }
0x8a: {  	v25 =	vld [tilespmem:s5+$0x2DF0]  }
0x8b: {  	v38 =	vld [tilespmem:s5+$0x2E00]  }
0x8c: {  	v39 =	vld [tilespmem:s5+$0x2E10]  }
0x8d: {  	v40 =	vld [tilespmem:s5+$0x2E20];
	_ =	sdelay $0x3  }
0x8e: {  	v25 =	vmul.f32 v25, v21;
	v26 =	vmul.f32 v38, v22  }
0x8f: {  	v27 =	vmul.f32 v39, v23;
	v28 =	vmul.f32 v40, v24;
	_ =	sdelay $0x1  }
0x90: {  	v25 =	vadd.f32 v26, v25;
	v41 =	vadd.f32 v28, v27;
	_ =	sdelay $0x1  }
0x91: {  	v25 =	vadd.f32 v41, v25;
	_ =	sdelay $0x1  }
0x92: {  	[tilespmem:v1+s21+$0x0] =	vst.idx.msk $0xffff, v25  }
0x93: {  	v25 =	vld [tilespmem:s5+$0x2E30]  }
0x94: {  	v42 =	vld [tilespmem:s5+$0x2E40]  }
0x95: {  	v43 =	vld [tilespmem:s5+$0x2E50]  }
0x96: {  	v44 =	vld [tilespmem:s5+$0x2E60];
	_ =	sdelay $0x3  }
0x97: {  	v25 =	vmul.f32 v25, v21;
	v26 =	vmul.f32 v42, v22  }
0x98: {  	v27 =	vmul.f32 v43, v23;
	v28 =	vmul.f32 v44, v24;
	_ =	sdelay $0x1  }
0x99: {  	v25 =	vadd.f32 v26, v25;
	v45 =	vadd.f32 v28, v27;
	_ =	sdelay $0x1  }
0x9a: {  	v25 =	vadd.f32 v45, v25;
	_ =	sdelay $0x1  }
0x9b: {  	[tilespmem:v2+s21+$0x0] =	vst.idx.msk $0xffff, v25  }
0x9c: {  	v25 =	vld [tilespmem:s5+$0x2E70]  }
0x9d: {  	v46 =	vld [tilespmem:s5+$0x2E80]  }
0x9e: {  	v47 =	vld [tilespmem:s5+$0x2E90]  }
0x9f: {  	v48 =	vld [tilespmem:s5+$0x2EA0];
	_ =	sdelay $0x3  }
0xa0: {  	v25 =	vmul.f32 v25, v21;
	v26 =	vmul.f32 v46, v22  }
0xa1: {  	v27 =	vmul.f32 v47, v23;
	v28 =	vmul.f32 v48, v24;
	_ =	sdelay $0x1  }
0xa2: {  	v25 =	vadd.f32 v26, v25;
	v49 =	vadd.f32 v28, v27;
	_ =	sdelay $0x1  }
0xa3: {  	v25 =	vadd.f32 v49, v25;
	_ =	sdelay $0x1  }
0xa4: {  	[tilespmem:v3+s21+$0x0] =	vst.idx.msk $0xffff, v25  }
0xa5: {  	v25 =	vld [tilespmem:s5+$0x2EB0]  }
0xa6: {  	v50 =	vld [tilespmem:s5+$0x2EC0]  }
0xa7: {  	v51 =	vld [tilespmem:s5+$0x2ED0]  }
0xa8: {  	v52 =	vld [tilespmem:s5+$0x2EE0];
	_ =	sdelay $0x3  }
0xa9: {  	v25 =	vmul.f32 v25, v21;
	v26 =	vmul.f32 v50, v22  }
0xaa: {  	v27 =	vmul.f32 v51, v23;
	v28 =	vmul.f32 v52, v24;
	_ =	sdelay $0x1  }
0xab: {  	v25 =	vadd.f32 v26, v25;
	v53 =	vadd.f32 v28, v27;
	_ =	sdelay $0x1  }
0xac: {  	v25 =	vadd.f32 v53, v25;
	_ =	sdelay $0x1  }
0xad: {  	[tilespmem:v4+s21+$0x0] =	vst.idx.msk $0xffff, v25  }
0xae: {  	v25 =	vld [tilespmem:s5+$0x2EF0]  }
0xaf: {  	v54 =	vld [tilespmem:s5+$0x2F00]  }
0xb0: {  	v55 =	vld [tilespmem:s5+$0x2F10]  }
0xb1: {  	v56 =	vld [tilespmem:s5+$0x2F20];
	_ =	sdelay $0x3  }
0xb2: {  	v25 =	vmul.f32 v25, v21;
	v26 =	vmul.f32 v54, v22  }
0xb3: {  	v27 =	vmul.f32 v55, v23;
	v28 =	vmul.f32 v56, v24;
	_ =	sdelay $0x1  }
0xb4: {  	v25 =	vadd.f32 v26, v25;
	v57 =	vadd.f32 v28, v27;
	_ =	sdelay $0x1  }
0xb5: {  	v25 =	vadd.f32 v57, v25;
	_ =	sdelay $0x1  }
0xb6: {  	[tilespmem:v5+s21+$0x0] =	vst.idx.msk $0xffff, v25  }
0xb7: {  	v25 =	vld [tilespmem:s5+$0x2F30]  }
0xb8: {  	v58 =	vld [tilespmem:s5+$0x2F40]  }
0xb9: {  	v59 =	vld [tilespmem:s5+$0x2F50]  }
0xba: {  	v60 =	vld [tilespmem:s5+$0x2F60];
	_ =	sdelay $0x3  }
0xbb: {  	v25 =	vmul.f32 v25, v21;
	v26 =	vmul.f32 v58, v22  }
0xbc: {  	v27 =	vmul.f32 v59, v23;
	v28 =	vmul.f32 v60, v24;
	_ =	sdelay $0x1  }
0xbd: {  	v25 =	vadd.f32 v26, v25;
	v61 =	vadd.f32 v28, v27;
	_ =	sdelay $0x1  }
0xbe: {  	v25 =	vadd.f32 v61, v25;
	_ =	sdelay $0x1  }
0xbf: {  	[tilespmem:v6+s21+$0x0] =	vst.idx.msk $0xffff, v25  }
0xc0: {  	v25 =	vld [tilespmem:s5+$0x2F70]  }
0xc1: {  	v62 =	vld [tilespmem:s5+$0x2F80]  }
0xc2: {  	v63 =	vld [tilespmem:s5+$0x2F90]  }
0xc3: {  	v32 =	vld [tilespmem:s5+$0x2FA0];
	_ =	sdelay $0x3  }
0xc4: {  	v25 =	vmul.f32 v25, v21;
	v26 =	vmul.f32 v62, v22  }
0xc5: {  	v27 =	vmul.f32 v63, v23;
	v28 =	vmul.f32 v32, v24;
	_ =	sdelay $0x1  }
0xc6: {  	v25 =	vadd.f32 v26, v25;
	v33 =	vadd.f32 v28, v27;
	_ =	sdelay $0x1  }
0xc7: {  	v25 =	vadd.f32 v33, v25;
	_ =	sdelay $0x1  }
0xc8: {  	[tilespmem:v7+s21+$0x0] =	vst.idx.msk $0xffff, v25  }
0xc9: {  	v25 =	vld [tilespmem:s5+$0x2FB0]  }
0xca: {  	v34 =	vld [tilespmem:s5+$0x2FC0]  }
0xcb: {  	v35 =	vld [tilespmem:s5+$0x2FD0]  }
0xcc: {  	v36 =	vld [tilespmem:s5+$0x2FE0];
	_ =	sdelay $0x3  }
0xcd: {  	v25 =	vmul.f32 v25, v21;
	v26 =	vmul.f32 v34, v22  }
0xce: {  	v27 =	vmul.f32 v35, v23;
	v28 =	vmul.f32 v36, v24;
	_ =	sdelay $0x1  }
0xcf: {  	v25 =	vadd.f32 v26, v25;
	v37 =	vadd.f32 v28, v27;
	_ =	sdelay $0x1  }
0xd0: {  	v25 =	vadd.f32 v37, v25;
	_ =	sdelay $0x1  }
0xd1: {  	[tilespmem:v8+s21+$0x0] =	vst.idx.msk $0xffff, v25  }
0xd2: {  	v25 =	vld [tilespmem:s5+$0x2FF0]  }
0xd3: {  	v38 =	vld [tilespmem:s5+$0x3000]  }
0xd4: {  	v39 =	vld [tilespmem:s5+$0x3010]  }
0xd5: {  	v40 =	vld [tilespmem:s5+$0x3020];
	_ =	sdelay $0x3  }
0xd6: {  	v25 =	vmul.f32 v25, v21;
	v26 =	vmul.f32 v38, v22  }
0xd7: {  	v27 =	vmul.f32 v39, v23;
	v28 =	vmul.f32 v40, v24;
	_ =	sdelay $0x1  }
0xd8: {  	v25 =	vadd.f32 v26, v25;
	v41 =	vadd.f32 v28, v27;
	_ =	sdelay $0x1  }
0xd9: {  	v25 =	vadd.f32 v41, v25;
	_ =	sdelay $0x1  }
0xda: {  	[tilespmem:v9+s21+$0x0] =	vst.idx.msk $0xffff, v25  }
0xdb: {  	v25 =	vld [tilespmem:s5+$0x3030]  }
0xdc: {  	v42 =	vld [tilespmem:s5+$0x3040]  }
0xdd: {  	v43 =	vld [tilespmem:s5+$0x3050]  }
0xde: {  	v44 =	vld [tilespmem:s5+$0x3060];
	_ =	sdelay $0x3  }
0xdf: {  	v25 =	vmul.f32 v25, v21;
	v26 =	vmul.f32 v42, v22  }
0xe0: {  	v27 =	vmul.f32 v43, v23;
	v28 =	vmul.f32 v44, v24;
	_ =	sdelay $0x1  }
0xe1: {  	v25 =	vadd.f32 v26, v25;
	v45 =	vadd.f32 v28, v27;
	_ =	sdelay $0x1  }
0xe2: {  	v25 =	vadd.f32 v45, v25;
	_ =	sdelay $0x1  }
0xe3: {  	[tilespmem:v10+s21+$0x0] =	vst.idx.msk $0xffff, v25  }
0xe4: {  	v25 =	vld [tilespmem:s5+$0x3070]  }
0xe5: {  	v46 =	vld [tilespmem:s5+$0x3080]  }
0xe6: {  	v47 =	vld [tilespmem:s5+$0x3090]  }
0xe7: {  	v48 =	vld [tilespmem:s5+$0x30A0];
	_ =	sdelay $0x3  }
0xe8: {  	v25 =	vmul.f32 v25, v21;
	v26 =	vmul.f32 v46, v22  }
0xe9: {  	v27 =	vmul.f32 v47, v23;
	v28 =	vmul.f32 v48, v24;
	_ =	sdelay $0x1  }
0xea: {  	v25 =	vadd.f32 v26, v25;
	v49 =	vadd.f32 v28, v27;
	_ =	sdelay $0x1  }
0xeb: {  	v25 =	vadd.f32 v49, v25;
	_ =	sdelay $0x1  }
0xec: {  	[tilespmem:v11+s21+$0x0] =	vst.idx.msk $0xffff, v25  }
0xed: {  	v25 =	vld [tilespmem:s5+$0x30B0]  }
0xee: {  	v50 =	vld [tilespmem:s5+$0x30C0]  }
0xef: {  	v51 =	vld [tilespmem:s5+$0x30D0]  }
0xf0: {  	v52 =	vld [tilespmem:s5+$0x30E0];
	_ =	sdelay $0x3  }
0xf1: {  	v25 =	vmul.f32 v25, v21;
	v26 =	vmul.f32 v50, v22  }
0xf2: {  	v27 =	vmul.f32 v51, v23;
	v28 =	vmul.f32 v52, v24;
	_ =	sdelay $0x1  }
0xf3: {  	v25 =	vadd.f32 v26, v25;
	v53 =	vadd.f32 v28, v27;
	_ =	sdelay $0x1  }
0xf4: {  	v25 =	vadd.f32 v53, v25;
	_ =	sdelay $0x1  }
0xf5: {  	[tilespmem:v12+s21+$0x0] =	vst.idx.msk $0xffff, v25  }
0xf6: {  	v25 =	vld [tilespmem:s5+$0x30F0]  }
0xf7: {  	v54 =	vld [tilespmem:s5+$0x3100]  }
0xf8: {  	v55 =	vld [tilespmem:s5+$0x3110]  }
0xf9: {  	v56 =	vld [tilespmem:s5+$0x3120];
	_ =	sdelay $0x3  }
0xfa: {  	v25 =	vmul.f32 v25, v21;
	v26 =	vmul.f32 v54, v22  }
0xfb: {  	v27 =	vmul.f32 v55, v23;
	v28 =	vmul.f32 v56, v24;
	_ =	sdelay $0x1  }
0xfc: {  	v25 =	vadd.f32 v26, v25;
	v57 =	vadd.f32 v28, v27;
	_ =	sdelay $0x1  }
0xfd: {  	v25 =	vadd.f32 v57, v25;
	_ =	sdelay $0x1  }
0xfe: {  	[tilespmem:v13+s21+$0x0] =	vst.idx.msk $0xffff, v25  }
0xff: {  	v25 =	vld [tilespmem:s5+$0x3130]  }
0x100: {  	v58 =	vld [tilespmem:s5+$0x3140]  }
0x101: {  	v59 =	vld [tilespmem:s5+$0x3150]  }
0x102: {  	v60 =	vld [tilespmem:s5+$0x3160];
	_ =	sdelay $0x3  }
0x103: {  	v25 =	vmul.f32 v25, v21;
	v26 =	vmul.f32 v58, v22  }
0x104: {  	v27 =	vmul.f32 v59, v23;
	v28 =	vmul.f32 v60, v24;
	_ =	sdelay $0x1  }
0x105: {  	v25 =	vadd.f32 v26, v25;
	v61 =	vadd.f32 v28, v27;
	_ =	sdelay $0x1  }
0x106: {  	v25 =	vadd.f32 v61, v25;
	_ =	sdelay $0x1  }
0x107: {  	[tilespmem:v14+s21+$0x0] =	vst.idx.msk $0xffff, v25  }
0x108: {  	v25 =	vld [tilespmem:s5+$0x3170]  }
0x109: {  	v62 =	vld [tilespmem:s5+$0x3180]  }
0x10a: {  	v63 =	vld [tilespmem:s5+$0x3190]  }
0x10b: {  	v32 =	vld [tilespmem:s5+$0x31A0];
	_ =	sdelay $0x3  }
0x10c: {  	v25 =	vmul.f32 v25, v21;
	v26 =	vmul.f32 v62, v22  }
0x10d: {  	v27 =	vmul.f32 v63, v23;
	v28 =	vmul.f32 v32, v24;
	_ =	sdelay $0x1  }
0x10e: {  	v25 =	vadd.f32 v26, v25;
	v33 =	vadd.f32 v28, v27;
	_ =	sdelay $0x1  }
0x10f: {  	v25 =	vadd.f32 v33, v25;
	_ =	sdelay $0x1  }
0x110: {  	[tilespmem:v15+s21+$0x0] =	vst.idx.msk $0xffff, v25  }
0x111: {  	v25 =	vld [tilespmem:s5+$0x31B0]  }
0x112: {  	v34 =	vld [tilespmem:s5+$0x31C0]  }
0x113: {  	v35 =	vld [tilespmem:s5+$0x31D0]  }
0x114: {  	v36 =	vld [tilespmem:s5+$0x31E0];
	_ =	sdelay $0x3  }
0x115: {  	v25 =	vmul.f32 v25, v21;
	v26 =	vmul.f32 v34, v22  }
0x116: {  	v27 =	vmul.f32 v35, v23;
	v28 =	vmul.f32 v36, v24;
	_ =	sdelay $0x1  }
0x117: {  	v25 =	vadd.f32 v26, v25;
	v37 =	vadd.f32 v28, v27;
	_ =	sdelay $0x1  }
0x118: {  	v25 =	vadd.f32 v37, v25;
	_ =	sdelay $0x1  }
0x119: {  	[tilespmem:v16+s21+$0x0] =	vst.idx.msk $0xffff, v25  }
0x11a: {  	v25 =	vld [tilespmem:s5+$0x31F0]  }
0x11b: {  	v38 =	vld [tilespmem:s5+$0x3200]  }
0x11c: {  	v39 =	vld [tilespmem:s5+$0x3210]  }
0x11d: {  	v40 =	vld [tilespmem:s5+$0x3220];
	_ =	sdelay $0x3  }
0x11e: {  	v25 =	vmul.f32 v25, v21;
	v26 =	vmul.f32 v38, v22  }
0x11f: {  	v27 =	vmul.f32 v39, v23;
	v28 =	vmul.f32 v40, v24;
	_ =	sdelay $0x1  }
0x120: {  	v25 =	vadd.f32 v26, v25;
	v41 =	vadd.f32 v28, v27;
	_ =	sdelay $0x1  }
0x121: {  	v25 =	vadd.f32 v41, v25;
	_ =	sdelay $0x1  }
0x122: {  	[tilespmem:v17+s21+$0x0] =	vst.idx.msk $0xffff, v25  }
0x123: {  	v25 =	vld [tilespmem:s5+$0x3230]  }
0x124: {  	v42 =	vld [tilespmem:s5+$0x3240]  }
0x125: {  	v43 =	vld [tilespmem:s5+$0x3250]  }
0x126: {  	v44 =	vld [tilespmem:s5+$0x3260];
	_ =	sdelay $0x3  }
0x127: {  	v25 =	vmul.f32 v25, v21;
	v26 =	vmul.f32 v42, v22  }
0x128: {  	v27 =	vmul.f32 v43, v23;
	v28 =	vmul.f32 v44, v24;
	_ =	sdelay $0x1  }
0x129: {  	v25 =	vadd.f32 v26, v25;
	v45 =	vadd.f32 v28, v27;
	_ =	sdelay $0x1  }
0x12a: {  	v25 =	vadd.f32 v45, v25;
	_ =	sdelay $0x1  }
0x12b: {  	[tilespmem:v18+s21+$0x0] =	vst.idx.msk $0xffff, v25  }
0x12c: {  	v25 =	vld [tilespmem:s5+$0x3270]  }
0x12d: {  	v46 =	vld [tilespmem:s5+$0x3280]  }
0x12e: {  	v47 =	vld [tilespmem:s5+$0x3290]  }
0x12f: {  	v48 =	vld [tilespmem:s5+$0x32A0];
	_ =	sdelay $0x3  }
0x130: {  	v25 =	vmul.f32 v25, v21;
	v26 =	vmul.f32 v46, v22  }
0x131: {  	v27 =	vmul.f32 v47, v23;
	v28 =	vmul.f32 v48, v24;
	_ =	sdelay $0x1  }
0x132: {  	v25 =	vadd.f32 v26, v25;
	v49 =	vadd.f32 v28, v27;
	_ =	sdelay $0x1  }
0x133: {  	v25 =	vadd.f32 v49, v25;
	_ =	sdelay $0x1  }
0x134: {  	[tilespmem:v19+s21+$0x0] =	vst.idx.msk $0xffff, v25  }
0x135: {  	v25 =	vld [tilespmem:s5+$0x32B0]  }
0x136: {  	v50 =	vld [tilespmem:s5+$0x32C0]  }
0x137: {  	v51 =	vld [tilespmem:s5+$0x32D0]  }
0x138: {  	v52 =	vld [tilespmem:s5+$0x32E0];
	_ =	sdelay $0x3  }
0x139: {  	v21 =	vmul.f32 v25, v21;
	v22 =	vmul.f32 v50, v22  }
0x13a: {  	v23 =	vmul.f32 v51, v23;
	v24 =	vmul.f32 v52, v24;
	_ =	sdelay $0x1  }
0x13b: {  	v21 =	vadd.f32 v22, v21;
	v22 =	vadd.f32 v24, v23  }
0x13c: {  	s5 =	sshllo.u32 s14, $0x1  }
0x13d: {  	s25 =	smul.u32 $0xA00, s5;
	v21 =	vadd.f32 v22, v21;
	_ =	sdelay $0x1  }
0x13e: {  	s23 =	sshra.s32 s25, $0x2;
	[tilespmem:v20+s21+$0x0] =	vst.idx.msk $0xffff, v21  }
0x13f: {  	v21 =	vld [tilespmem:s23+$0x1F0]  }
0x140: {  	v22 =	vld [tilespmem:s23+$0x230]  }
0x141: {  	v23 =	vld [tilespmem:s23+$0x270]  }
0x142: {  	v24 =	vld [tilespmem:s23+$0x2B0]  }
0x143: {  	v25 =	vld [tilespmem:s23+$0x2F0]  }
0x144: {  	v53 =	vld [tilespmem:s23+$0x330]  }
0x145: {  	v54 =	vld [tilespmem:s23+$0x370]  }
0x146: {  	v55 =	vld [tilespmem:s23+$0x3B0]  }
0x147: {  	v29 =	vld [tilespmem:s23+$0x3F0]  }
0x148: {  	v30 =	vld [tilespmem:s23+$0x430]  }
0x149: {  	v56 =	vld [tilespmem:s23+$0x200]  }
0x14a: {  	v57 =	vld [tilespmem:s23+$0x240]  }
0x14b: {  	v58 =	vld [tilespmem:s23+$0x280]  }
0x14c: {  	v59 =	vld [tilespmem:s23+$0x2C0]  }
0x14d: {  	v60 =	vld [tilespmem:s23+$0x300]  }
0x14e: {  	v61 =	vld [tilespmem:s23+$0x340]  }
0x14f: {  	v62 =	vld [tilespmem:s23+$0x380]  }
0x150: {  	v63 =	vld [tilespmem:s23+$0x3C0]  }
0x151: {  	v39 =	vld [tilespmem:s23+$0x400]  }
0x152: {  	v40 =	vld [tilespmem:s23+$0x440]  }
0x153: {  	v41 =	vld [tilespmem:s23+$0x210]  }
0x154: {  	v52 =	vld [tilespmem:s23+$0x250]  }
0x155: {  	v43 =	vld [tilespmem:s23+$0x290]  }
0x156: {  	v44 =	vld [tilespmem:s23+$0x2D0]  }
0x157: {  	v45 =	vld [tilespmem:s23+$0x310]  }
0x158: {  	v46 =	vld [tilespmem:s23+$0x350]  }
0x159: {  	v47 =	vld [tilespmem:s23+$0x390]  }
0x15a: {  	v48 =	vld [tilespmem:s23+$0x3D0]  }
0x15b: {  	v49 =	vld [tilespmem:s23+$0x220]  }
0x15c: {  	v26 =	vld [tilespmem:s23+$0x2A0];
	v21 =	vadd.f32 v22, v21;
	v22 =	vadd.f32 v24, v23  }
0x15d: {  	v31 =	vld [tilespmem:s23+$0x2E0];
	v53 =	vadd.f32 v53, v25;
	v54 =	vadd.f32 v55, v54  }
0x15e: {  	v23 =	vld [tilespmem:s23+$0x260];
	v55 =	vadd.f32 v57, v56;
	v56 =	vadd.f32 v59, v58  }
0x15f: {  	v57 =	vadd.f32 v61, v60;
	v58 =	vadd.f32 v63, v62;
	v59 =	vld [tilespmem:s23+$0x320]  }
0x160: {  	v60 =	vld [tilespmem:s23+$0x360];
	v21 =	vadd.f32 v22, v21;
	v22 =	vadd.f32 v54, v53  }
0x161: {  	v63 =	vld [tilespmem:s23+$0x3A0];
	v29 =	vadd.f32 v30, v29;
	v30 =	vadd.f32 v40, v39  }
0x162: {  	v52 =	vadd.f32 v52, v41;
	v21 =	vadd.f32 v22, v21;
	v22 =	vld [tilespmem:s23+$0x3E0]  }
0x163: {  	v50 =	vld [tilespmem:s23+$0x410];
	v26 =	vadd.f32 v31, v26;
	v61 =	vadd.f32 v56, v55  }
0x164: {  	v62 =	vadd.f32 v58, v57;
	v53 =	vadd.f32 v44, v43;
	v56 =	vld [tilespmem:s23+$0x420]  }
0x165: {  	s25 =	sshll.u32 s5, $0x6;
	v54 =	vadd.f32 v46, v45;
	v55 =	vadd.f32 v48, v47;
	v57 =	vld [tilespmem:s23+$0x460]  }
0x166: {  	s28 =	sand.u32 $0x3FFFFFC0, s25;
	v51 =	vld [tilespmem:s23+$0x450];
	v25 =	vadd.f32 v62, v61;
	v23 =	vadd.f32 v23, v49  }
0x167: {  	v37 =	vld [tilespmem:s28+$0x2A20];
	v24 =	vadd.f32 v60, v59;
	v22 =	vadd.f32 v22, v63  }
0x168: {  	v58 =	vld [tilespmem:s28+$0x29F0];
	v59 =	vadd.f32 v53, v52;
	v60 =	vadd.f32 v55, v54  }
0x169: {  	v61 =	vld [tilespmem:s28+$0x2A00];
	v23 =	vadd.f32 v26, v23;
	v22 =	vadd.f32 v22, v24  }
0x16a: {  	v62 =	vld [tilespmem:s28+$0x2A10];
	v36 =	vadd.f32 v60, v59;
	v38 =	vadd.f32 v57, v56  }
0x16b: {  	v63 =	vadd.f32 v51, v50;
	v39 =	vadd.f32 v22, v23  }
0x16c: {  	v21 =	vadd.f32 v29, v21;
	v22 =	vadd.f32 v30, v25  }
0x16d: {  	v23 =	vadd.f32 v63, v36;
	v24 =	vadd.f32 v38, v39  }
0x16e: {  	v40 =	vmul.f32 v58, v21;
	v41 =	vmul.f32 v61, v22  }
0x16f: {  	v26 =	vmul.f32 v62, v23;
	v42 =	vmul.f32 v37, v24;
	_ =	sdelay $0x1  }
0x170: {  	v25 =	vadd.f32 v41, v40;
	v26 =	vadd.f32 v42, v26;
	_ =	sdelay $0x1  }
0x171: {  	s25 =	smul.u32 $0x1400, s5;
	v25 =	vadd.f32 v26, v25;
	_ =	sdelay $0x1  }
0x172: {  	s23 =	sshra.s32 s25, $0x2;
	[tilespmem:v0+s10+$0x0] =	vst.idx.msk $0xffff, v25  }
0x173: {  	v25 =	vld [tilespmem:s23+$0x2DF0]  }
0x174: {  	v43 =	vld [tilespmem:s23+$0x2E00]  }
0x175: {  	v44 =	vld [tilespmem:s23+$0x2E10]  }
0x176: {  	v45 =	vld [tilespmem:s23+$0x2E20];
	_ =	sdelay $0x3  }
0x177: {  	v25 =	vmul.f32 v25, v21;
	v26 =	vmul.f32 v43, v22  }
0x178: {  	v27 =	vmul.f32 v44, v23;
	v28 =	vmul.f32 v45, v24;
	_ =	sdelay $0x1  }
0x179: {  	v25 =	vadd.f32 v26, v25;
	v46 =	vadd.f32 v28, v27;
	_ =	sdelay $0x1  }
0x17a: {  	v25 =	vadd.f32 v46, v25;
	_ =	sdelay $0x1  }
0x17b: {  	[tilespmem:v1+s10+$0x0] =	vst.idx.msk $0xffff, v25  }
0x17c: {  	v25 =	vld [tilespmem:s23+$0x2E30]  }
0x17d: {  	v47 =	vld [tilespmem:s23+$0x2E40]  }
0x17e: {  	v48 =	vld [tilespmem:s23+$0x2E50]  }
0x17f: {  	v49 =	vld [tilespmem:s23+$0x2E60];
	_ =	sdelay $0x3  }
0x180: {  	v25 =	vmul.f32 v25, v21;
	v26 =	vmul.f32 v47, v22  }
0x181: {  	v27 =	vmul.f32 v48, v23;
	v28 =	vmul.f32 v49, v24;
	_ =	sdelay $0x1  }
0x182: {  	v25 =	vadd.f32 v26, v25;
	v50 =	vadd.f32 v28, v27;
	_ =	sdelay $0x1  }
0x183: {  	v25 =	vadd.f32 v50, v25;
	_ =	sdelay $0x1  }
0x184: {  	[tilespmem:v2+s10+$0x0] =	vst.idx.msk $0xffff, v25  }
0x185: {  	v25 =	vld [tilespmem:s23+$0x2E70]  }
0x186: {  	v51 =	vld [tilespmem:s23+$0x2E80]  }
0x187: {  	v52 =	vld [tilespmem:s23+$0x2E90]  }
0x188: {  	v53 =	vld [tilespmem:s23+$0x2EA0];
	_ =	sdelay $0x3  }
0x189: {  	v25 =	vmul.f32 v25, v21;
	v26 =	vmul.f32 v51, v22  }
0x18a: {  	v27 =	vmul.f32 v52, v23;
	v28 =	vmul.f32 v53, v24;
	_ =	sdelay $0x1  }
0x18b: {  	v25 =	vadd.f32 v26, v25;
	v54 =	vadd.f32 v28, v27;
	_ =	sdelay $0x1  }
0x18c: {  	v25 =	vadd.f32 v54, v25;
	_ =	sdelay $0x1  }
0x18d: {  	[tilespmem:v3+s10+$0x0] =	vst.idx.msk $0xffff, v25  }
0x18e: {  	v25 =	vld [tilespmem:s23+$0x2EB0]  }
0x18f: {  	v55 =	vld [tilespmem:s23+$0x2EC0]  }
0x190: {  	v56 =	vld [tilespmem:s23+$0x2ED0]  }
0x191: {  	v57 =	vld [tilespmem:s23+$0x2EE0];
	_ =	sdelay $0x3  }
0x192: {  	v25 =	vmul.f32 v25, v21;
	v26 =	vmul.f32 v55, v22  }
0x193: {  	v27 =	vmul.f32 v56, v23;
	v28 =	vmul.f32 v57, v24;
	_ =	sdelay $0x1  }
0x194: {  	v25 =	vadd.f32 v26, v25;
	v58 =	vadd.f32 v28, v27;
	_ =	sdelay $0x1  }
0x195: {  	v25 =	vadd.f32 v58, v25;
	_ =	sdelay $0x1  }
0x196: {  	[tilespmem:v4+s10+$0x0] =	vst.idx.msk $0xffff, v25  }
0x197: {  	v25 =	vld [tilespmem:s23+$0x2EF0]  }
0x198: {  	v59 =	vld [tilespmem:s23+$0x2F00]  }
0x199: {  	v60 =	vld [tilespmem:s23+$0x2F10]  }
0x19a: {  	v61 =	vld [tilespmem:s23+$0x2F20];
	_ =	sdelay $0x3  }
0x19b: {  	v25 =	vmul.f32 v25, v21;
	v26 =	vmul.f32 v59, v22  }
0x19c: {  	v27 =	vmul.f32 v60, v23;
	v28 =	vmul.f32 v61, v24;
	_ =	sdelay $0x1  }
0x19d: {  	v25 =	vadd.f32 v26, v25;
	v62 =	vadd.f32 v28, v27;
	_ =	sdelay $0x1  }
0x19e: {  	v25 =	vadd.f32 v62, v25;
	_ =	sdelay $0x1  }
0x19f: {  	[tilespmem:v5+s10+$0x0] =	vst.idx.msk $0xffff, v25  }
0x1a0: {  	v25 =	vld [tilespmem:s23+$0x2F30]  }
0x1a1: {  	v63 =	vld [tilespmem:s23+$0x2F40]  }
0x1a2: {  	v32 =	vld [tilespmem:s23+$0x2F50]  }
0x1a3: {  	v33 =	vld [tilespmem:s23+$0x2F60];
	_ =	sdelay $0x3  }
0x1a4: {  	v25 =	vmul.f32 v25, v21;
	v26 =	vmul.f32 v63, v22  }
0x1a5: {  	v27 =	vmul.f32 v32, v23;
	v28 =	vmul.f32 v33, v24;
	_ =	sdelay $0x1  }
0x1a6: {  	v25 =	vadd.f32 v26, v25;
	v34 =	vadd.f32 v28, v27;
	_ =	sdelay $0x1  }
0x1a7: {  	v25 =	vadd.f32 v34, v25;
	_ =	sdelay $0x1  }
0x1a8: {  	[tilespmem:v6+s10+$0x0] =	vst.idx.msk $0xffff, v25  }
0x1a9: {  	v25 =	vld [tilespmem:s23+$0x2F70]  }
0x1aa: {  	v35 =	vld [tilespmem:s23+$0x2F80]  }
0x1ab: {  	v36 =	vld [tilespmem:s23+$0x2F90]  }
0x1ac: {  	v37 =	vld [tilespmem:s23+$0x2FA0];
	_ =	sdelay $0x3  }
0x1ad: {  	v25 =	vmul.f32 v25, v21;
	v26 =	vmul.f32 v35, v22  }
0x1ae: {  	v27 =	vmul.f32 v36, v23;
	v28 =	vmul.f32 v37, v24;
	_ =	sdelay $0x1  }
0x1af: {  	v25 =	vadd.f32 v26, v25;
	v38 =	vadd.f32 v28, v27;
	_ =	sdelay $0x1  }
0x1b0: {  	v25 =	vadd.f32 v38, v25;
	_ =	sdelay $0x1  }
0x1b1: {  	[tilespmem:v7+s10+$0x0] =	vst.idx.msk $0xffff, v25  }
0x1b2: {  	v25 =	vld [tilespmem:s23+$0x2FB0]  }
0x1b3: {  	v39 =	vld [tilespmem:s23+$0x2FC0]  }
0x1b4: {  	v40 =	vld [tilespmem:s23+$0x2FD0]  }
0x1b5: {  	v41 =	vld [tilespmem:s23+$0x2FE0];
	_ =	sdelay $0x3  }
0x1b6: {  	v25 =	vmul.f32 v25, v21;
	v26 =	vmul.f32 v39, v22  }
0x1b7: {  	v27 =	vmul.f32 v40, v23;
	v28 =	vmul.f32 v41, v24;
	_ =	sdelay $0x1  }
0x1b8: {  	v25 =	vadd.f32 v26, v25;
	v42 =	vadd.f32 v28, v27;
	_ =	sdelay $0x1  }
0x1b9: {  	v25 =	vadd.f32 v42, v25;
	_ =	sdelay $0x1  }
0x1ba: {  	[tilespmem:v8+s10+$0x0] =	vst.idx.msk $0xffff, v25  }
0x1bb: {  	v25 =	vld [tilespmem:s23+$0x2FF0]  }
0x1bc: {  	v43 =	vld [tilespmem:s23+$0x3000]  }
0x1bd: {  	v44 =	vld [tilespmem:s23+$0x3010]  }
0x1be: {  	v45 =	vld [tilespmem:s23+$0x3020];
	_ =	sdelay $0x3  }
0x1bf: {  	v25 =	vmul.f32 v25, v21;
	v26 =	vmul.f32 v43, v22  }
0x1c0: {  	v27 =	vmul.f32 v44, v23;
	v28 =	vmul.f32 v45, v24;
	_ =	sdelay $0x1  }
0x1c1: {  	v25 =	vadd.f32 v26, v25;
	v46 =	vadd.f32 v28, v27;
	_ =	sdelay $0x1  }
0x1c2: {  	v25 =	vadd.f32 v46, v25;
	_ =	sdelay $0x1  }
0x1c3: {  	[tilespmem:v9+s10+$0x0] =	vst.idx.msk $0xffff, v25  }
0x1c4: {  	v25 =	vld [tilespmem:s23+$0x3030]  }
0x1c5: {  	v47 =	vld [tilespmem:s23+$0x3040]  }
0x1c6: {  	v48 =	vld [tilespmem:s23+$0x3050]  }
0x1c7: {  	v49 =	vld [tilespmem:s23+$0x3060];
	_ =	sdelay $0x3  }
0x1c8: {  	v25 =	vmul.f32 v25, v21;
	v26 =	vmul.f32 v47, v22  }
0x1c9: {  	v27 =	vmul.f32 v48, v23;
	v28 =	vmul.f32 v49, v24;
	_ =	sdelay $0x1  }
0x1ca: {  	v25 =	vadd.f32 v26, v25;
	v50 =	vadd.f32 v28, v27;
	_ =	sdelay $0x1  }
0x1cb: {  	v25 =	vadd.f32 v50, v25;
	_ =	sdelay $0x1  }
0x1cc: {  	[tilespmem:v10+s10+$0x0] =	vst.idx.msk $0xffff, v25  }
0x1cd: {  	v25 =	vld [tilespmem:s23+$0x3070]  }
0x1ce: {  	v51 =	vld [tilespmem:s23+$0x3080]  }
0x1cf: {  	v52 =	vld [tilespmem:s23+$0x3090]  }
0x1d0: {  	v53 =	vld [tilespmem:s23+$0x30A0];
	_ =	sdelay $0x3  }
0x1d1: {  	v25 =	vmul.f32 v25, v21;
	v26 =	vmul.f32 v51, v22  }
0x1d2: {  	v27 =	vmul.f32 v52, v23;
	v28 =	vmul.f32 v53, v24;
	_ =	sdelay $0x1  }
0x1d3: {  	v25 =	vadd.f32 v26, v25;
	v54 =	vadd.f32 v28, v27;
	_ =	sdelay $0x1  }
0x1d4: {  	v25 =	vadd.f32 v54, v25;
	_ =	sdelay $0x1  }
0x1d5: {  	[tilespmem:v11+s10+$0x0] =	vst.idx.msk $0xffff, v25  }
0x1d6: {  	v25 =	vld [tilespmem:s23+$0x30B0]  }
0x1d7: {  	v55 =	vld [tilespmem:s23+$0x30C0]  }
0x1d8: {  	v56 =	vld [tilespmem:s23+$0x30D0]  }
0x1d9: {  	v57 =	vld [tilespmem:s23+$0x30E0];
	_ =	sdelay $0x3  }
0x1da: {  	v25 =	vmul.f32 v25, v21;
	v26 =	vmul.f32 v55, v22  }
0x1db: {  	v27 =	vmul.f32 v56, v23;
	v28 =	vmul.f32 v57, v24;
	_ =	sdelay $0x1  }
0x1dc: {  	v25 =	vadd.f32 v26, v25;
	v58 =	vadd.f32 v28, v27;
	_ =	sdelay $0x1  }
0x1dd: {  	v25 =	vadd.f32 v58, v25;
	_ =	sdelay $0x1  }
0x1de: {  	[tilespmem:v12+s10+$0x0] =	vst.idx.msk $0xffff, v25  }
0x1df: {  	v25 =	vld [tilespmem:s23+$0x30F0]  }
0x1e0: {  	v59 =	vld [tilespmem:s23+$0x3100]  }
0x1e1: {  	v60 =	vld [tilespmem:s23+$0x3110]  }
0x1e2: {  	v61 =	vld [tilespmem:s23+$0x3120];
	_ =	sdelay $0x3  }
0x1e3: {  	v25 =	vmul.f32 v25, v21;
	v26 =	vmul.f32 v59, v22  }
0x1e4: {  	v27 =	vmul.f32 v60, v23;
	v28 =	vmul.f32 v61, v24;
	_ =	sdelay $0x1  }
0x1e5: {  	v25 =	vadd.f32 v26, v25;
	v62 =	vadd.f32 v28, v27;
	_ =	sdelay $0x1  }
0x1e6: {  	v25 =	vadd.f32 v62, v25;
	_ =	sdelay $0x1  }
0x1e7: {  	[tilespmem:v13+s10+$0x0] =	vst.idx.msk $0xffff, v25  }
0x1e8: {  	v25 =	vld [tilespmem:s23+$0x3130]  }
0x1e9: {  	v63 =	vld [tilespmem:s23+$0x3140]  }
0x1ea: {  	v32 =	vld [tilespmem:s23+$0x3150]  }
0x1eb: {  	v33 =	vld [tilespmem:s23+$0x3160];
	_ =	sdelay $0x3  }
0x1ec: {  	v25 =	vmul.f32 v25, v21;
	v26 =	vmul.f32 v63, v22  }
0x1ed: {  	v27 =	vmul.f32 v32, v23;
	v28 =	vmul.f32 v33, v24;
	_ =	sdelay $0x1  }
0x1ee: {  	v25 =	vadd.f32 v26, v25;
	v34 =	vadd.f32 v28, v27;
	_ =	sdelay $0x1  }
0x1ef: {  	v25 =	vadd.f32 v34, v25;
	_ =	sdelay $0x1  }
0x1f0: {  	[tilespmem:v14+s10+$0x0] =	vst.idx.msk $0xffff, v25  }
0x1f1: {  	v25 =	vld [tilespmem:s23+$0x3170]  }
0x1f2: {  	v35 =	vld [tilespmem:s23+$0x3180]  }
0x1f3: {  	v36 =	vld [tilespmem:s23+$0x3190]  }
0x1f4: {  	v37 =	vld [tilespmem:s23+$0x31A0];
	_ =	sdelay $0x3  }
0x1f5: {  	v25 =	vmul.f32 v25, v21;
	v26 =	vmul.f32 v35, v22  }
0x1f6: {  	v27 =	vmul.f32 v36, v23;
	v28 =	vmul.f32 v37, v24;
	_ =	sdelay $0x1  }
0x1f7: {  	v25 =	vadd.f32 v26, v25;
	v38 =	vadd.f32 v28, v27;
	_ =	sdelay $0x1  }
0x1f8: {  	v25 =	vadd.f32 v38, v25;
	_ =	sdelay $0x1  }
0x1f9: {  	[tilespmem:v15+s10+$0x0] =	vst.idx.msk $0xffff, v25  }
0x1fa: {  	v25 =	vld [tilespmem:s23+$0x31B0]  }
0x1fb: {  	v39 =	vld [tilespmem:s23+$0x31C0]  }
0x1fc: {  	v40 =	vld [tilespmem:s23+$0x31D0]  }
0x1fd: {  	v41 =	vld [tilespmem:s23+$0x31E0];
	_ =	sdelay $0x3  }
0x1fe: {  	v25 =	vmul.f32 v25, v21;
	v26 =	vmul.f32 v39, v22  }
0x1ff: {  	v27 =	vmul.f32 v40, v23;
	v28 =	vmul.f32 v41, v24;
	_ =	sdelay $0x1  }
0x200: {  	v25 =	vadd.f32 v26, v25;
	v42 =	vadd.f32 v28, v27;
	_ =	sdelay $0x1  }
0x201: {  	v25 =	vadd.f32 v42, v25;
	_ =	sdelay $0x1  }
0x202: {  	[tilespmem:v16+s10+$0x0] =	vst.idx.msk $0xffff, v25  }
0x203: {  	v25 =	vld [tilespmem:s23+$0x31F0]  }
0x204: {  	v43 =	vld [tilespmem:s23+$0x3200]  }
0x205: {  	v44 =	vld [tilespmem:s23+$0x3210]  }
0x206: {  	v45 =	vld [tilespmem:s23+$0x3220];
	_ =	sdelay $0x3  }
0x207: {  	v25 =	vmul.f32 v25, v21;
	v26 =	vmul.f32 v43, v22  }
0x208: {  	v27 =	vmul.f32 v44, v23;
	v28 =	vmul.f32 v45, v24;
	_ =	sdelay $0x1  }
0x209: {  	v25 =	vadd.f32 v26, v25;
	v46 =	vadd.f32 v28, v27;
	_ =	sdelay $0x1  }
0x20a: {  	v25 =	vadd.f32 v46, v25;
	_ =	sdelay $0x1  }
0x20b: {  	[tilespmem:v17+s10+$0x0] =	vst.idx.msk $0xffff, v25  }
0x20c: {  	v25 =	vld [tilespmem:s23+$0x3230]  }
0x20d: {  	v47 =	vld [tilespmem:s23+$0x3240]  }
0x20e: {  	v48 =	vld [tilespmem:s23+$0x3250]  }
0x20f: {  	v49 =	vld [tilespmem:s23+$0x3260];
	_ =	sdelay $0x3  }
0x210: {  	v25 =	vmul.f32 v25, v21;
	v26 =	vmul.f32 v47, v22  }
0x211: {  	v27 =	vmul.f32 v48, v23;
	v28 =	vmul.f32 v49, v24;
	_ =	sdelay $0x1  }
0x212: {  	v25 =	vadd.f32 v26, v25;
	v50 =	vadd.f32 v28, v27;
	_ =	sdelay $0x1  }
0x213: {  	v25 =	vadd.f32 v50, v25;
	_ =	sdelay $0x1  }
0x214: {  	[tilespmem:v18+s10+$0x0] =	vst.idx.msk $0xffff, v25  }
0x215: {  	v25 =	vld [tilespmem:s23+$0x3270]  }
0x216: {  	v51 =	vld [tilespmem:s23+$0x3280]  }
0x217: {  	v52 =	vld [tilespmem:s23+$0x3290]  }
0x218: {  	v53 =	vld [tilespmem:s23+$0x32A0];
	_ =	sdelay $0x3  }
0x219: {  	v25 =	vmul.f32 v25, v21;
	v26 =	vmul.f32 v51, v22  }
0x21a: {  	v27 =	vmul.f32 v52, v23;
	v28 =	vmul.f32 v53, v24;
	_ =	sdelay $0x1  }
0x21b: {  	v25 =	vadd.f32 v26, v25;
	v54 =	vadd.f32 v28, v27;
	_ =	sdelay $0x1  }
0x21c: {  	v25 =	vadd.f32 v54, v25;
	_ =	sdelay $0x1  }
0x21d: {  	[tilespmem:v19+s10+$0x0] =	vst.idx.msk $0xffff, v25  }
0x21e: {  	v25 =	vld [tilespmem:s23+$0x32B0]  }
0x21f: {  	v55 =	vld [tilespmem:s23+$0x32C0]  }
0x220: {  	v56 =	vld [tilespmem:s23+$0x32D0]  }
0x221: {  	v57 =	vld [tilespmem:s23+$0x32E0];
	_ =	sdelay $0x3  }
0x222: {  	v21 =	vmul.f32 v25, v21;
	v22 =	vmul.f32 v55, v22  }
0x223: {  	v23 =	vmul.f32 v56, v23;
	v24 =	vmul.f32 v57, v24;
	_ =	sdelay $0x1  }
0x224: {  	v21 =	vadd.f32 v22, v21;
	v22 =	vadd.f32 v24, v23;
	_ =	sdelay $0x1  }
0x225: {  	v21 =	vadd.f32 v22, v21;
	_ =	sdelay $0x1  }
0x226: {  	[tilespmem:v20+s10+$0x0] =	vst.idx.msk $0xffff, v21  }
0x227: {  	v21 =	vld [tilespmem:$0xFBE0]  }
0x228: {  	v22 =	vld [tilespmem:$0xFC00]  }
0x229: {  	v23 =	vld [tilespmem:$0xFC20]  }
0x22a: {  	v24 =	vld [tilespmem:$0xFC40]  }
0x22b: {  	v58 =	vld [tilespmem:$0xFC60]  }
0x22c: {  	v59 =	vld [tilespmem:$0xFC80]  }
0x22d: {  	v60 =	vld [tilespmem:$0xFCA0]  }
0x22e: {  	v61 =	vld [tilespmem:$0xFCC0]  }
0x22f: {  	v62 =	vld [tilespmem:$0xFCE0]  }
0x230: {  	v63 =	vld [tilespmem:$0xFD00]  }
0x231: {  	v48 =	vld [tilespmem:$0xFD20]  }
0x232: {  	v49 =	vld [tilespmem:$0xFD40]  }
0x233: {  	v50 =	vld [tilespmem:$0xFD60]  }
0x234: {  	v51 =	vld [tilespmem:$0xFD80]  }
0x235: {  	v52 =	vld [tilespmem:$0xFDA0]  }
0x236: {  	v53 =	vld [tilespmem:$0xFDC0]  }
0x237: {  	v37 =	vld [tilespmem:$0xFBF0]  }
0x238: {  	v54 =	vld [tilespmem:$0xFC10]  }
0x239: {  	v39 =	vld [tilespmem:$0xFC30]  }
0x23a: {  	v55 =	vld [tilespmem:$0xFC50]  }
0x23b: {  	v41 =	vld [tilespmem:$0xFC70]  }
0x23c: {  	v56 =	vld [tilespmem:$0xFC90]  }
0x23d: {  	v43 =	vld [tilespmem:$0xFCB0]  }
0x23e: {  	v57 =	vld [tilespmem:$0xFCD0]  }
0x23f: {  	v45 =	vld [tilespmem:$0xFCF0]  }
0x240: {  	v46 =	vld [tilespmem:$0xFD10]  }
0x241: {  	v47 =	vld [tilespmem:$0xFD30]  }
0x242: {  	v21 =	vadd.f32 v22, v21;
	v22 =	vadd.f32 v24, v23;
	v23 =	vld [tilespmem:$0xFD50]  }
0x243: {  	v58 =	vadd.f32 v59, v58;
	v59 =	vadd.f32 v61, v60;
	v60 =	vld [tilespmem:$0xFD70]  }
0x244: {  	v61 =	vadd.f32 v63, v62;
	v62 =	vadd.f32 v49, v48;
	v63 =	vld [tilespmem:$0xFD90]  }
0x245: {  	v48 =	vadd.f32 v51, v50;
	v49 =	vadd.f32 v53, v52;
	v50 =	vld [tilespmem:$0xFDB0]  }
0x246: {  	v51 =	vld [tilespmem:$0xFDD0];
	v54 =	vadd.f32 v54, v37;
	v55 =	vadd.f32 v55, v39  }
0x247: {  	v56 =	vadd.f32 v56, v41;
	v57 =	vadd.f32 v57, v43  }
0x248: {  	v21 =	vadd.f32 v22, v21;
	v22 =	vadd.f32 v59, v58  }
0x249: {  	v52 =	vadd.f32 v62, v61;
	v53 =	vadd.f32 v49, v48  }
0x24a: {  	v58 =	vadd.f32 v46, v45;
	v23 =	vadd.f32 v23, v47  }
0x24b: {  	v26 =	vadd.f32 v63, v60;
	v24 =	vadd.f32 v51, v50  }
0x24c: {  	v28 =	vadd.f32 v55, v54;
	v59 =	vadd.f32 v57, v56  }
0x24d: {  	v23 =	vadd.f32 v23, v58;
	v24 =	vadd.f32 v24, v26  }
0x24e: {  	v21 =	vadd.f32 v22, v21;
	v22 =	vadd.f32 v53, v52  }
0x24f: {  	v60 =	vadd.f32 v59, v28;
	v23 =	vadd.f32 v24, v23  }
0x250: {  	s28 =	sshll.u32 s14, $0x6;
	v21 =	vadd.f32 v22, v21  }
0x251: {  	s23 =	sand.u32 $0x3FFFFFC0, s28;
	v22 =	vadd.f32 v23, v60  }
0x252: {  	[tilespmem:s23+$0xFFE0] =	vst v21  }
0x253: {  	[tilespmem:s23+$0xFFF0] =	vst v22  }
0x254: {  	v21 =	vld [tilespmem:$0xFDE0]  }
0x255: {  	v22 =	vld [tilespmem:$0xFE00]  }
0x256: {  	v23 =	vld [tilespmem:$0xFE20]  }
0x257: {  	v24 =	vld [tilespmem:$0xFE40]  }
0x258: {  	v61 =	vld [tilespmem:$0xFE60]  }
0x259: {  	v62 =	vld [tilespmem:$0xFE80]  }
0x25a: {  	v63 =	vld [tilespmem:$0xFEA0]  }
0x25b: {  	v48 =	vld [tilespmem:$0xFEC0]  }
0x25c: {  	v49 =	vld [tilespmem:$0xFEE0]  }
0x25d: {  	v50 =	vld [tilespmem:$0xFF00]  }
0x25e: {  	v51 =	vld [tilespmem:$0xFF20]  }
0x25f: {  	v52 =	vld [tilespmem:$0xFF40]  }
0x260: {  	v53 =	vld [tilespmem:$0xFF60]  }
0x261: {  	v54 =	vld [tilespmem:$0xFF80]  }
0x262: {  	v55 =	vld [tilespmem:$0xFFA0]  }
0x263: {  	v56 =	vld [tilespmem:$0xFFC0]  }
0x264: {  	v37 =	vld [tilespmem:$0xFDF0]  }
0x265: {  	v57 =	vld [tilespmem:$0xFE10]  }
0x266: {  	v39 =	vld [tilespmem:$0xFE30]  }
0x267: {  	v58 =	vld [tilespmem:$0xFE50]  }
0x268: {  	v41 =	vld [tilespmem:$0xFE70]  }
0x269: {  	v59 =	vld [tilespmem:$0xFE90]  }
0x26a: {  	v43 =	vld [tilespmem:$0xFEB0]  }
0x26b: {  	v60 =	vld [tilespmem:$0xFED0]  }
0x26c: {  	v45 =	vld [tilespmem:$0xFEF0]  }
0x26d: {  	v46 =	vld [tilespmem:$0xFF10]  }
0x26e: {  	v47 =	vld [tilespmem:$0xFF30]  }
0x26f: {  	v21 =	vadd.f32 v22, v21;
	v22 =	vadd.f32 v24, v23;
	v23 =	vld [tilespmem:$0xFF50]  }
0x270: {  	v61 =	vadd.f32 v62, v61;
	v62 =	vadd.f32 v48, v63;
	v63 =	vld [tilespmem:$0xFF70]  }
0x271: {  	v48 =	vadd.f32 v50, v49;
	v49 =	vadd.f32 v52, v51;
	v50 =	vld [tilespmem:$0xFF90]  }
0x272: {  	v51 =	vadd.f32 v54, v53;
	v52 =	vadd.f32 v56, v55;
	v53 =	vld [tilespmem:$0xFFB0]  }
0x273: {  	v54 =	vld [tilespmem:$0xFFD0];
	v57 =	vadd.f32 v57, v37;
	v58 =	vadd.f32 v58, v39  }
0x274: {  	v59 =	vadd.f32 v59, v41;
	v60 =	vadd.f32 v60, v43  }
0x275: {  	v21 =	vadd.f32 v22, v21;
	v22 =	vadd.f32 v62, v61  }
0x276: {  	v55 =	vadd.f32 v49, v48;
	v56 =	vadd.f32 v52, v51  }
0x277: {  	v61 =	vadd.f32 v46, v45;
	v23 =	vadd.f32 v23, v47  }
0x278: {  	v26 =	vadd.f32 v50, v63;
	v24 =	vadd.f32 v54, v53  }
0x279: {  	v28 =	vadd.f32 v58, v57;
	v62 =	vadd.f32 v60, v59  }
0x27a: {  	v23 =	vadd.f32 v23, v61;
	v24 =	vadd.f32 v24, v26  }
0x27b: {  	p1 =	sne.s32 s14, $0x7;
	v21 =	vadd.f32 v22, v21;
	v22 =	vadd.f32 v56, v55  }
.Ltmp0:
0x27c: {  	v63 =	vadd.f32 v62, v28;
	v23 =	vadd.f32 v24, v23;
	(pc) =	sbr.rel @p1 .LBB2_3-.Ltmp0, $4  }
0x27d: {  	s5 =	sshll.u32 s5, $0x5;
	v21 =	vadd.f32 v22, v21  }
0x27e: {  	s5 =	sand.u32 $0x3FFFFFE0, s5;
	v22 =	vadd.f32 v23, v63  }
0x27f: {  	[tilespmem:s5+$0xFFE0] =	vst v21  }
0x280: {  	s14 =	sadd.s32 $0x1, s14;
	[tilespmem:s5+$0xFFF0] =	vst v22  }
0x281: {  	s5 =	sshll.u32 s15, $0x7  }
0x282: {  	s5 =	sadd.s32 s5, s17  }
0x283: {  	[hbm4b:s5+s6] =	stream.linear.scatter [tilespmem:s11], [sflag:$0x5], $0x200, $0x38;
	[tilespmem:$0x101E0] =	vst v63  }
0x284: {  	_ =	swait.ge [sflag:s12], $0x200  }
0x285: {  	[sflag:s12] =	ssyncset.done $0x0  }
0x286: {  	[sflag:s12] =	ssyncadd.s32 $0xFFFFFE00  }
0x287: {  	_ =	swait.ge [sflag:s13], $0x2800  }
0x288: {  	[sflag:s13] =	ssyncset.done $0x0  }
0x289: {  	[sflag:s13] =	ssyncadd.s32 $0xFFFFD800  }
0x28a: {  	_ =	swait.ge [sflag:s13], $0x400  }
0x28b: {  	[sflag:s13] =	ssyncset.done $0x0  }
0x28c: {  	[sflag:s13] =	ssyncadd.s32 $0xFFFFFC00  }
0x28d: {  	_ =	swait.ge [sflag:s13], $0x5000  }
0x28e: {  	[sflag:s13] =	ssyncset.done $0x0  }
0x28f: {  	s5 =	simm.s32 @!p0 $0x3;
	[sflag:s13] =	ssyncadd.s32 $0xFFFFB000  }
0x290: {  	_ =	swait.ge @!p0 [sflag:s5], $0xA0  }
0x291: {  	[sflag:s5] =	ssyncset.done @!p0 $0x0  }
0x292: {  	[sflag:s5] =	ssyncadd.s32 @!p0 $0xFFFFFF60  }
0x293: {  	_ =	swait.ge @!p0 [sflag:s5], $0x10  }
0x294: {  	[sflag:s5] =	ssyncset.done @!p0 $0x0  }
0x295: {  	[sflag:s5] =	ssyncadd.s32 @!p0 $0xFFFFFFF0  }
0x296: {  	_ =	swait.ge @!p0 [sflag:s5], $0x140  }
0x297: {  	s14 =	simm.s32 @!p0 $0x0;
	s23 =	simm.s32 @!p0 $0x1F0;
	[sflag:s5] =	ssyncset.done @!p0 $0x0  }
0x298: {  	s22 =	sadd.s32 @!p0 s22, s18;
	[sflag:s5] =	ssyncadd.s32 @!p0 $0xFFFFFEC0;
	s5 =	simm.s32 @!p0 $0xA0  }
0x299: {  	[tilespmem:s23], [sflag:$0x1] =	stream.indirect.gather @!p0 [hbm4b:s7+s5], $0x40, s14, s5, $0xb8;
	[tilespmem:$0x101E0] =	vst v63  }
0x29a: {  	s25 =	simm.s32 @!p0 $0x29F0;
	s28 =	smul.u32 @!p0 $0xA, s22;
	s23 =	simm.s32 @!p0 $0x10  }
0x29b: {  	[tilespmem:s25], [sflag:$0x1] =	stream.indirect.gather @!p0 [hbm4b:s9+s23], $0x40, s5, s23, $0xb8;
	[tilespmem:$0x101E0] =	vst v63  }
0x29c: {  	s5 =	simm.s32 @!p0 $0x140;
	s23 =	simm.s32 @!p0 $0xB0;
	s25 =	simm.s32 @!p0 $0x2DF0  }
0x29d: {  	[tilespmem:s25], [sflag:$0x1] =	stream.indirect.gather @!p0 [hbm4b:s9+s5], $0x40, s23, s5, $0xb8;
	[tilespmem:$0x101E0] =	vst v63  }
0x29e: {  	s5 =	sshrl.u32 @!p0 s28, $0x3  }
0x29f: {  	s23 =	simm.s32 @!p0 $0x7DF0;
	s5 =	sadd.s32 @!p0 s1, s5  }
0x2a0: {  	[tilespmem:s23], [sflag:$0x4] =	stream.linear.gather @!p0 [hbm4b:s5+s14], $0xA0, $0x38;
	[tilespmem:$0x101E0] =	vst v63  }
0x2a1: {  	s5 =	sshrl.u32 @!p0 s22, $0x3  }
0x2a2: {  	s22 =	smul.u32 @!p0 $0x14, s22;
	s23 =	simm.s32 @!p0 $0x7E90;
	s5 =	sadd.s32 @!p0 s2, s5  }
0x2a3: {  	[tilespmem:s23], [sflag:$0x4] =	stream.linear.gather @!p0 [hbm4b:s5+s14], $0x10, $0x38;
	[tilespmem:$0x101E0] =	vst v63  }
0x2a4: {  	s5 =	sshrl.u32 @!p0 s22, $0x3  }
0x2a5: {  	s22 =	simm.s32 @!p0 $0x7EA0;
	s5 =	sadd.s32 @!p0 s3, s5  }
0x2a6: {  	[tilespmem:s22], [sflag:$0x4] =	stream.linear.gather @!p0 [hbm4b:s5+s14], $0x140, $0x38;
	[tilespmem:$0x101E0] =	vst v63  }
0x2a7: {  	s14 =	simm.s32 $0x0  }
.LBB2_5:
0x2a8: {  	s5 =	smul.u32 $0x1400, s14;
	_ =	sdelay $0x1  }
0x2a9: {  	s5 =	sshra.s32 s5, $0x2  }
0x2aa: {  	v21 =	vld [tilespmem:s5+$0x7FE0]  }
0x2ab: {  	v22 =	vld [tilespmem:s5+$0x8020]  }
0x2ac: {  	v23 =	vld [tilespmem:s5+$0x8060]  }
0x2ad: {  	v24 =	vld [tilespmem:s5+$0x80A0]  }
0x2ae: {  	v25 =	vld [tilespmem:s5+$0x80E0]  }
0x2af: {  	v26 =	vld [tilespmem:s5+$0x8120]  }
0x2b0: {  	v27 =	vld [tilespmem:s5+$0x8160]  }
0x2b1: {  	v28 =	vld [tilespmem:s5+$0x81A0]  }
0x2b2: {  	v29 =	vld [tilespmem:s5+$0x81E0]  }
0x2b3: {  	v30 =	vld [tilespmem:s5+$0x8220]  }
0x2b4: {  	v31 =	vld [tilespmem:s5+$0x7FF0]  }
0x2b5: {  	v32 =	vld [tilespmem:s5+$0x8030]  }
0x2b6: {  	v33 =	vld [tilespmem:s5+$0x8070]  }
0x2b7: {  	v34 =	vld [tilespmem:s5+$0x80B0]  }
0x2b8: {  	v35 =	vld [tilespmem:s5+$0x80F0]  }
0x2b9: {  	v36 =	vld [tilespmem:s5+$0x8130]  }
0x2ba: {  	v37 =	vld [tilespmem:s5+$0x8170]  }
0x2bb: {  	v38 =	vld [tilespmem:s5+$0x81B0]  }
0x2bc: {  	v39 =	vld [tilespmem:s5+$0x81F0]  }
0x2bd: {  	v40 =	vld [tilespmem:s5+$0x8230]  }
0x2be: {  	v41 =	vld [tilespmem:s5+$0x8000]  }
0x2bf: {  	v42 =	vld [tilespmem:s5+$0x8040]  }
0x2c0: {  	v43 =	vld [tilespmem:s5+$0x8080]  }
0x2c1: {  	v44 =	vld [tilespmem:s5+$0x80C0]  }
0x2c2: {  	v45 =	vld [tilespmem:s5+$0x8100]  }
0x2c3: {  	v46 =	vld [tilespmem:s5+$0x8140]  }
0x2c4: {  	v47 =	vld [tilespmem:s5+$0x8180]  }
0x2c5: {  	v48 =	vld [tilespmem:s5+$0x81C0]  }
0x2c6: {  	v49 =	vld [tilespmem:s5+$0x8010]  }
0x2c7: {  	v54 =	vld [tilespmem:s5+$0x80D0];
	v21 =	vadd.f32 v22, v21;
	v22 =	vadd.f32 v24, v23  }
0x2c8: {  	v57 =	vld [tilespmem:s5+$0x8110];
	v50 =	vadd.f32 v26, v25;
	v51 =	vadd.f32 v28, v27  }
0x2c9: {  	v58 =	vld [tilespmem:s5+$0x8150];
	v52 =	vadd.f32 v32, v31;
	v53 =	vadd.f32 v34, v33  }
0x2ca: {  	v61 =	vld [tilespmem:s5+$0x8190];
	v55 =	vadd.f32 v36, v35;
	v56 =	vadd.f32 v38, v37  }
0x2cb: {  	v23 =	vld [tilespmem:s5+$0x8050];
	v21 =	vadd.f32 v22, v21;
	v22 =	vadd.f32 v51, v50  }
0x2cc: {  	v26 =	vld [tilespmem:s5+$0x8090];
	v29 =	vadd.f32 v30, v29;
	v30 =	vadd.f32 v40, v39  }
0x2cd: {  	v42 =	vadd.f32 v42, v41;
	v21 =	vadd.f32 v22, v21;
	v22 =	vld [tilespmem:s5+$0x81D0]  }
0x2ce: {  	v62 =	vld [tilespmem:s5+$0x8200];
	v44 =	vadd.f32 v44, v43;
	v24 =	vadd.f32 v58, v57  }
0x2cf: {  	v63 =	vld [tilespmem:s5+$0x8240];
	v59 =	vadd.f32 v53, v52;
	v60 =	vadd.f32 v56, v55  }
0x2d0: {  	s22 =	sshll.u32 s14, $0x7;
	v50 =	vadd.f32 v46, v45;
	v51 =	vadd.f32 v48, v47;
	v52 =	vld [tilespmem:s5+$0x8210]  }
0x2d1: {  	s23 =	sand.u32 $0x3FFFFF80, s22;
	v53 =	vld [tilespmem:s5+$0x8250];
	v55 =	vadd.f32 v44, v42;
	v23 =	vadd.f32 v23, v49  }
0x2d2: {  	v57 =	vld [tilespmem:s23+$0xA7F0];
	v26 =	vadd.f32 v54, v26;
	v22 =	vadd.f32 v22, v61  }
0x2d3: {  	v58 =	vld [tilespmem:s23+$0xA800];
	v25 =	vadd.f32 v60, v59;
	v56 =	vadd.f32 v51, v50  }
0x2d4: {  	v54 =	vld [tilespmem:s23+$0xA7E0];
	v23 =	vadd.f32 v26, v23;
	v22 =	vadd.f32 v22, v24  }
0x2d5: {  	v59 =	vadd.f32 v63, v62;
	v60 =	vadd.f32 v56, v55;
	v61 =	vld [tilespmem:s23+$0xA810]  }
0x2d6: {  	v62 =	vadd.f32 v53, v52;
	v63 =	vadd.f32 v22, v23  }
0x2d7: {  	v21 =	vadd.f32 v29, v21;
	v22 =	vadd.f32 v30, v25  }
0x2d8: {  	v23 =	vadd.f32 v59, v60;
	v24 =	vadd.f32 v62, v63  }
0x2d9: {  	v35 =	vmul.f32 v54, v21;
	v36 =	vmul.f32 v57, v22  }
0x2da: {  	v26 =	vmul.f32 v58, v23;
	v37 =	vmul.f32 v61, v24;
	_ =	sdelay $0x1  }
0x2db: {  	v25 =	vadd.f32 v36, v35;
	v26 =	vadd.f32 v37, v26;
	_ =	sdelay $0x1  }
0x2dc: {  	s25 =	smul.u32 $0x2800, s14;
	v25 =	vadd.f32 v26, v25;
	_ =	sdelay $0x1  }
0x2dd: {  	s5 =	sshra.s32 s25, $0x2;
	[tilespmem:v0+s21+$0x0] =	vst.idx.msk $0xffff, v25  }
0x2de: {  	v25 =	vld [tilespmem:s5+$0xABE0]  }
0x2df: {  	v38 =	vld [tilespmem:s5+$0xABF0]  }
0x2e0: {  	v39 =	vld [tilespmem:s5+$0xAC00]  }
0x2e1: {  	v40 =	vld [tilespmem:s5+$0xAC10];
	_ =	sdelay $0x3  }
0x2e2: {  	v25 =	vmul.f32 v25, v21;
	v26 =	vmul.f32 v38, v22  }
0x2e3: {  	v27 =	vmul.f32 v39, v23;
	v28 =	vmul.f32 v40, v24;
	_ =	sdelay $0x1  }
0x2e4: {  	v25 =	vadd.f32 v26, v25;
	v41 =	vadd.f32 v28, v27;
	_ =	sdelay $0x1  }
0x2e5: {  	v25 =	vadd.f32 v41, v25;
	_ =	sdelay $0x1  }
0x2e6: {  	[tilespmem:v1+s21+$0x0] =	vst.idx.msk $0xffff, v25  }
0x2e7: {  	v25 =	vld [tilespmem:s5+$0xAC20]  }
0x2e8: {  	v42 =	vld [tilespmem:s5+$0xAC30]  }
0x2e9: {  	v43 =	vld [tilespmem:s5+$0xAC40]  }
0x2ea: {  	v44 =	vld [tilespmem:s5+$0xAC50];
	_ =	sdelay $0x3  }
0x2eb: {  	v25 =	vmul.f32 v25, v21;
	v26 =	vmul.f32 v42, v22  }
0x2ec: {  	v27 =	vmul.f32 v43, v23;
	v28 =	vmul.f32 v44, v24;
	_ =	sdelay $0x1  }
0x2ed: {  	v25 =	vadd.f32 v26, v25;
	v45 =	vadd.f32 v28, v27;
	_ =	sdelay $0x1  }
0x2ee: {  	v25 =	vadd.f32 v45, v25;
	_ =	sdelay $0x1  }
0x2ef: {  	[tilespmem:v2+s21+$0x0] =	vst.idx.msk $0xffff, v25  }
0x2f0: {  	v25 =	vld [tilespmem:s5+$0xAC60]  }
0x2f1: {  	v46 =	vld [tilespmem:s5+$0xAC70]  }
0x2f2: {  	v47 =	vld [tilespmem:s5+$0xAC80]  }
0x2f3: {  	v48 =	vld [tilespmem:s5+$0xAC90];
	_ =	sdelay $0x3  }
0x2f4: {  	v25 =	vmul.f32 v25, v21;
	v26 =	vmul.f32 v46, v22  }
0x2f5: {  	v27 =	vmul.f32 v47, v23;
	v28 =	vmul.f32 v48, v24;
	_ =	sdelay $0x1  }
0x2f6: {  	v25 =	vadd.f32 v26, v25;
	v49 =	vadd.f32 v28, v27;
	_ =	sdelay $0x1  }
0x2f7: {  	v25 =	vadd.f32 v49, v25;
	_ =	sdelay $0x1  }
0x2f8: {  	[tilespmem:v3+s21+$0x0] =	vst.idx.msk $0xffff, v25  }
0x2f9: {  	v25 =	vld [tilespmem:s5+$0xACA0]  }
0x2fa: {  	v50 =	vld [tilespmem:s5+$0xACB0]  }
0x2fb: {  	v51 =	vld [tilespmem:s5+$0xACC0]  }
0x2fc: {  	v52 =	vld [tilespmem:s5+$0xACD0];
	_ =	sdelay $0x3  }
0x2fd: {  	v25 =	vmul.f32 v25, v21;
	v26 =	vmul.f32 v50, v22  }
0x2fe: {  	v27 =	vmul.f32 v51, v23;
	v28 =	vmul.f32 v52, v24;
	_ =	sdelay $0x1  }
0x2ff: {  	v25 =	vadd.f32 v26, v25;
	v53 =	vadd.f32 v28, v27;
	_ =	sdelay $0x1  }
0x300: {  	v25 =	vadd.f32 v53, v25;
	_ =	sdelay $0x1  }
0x301: {  	[tilespmem:v4+s21+$0x0] =	vst.idx.msk $0xffff, v25  }
0x302: {  	v25 =	vld [tilespmem:s5+$0xACE0]  }
0x303: {  	v54 =	vld [tilespmem:s5+$0xACF0]  }
0x304: {  	v55 =	vld [tilespmem:s5+$0xAD00]  }
0x305: {  	v56 =	vld [tilespmem:s5+$0xAD10];
	_ =	sdelay $0x3  }
0x306: {  	v25 =	vmul.f32 v25, v21;
	v26 =	vmul.f32 v54, v22  }
0x307: {  	v27 =	vmul.f32 v55, v23;
	v28 =	vmul.f32 v56, v24;
	_ =	sdelay $0x1  }
0x308: {  	v25 =	vadd.f32 v26, v25;
	v57 =	vadd.f32 v28, v27;
	_ =	sdelay $0x1  }
0x309: {  	v25 =	vadd.f32 v57, v25;
	_ =	sdelay $0x1  }
0x30a: {  	[tilespmem:v5+s21+$0x0] =	vst.idx.msk $0xffff, v25  }
0x30b: {  	v25 =	vld [tilespmem:s5+$0xAD20]  }
0x30c: {  	v58 =	vld [tilespmem:s5+$0xAD30]  }
0x30d: {  	v59 =	vld [tilespmem:s5+$0xAD40]  }
0x30e: {  	v60 =	vld [tilespmem:s5+$0xAD50];
	_ =	sdelay $0x3  }
0x30f: {  	v25 =	vmul.f32 v25, v21;
	v26 =	vmul.f32 v58, v22  }
0x310: {  	v27 =	vmul.f32 v59, v23;
	v28 =	vmul.f32 v60, v24;
	_ =	sdelay $0x1  }
0x311: {  	v25 =	vadd.f32 v26, v25;
	v61 =	vadd.f32 v28, v27;
	_ =	sdelay $0x1  }
0x312: {  	v25 =	vadd.f32 v61, v25;
	_ =	sdelay $0x1  }
0x313: {  	[tilespmem:v6+s21+$0x0] =	vst.idx.msk $0xffff, v25  }
0x314: {  	v25 =	vld [tilespmem:s5+$0xAD60]  }
0x315: {  	v62 =	vld [tilespmem:s5+$0xAD70]  }
0x316: {  	v63 =	vld [tilespmem:s5+$0xAD80]  }
0x317: {  	v32 =	vld [tilespmem:s5+$0xAD90];
	_ =	sdelay $0x3  }
0x318: {  	v25 =	vmul.f32 v25, v21;
	v26 =	vmul.f32 v62, v22  }
0x319: {  	v27 =	vmul.f32 v63, v23;
	v28 =	vmul.f32 v32, v24;
	_ =	sdelay $0x1  }
0x31a: {  	v25 =	vadd.f32 v26, v25;
	v33 =	vadd.f32 v28, v27;
	_ =	sdelay $0x1  }
0x31b: {  	v25 =	vadd.f32 v33, v25;
	_ =	sdelay $0x1  }
0x31c: {  	[tilespmem:v7+s21+$0x0] =	vst.idx.msk $0xffff, v25  }
0x31d: {  	v25 =	vld [tilespmem:s5+$0xADA0]  }
0x31e: {  	v34 =	vld [tilespmem:s5+$0xADB0]  }
0x31f: {  	v35 =	vld [tilespmem:s5+$0xADC0]  }
0x320: {  	v36 =	vld [tilespmem:s5+$0xADD0];
	_ =	sdelay $0x3  }
0x321: {  	v25 =	vmul.f32 v25, v21;
	v26 =	vmul.f32 v34, v22  }
0x322: {  	v27 =	vmul.f32 v35, v23;
	v28 =	vmul.f32 v36, v24;
	_ =	sdelay $0x1  }
0x323: {  	v25 =	vadd.f32 v26, v25;
	v37 =	vadd.f32 v28, v27;
	_ =	sdelay $0x1  }
0x324: {  	v25 =	vadd.f32 v37, v25;
	_ =	sdelay $0x1  }
0x325: {  	[tilespmem:v8+s21+$0x0] =	vst.idx.msk $0xffff, v25  }
0x326: {  	v25 =	vld [tilespmem:s5+$0xADE0]  }
0x327: {  	v38 =	vld [tilespmem:s5+$0xADF0]  }
0x328: {  	v39 =	vld [tilespmem:s5+$0xAE00]  }
0x329: {  	v40 =	vld [tilespmem:s5+$0xAE10];
	_ =	sdelay $0x3  }
0x32a: {  	v25 =	vmul.f32 v25, v21;
	v26 =	vmul.f32 v38, v22  }
0x32b: {  	v27 =	vmul.f32 v39, v23;
	v28 =	vmul.f32 v40, v24;
	_ =	sdelay $0x1  }
0x32c: {  	v25 =	vadd.f32 v26, v25;
	v41 =	vadd.f32 v28, v27;
	_ =	sdelay $0x1  }
0x32d: {  	v25 =	vadd.f32 v41, v25;
	_ =	sdelay $0x1  }
0x32e: {  	[tilespmem:v9+s21+$0x0] =	vst.idx.msk $0xffff, v25  }
0x32f: {  	v25 =	vld [tilespmem:s5+$0xAE20]  }
0x330: {  	v42 =	vld [tilespmem:s5+$0xAE30]  }
0x331: {  	v43 =	vld [tilespmem:s5+$0xAE40]  }
0x332: {  	v44 =	vld [tilespmem:s5+$0xAE50];
	_ =	sdelay $0x3  }
0x333: {  	v25 =	vmul.f32 v25, v21;
	v26 =	vmul.f32 v42, v22  }
0x334: {  	v27 =	vmul.f32 v43, v23;
	v28 =	vmul.f32 v44, v24;
	_ =	sdelay $0x1  }
0x335: {  	v25 =	vadd.f32 v26, v25;
	v45 =	vadd.f32 v28, v27;
	_ =	sdelay $0x1  }
0x336: {  	v25 =	vadd.f32 v45, v25;
	_ =	sdelay $0x1  }
0x337: {  	[tilespmem:v10+s21+$0x0] =	vst.idx.msk $0xffff, v25  }
0x338: {  	v25 =	vld [tilespmem:s5+$0xAE60]  }
0x339: {  	v46 =	vld [tilespmem:s5+$0xAE70]  }
0x33a: {  	v47 =	vld [tilespmem:s5+$0xAE80]  }
0x33b: {  	v48 =	vld [tilespmem:s5+$0xAE90];
	_ =	sdelay $0x3  }
0x33c: {  	v25 =	vmul.f32 v25, v21;
	v26 =	vmul.f32 v46, v22  }
0x33d: {  	v27 =	vmul.f32 v47, v23;
	v28 =	vmul.f32 v48, v24;
	_ =	sdelay $0x1  }
0x33e: {  	v25 =	vadd.f32 v26, v25;
	v49 =	vadd.f32 v28, v27;
	_ =	sdelay $0x1  }
0x33f: {  	v25 =	vadd.f32 v49, v25;
	_ =	sdelay $0x1  }
0x340: {  	[tilespmem:v11+s21+$0x0] =	vst.idx.msk $0xffff, v25  }
0x341: {  	v25 =	vld [tilespmem:s5+$0xAEA0]  }
0x342: {  	v50 =	vld [tilespmem:s5+$0xAEB0]  }
0x343: {  	v51 =	vld [tilespmem:s5+$0xAEC0]  }
0x344: {  	v52 =	vld [tilespmem:s5+$0xAED0];
	_ =	sdelay $0x3  }
0x345: {  	v25 =	vmul.f32 v25, v21;
	v26 =	vmul.f32 v50, v22  }
0x346: {  	v27 =	vmul.f32 v51, v23;
	v28 =	vmul.f32 v52, v24;
	_ =	sdelay $0x1  }
0x347: {  	v25 =	vadd.f32 v26, v25;
	v53 =	vadd.f32 v28, v27;
	_ =	sdelay $0x1  }
0x348: {  	v25 =	vadd.f32 v53, v25;
	_ =	sdelay $0x1  }
0x349: {  	[tilespmem:v12+s21+$0x0] =	vst.idx.msk $0xffff, v25  }
0x34a: {  	v25 =	vld [tilespmem:s5+$0xAEE0]  }
0x34b: {  	v54 =	vld [tilespmem:s5+$0xAEF0]  }
0x34c: {  	v55 =	vld [tilespmem:s5+$0xAF00]  }
0x34d: {  	v56 =	vld [tilespmem:s5+$0xAF10];
	_ =	sdelay $0x3  }
0x34e: {  	v25 =	vmul.f32 v25, v21;
	v26 =	vmul.f32 v54, v22  }
0x34f: {  	v27 =	vmul.f32 v55, v23;
	v28 =	vmul.f32 v56, v24;
	_ =	sdelay $0x1  }
0x350: {  	v25 =	vadd.f32 v26, v25;
	v57 =	vadd.f32 v28, v27;
	_ =	sdelay $0x1  }
0x351: {  	v25 =	vadd.f32 v57, v25;
	_ =	sdelay $0x1  }
0x352: {  	[tilespmem:v13+s21+$0x0] =	vst.idx.msk $0xffff, v25  }
0x353: {  	v25 =	vld [tilespmem:s5+$0xAF20]  }
0x354: {  	v58 =	vld [tilespmem:s5+$0xAF30]  }
0x355: {  	v59 =	vld [tilespmem:s5+$0xAF40]  }
0x356: {  	v60 =	vld [tilespmem:s5+$0xAF50];
	_ =	sdelay $0x3  }
0x357: {  	v25 =	vmul.f32 v25, v21;
	v26 =	vmul.f32 v58, v22  }
0x358: {  	v27 =	vmul.f32 v59, v23;
	v28 =	vmul.f32 v60, v24;
	_ =	sdelay $0x1  }
0x359: {  	v25 =	vadd.f32 v26, v25;
	v61 =	vadd.f32 v28, v27;
	_ =	sdelay $0x1  }
0x35a: {  	v25 =	vadd.f32 v61, v25;
	_ =	sdelay $0x1  }
0x35b: {  	[tilespmem:v14+s21+$0x0] =	vst.idx.msk $0xffff, v25  }
0x35c: {  	v25 =	vld [tilespmem:s5+$0xAF60]  }
0x35d: {  	v62 =	vld [tilespmem:s5+$0xAF70]  }
0x35e: {  	v63 =	vld [tilespmem:s5+$0xAF80]  }
0x35f: {  	v32 =	vld [tilespmem:s5+$0xAF90];
	_ =	sdelay $0x3  }
0x360: {  	v25 =	vmul.f32 v25, v21;
	v26 =	vmul.f32 v62, v22  }
0x361: {  	v27 =	vmul.f32 v63, v23;
	v28 =	vmul.f32 v32, v24;
	_ =	sdelay $0x1  }
0x362: {  	v25 =	vadd.f32 v26, v25;
	v33 =	vadd.f32 v28, v27;
	_ =	sdelay $0x1  }
0x363: {  	v25 =	vadd.f32 v33, v25;
	_ =	sdelay $0x1  }
0x364: {  	[tilespmem:v15+s21+$0x0] =	vst.idx.msk $0xffff, v25  }
0x365: {  	v25 =	vld [tilespmem:s5+$0xAFA0]  }
0x366: {  	v34 =	vld [tilespmem:s5+$0xAFB0]  }
0x367: {  	v35 =	vld [tilespmem:s5+$0xAFC0]  }
0x368: {  	v36 =	vld [tilespmem:s5+$0xAFD0];
	_ =	sdelay $0x3  }
0x369: {  	v25 =	vmul.f32 v25, v21;
	v26 =	vmul.f32 v34, v22  }
0x36a: {  	v27 =	vmul.f32 v35, v23;
	v28 =	vmul.f32 v36, v24;
	_ =	sdelay $0x1  }
0x36b: {  	v25 =	vadd.f32 v26, v25;
	v37 =	vadd.f32 v28, v27;
	_ =	sdelay $0x1  }
0x36c: {  	v25 =	vadd.f32 v37, v25;
	_ =	sdelay $0x1  }
0x36d: {  	[tilespmem:v16+s21+$0x0] =	vst.idx.msk $0xffff, v25  }
0x36e: {  	v25 =	vld [tilespmem:s5+$0xAFE0]  }
0x36f: {  	v38 =	vld [tilespmem:s5+$0xAFF0]  }
0x370: {  	v39 =	vld [tilespmem:s5+$0xB000]  }
0x371: {  	v40 =	vld [tilespmem:s5+$0xB010];
	_ =	sdelay $0x3  }
0x372: {  	v25 =	vmul.f32 v25, v21;
	v26 =	vmul.f32 v38, v22  }
0x373: {  	v27 =	vmul.f32 v39, v23;
	v28 =	vmul.f32 v40, v24;
	_ =	sdelay $0x1  }
0x374: {  	v25 =	vadd.f32 v26, v25;
	v41 =	vadd.f32 v28, v27;
	_ =	sdelay $0x1  }
0x375: {  	v25 =	vadd.f32 v41, v25;
	_ =	sdelay $0x1  }
0x376: {  	[tilespmem:v17+s21+$0x0] =	vst.idx.msk $0xffff, v25  }
0x377: {  	v25 =	vld [tilespmem:s5+$0xB020]  }
0x378: {  	v42 =	vld [tilespmem:s5+$0xB030]  }
0x379: {  	v43 =	vld [tilespmem:s5+$0xB040]  }
0x37a: {  	v44 =	vld [tilespmem:s5+$0xB050];
	_ =	sdelay $0x3  }
0x37b: {  	v25 =	vmul.f32 v25, v21;
	v26 =	vmul.f32 v42, v22  }
0x37c: {  	v27 =	vmul.f32 v43, v23;
	v28 =	vmul.f32 v44, v24;
	_ =	sdelay $0x1  }
0x37d: {  	v25 =	vadd.f32 v26, v25;
	v45 =	vadd.f32 v28, v27;
	_ =	sdelay $0x1  }
0x37e: {  	v25 =	vadd.f32 v45, v25;
	_ =	sdelay $0x1  }
0x37f: {  	[tilespmem:v18+s21+$0x0] =	vst.idx.msk $0xffff, v25  }
0x380: {  	v25 =	vld [tilespmem:s5+$0xB060]  }
0x381: {  	v46 =	vld [tilespmem:s5+$0xB070]  }
0x382: {  	v47 =	vld [tilespmem:s5+$0xB080]  }
0x383: {  	v48 =	vld [tilespmem:s5+$0xB090];
	_ =	sdelay $0x3  }
0x384: {  	v25 =	vmul.f32 v25, v21;
	v26 =	vmul.f32 v46, v22  }
0x385: {  	v27 =	vmul.f32 v47, v23;
	v28 =	vmul.f32 v48, v24;
	_ =	sdelay $0x1  }
0x386: {  	v25 =	vadd.f32 v26, v25;
	v49 =	vadd.f32 v28, v27;
	_ =	sdelay $0x1  }
0x387: {  	v25 =	vadd.f32 v49, v25;
	_ =	sdelay $0x1  }
0x388: {  	[tilespmem:v19+s21+$0x0] =	vst.idx.msk $0xffff, v25  }
0x389: {  	v25 =	vld [tilespmem:s5+$0xB0A0]  }
0x38a: {  	v50 =	vld [tilespmem:s5+$0xB0B0]  }
0x38b: {  	v51 =	vld [tilespmem:s5+$0xB0C0]  }
0x38c: {  	v52 =	vld [tilespmem:s5+$0xB0D0];
	_ =	sdelay $0x3  }
0x38d: {  	v21 =	vmul.f32 v25, v21;
	v22 =	vmul.f32 v50, v22  }
0x38e: {  	v23 =	vmul.f32 v51, v23;
	v24 =	vmul.f32 v52, v24;
	_ =	sdelay $0x1  }
0x38f: {  	v21 =	vadd.f32 v22, v21;
	v22 =	vadd.f32 v24, v23  }
0x390: {  	s5 =	sshllo.u32 s14, $0x1  }
0x391: {  	s28 =	smul.u32 $0xA00, s5;
	v21 =	vadd.f32 v22, v21;
	_ =	sdelay $0x1  }
0x392: {  	s22 =	sshra.s32 s28, $0x2;
	[tilespmem:v20+s21+$0x0] =	vst.idx.msk $0xffff, v21  }
0x393: {  	v21 =	vld [tilespmem:s22+$0x7FE0]  }
0x394: {  	v22 =	vld [tilespmem:s22+$0x8020]  }
0x395: {  	v23 =	vld [tilespmem:s22+$0x8060]  }
0x396: {  	v24 =	vld [tilespmem:s22+$0x80A0]  }
0x397: {  	v25 =	vld [tilespmem:s22+$0x80E0]  }
0x398: {  	v53 =	vld [tilespmem:s22+$0x8120]  }
0x399: {  	v54 =	vld [tilespmem:s22+$0x8160]  }
0x39a: {  	v55 =	vld [tilespmem:s22+$0x81A0]  }
0x39b: {  	v29 =	vld [tilespmem:s22+$0x81E0]  }
0x39c: {  	v30 =	vld [tilespmem:s22+$0x8220]  }
0x39d: {  	v56 =	vld [tilespmem:s22+$0x7FF0]  }
0x39e: {  	v57 =	vld [tilespmem:s22+$0x8030]  }
0x39f: {  	v58 =	vld [tilespmem:s22+$0x8070]  }
0x3a0: {  	v59 =	vld [tilespmem:s22+$0x80B0]  }
0x3a1: {  	v60 =	vld [tilespmem:s22+$0x80F0]  }
0x3a2: {  	v61 =	vld [tilespmem:s22+$0x8130]  }
0x3a3: {  	v62 =	vld [tilespmem:s22+$0x8170]  }
0x3a4: {  	v63 =	vld [tilespmem:s22+$0x81B0]  }
0x3a5: {  	v39 =	vld [tilespmem:s22+$0x81F0]  }
0x3a6: {  	v40 =	vld [tilespmem:s22+$0x8230]  }
0x3a7: {  	v41 =	vld [tilespmem:s22+$0x8000]  }
0x3a8: {  	v52 =	vld [tilespmem:s22+$0x8040]  }
0x3a9: {  	v43 =	vld [tilespmem:s22+$0x8080]  }
0x3aa: {  	v44 =	vld [tilespmem:s22+$0x80C0]  }
0x3ab: {  	v45 =	vld [tilespmem:s22+$0x8100]  }
0x3ac: {  	v46 =	vld [tilespmem:s22+$0x8140]  }
0x3ad: {  	v47 =	vld [tilespmem:s22+$0x8180]  }
0x3ae: {  	v48 =	vld [tilespmem:s22+$0x81C0]  }
0x3af: {  	v49 =	vld [tilespmem:s22+$0x8010]  }
0x3b0: {  	v26 =	vld [tilespmem:s22+$0x8090];
	v21 =	vadd.f32 v22, v21;
	v22 =	vadd.f32 v24, v23  }
0x3b1: {  	v31 =	vld [tilespmem:s22+$0x80D0];
	v53 =	vadd.f32 v53, v25;
	v54 =	vadd.f32 v55, v54  }
0x3b2: {  	v23 =	vld [tilespmem:s22+$0x8050];
	v55 =	vadd.f32 v57, v56;
	v56 =	vadd.f32 v59, v58  }
0x3b3: {  	v57 =	vadd.f32 v61, v60;
	v58 =	vadd.f32 v63, v62;
	v59 =	vld [tilespmem:s22+$0x8110]  }
0x3b4: {  	v60 =	vld [tilespmem:s22+$0x8150];
	v21 =	vadd.f32 v22, v21;
	v22 =	vadd.f32 v54, v53  }
0x3b5: {  	v63 =	vld [tilespmem:s22+$0x8190];
	v29 =	vadd.f32 v30, v29;
	v30 =	vadd.f32 v40, v39  }
0x3b6: {  	v52 =	vadd.f32 v52, v41;
	v21 =	vadd.f32 v22, v21;
	v22 =	vld [tilespmem:s22+$0x81D0]  }
0x3b7: {  	v50 =	vld [tilespmem:s22+$0x8200];
	v26 =	vadd.f32 v31, v26;
	v61 =	vadd.f32 v56, v55  }
0x3b8: {  	v62 =	vadd.f32 v58, v57;
	v53 =	vadd.f32 v44, v43;
	v56 =	vld [tilespmem:s22+$0x8210]  }
0x3b9: {  	s23 =	sshll.u32 s5, $0x6;
	v54 =	vadd.f32 v46, v45;
	v55 =	vadd.f32 v48, v47;
	v57 =	vld [tilespmem:s22+$0x8250]  }
0x3ba: {  	s23 =	sand.u32 $0x3FFFFFC0, s23;
	v51 =	vld [tilespmem:s22+$0x8240];
	v25 =	vadd.f32 v62, v61;
	v23 =	vadd.f32 v23, v49  }
0x3bb: {  	v37 =	vld [tilespmem:s23+$0xA810];
	v24 =	vadd.f32 v60, v59;
	v22 =	vadd.f32 v22, v63  }
0x3bc: {  	v58 =	vld [tilespmem:s23+$0xA7E0];
	v59 =	vadd.f32 v53, v52;
	v60 =	vadd.f32 v55, v54  }
0x3bd: {  	v61 =	vld [tilespmem:s23+$0xA7F0];
	v23 =	vadd.f32 v26, v23;
	v22 =	vadd.f32 v22, v24  }
0x3be: {  	v62 =	vld [tilespmem:s23+$0xA800];
	v36 =	vadd.f32 v60, v59;
	v38 =	vadd.f32 v57, v56  }
0x3bf: {  	v63 =	vadd.f32 v51, v50;
	v39 =	vadd.f32 v22, v23  }
0x3c0: {  	v21 =	vadd.f32 v29, v21;
	v22 =	vadd.f32 v30, v25  }
0x3c1: {  	v23 =	vadd.f32 v63, v36;
	v24 =	vadd.f32 v38, v39  }
0x3c2: {  	v40 =	vmul.f32 v58, v21;
	v41 =	vmul.f32 v61, v22  }
0x3c3: {  	v26 =	vmul.f32 v62, v23;
	v42 =	vmul.f32 v37, v24;
	_ =	sdelay $0x1  }
0x3c4: {  	v25 =	vadd.f32 v41, v40;
	v26 =	vadd.f32 v42, v26;
	_ =	sdelay $0x1  }
0x3c5: {  	s25 =	smul.u32 $0x1400, s5;
	v25 =	vadd.f32 v26, v25;
	_ =	sdelay $0x1  }
0x3c6: {  	s22 =	sshra.s32 s25, $0x2;
	[tilespmem:v0+s10+$0x0] =	vst.idx.msk $0xffff, v25  }
0x3c7: {  	v25 =	vld [tilespmem:s22+$0xABE0]  }
0x3c8: {  	v43 =	vld [tilespmem:s22+$0xABF0]  }
0x3c9: {  	v44 =	vld [tilespmem:s22+$0xAC00]  }
0x3ca: {  	v45 =	vld [tilespmem:s22+$0xAC10];
	_ =	sdelay $0x3  }
0x3cb: {  	v25 =	vmul.f32 v25, v21;
	v26 =	vmul.f32 v43, v22  }
0x3cc: {  	v27 =	vmul.f32 v44, v23;
	v28 =	vmul.f32 v45, v24;
	_ =	sdelay $0x1  }
0x3cd: {  	v25 =	vadd.f32 v26, v25;
	v46 =	vadd.f32 v28, v27;
	_ =	sdelay $0x1  }
0x3ce: {  	v25 =	vadd.f32 v46, v25;
	_ =	sdelay $0x1  }
0x3cf: {  	[tilespmem:v1+s10+$0x0] =	vst.idx.msk $0xffff, v25  }
0x3d0: {  	v25 =	vld [tilespmem:s22+$0xAC20]  }
0x3d1: {  	v47 =	vld [tilespmem:s22+$0xAC30]  }
0x3d2: {  	v48 =	vld [tilespmem:s22+$0xAC40]  }
0x3d3: {  	v49 =	vld [tilespmem:s22+$0xAC50];
	_ =	sdelay $0x3  }
0x3d4: {  	v25 =	vmul.f32 v25, v21;
	v26 =	vmul.f32 v47, v22  }
0x3d5: {  	v27 =	vmul.f32 v48, v23;
	v28 =	vmul.f32 v49, v24;
	_ =	sdelay $0x1  }
0x3d6: {  	v25 =	vadd.f32 v26, v25;
	v50 =	vadd.f32 v28, v27;
	_ =	sdelay $0x1  }
0x3d7: {  	v25 =	vadd.f32 v50, v25;
	_ =	sdelay $0x1  }
0x3d8: {  	[tilespmem:v2+s10+$0x0] =	vst.idx.msk $0xffff, v25  }
0x3d9: {  	v25 =	vld [tilespmem:s22+$0xAC60]  }
0x3da: {  	v51 =	vld [tilespmem:s22+$0xAC70]  }
0x3db: {  	v52 =	vld [tilespmem:s22+$0xAC80]  }
0x3dc: {  	v53 =	vld [tilespmem:s22+$0xAC90];
	_ =	sdelay $0x3  }
0x3dd: {  	v25 =	vmul.f32 v25, v21;
	v26 =	vmul.f32 v51, v22  }
0x3de: {  	v27 =	vmul.f32 v52, v23;
	v28 =	vmul.f32 v53, v24;
	_ =	sdelay $0x1  }
0x3df: {  	v25 =	vadd.f32 v26, v25;
	v54 =	vadd.f32 v28, v27;
	_ =	sdelay $0x1  }
0x3e0: {  	v25 =	vadd.f32 v54, v25;
	_ =	sdelay $0x1  }
0x3e1: {  	[tilespmem:v3+s10+$0x0] =	vst.idx.msk $0xffff, v25  }
0x3e2: {  	v25 =	vld [tilespmem:s22+$0xACA0]  }
0x3e3: {  	v55 =	vld [tilespmem:s22+$0xACB0]  }
0x3e4: {  	v56 =	vld [tilespmem:s22+$0xACC0]  }
0x3e5: {  	v57 =	vld [tilespmem:s22+$0xACD0];
	_ =	sdelay $0x3  }
0x3e6: {  	v25 =	vmul.f32 v25, v21;
	v26 =	vmul.f32 v55, v22  }
0x3e7: {  	v27 =	vmul.f32 v56, v23;
	v28 =	vmul.f32 v57, v24;
	_ =	sdelay $0x1  }
0x3e8: {  	v25 =	vadd.f32 v26, v25;
	v58 =	vadd.f32 v28, v27;
	_ =	sdelay $0x1  }
0x3e9: {  	v25 =	vadd.f32 v58, v25;
	_ =	sdelay $0x1  }
0x3ea: {  	[tilespmem:v4+s10+$0x0] =	vst.idx.msk $0xffff, v25  }
0x3eb: {  	v25 =	vld [tilespmem:s22+$0xACE0]  }
0x3ec: {  	v59 =	vld [tilespmem:s22+$0xACF0]  }
0x3ed: {  	v60 =	vld [tilespmem:s22+$0xAD00]  }
0x3ee: {  	v61 =	vld [tilespmem:s22+$0xAD10];
	_ =	sdelay $0x3  }
0x3ef: {  	v25 =	vmul.f32 v25, v21;
	v26 =	vmul.f32 v59, v22  }
0x3f0: {  	v27 =	vmul.f32 v60, v23;
	v28 =	vmul.f32 v61, v24;
	_ =	sdelay $0x1  }
0x3f1: {  	v25 =	vadd.f32 v26, v25;
	v62 =	vadd.f32 v28, v27;
	_ =	sdelay $0x1  }
0x3f2: {  	v25 =	vadd.f32 v62, v25;
	_ =	sdelay $0x1  }
0x3f3: {  	[tilespmem:v5+s10+$0x0] =	vst.idx.msk $0xffff, v25  }
0x3f4: {  	v25 =	vld [tilespmem:s22+$0xAD20]  }
0x3f5: {  	v63 =	vld [tilespmem:s22+$0xAD30]  }
0x3f6: {  	v32 =	vld [tilespmem:s22+$0xAD40]  }
0x3f7: {  	v33 =	vld [tilespmem:s22+$0xAD50];
	_ =	sdelay $0x3  }
0x3f8: {  	v25 =	vmul.f32 v25, v21;
	v26 =	vmul.f32 v63, v22  }
0x3f9: {  	v27 =	vmul.f32 v32, v23;
	v28 =	vmul.f32 v33, v24;
	_ =	sdelay $0x1  }
0x3fa: {  	v25 =	vadd.f32 v26, v25;
	v34 =	vadd.f32 v28, v27;
	_ =	sdelay $0x1  }
0x3fb: {  	v25 =	vadd.f32 v34, v25;
	_ =	sdelay $0x1  }
0x3fc: {  	[tilespmem:v6+s10+$0x0] =	vst.idx.msk $0xffff, v25  }
0x3fd: {  	v25 =	vld [tilespmem:s22+$0xAD60]  }
0x3fe: {  	v35 =	vld [tilespmem:s22+$0xAD70]  }
0x3ff: {  	v36 =	vld [tilespmem:s22+$0xAD80]  }
0x400: {  	v37 =	vld [tilespmem:s22+$0xAD90];
	_ =	sdelay $0x3  }
0x401: {  	v25 =	vmul.f32 v25, v21;
	v26 =	vmul.f32 v35, v22  }
0x402: {  	v27 =	vmul.f32 v36, v23;
	v28 =	vmul.f32 v37, v24;
	_ =	sdelay $0x1  }
0x403: {  	v25 =	vadd.f32 v26, v25;
	v38 =	vadd.f32 v28, v27;
	_ =	sdelay $0x1  }
0x404: {  	v25 =	vadd.f32 v38, v25;
	_ =	sdelay $0x1  }
0x405: {  	[tilespmem:v7+s10+$0x0] =	vst.idx.msk $0xffff, v25  }
0x406: {  	v25 =	vld [tilespmem:s22+$0xADA0]  }
0x407: {  	v39 =	vld [tilespmem:s22+$0xADB0]  }
0x408: {  	v40 =	vld [tilespmem:s22+$0xADC0]  }
0x409: {  	v41 =	vld [tilespmem:s22+$0xADD0];
	_ =	sdelay $0x3  }
0x40a: {  	v25 =	vmul.f32 v25, v21;
	v26 =	vmul.f32 v39, v22  }
0x40b: {  	v27 =	vmul.f32 v40, v23;
	v28 =	vmul.f32 v41, v24;
	_ =	sdelay $0x1  }
0x40c: {  	v25 =	vadd.f32 v26, v25;
	v42 =	vadd.f32 v28, v27;
	_ =	sdelay $0x1  }
0x40d: {  	v25 =	vadd.f32 v42, v25;
	_ =	sdelay $0x1  }
0x40e: {  	[tilespmem:v8+s10+$0x0] =	vst.idx.msk $0xffff, v25  }
0x40f: {  	v25 =	vld [tilespmem:s22+$0xADE0]  }
0x410: {  	v43 =	vld [tilespmem:s22+$0xADF0]  }
0x411: {  	v44 =	vld [tilespmem:s22+$0xAE00]  }
0x412: {  	v45 =	vld [tilespmem:s22+$0xAE10];
	_ =	sdelay $0x3  }
0x413: {  	v25 =	vmul.f32 v25, v21;
	v26 =	vmul.f32 v43, v22  }
0x414: {  	v27 =	vmul.f32 v44, v23;
	v28 =	vmul.f32 v45, v24;
	_ =	sdelay $0x1  }
0x415: {  	v25 =	vadd.f32 v26, v25;
	v46 =	vadd.f32 v28, v27;
	_ =	sdelay $0x1  }
0x416: {  	v25 =	vadd.f32 v46, v25;
	_ =	sdelay $0x1  }
0x417: {  	[tilespmem:v9+s10+$0x0] =	vst.idx.msk $0xffff, v25  }
0x418: {  	v25 =	vld [tilespmem:s22+$0xAE20]  }
0x419: {  	v47 =	vld [tilespmem:s22+$0xAE30]  }
0x41a: {  	v48 =	vld [tilespmem:s22+$0xAE40]  }
0x41b: {  	v49 =	vld [tilespmem:s22+$0xAE50];
	_ =	sdelay $0x3  }
0x41c: {  	v25 =	vmul.f32 v25, v21;
	v26 =	vmul.f32 v47, v22  }
0x41d: {  	v27 =	vmul.f32 v48, v23;
	v28 =	vmul.f32 v49, v24;
	_ =	sdelay $0x1  }
0x41e: {  	v25 =	vadd.f32 v26, v25;
	v50 =	vadd.f32 v28, v27;
	_ =	sdelay $0x1  }
0x41f: {  	v25 =	vadd.f32 v50, v25;
	_ =	sdelay $0x1  }
0x420: {  	[tilespmem:v10+s10+$0x0] =	vst.idx.msk $0xffff, v25  }
0x421: {  	v25 =	vld [tilespmem:s22+$0xAE60]  }
0x422: {  	v51 =	vld [tilespmem:s22+$0xAE70]  }
0x423: {  	v52 =	vld [tilespmem:s22+$0xAE80]  }
0x424: {  	v53 =	vld [tilespmem:s22+$0xAE90];
	_ =	sdelay $0x3  }
0x425: {  	v25 =	vmul.f32 v25, v21;
	v26 =	vmul.f32 v51, v22  }
0x426: {  	v27 =	vmul.f32 v52, v23;
	v28 =	vmul.f32 v53, v24;
	_ =	sdelay $0x1  }
0x427: {  	v25 =	vadd.f32 v26, v25;
	v54 =	vadd.f32 v28, v27;
	_ =	sdelay $0x1  }
0x428: {  	v25 =	vadd.f32 v54, v25;
	_ =	sdelay $0x1  }
0x429: {  	[tilespmem:v11+s10+$0x0] =	vst.idx.msk $0xffff, v25  }
0x42a: {  	v25 =	vld [tilespmem:s22+$0xAEA0]  }
0x42b: {  	v55 =	vld [tilespmem:s22+$0xAEB0]  }
0x42c: {  	v56 =	vld [tilespmem:s22+$0xAEC0]  }
0x42d: {  	v57 =	vld [tilespmem:s22+$0xAED0];
	_ =	sdelay $0x3  }
0x42e: {  	v25 =	vmul.f32 v25, v21;
	v26 =	vmul.f32 v55, v22  }
0x42f: {  	v27 =	vmul.f32 v56, v23;
	v28 =	vmul.f32 v57, v24;
	_ =	sdelay $0x1  }
0x430: {  	v25 =	vadd.f32 v26, v25;
	v58 =	vadd.f32 v28, v27;
	_ =	sdelay $0x1  }
0x431: {  	v25 =	vadd.f32 v58, v25;
	_ =	sdelay $0x1  }
0x432: {  	[tilespmem:v12+s10+$0x0] =	vst.idx.msk $0xffff, v25  }
0x433: {  	v25 =	vld [tilespmem:s22+$0xAEE0]  }
0x434: {  	v59 =	vld [tilespmem:s22+$0xAEF0]  }
0x435: {  	v60 =	vld [tilespmem:s22+$0xAF00]  }
0x436: {  	v61 =	vld [tilespmem:s22+$0xAF10];
	_ =	sdelay $0x3  }
0x437: {  	v25 =	vmul.f32 v25, v21;
	v26 =	vmul.f32 v59, v22  }
0x438: {  	v27 =	vmul.f32 v60, v23;
	v28 =	vmul.f32 v61, v24;
	_ =	sdelay $0x1  }
0x439: {  	v25 =	vadd.f32 v26, v25;
	v62 =	vadd.f32 v28, v27;
	_ =	sdelay $0x1  }
0x43a: {  	v25 =	vadd.f32 v62, v25;
	_ =	sdelay $0x1  }
0x43b: {  	[tilespmem:v13+s10+$0x0] =	vst.idx.msk $0xffff, v25  }
0x43c: {  	v25 =	vld [tilespmem:s22+$0xAF20]  }
0x43d: {  	v63 =	vld [tilespmem:s22+$0xAF30]  }
0x43e: {  	v32 =	vld [tilespmem:s22+$0xAF40]  }
0x43f: {  	v33 =	vld [tilespmem:s22+$0xAF50];
	_ =	sdelay $0x3  }
0x440: {  	v25 =	vmul.f32 v25, v21;
	v26 =	vmul.f32 v63, v22  }
0x441: {  	v27 =	vmul.f32 v32, v23;
	v28 =	vmul.f32 v33, v24;
	_ =	sdelay $0x1  }
0x442: {  	v25 =	vadd.f32 v26, v25;
	v34 =	vadd.f32 v28, v27;
	_ =	sdelay $0x1  }
0x443: {  	v25 =	vadd.f32 v34, v25;
	_ =	sdelay $0x1  }
0x444: {  	[tilespmem:v14+s10+$0x0] =	vst.idx.msk $0xffff, v25  }
0x445: {  	v25 =	vld [tilespmem:s22+$0xAF60]  }
0x446: {  	v35 =	vld [tilespmem:s22+$0xAF70]  }
0x447: {  	v36 =	vld [tilespmem:s22+$0xAF80]  }
0x448: {  	v37 =	vld [tilespmem:s22+$0xAF90];
	_ =	sdelay $0x3  }
0x449: {  	v25 =	vmul.f32 v25, v21;
	v26 =	vmul.f32 v35, v22  }
0x44a: {  	v27 =	vmul.f32 v36, v23;
	v28 =	vmul.f32 v37, v24;
	_ =	sdelay $0x1  }
0x44b: {  	v25 =	vadd.f32 v26, v25;
	v38 =	vadd.f32 v28, v27;
	_ =	sdelay $0x1  }
0x44c: {  	v25 =	vadd.f32 v38, v25;
	_ =	sdelay $0x1  }
0x44d: {  	[tilespmem:v15+s10+$0x0] =	vst.idx.msk $0xffff, v25  }
0x44e: {  	v25 =	vld [tilespmem:s22+$0xAFA0]  }
0x44f: {  	v39 =	vld [tilespmem:s22+$0xAFB0]  }
0x450: {  	v40 =	vld [tilespmem:s22+$0xAFC0]  }
0x451: {  	v41 =	vld [tilespmem:s22+$0xAFD0];
	_ =	sdelay $0x3  }
0x452: {  	v25 =	vmul.f32 v25, v21;
	v26 =	vmul.f32 v39, v22  }
0x453: {  	v27 =	vmul.f32 v40, v23;
	v28 =	vmul.f32 v41, v24;
	_ =	sdelay $0x1  }
0x454: {  	v25 =	vadd.f32 v26, v25;
	v42 =	vadd.f32 v28, v27;
	_ =	sdelay $0x1  }
0x455: {  	v25 =	vadd.f32 v42, v25;
	_ =	sdelay $0x1  }
0x456: {  	[tilespmem:v16+s10+$0x0] =	vst.idx.msk $0xffff, v25  }
0x457: {  	v25 =	vld [tilespmem:s22+$0xAFE0]  }
0x458: {  	v43 =	vld [tilespmem:s22+$0xAFF0]  }
0x459: {  	v44 =	vld [tilespmem:s22+$0xB000]  }
0x45a: {  	v45 =	vld [tilespmem:s22+$0xB010];
	_ =	sdelay $0x3  }
0x45b: {  	v25 =	vmul.f32 v25, v21;
	v26 =	vmul.f32 v43, v22  }
0x45c: {  	v27 =	vmul.f32 v44, v23;
	v28 =	vmul.f32 v45, v24;
	_ =	sdelay $0x1  }
0x45d: {  	v25 =	vadd.f32 v26, v25;
	v46 =	vadd.f32 v28, v27;
	_ =	sdelay $0x1  }
0x45e: {  	v25 =	vadd.f32 v46, v25;
	_ =	sdelay $0x1  }
0x45f: {  	[tilespmem:v17+s10+$0x0] =	vst.idx.msk $0xffff, v25  }
0x460: {  	v25 =	vld [tilespmem:s22+$0xB020]  }
0x461: {  	v47 =	vld [tilespmem:s22+$0xB030]  }
0x462: {  	v48 =	vld [tilespmem:s22+$0xB040]  }
0x463: {  	v49 =	vld [tilespmem:s22+$0xB050];
	_ =	sdelay $0x3  }
0x464: {  	v25 =	vmul.f32 v25, v21;
	v26 =	vmul.f32 v47, v22  }
0x465: {  	v27 =	vmul.f32 v48, v23;
	v28 =	vmul.f32 v49, v24;
	_ =	sdelay $0x1  }
0x466: {  	v25 =	vadd.f32 v26, v25;
	v50 =	vadd.f32 v28, v27;
	_ =	sdelay $0x1  }
0x467: {  	v25 =	vadd.f32 v50, v25;
	_ =	sdelay $0x1  }
0x468: {  	[tilespmem:v18+s10+$0x0] =	vst.idx.msk $0xffff, v25  }
0x469: {  	v25 =	vld [tilespmem:s22+$0xB060]  }
0x46a: {  	v51 =	vld [tilespmem:s22+$0xB070]  }
0x46b: {  	v52 =	vld [tilespmem:s22+$0xB080]  }
0x46c: {  	v53 =	vld [tilespmem:s22+$0xB090];
	_ =	sdelay $0x3  }
0x46d: {  	v25 =	vmul.f32 v25, v21;
	v26 =	vmul.f32 v51, v22  }
0x46e: {  	v27 =	vmul.f32 v52, v23;
	v28 =	vmul.f32 v53, v24;
	_ =	sdelay $0x1  }
0x46f: {  	v25 =	vadd.f32 v26, v25;
	v54 =	vadd.f32 v28, v27;
	_ =	sdelay $0x1  }
0x470: {  	v25 =	vadd.f32 v54, v25;
	_ =	sdelay $0x1  }
0x471: {  	[tilespmem:v19+s10+$0x0] =	vst.idx.msk $0xffff, v25  }
0x472: {  	v25 =	vld [tilespmem:s22+$0xB0A0]  }
0x473: {  	v55 =	vld [tilespmem:s22+$0xB0B0]  }
0x474: {  	v56 =	vld [tilespmem:s22+$0xB0C0]  }
0x475: {  	v57 =	vld [tilespmem:s22+$0xB0D0];
	_ =	sdelay $0x3  }
0x476: {  	v21 =	vmul.f32 v25, v21;
	v22 =	vmul.f32 v55, v22  }
0x477: {  	v23 =	vmul.f32 v56, v23;
	v24 =	vmul.f32 v57, v24;
	_ =	sdelay $0x1  }
0x478: {  	v21 =	vadd.f32 v22, v21;
	v22 =	vadd.f32 v24, v23;
	_ =	sdelay $0x1  }
0x479: {  	v21 =	vadd.f32 v22, v21;
	_ =	sdelay $0x1  }
0x47a: {  	[tilespmem:v20+s10+$0x0] =	vst.idx.msk $0xffff, v21  }
0x47b: {  	v21 =	vld [tilespmem:$0xFBE0]  }
0x47c: {  	v22 =	vld [tilespmem:$0xFC00]  }
0x47d: {  	v23 =	vld [tilespmem:$0xFC20]  }
0x47e: {  	v24 =	vld [tilespmem:$0xFC40]  }
0x47f: {  	v58 =	vld [tilespmem:$0xFC60]  }
0x480: {  	v59 =	vld [tilespmem:$0xFC80]  }
0x481: {  	v60 =	vld [tilespmem:$0xFCA0]  }
0x482: {  	v61 =	vld [tilespmem:$0xFCC0]  }
0x483: {  	v62 =	vld [tilespmem:$0xFCE0]  }
0x484: {  	v63 =	vld [tilespmem:$0xFD00]  }
0x485: {  	v48 =	vld [tilespmem:$0xFD20]  }
0x486: {  	v49 =	vld [tilespmem:$0xFD40]  }
0x487: {  	v50 =	vld [tilespmem:$0xFD60]  }
0x488: {  	v51 =	vld [tilespmem:$0xFD80]  }
0x489: {  	v52 =	vld [tilespmem:$0xFDA0]  }
0x48a: {  	v53 =	vld [tilespmem:$0xFDC0]  }
0x48b: {  	v37 =	vld [tilespmem:$0xFBF0]  }
0x48c: {  	v54 =	vld [tilespmem:$0xFC10]  }
0x48d: {  	v39 =	vld [tilespmem:$0xFC30]  }
0x48e: {  	v55 =	vld [tilespmem:$0xFC50]  }
0x48f: {  	v41 =	vld [tilespmem:$0xFC70]  }
0x490: {  	v56 =	vld [tilespmem:$0xFC90]  }
0x491: {  	v43 =	vld [tilespmem:$0xFCB0]  }
0x492: {  	v57 =	vld [tilespmem:$0xFCD0]  }
0x493: {  	v45 =	vld [tilespmem:$0xFCF0]  }
0x494: {  	v46 =	vld [tilespmem:$0xFD10]  }
0x495: {  	v47 =	vld [tilespmem:$0xFD30]  }
0x496: {  	v21 =	vadd.f32 v22, v21;
	v22 =	vadd.f32 v24, v23;
	v23 =	vld [tilespmem:$0xFD50]  }
0x497: {  	v58 =	vadd.f32 v59, v58;
	v59 =	vadd.f32 v61, v60;
	v60 =	vld [tilespmem:$0xFD70]  }
0x498: {  	v61 =	vadd.f32 v63, v62;
	v62 =	vadd.f32 v49, v48;
	v63 =	vld [tilespmem:$0xFD90]  }
0x499: {  	v48 =	vadd.f32 v51, v50;
	v49 =	vadd.f32 v53, v52;
	v50 =	vld [tilespmem:$0xFDB0]  }
0x49a: {  	v51 =	vld [tilespmem:$0xFDD0];
	v54 =	vadd.f32 v54, v37;
	v55 =	vadd.f32 v55, v39  }
0x49b: {  	v56 =	vadd.f32 v56, v41;
	v57 =	vadd.f32 v57, v43  }
0x49c: {  	v21 =	vadd.f32 v22, v21;
	v22 =	vadd.f32 v59, v58  }
0x49d: {  	v52 =	vadd.f32 v62, v61;
	v53 =	vadd.f32 v49, v48  }
0x49e: {  	v58 =	vadd.f32 v46, v45;
	v23 =	vadd.f32 v23, v47  }
0x49f: {  	v26 =	vadd.f32 v63, v60;
	v24 =	vadd.f32 v51, v50  }
0x4a0: {  	v28 =	vadd.f32 v55, v54;
	v59 =	vadd.f32 v57, v56  }
0x4a1: {  	v23 =	vadd.f32 v23, v58;
	v24 =	vadd.f32 v24, v26  }
0x4a2: {  	v21 =	vadd.f32 v22, v21;
	v22 =	vadd.f32 v53, v52  }
0x4a3: {  	v60 =	vadd.f32 v59, v28;
	v23 =	vadd.f32 v24, v23  }
0x4a4: {  	s28 =	sshll.u32 s14, $0x6;
	v21 =	vadd.f32 v22, v21  }
0x4a5: {  	s22 =	sand.u32 $0x3FFFFFC0, s28;
	v22 =	vadd.f32 v23, v60  }
0x4a6: {  	[tilespmem:s22+$0xFFE0] =	vst v21  }
0x4a7: {  	[tilespmem:s22+$0xFFF0] =	vst v22  }
0x4a8: {  	v21 =	vld [tilespmem:$0xFDE0]  }
0x4a9: {  	v22 =	vld [tilespmem:$0xFE00]  }
0x4aa: {  	v23 =	vld [tilespmem:$0xFE20]  }
0x4ab: {  	v24 =	vld [tilespmem:$0xFE40]  }
0x4ac: {  	v61 =	vld [tilespmem:$0xFE60]  }
0x4ad: {  	v62 =	vld [tilespmem:$0xFE80]  }
0x4ae: {  	v63 =	vld [tilespmem:$0xFEA0]  }
0x4af: {  	v48 =	vld [tilespmem:$0xFEC0]  }
0x4b0: {  	v49 =	vld [tilespmem:$0xFEE0]  }
0x4b1: {  	v50 =	vld [tilespmem:$0xFF00]  }
0x4b2: {  	v51 =	vld [tilespmem:$0xFF20]  }
0x4b3: {  	v52 =	vld [tilespmem:$0xFF40]  }
0x4b4: {  	v53 =	vld [tilespmem:$0xFF60]  }
0x4b5: {  	v54 =	vld [tilespmem:$0xFF80]  }
0x4b6: {  	v55 =	vld [tilespmem:$0xFFA0]  }
0x4b7: {  	v56 =	vld [tilespmem:$0xFFC0]  }
0x4b8: {  	v37 =	vld [tilespmem:$0xFDF0]  }
0x4b9: {  	v57 =	vld [tilespmem:$0xFE10]  }
0x4ba: {  	v39 =	vld [tilespmem:$0xFE30]  }
0x4bb: {  	v58 =	vld [tilespmem:$0xFE50]  }
0x4bc: {  	v41 =	vld [tilespmem:$0xFE70]  }
0x4bd: {  	v59 =	vld [tilespmem:$0xFE90]  }
0x4be: {  	v43 =	vld [tilespmem:$0xFEB0]  }
0x4bf: {  	v60 =	vld [tilespmem:$0xFED0]  }
0x4c0: {  	v45 =	vld [tilespmem:$0xFEF0]  }
0x4c1: {  	v46 =	vld [tilespmem:$0xFF10]  }
0x4c2: {  	v47 =	vld [tilespmem:$0xFF30]  }
0x4c3: {  	v21 =	vadd.f32 v22, v21;
	v22 =	vadd.f32 v24, v23;
	v23 =	vld [tilespmem:$0xFF50]  }
0x4c4: {  	v61 =	vadd.f32 v62, v61;
	v62 =	vadd.f32 v48, v63;
	v63 =	vld [tilespmem:$0xFF70]  }
0x4c5: {  	v48 =	vadd.f32 v50, v49;
	v49 =	vadd.f32 v52, v51;
	v50 =	vld [tilespmem:$0xFF90]  }
0x4c6: {  	v51 =	vadd.f32 v54, v53;
	v52 =	vadd.f32 v56, v55;
	v53 =	vld [tilespmem:$0xFFB0]  }
0x4c7: {  	v54 =	vld [tilespmem:$0xFFD0];
	v57 =	vadd.f32 v57, v37;
	v58 =	vadd.f32 v58, v39  }
0x4c8: {  	v59 =	vadd.f32 v59, v41;
	v60 =	vadd.f32 v60, v43  }
0x4c9: {  	v21 =	vadd.f32 v22, v21;
	v22 =	vadd.f32 v62, v61  }
0x4ca: {  	v55 =	vadd.f32 v49, v48;
	v56 =	vadd.f32 v52, v51  }
0x4cb: {  	v61 =	vadd.f32 v46, v45;
	v23 =	vadd.f32 v23, v47  }
0x4cc: {  	v26 =	vadd.f32 v50, v63;
	v24 =	vadd.f32 v54, v53  }
0x4cd: {  	v28 =	vadd.f32 v58, v57;
	v62 =	vadd.f32 v60, v59  }
0x4ce: {  	v23 =	vadd.f32 v23, v61;
	v24 =	vadd.f32 v24, v26  }
0x4cf: {  	p0 =	sne.s32 s14, $0x7;
	v21 =	vadd.f32 v22, v21;
	v22 =	vadd.f32 v56, v55  }
.Ltmp1:
0x4d0: {  	v63 =	vadd.f32 v62, v28;
	v23 =	vadd.f32 v24, v23;
	(pc) =	sbr.rel @p0 .LBB2_5-.Ltmp1, $4  }
0x4d1: {  	s5 =	sshll.u32 s5, $0x5;
	v21 =	vadd.f32 v22, v21  }
0x4d2: {  	s5 =	sand.u32 $0x3FFFFFE0, s5;
	v22 =	vadd.f32 v23, v63  }
0x4d3: {  	[tilespmem:s5+$0xFFE0] =	vst v21  }
0x4d4: {  	s14 =	sadd.s32 $0x1, s14;
	[tilespmem:s5+$0xFFF0] =	vst v22  }
0x4d5: {  	s5 =	sshll.u32 s19, $0x2;
	s15 =	sadd.s32 $0x1, s15  }
0x4d6: {  	s14 =	rddreg [dreg:$0x4];
	s5 =	sand.u32 $0x1FFFFFC0, s5;
	p0 =	sne.s32 s15, $0x10  }
.Ltmp2:
0x4d7: {  	s5 =	sadd.s32 s14, s5;
	(pc) =	sbr.rel @p0 .LBB2_2-.Ltmp2, $4  }
0x4d8: {  	[hbm4b:s5+s6] =	stream.linear.scatter [tilespmem:s11], [sflag:$0x5], $0x200, $0x38;
	[tilespmem:$0x101E0] =	vst v63  }
0x4d9: {  	_ =	swait.ge [sflag:s12], $0x200  }
0x4da: {  	[sflag:s12] =	ssyncset.done $0x0  }
0x4db: {  	[sflag:s12] =	ssyncadd.s32 $0xFFFFFE00  }
0x4dc: {  	s14 =	rddreg [dreg:$0xd]  }
0x4dd: {  	s5 =	rddreg [dreg:$0xc];
	s14 =	sadd.s32 $0x1, s14  }
0x4de: {  	p0 =	sne.s32 s14, s5  }
.Ltmp3:
0x4df: {  	_ = 	snop;
	(pc) =	sbr.rel @p0 .LBB2_1-.Ltmp3, $1  }
0x4e0: {  	_ =	sdelay $0x3  }
0x4e1: {  	_ =	sfence.sel $0x180000  }
0x4e2: {  	[bflag:$0x0] =	sbarrier.arrive $0xFFFF  }
0x4e3: {  	_ =	strace $0x90000047  }
0x4e4: {  	s0 =	stileid.u32;
	[bflag:$0x2] =	sbarrier.arrive $0xFFFF  }
0x4e5: {  	p0 =	sne.s32 s0, $0x0;
	s0 =	rddreg [dreg:$0x5]  }
0x4e6: {  	s0 =	sadd.s32 @!p0 $0x100000, s0  }
0x4e7: {  	[sflag:s0] =	ssyncadd.tile.s32 @!p0 $0x1;
	_ =	shalt  }
.Lfunc_end2:
_tile_overlayer_lowered:
.L_overlay_start_2:
0x4e8: {  	(tag) =	ssettag $0x2  }
0x4e9: {  	s0 =	rddreg [dreg:$0x0];
	s2 =	stileid.u32  }
0x4ea: {  	s1 =	rddreg [dreg:$0x1];
	p0 =	sne.s32 s2, $0x0  }
0x4eb: {  	s3 =	rddreg [dreg:$0x2];
	[bflag:$0x3] =	sbarrier.arrive $0xFFFF;
	s2 =	simm.s32 @!p0 $0x1C05  }
0x4ec: {  	[timem:s3], [sflag:s2] =	dma.local @!p0 [hbm:s0], s1  }
0x4ed: {  	s0 =	simm.s32 @!p0 $0x5  }
0x4ee: {  	_ =	swait.ge @!p0 [sflag:s0], s1  }
0x4ef: {  	s1 =	ssub.s32 @!p0 $0x0, s1;
	[sflag:s0] =	ssyncset.done @!p0 $0x0  }
0x4f0: {  	[sflag:s0] =	ssyncadd.s32 @!p0 s1  }
0x4f1: {  	[bflag:$0x3] =	sbarrier.arrive $0xFFFF  }
0x4f2: {  	_ =	shalt  }

</sc_bundles>
